<compile_context>
chip_gen: v7x
topology: tpu7x:2x2x1
jax: 0.10.2.dev20260603
libtpu: 0.0.44.dev20260713+nightly
codegen_flags: <defaults>
</compile_context>

<pallas_src>
import functools

import jax
import jax.numpy as jnp
from jax import lax
from jax.experimental import pallas as pl
from jax.experimental.pallas import tpu as pltpu
from jax.experimental.pallas import tpu_sc as plsc

_PERM = (0, 2, 4, 6, 1, 3, 5, 7)
_BITPOS = (0, 4, 1, 5, 2, 6, 3, 7)
_R = 2048
_N_TILES = 32
_L = 16


def _tc_body(x_ref, g2_ref, cp_ref, cm_ref):
    xt = x_ref[...].T
    R = xt.shape[1]
    row_is7 = lax.broadcasted_iota(jnp.int32, (8, 1), 0) == 7
    ones = jnp.ones((1, R), jnp.bfloat16)

    def prep(shift, parity_bit):
        xv = xt + shift
        negi = (xv < 0.0).astype(jnp.int32)
        x_odd = jnp.sum(negi, axis=0, keepdims=True) & 1
        flip = 1.0 - 2.0 * x_odd.astype(jnp.float32)
        xpart = jnp.abs(xv)
        xpart = jnp.where(row_is7, xpart * flip, xpart)
        mb = (negi[0:1] * 1 + negi[2:3] * 2 + negi[4:5] * 4 + negi[6:7] * 8
              + negi[1:2] * 16 + negi[3:4] * 32 + negi[5:6] * 64
              + (negi[7:8] ^ x_odd) * 128) ^ parity_bit
        xaug = jnp.concatenate([xpart.astype(jnp.bfloat16), ones], axis=0)
        scores = jax.lax.dot_general(
            g2_ref[:, :9], xaug, (((1,), (0,)), ((), ())),
            preferred_element_type=jnp.float32)
        return scores, mb

    sp, mbp = prep(0.25, 1)
    sm, mbm = prep(-0.25, 0)
    sub8 = lax.broadcasted_iota(jnp.int32, (8, R), 0).astype(jnp.float32)

    def reduce(scores, mb):
        nch = scores.shape[0] // 8
        m = scores[0:8]
        bk = jnp.zeros((8, R), jnp.float32)
        for k in range(1, nch):
            v = scores[8 * k:8 * (k + 1)]
            upd = v > m
            m = jnp.maximum(m, v)
            bk = jnp.where(upd, jnp.float32(k), bk)
        c = bk * 8.0 + sub8
        for sh in (4, 2, 1):
            mr = jnp.roll(m, -sh, axis=0)
            cr = jnp.roll(c, -sh, axis=0)
            take = (mr > m) | ((mr == m) & (cr < c))
            m = jnp.where(take, mr, m)
            c = jnp.where(take, cr, c)
        qidx = c[0:1].astype(jnp.int32)
        return (qidx << 8) | mb

    cp_ref[...] = reduce(sp, mbp).reshape(1, 1, R)
    cm_ref[...] = reduce(sm, mbm).reshape(1, 1, R)


def _sc_kernel(x_hbm, cp_hbm, cm_hbm, gt_hbm, code_hbm,
               vals_hbm, idx_hbm,
               x_v, cp_v, cm_v, gt_v, code_v, vout_v, iout_v, sem):
    n = cp_hbm.shape[0]
    rows = n // _N_TILES
    wid = lax.axis_index("s") * 2 + lax.axis_index("c")
    base = wid * rows
    c1 = pltpu.async_copy(gt_hbm, gt_v, sem)
    c2 = pltpu.async_copy(code_hbm, code_v, sem)
    c3 = pltpu.async_copy(x_hbm.at[pl.ds(base * 8, rows * 8)], x_v, sem)
    c4 = pltpu.async_copy(cp_hbm.at[pl.ds(base, rows)], cp_v, sem)
    c5 = pltpu.async_copy(cm_hbm.at[pl.ds(base, rows)], cm_v, sem)
    c1.wait()
    c2.wait()
    c3.wait()
    c4.wait()
    c5.wait()
    lane = lax.iota(jnp.int32, _L)

    def group(g, _):
        o = g * _L
        row8 = (o + lane) * 8

        def variant(cbuf, parity_bit, shift):
            cv = cbuf[pl.ds(o, _L)]
            q = lax.shift_right_logical(cv, 8)
            mb = cv & 255
            mm = mb ^ parity_bit
            code = plsc.load_gather(code_v, [q]) ^ mb
            err = jnp.zeros((_L,), jnp.float32)
            vals = []
            for d in range(8):
                r = plsc.load_gather(gt_v, [q * 8 + d])
                bit = lax.shift_right_logical(mm, _BITPOS[d]) & 1
                sgn = 1.0 - 2.0 * bit.astype(jnp.float32)
                v = r * sgn
                xv = plsc.load_gather(x_v, [row8 + d]) + shift
                diff = xv - v
                err = err + diff * diff
                vals.append(v)
            return code, err, vals

        code_p, err_p, vp = variant(cp_v, 1, 0.25)
        code_m, err_m, vm = variant(cm_v, 0, -0.25)
        which = err_p < err_m
        for d in range(8):
            out = jnp.where(which, vp[d] - 0.25, vm[d] + 0.25)
            plsc.store_scatter(vout_v, [row8 + d], out)
        iout_v[pl.ds(o, _L)] = jnp.where(which, code_p, code_m)
        return 0

    lax.fori_loop(0, rows // _L, group, 0)
    o1 = pltpu.async_copy(vout_v, vals_hbm.at[pl.ds(base * 8, rows * 8)], sem)
    o2 = pltpu.async_copy(iout_v, idx_hbm.at[pl.ds(base, rows)], sem)
    o1.wait()
    o2.wait()


def kernel(X, grid_part, grid_part_norm, part_abs_map, grid_abs_odd, bit_map):
    N = X.shape[0]
    C = grid_part.shape[0]
    CPAD = ((C + 127) // 128) * 128

    g_odd = grid_abs_odd[part_abs_map].astype(jnp.int32)
    perm = jnp.array(_PERM, dtype=jnp.int32)
    gneg = (grid_part[:, perm] < 0).astype(jnp.int32)
    rbits = (gneg[:, 0] * 1 + gneg[:, 1] * 2 + gneg[:, 2] * 4
             + gneg[:, 3] * 8 + gneg[:, 4] * 16 + gneg[:, 5] * 32
             + gneg[:, 6] * 64 + (gneg[:, 7] ^ g_odd) * 128)

    g2 = jnp.zeros((CPAD, 16), jnp.bfloat16)
    g2 = g2.at[:C, 0:8].set((2.0 * grid_part).astype(jnp.bfloat16))
    g2 = g2.at[:C, 8].set((-grid_part_norm).astype(jnp.bfloat16))
    g2 = g2.at[C:, 8].set(jnp.bfloat16(-1e30))

    CPAD8 = ((C + 15) // 16) * 16
    gt = jnp.zeros((CPAD8, 8), jnp.float32).at[:C].set(grid_part).reshape(-1)
    code = jnp.zeros((CPAD8,), jnp.int32).at[:C].set(
        (part_abs_map.astype(jnp.int32) << 8) | rbits)

    nblk = N // _R
    cp3, cm3 = pl.pallas_call(
        _tc_body,
        grid=(nblk,),
        in_specs=[
            pl.BlockSpec((_R, 8), lambda i: (i, 0)),
            pl.BlockSpec((CPAD, 16), lambda i: (0, 0)),
        ],
        out_specs=[
            pl.BlockSpec((1, 1, _R), lambda i: (i, 0, 0)),
            pl.BlockSpec((1, 1, _R), lambda i: (i, 0, 0)),
        ],
        out_shape=[
            jax.ShapeDtypeStruct((nblk, 1, _R), jnp.int32),
            jax.ShapeDtypeStruct((nblk, 1, _R), jnp.int32),
        ],
    )(X, g2)
    cp = cp3.reshape(N)
    cm = cm3.reshape(N)

    rows = N // _N_TILES
    sc = functools.partial(
        pl.kernel,
        out_type=[
            jax.ShapeDtypeStruct((N * 8,), jnp.float32),
            jax.ShapeDtypeStruct((N,), jnp.int32),
        ],
        mesh=plsc.VectorSubcoreMesh(core_axis_name="c", subcore_axis_name="s"),
        compiler_params=pltpu.CompilerParams(needs_layout_passes=False),
        scratch_types=[
            pltpu.VMEM((rows * 8,), jnp.float32),
            pltpu.VMEM((rows,), jnp.int32),
            pltpu.VMEM((rows,), jnp.int32),
            pltpu.VMEM((gt.shape[0],), jnp.float32),
            pltpu.VMEM((code.shape[0],), jnp.int32),
            pltpu.VMEM((rows * 8,), jnp.float32),
            pltpu.VMEM((rows,), jnp.int32),
            pltpu.SemaphoreType.DMA,
        ],
    )(_sc_kernel)
    vals_flat, idx = sc(X.reshape(N * 8), cp, cm, gt, code)
    return vals_flat.reshape(N, 8), idx

# --- scband reference (transcript-rebuilt; emitter-appended) ---
"""Pipeline reference for scband-e8-p12-codebook-9740985828125 (READ-ONLY COPY).

The authoritative reference and input builder live on the scoring server;
editing this copy changes nothing except your own understanding.
"""

import jax, jax.numpy as jnp
import numpy as np

_N = 32768

_NORM12 = np.array([[3,1,1,1,3,3,3,3],[1,3,1,1,3,3,3,3],[1,1,3,1,3,3,3,3],[1,1,1,3,3,3,3,3],[3,3,3,1,3,3,1,1],[3,3,3,1,3,1,3,1],[3,3,3,1,1,3,3,1],[3,3,3,1,3,1,1,3],[3,3,3,1,1,3,1,3],[3,3,3,1,1,1,3,3],[3,3,1,3,3,3,1,1],[3,3,1,3,3,1,3,1],[3,3,1,3,1,3,3,1],[3,3,1,3,3,1,1,3],[3,3,1,3,1,3,1,3],[3,3,1,3,1,1,3,3],[3,1,3,3,3,3,1,1],[3,1,3,3,3,1,3,1],[3,1,3,3,1,3,3,1],[3,1,3,3,3,1,1,3],[3,1,3,3,1,3,1,3],[1,3,3,3,1,1,3,3],[1,3,3,3,3,3,1,1],[1,3,3,3,3,1,3,1],[1,3,3,3,1,3,3,1],[1,3,3,3,3,1,1,3],[1,3,3,3,1,3,1,3],[1,1,3,3,1,3,3,3],[3,3,1,1,3,3,3,1]], dtype=np.float64) / 2.0


def _get_abs_grid():
    # D8+1/2 points with even coord-sum and norm^2 <= 10, folded to abs, plus 29 norm-12 pads -> 256 rows
    vals = np.arange(-4, 4, dtype=np.int32) * 2 + 1  # doubled half-integers
    base = np.stack(np.meshgrid(*([vals] * 7), indexing='ij'), axis=-1).reshape(-1, 7)
    keep = []
    for v in vals:
        cand = np.concatenate([np.full((base.shape[0], 1), v, dtype=np.int32), base], axis=1)
        m = (cand.sum(axis=1) % 4 == 0) & ((cand.astype(np.int64) ** 2).sum(axis=1) <= 40)
        keep.append(cand[m])
    d8 = np.concatenate(keep, axis=0).astype(np.float64) / 2.0
    d8abs = np.unique(np.abs(d8), axis=0)
    return np.concatenate([d8abs, _NORM12], axis=0)


def _build_buffers():
    abs_grid = _get_abs_grid()  # (256, 8)
    perm = np.array([0, 2, 4, 6, 1, 3, 5, 7])
    cba = abs_grid[:, perm].copy()
    flip = 1.0 - 2.0 * (np.round(cba.sum(axis=1)).astype(np.int64) % 2)
    cba[:, 7] = cba[:, 7] * flip
    nib = np.round(cba * 2 + 8).astype(np.int64)
    packed = np.zeros(abs_grid.shape[0], dtype=np.int64)
    for i in range(8):
        packed |= nib[:, i] << (4 * i)
    # synthesize full 2^16 grid (_E8P_GRID) and parity idx (_PARITY_IDX)
    c = np.arange(1 << 16, dtype=np.int64)
    signs = c & 255
    abs_i = c >> 8
    p = signs ^ (signs >> 4)
    p = p ^ (p >> 2)
    p = p ^ (p >> 1)
    parity = (p & 1).astype(bool)
    shuffle_map = [0, 4, 1, 5, 2, 6, 3, 7]
    code = packed[abs_i]
    grid = np.zeros((1 << 16, 8), dtype=np.float64)
    for i in range(8):
        ii = shuffle_map[i]
        v = (((code >> (4 * ii)) & 15).astype(np.float64) - 8.0) / 2.0
        s = 1.0 - 2.0 * ((signs >> ii) & 1).astype(np.float64)
        grid[:, i] = v * s
    grid = grid + np.where(parity, -0.25, 0.25)[:, None]
    gp = grid[parity] + 0.25
    sel = ((gp[:, :7] < 0).sum(axis=1) <= 1) & (gp[:, :7].min(axis=1) >= -0.5)
    grid_part = gp[sel]
    grid_part_norm = (grid_part ** 2).sum(axis=1)
    abs_norm = (abs_grid ** 2).sum(axis=1)
    part_abs_map = np.argmax(2.0 * np.abs(grid_part) @ abs_grid.T - abs_norm, axis=-1).astype(np.int32)
    grid_abs_odd = (np.round(abs_grid.sum(axis=1)).astype(np.int64) % 2 == 1)
    bit_map = (2 ** np.arange(8)).astype(np.int32)
    return (jnp.asarray(grid_part, jnp.float32), jnp.asarray(grid_part_norm, jnp.float32),
            jnp.asarray(part_abs_map, jnp.int32), jnp.asarray(grid_abs_odd),
            jnp.asarray(bit_map, jnp.int32))


def setup_inputs(seed: int = 0):
    key = jax.random.key(seed)
    X = jax.random.normal(key, (_N, 8), dtype=jnp.float32)
    grid_part, grid_part_norm, part_abs_map, grid_abs_odd, bit_map = _build_buffers()
    return {'X': X, 'grid_part': grid_part, 'grid_part_norm': grid_part_norm,
            'part_abs_map': part_abs_map, 'grid_abs_odd': grid_abs_odd, 'bit_map': bit_map}


def _round(X, grid, grid_norm):
    Xqidx = jnp.argmax(2.0 * X @ grid.T - grid_norm, axis=-1)
    return grid[Xqidx], Xqidx


def _fast_quantize_part(X, parity, grid_part, grid_part_norm, part_abs_map, grid_abs_odd, bit_map):
    X_part = jnp.abs(X)
    x_odd = ((X < 0).sum(axis=-1) % 2) != 0
    X_part = X_part.at[:, 7].set(jnp.where(x_odd, -X_part[:, 7], X_part[:, 7]))
    mask = 1.0 - 2.0 * (X < 0).astype(jnp.float32)
    mask = mask.at[:, 7].set(jnp.where(x_odd, -mask[:, 7], mask[:, 7]))
    roundout, Xqidx = _round(X_part, grid_part, grid_part_norm)
    vals = roundout * mask
    err = jnp.linalg.norm(X - vals, axis=-1)
    abs_idx = part_abs_map[Xqidx]
    sign_mask = ((roundout < 0) ^ (mask < 0))[:, jnp.array([0, 2, 4, 6, 1, 3, 5, 7])]
    sign_mask = sign_mask.at[:, 7].set(jnp.logical_xor(sign_mask[:, 7], grid_abs_odd[abs_idx]))
    sign_mask = sign_mask.at[:, 0].set(jnp.logical_xor(sign_mask[:, 0], parity))
    mask_idx = (sign_mask.astype(jnp.int32) * bit_map).sum(axis=-1)
    idx = (abs_idx.astype(jnp.int32) << 8) + mask_idx
    return vals, idx, err


def reference(X, grid_part, grid_part_norm, part_abs_map, grid_abs_odd, bit_map):
    X_plus = X + 0.25
    X_minus = X - 0.25
    plus_vals, plus_idx, plus_err = _fast_quantize_part(X_plus, True, grid_part, grid_part_norm, part_abs_map, grid_abs_odd, bit_map)
    minus_vals, minus_idx, minus_err = _fast_quantize_part(X_minus, False, grid_part, grid_part_norm, part_abs_map, grid_abs_odd, bit_map)
    which = plus_err < minus_err
    final_vals = jnp.where(which[:, None], plus_vals - 0.25, minus_vals + 0.25)
    final_idx = jnp.where(which, plus_idx, minus_idx)
    return final_vals, final_idx

if __name__ == "__main__":
    import jax
    _d = setup_inputs()
    print(jax.jit(kernel)(*tuple(_d.values())))

</pallas_src>

<mosaic_0001>
#map = affine_map<(d0, d1) -> (0)>
module attributes {stable_mosaic.version = 14 : i64} {
  func.func @_sc_kernel(%arg0: i32, %arg1: i32, %arg2: memref<262144xf32, #tpu.memory_space<hbm>>, %arg3: memref<32768xi32, #tpu.memory_space<hbm>>, %arg4: memref<32768xi32, #tpu.memory_space<hbm>>, %arg5: memref<11008xf32, #tpu.memory_space<hbm>>, %arg6: memref<1376xi32, #tpu.memory_space<hbm>>, %arg7: memref<262144xf32, #tpu.memory_space<hbm>>, %arg8: memref<32768xi32, #tpu.memory_space<hbm>>, %arg9: memref<8192xf32, #tpu.memory_space<vmem>>, %arg10: memref<1024xi32, #tpu.memory_space<vmem>>, %arg11: memref<1024xi32, #tpu.memory_space<vmem>>, %arg12: memref<11008xf32, #tpu.memory_space<vmem>>, %arg13: memref<1376xi32, #tpu.memory_space<vmem>>, %arg14: memref<8192xf32, #tpu.memory_space<vmem>>, %arg15: memref<1024xi32, #tpu.memory_space<vmem>>, %arg16: memref<!tpu.dma_semaphore, #tpu.memory_space<semaphore_mem>>) attributes {dimension_semantics = [#tpu.dimension_semantics<core_parallel>, #tpu.dimension_semantics<subcore_parallel>], iteration_bounds = array<i64: 2, 16>, scalar_prefetch = 0 : i64, scratch_operands = 8 : i64, tpu.core_type = #tpu.core_type<sc_vector_subcore>, window_params = [{transform_indices = #map}, {transform_indices = #map}, {transform_indices = #map}, {transform_indices = #map}, {transform_indices = #map}, {transform_indices = #map}, {transform_indices = #map}]} {
    %mul3A = arith.constant 2 : i32
    %mul3A_0 = arith.muli %arg1, %mul3A : i32
    %add3A = arith.addi %mul3A_0, %arg0 : i32
    %mul3A_1 = arith.constant 1024 : i32
    %mul3A_2 = arith.muli %add3A, %mul3A_1 : i32
    tpu.enqueue_dma source(%arg5 : memref<11008xf32, #tpu.memory_space<hbm>>) target(%arg12 : memref<11008xf32, #tpu.memory_space<vmem>>) target_semaphore(%arg16 : memref<!tpu.dma_semaphore, #tpu.memory_space<semaphore_mem>>)
    tpu.enqueue_dma source(%arg6 : memref<1376xi32, #tpu.memory_space<hbm>>) target(%arg13 : memref<1376xi32, #tpu.memory_space<vmem>>) target_semaphore(%arg16 : memref<!tpu.dma_semaphore, #tpu.memory_space<semaphore_mem>>)
    %mul3A_3 = arith.constant 8 : i32
    %mul3A_4 = arith.muli %mul3A_2, %mul3A_3 : i32
    %dma_start3A = tpu.memref_slice %arg2[%mul3A_4] : memref<262144xf32, #tpu.memory_space<hbm>> -> memref<8192xf32, #tpu.memory_space<hbm>>
    %dma_start3A_5 = tpu.memref_slice %arg2[%mul3A_4] : memref<262144xf32, #tpu.memory_space<hbm>> -> memref<8192xf32, #tpu.memory_space<hbm>>
    tpu.enqueue_dma source(%dma_start3A_5 : memref<8192xf32, #tpu.memory_space<hbm>>) target(%arg9 : memref<8192xf32, #tpu.memory_space<vmem>>) target_semaphore(%arg16 : memref<!tpu.dma_semaphore, #tpu.memory_space<semaphore_mem>>)
    %dma_start3A_6 = tpu.memref_slice %arg3[%mul3A_2] : memref<32768xi32, #tpu.memory_space<hbm>> -> memref<1024xi32, #tpu.memory_space<hbm>>
    %dma_start3A_7 = tpu.memref_slice %arg3[%mul3A_2] : memref<32768xi32, #tpu.memory_space<hbm>> -> memref<1024xi32, #tpu.memory_space<hbm>>
    tpu.enqueue_dma source(%dma_start3A_7 : memref<1024xi32, #tpu.memory_space<hbm>>) target(%arg10 : memref<1024xi32, #tpu.memory_space<vmem>>) target_semaphore(%arg16 : memref<!tpu.dma_semaphore, #tpu.memory_space<semaphore_mem>>)
    %dma_start3A_8 = tpu.memref_slice %arg4[%mul3A_2] : memref<32768xi32, #tpu.memory_space<hbm>> -> memref<1024xi32, #tpu.memory_space<hbm>>
    %dma_start3A_9 = tpu.memref_slice %arg4[%mul3A_2] : memref<32768xi32, #tpu.memory_space<hbm>> -> memref<1024xi32, #tpu.memory_space<hbm>>
    tpu.enqueue_dma source(%dma_start3A_9 : memref<1024xi32, #tpu.memory_space<hbm>>) target(%arg11 : memref<1024xi32, #tpu.memory_space<vmem>>) target_semaphore(%arg16 : memref<!tpu.dma_semaphore, #tpu.memory_space<semaphore_mem>>)
    tpu.wait_dma2 semaphore(%arg16 : memref<!tpu.dma_semaphore, #tpu.memory_space<semaphore_mem>>) src(%arg5 : memref<11008xf32, #tpu.memory_space<hbm>>) dst(%arg12 : memref<11008xf32, #tpu.memory_space<vmem>>)
    tpu.wait_dma2 semaphore(%arg16 : memref<!tpu.dma_semaphore, #tpu.memory_space<semaphore_mem>>) src(%arg6 : memref<1376xi32, #tpu.memory_space<hbm>>) dst(%arg13 : memref<1376xi32, #tpu.memory_space<vmem>>)
    %dma_wait3A = tpu.memref_slice %arg2[%mul3A_4] : memref<262144xf32, #tpu.memory_space<hbm>> -> memref<8192xf32, #tpu.memory_space<hbm>>
    %dma_wait3A_10 = tpu.memref_slice %arg2[%mul3A_4] : memref<262144xf32, #tpu.memory_space<hbm>> -> memref<8192xf32, #tpu.memory_space<hbm>>
    tpu.wait_dma2 semaphore(%arg16 : memref<!tpu.dma_semaphore, #tpu.memory_space<semaphore_mem>>) src(%dma_wait3A_10 : memref<8192xf32, #tpu.memory_space<hbm>>) dst(%arg9 : memref<8192xf32, #tpu.memory_space<vmem>>)
    %dma_wait3A_11 = tpu.memref_slice %arg3[%mul3A_2] : memref<32768xi32, #tpu.memory_space<hbm>> -> memref<1024xi32, #tpu.memory_space<hbm>>
    %dma_wait3A_12 = tpu.memref_slice %arg3[%mul3A_2] : memref<32768xi32, #tpu.memory_space<hbm>> -> memref<1024xi32, #tpu.memory_space<hbm>>
    tpu.wait_dma2 semaphore(%arg16 : memref<!tpu.dma_semaphore, #tpu.memory_space<semaphore_mem>>) src(%dma_wait3A_12 : memref<1024xi32, #tpu.memory_space<hbm>>) dst(%arg10 : memref<1024xi32, #tpu.memory_space<vmem>>)
    %dma_wait3A_13 = tpu.memref_slice %arg4[%mul3A_2] : memref<32768xi32, #tpu.memory_space<hbm>> -> memref<1024xi32, #tpu.memory_space<hbm>>
    %dma_wait3A_14 = tpu.memref_slice %arg4[%mul3A_2] : memref<32768xi32, #tpu.memory_space<hbm>> -> memref<1024xi32, #tpu.memory_space<hbm>>
    tpu.wait_dma2 semaphore(%arg16 : memref<!tpu.dma_semaphore, #tpu.memory_space<semaphore_mem>>) src(%dma_wait3A_14 : memref<1024xi32, #tpu.memory_space<hbm>>) dst(%arg11 : memref<1024xi32, #tpu.memory_space<vmem>>)
    %iota3A = tpu.iota {dimensions = array<i32: 0>} : vector<16xi32>
    %scan3A = arith.constant 0 : i32
    %scan3A_15 = arith.constant 0 : i32
    %scan3A_16 = arith.constant 64 : i32
    %scan3A_17 = arith.addi %scan3A_15, %scan3A_16 : i32
    %scan3A_18 = arith.constant 1 : i32
    %scan3A_19 = scf.for %scan3A_31 = %scan3A_15 to %scan3A_17 step %scan3A_18 iter_args(%scan3A_32 = %scan3A) -> (i32)  : i32 {
      %mul3A_33 = arith.constant 16 : i32
      %mul3A_34 = arith.muli %scan3A_31, %mul3A_33 : i32
      %add3A_35 = vector.broadcast %mul3A_34 : i32 to vector<16xi32>
      %add3A_36 = arith.addi %add3A_35, %iota3A : vector<16xi32>
      %mul3A_37 = arith.constant 8 : i32
      %mul3A_38 = vector.broadcast %mul3A_37 : i32 to vector<16xi32>
      %mul3A_39 = arith.muli %add3A_36, %mul3A_38 : vector<16xi32>
      %get3A = arith.index_cast %mul3A_34 : i32 to index
      %get3A_40 = tpu.vector_load %arg10[%get3A] {strides = array<i32>} : memref<1024xi32, #tpu.memory_space<vmem>>, vector<16xi32>,
      %shift_right_logical3A = arith.constant 8 : i32
      %shift_right_logical3A_41 = vector.broadcast %shift_right_logical3A : i32 to vector<16xi32>
      %shift_right_logical3A_42 = arith.shrui %get3A_40, %shift_right_logical3A_41 : vector<16xi32>
      %and3A = arith.constant 255 : i32
      %and3A_43 = vector.broadcast %and3A : i32 to vector<16xi32>
      %and3A_44 = arith.andi %get3A_40, %and3A_43 : vector<16xi32>
      %xor3A = arith.constant 1 : i32
      %xor3A_45 = vector.broadcast %xor3A : i32 to vector<16xi32>
      %xor3A_46 = arith.xori %and3A_44, %xor3A_45 : vector<16xi32>
      %gather3A = tpu.vector_load_idx %arg13[%shift_right_logical3A_42] : memref<1376xi32, #tpu.memory_space<vmem>>[vector<16xi32>], vector<16xi32>,
      %xor3A_47 = arith.xori %gather3A, %and3A_44 : vector<16xi32>
      %broadcast_in_dim3A = arith.constant 0.000000e+00 : f32
      %broadcast_in_dim3A_48 = vector.broadcast %broadcast_in_dim3A : f32 to vector<16xf32>
      %mul3A_49 = arith.constant 8 : i32
      %mul3A_50 = vector.broadcast %mul3A_49 : i32 to vector<16xi32>
      %mul3A_51 = arith.muli %shift_right_logical3A_42, %mul3A_50 : vector<16xi32>
      %add3A_52 = arith.constant 0 : i32
      %add3A_53 = vector.broadcast %add3A_52 : i32 to vector<16xi32>
      %add3A_54 = arith.addi %mul3A_51, %add3A_53 : vector<16xi32>
      %gather3A_55 = tpu.vector_load_idx %arg12[%add3A_54] : memref<11008xf32, #tpu.memory_space<vmem>>[vector<16xi32>], vector<16xf32>,
      %shift_right_logical3A_56 = arith.constant 0 : i32
      %shift_right_logical3A_57 = vector.broadcast %shift_right_logical3A_56 : i32 to vector<16xi32>
      %shift_right_logical3A_58 = arith.shrui %xor3A_46, %shift_right_logical3A_57 : vector<16xi32>
      %and3A_59 = arith.constant 1 : i32
      %and3A_60 = vector.broadcast %and3A_59 : i32 to vector<16xi32>
      %and3A_61 = arith.andi %shift_right_logical3A_58, %and3A_60 : vector<16xi32>
      %convert_element_type3A = arith.sitofp %and3A_61 : vector<16xi32> to vector<16xf32>
      %mul3A_62 = arith.constant 2.000000e+00 : f32
      %mul3A_63 = vector.broadcast %mul3A_62 : f32 to vector<16xf32>
      %mul3A_64 = arith.mulf %mul3A_63, %convert_element_type3A : vector<16xf32>
      %sub3A = arith.constant 1.000000e+00 : f32
      %sub3A_65 = vector.broadcast %sub3A : f32 to vector<16xf32>
      %sub3A_66 = arith.subf %sub3A_65, %mul3A_64 : vector<16xf32>
      %mul3A_67 = arith.mulf %gather3A_55, %sub3A_66 : vector<16xf32>
      %add3A_68 = arith.constant 0 : i32
      %add3A_69 = vector.broadcast %add3A_68 : i32 to vector<16xi32>
      %add3A_70 = arith.addi %mul3A_39, %add3A_69 : vector<16xi32>
      %gather3A_71 = tpu.vector_load_idx %arg9[%add3A_70] : memref<8192xf32, #tpu.memory_space<vmem>>[vector<16xi32>], vector<16xf32>,
      %add3A_72 = arith.constant 2.500000e-01 : f32
      %add3A_73 = vector.broadcast %add3A_72 : f32 to vector<16xf32>
      %add3A_74 = arith.addf %gather3A_71, %add3A_73 : vector<16xf32>
      %sub3A_75 = arith.subf %add3A_74, %mul3A_67 : vector<16xf32>
      %mul3A_76 = arith.mulf %sub3A_75, %sub3A_75 : vector<16xf32>
      %add3A_77 = arith.addf %broadcast_in_dim3A_48, %mul3A_76 : vector<16xf32>
      %mul3A_78 = arith.constant 8 : i32
      %mul3A_79 = vector.broadcast %mul3A_78 : i32 to vector<16xi32>
      %mul3A_80 = arith.muli %shift_right_logical3A_42, %mul3A_79 : vector<16xi32>
      %add3A_81 = arith.constant 1 : i32
      %add3A_82 = vector.broadcast %add3A_81 : i32 to vector<16xi32>
      %add3A_83 = arith.addi %mul3A_80, %add3A_82 : vector<16xi32>
      %gather3A_84 = tpu.vector_load_idx %arg12[%add3A_83] : memref<11008xf32, #tpu.memory_space<vmem>>[vector<16xi32>], vector<16xf32>,
      %shift_right_logical3A_85 = arith.constant 4 : i32
      %shift_right_logical3A_86 = vector.broadcast %shift_right_logical3A_85 : i32 to vector<16xi32>
      %shift_right_logical3A_87 = arith.shrui %xor3A_46, %shift_right_logical3A_86 : vector<16xi32>
      %and3A_88 = arith.constant 1 : i32
      %and3A_89 = vector.broadcast %and3A_88 : i32 to vector<16xi32>
      %and3A_90 = arith.andi %shift_right_logical3A_87, %and3A_89 : vector<16xi32>
      %convert_element_type3A_91 = arith.sitofp %and3A_90 : vector<16xi32> to vector<16xf32>
      %mul3A_92 = arith.constant 2.000000e+00 : f32
      %mul3A_93 = vector.broadcast %mul3A_92 : f32 to vector<16xf32>
      %mul3A_94 = arith.mulf %mul3A_93, %convert_element_type3A_91 : vector<16xf32>
      %sub3A_95 = arith.constant 1.000000e+00 : f32
      %sub3A_96 = vector.broadcast %sub3A_95 : f32 to vector<16xf32>
      %sub3A_97 = arith.subf %sub3A_96, %mul3A_94 : vector<16xf32>
      %mul3A_98 = arith.mulf %gather3A_84, %sub3A_97 : vector<16xf32>
      %add3A_99 = arith.constant 1 : i32
      %add3A_100 = vector.broadcast %add3A_99 : i32 to vector<16xi32>
      %add3A_101 = arith.addi %mul3A_39, %add3A_100 : vector<16xi32>
      %gather3A_102 = tpu.vector_load_idx %arg9[%add3A_101] : memref<8192xf32, #tpu.memory_space<vmem>>[vector<16xi32>], vector<16xf32>,
      %add3A_103 = arith.constant 2.500000e-01 : f32
      %add3A_104 = vector.broadcast %add3A_103 : f32 to vector<16xf32>
      %add3A_105 = arith.addf %gather3A_102, %add3A_104 : vector<16xf32>
      %sub3A_106 = arith.subf %add3A_105, %mul3A_98 : vector<16xf32>
      %mul3A_107 = arith.mulf %sub3A_106, %sub3A_106 : vector<16xf32>
      %add3A_108 = arith.addf %add3A_77, %mul3A_107 : vector<16xf32>
      %mul3A_109 = arith.constant 8 : i32
      %mul3A_110 = vector.broadcast %mul3A_109 : i32 to vector<16xi32>
      %mul3A_111 = arith.muli %shift_right_logical3A_42, %mul3A_110 : vector<16xi32>
      %add3A_112 = arith.constant 2 : i32
      %add3A_113 = vector.broadcast %add3A_112 : i32 to vector<16xi32>
      %add3A_114 = arith.addi %mul3A_111, %add3A_113 : vector<16xi32>
      %gather3A_115 = tpu.vector_load_idx %arg12[%add3A_114] : memref<11008xf32, #tpu.memory_space<vmem>>[vector<16xi32>], vector<16xf32>,
      %shift_right_logical3A_116 = arith.constant 1 : i32
      %shift_right_logical3A_117 = vector.broadcast %shift_right_logical3A_116 : i32 to vector<16xi32>
      %shift_right_logical3A_118 = arith.shrui %xor3A_46, %shift_right_logical3A_117 : vector<16xi32>
      %and3A_119 = arith.constant 1 : i32
      %and3A_120 = vector.broadcast %and3A_119 : i32 to vector<16xi32>
      %and3A_121 = arith.andi %shift_right_logical3A_118, %and3A_120 : vector<16xi32>
      %convert_element_type3A_122 = arith.sitofp %and3A_121 : vector<16xi32> to vector<16xf32>
      %mul3A_123 = arith.constant 2.000000e+00 : f32
      %mul3A_124 = vector.broadcast %mul3A_123 : f32 to vector<16xf32>
      %mul3A_125 = arith.mulf %mul3A_124, %convert_element_type3A_122 : vector<16xf32>
      %sub3A_126 = arith.constant 1.000000e+00 : f32
      %sub3A_127 = vector.broadcast %sub3A_126 : f32 to vector<16xf32>
      %sub3A_128 = arith.subf %sub3A_127, %mul3A_125 : vector<16xf32>
      %mul3A_129 = arith.mulf %gather3A_115, %sub3A_128 : vector<16xf32>
      %add3A_130 = arith.constant 2 : i32
      %add3A_131 = vector.broadcast %add3A_130 : i32 to vector<16xi32>
      %add3A_132 = arith.addi %mul3A_39, %add3A_131 : vector<16xi32>
      %gather3A_133 = tpu.vector_load_idx %arg9[%add3A_132] : memref<8192xf32, #tpu.memory_space<vmem>>[vector<16xi32>], vector<16xf32>,
      %add3A_134 = arith.constant 2.500000e-01 : f32
      %add3A_135 = vector.broadcast %add3A_134 : f32 to vector<16xf32>
      %add3A_136 = arith.addf %gather3A_133, %add3A_135 : vector<16xf32>
      %sub3A_137 = arith.subf %add3A_136, %mul3A_129 : vector<16xf32>
      %mul3A_138 = arith.mulf %sub3A_137, %sub3A_137 : vector<16xf32>
      %add3A_139 = arith.addf %add3A_108, %mul3A_138 : vector<16xf32>
      %mul3A_140 = arith.constant 8 : i32
      %mul3A_141 = vector.broadcast %mul3A_140 : i32 to vector<16xi32>
      %mul3A_142 = arith.muli %shift_right_logical3A_42, %mul3A_141 : vector<16xi32>
      %add3A_143 = arith.constant 3 : i32
      %add3A_144 = vector.broadcast %add3A_143 : i32 to vector<16xi32>
      %add3A_145 = arith.addi %mul3A_142, %add3A_144 : vector<16xi32>
      %gather3A_146 = tpu.vector_load_idx %arg12[%add3A_145] : memref<11008xf32, #tpu.memory_space<vmem>>[vector<16xi32>], vector<16xf32>,
      %shift_right_logical3A_147 = arith.constant 5 : i32
      %shift_right_logical3A_148 = vector.broadcast %shift_right_logical3A_147 : i32 to vector<16xi32>
      %shift_right_logical3A_149 = arith.shrui %xor3A_46, %shift_right_logical3A_148 : vector<16xi32>
      %and3A_150 = arith.constant 1 : i32
      %and3A_151 = vector.broadcast %and3A_150 : i32 to vector<16xi32>
      %and3A_152 = arith.andi %shift_right_logical3A_149, %and3A_151 : vector<16xi32>
      %convert_element_type3A_153 = arith.sitofp %and3A_152 : vector<16xi32> to vector<16xf32>
      %mul3A_154 = arith.constant 2.000000e+00 : f32
      %mul3A_155 = vector.broadcast %mul3A_154 : f32 to vector<16xf32>
      %mul3A_156 = arith.mulf %mul3A_155, %convert_element_type3A_153 : vector<16xf32>
      %sub3A_157 = arith.constant 1.000000e+00 : f32
      %sub3A_158 = vector.broadcast %sub3A_157 : f32 to vector<16xf32>
      %sub3A_159 = arith.subf %sub3A_158, %mul3A_156 : vector<16xf32>
      %mul3A_160 = arith.mulf %gather3A_146, %sub3A_159 : vector<16xf32>
      %add3A_161 = arith.constant 3 : i32
      %add3A_162 = vector.broadcast %add3A_161 : i32 to vector<16xi32>
      %add3A_163 = arith.addi %mul3A_39, %add3A_162 : vector<16xi32>
      %gather3A_164 = tpu.vector_load_idx %arg9[%add3A_163] : memref<8192xf32, #tpu.memory_space<vmem>>[vector<16xi32>], vector<16xf32>,
      %add3A_165 = arith.constant 2.500000e-01 : f32
      %add3A_166 = vector.broadcast %add3A_165 : f32 to vector<16xf32>
      %add3A_167 = arith.addf %gather3A_164, %add3A_166 : vector<16xf32>
      %sub3A_168 = arith.subf %add3A_167, %mul3A_160 : vector<16xf32>
      %mul3A_169 = arith.mulf %sub3A_168, %sub3A_168 : vector<16xf32>
      %add3A_170 = arith.addf %add3A_139, %mul3A_169 : vector<16xf32>
      %mul3A_171 = arith.constant 8 : i32
      %mul3A_172 = vector.broadcast %mul3A_171 : i32 to vector<16xi32>
      %mul3A_173 = arith.muli %shift_right_logical3A_42, %mul3A_172 : vector<16xi32>
      %add3A_174 = arith.constant 4 : i32
      %add3A_175 = vector.broadcast %add3A_174 : i32 to vector<16xi32>
      %add3A_176 = arith.addi %mul3A_173, %add3A_175 : vector<16xi32>
      %gather3A_177 = tpu.vector_load_idx %arg12[%add3A_176] : memref<11008xf32, #tpu.memory_space<vmem>>[vector<16xi32>], vector<16xf32>,
      %shift_right_logical3A_178 = arith.constant 2 : i32
      %shift_right_logical3A_179 = vector.broadcast %shift_right_logical3A_178 : i32 to vector<16xi32>
      %shift_right_logical3A_180 = arith.shrui %xor3A_46, %shift_right_logical3A_179 : vector<16xi32>
      %and3A_181 = arith.constant 1 : i32
      %and3A_182 = vector.broadcast %and3A_181 : i32 to vector<16xi32>
      %and3A_183 = arith.andi %shift_right_logical3A_180, %and3A_182 : vector<16xi32>
      %convert_element_type3A_184 = arith.sitofp %and3A_183 : vector<16xi32> to vector<16xf32>
      %mul3A_185 = arith.constant 2.000000e+00 : f32
      %mul3A_186 = vector.broadcast %mul3A_185 : f32 to vector<16xf32>
      %mul3A_187 = arith.mulf %mul3A_186, %convert_element_type3A_184 : vector<16xf32>
      %sub3A_188 = arith.constant 1.000000e+00 : f32
      %sub3A_189 = vector.broadcast %sub3A_188 : f32 to vector<16xf32>
      %sub3A_190 = arith.subf %sub3A_189, %mul3A_187 : vector<16xf32>
      %mul3A_191 = arith.mulf %gather3A_177, %sub3A_190 : vector<16xf32>
      %add3A_192 = arith.constant 4 : i32
      %add3A_193 = vector.broadcast %add3A_192 : i32 to vector<16xi32>
      %add3A_194 = arith.addi %mul3A_39, %add3A_193 : vector<16xi32>
      %gather3A_195 = tpu.vector_load_idx %arg9[%add3A_194] : memref<8192xf32, #tpu.memory_space<vmem>>[vector<16xi32>], vector<16xf32>,
      %add3A_196 = arith.constant 2.500000e-01 : f32
      %add3A_197 = vector.broadcast %add3A_196 : f32 to vector<16xf32>
      %add3A_198 = arith.addf %gather3A_195, %add3A_197 : vector<16xf32>
      %sub3A_199 = arith.subf %add3A_198, %mul3A_191 : vector<16xf32>
      %mul3A_200 = arith.mulf %sub3A_199, %sub3A_199 : vector<16xf32>
      %add3A_201 = arith.addf %add3A_170, %mul3A_200 : vector<16xf32>
      %mul3A_202 = arith.constant 8 : i32
      %mul3A_203 = vector.broadcast %mul3A_202 : i32 to vector<16xi32>
      %mul3A_204 = arith.muli %shift_right_logical3A_42, %mul3A_203 : vector<16xi32>
      %add3A_205 = arith.constant 5 : i32
      %add3A_206 = vector.broadcast %add3A_205 : i32 to vector<16xi32>
      %add3A_207 = arith.addi %mul3A_204, %add3A_206 : vector<16xi32>
      %gather3A_208 = tpu.vector_load_idx %arg12[%add3A_207] : memref<11008xf32, #tpu.memory_space<vmem>>[vector<16xi32>], vector<16xf32>,
      %shift_right_logical3A_209 = arith.constant 6 : i32
      %shift_right_logical3A_210 = vector.broadcast %shift_right_logical3A_209 : i32 to vector<16xi32>
      %shift_right_logical3A_211 = arith.shrui %xor3A_46, %shift_right_logical3A_210 : vector<16xi32>
      %and3A_212 = arith.constant 1 : i32
      %and3A_213 = vector.broadcast %and3A_212 : i32 to vector<16xi32>
      %and3A_214 = arith.andi %shift_right_logical3A_211, %and3A_213 : vector<16xi32>
      %convert_element_type3A_215 = arith.sitofp %and3A_214 : vector<16xi32> to vector<16xf32>
      %mul3A_216 = arith.constant 2.000000e+00 : f32
      %mul3A_217 = vector.broadcast %mul3A_216 : f32 to vector<16xf32>
      %mul3A_218 = arith.mulf %mul3A_217, %convert_element_type3A_215 : vector<16xf32>
      %sub3A_219 = arith.constant 1.000000e+00 : f32
      %sub3A_220 = vector.broadcast %sub3A_219 : f32 to vector<16xf32>
      %sub3A_221 = arith.subf %sub3A_220, %mul3A_218 : vector<16xf32>
      %mul3A_222 = arith.mulf %gather3A_208, %sub3A_221 : vector<16xf32>
      %add3A_223 = arith.constant 5 : i32
      %add3A_224 = vector.broadcast %add3A_223 : i32 to vector<16xi32>
      %add3A_225 = arith.addi %mul3A_39, %add3A_224 : vector<16xi32>
      %gather3A_226 = tpu.vector_load_idx %arg9[%add3A_225] : memref<8192xf32, #tpu.memory_space<vmem>>[vector<16xi32>], vector<16xf32>,
      %add3A_227 = arith.constant 2.500000e-01 : f32
      %add3A_228 = vector.broadcast %add3A_227 : f32 to vector<16xf32>
      %add3A_229 = arith.addf %gather3A_226, %add3A_228 : vector<16xf32>
      %sub3A_230 = arith.subf %add3A_229, %mul3A_222 : vector<16xf32>
      %mul3A_231 = arith.mulf %sub3A_230, %sub3A_230 : vector<16xf32>
      %add3A_232 = arith.addf %add3A_201, %mul3A_231 : vector<16xf32>
      %mul3A_233 = arith.constant 8 : i32
      %mul3A_234 = vector.broadcast %mul3A_233 : i32 to vector<16xi32>
      %mul3A_235 = arith.muli %shift_right_logical3A_42, %mul3A_234 : vector<16xi32>
      %add3A_236 = arith.constant 6 : i32
      %add3A_237 = vector.broadcast %add3A_236 : i32 to vector<16xi32>
      %add3A_238 = arith.addi %mul3A_235, %add3A_237 : vector<16xi32>
      %gather3A_239 = tpu.vector_load_idx %arg12[%add3A_238] : memref<11008xf32, #tpu.memory_space<vmem>>[vector<16xi32>], vector<16xf32>,
      %shift_right_logical3A_240 = arith.constant 3 : i32
      %shift_right_logical3A_241 = vector.broadcast %shift_right_logical3A_240 : i32 to vector<16xi32>
      %shift_right_logical3A_242 = arith.shrui %xor3A_46, %shift_right_logical3A_241 : vector<16xi32>
      %and3A_243 = arith.constant 1 : i32
      %and3A_244 = vector.broadcast %and3A_243 : i32 to vector<16xi32>
      %and3A_245 = arith.andi %shift_right_logical3A_242, %and3A_244 : vector<16xi32>
      %convert_element_type3A_246 = arith.sitofp %and3A_245 : vector<16xi32> to vector<16xf32>
      %mul3A_247 = arith.constant 2.000000e+00 : f32
      %mul3A_248 = vector.broadcast %mul3A_247 : f32 to vector<16xf32>
      %mul3A_249 = arith.mulf %mul3A_248, %convert_element_type3A_246 : vector<16xf32>
      %sub3A_250 = arith.constant 1.000000e+00 : f32
      %sub3A_251 = vector.broadcast %sub3A_250 : f32 to vector<16xf32>
      %sub3A_252 = arith.subf %sub3A_251, %mul3A_249 : vector<16xf32>
      %mul3A_253 = arith.mulf %gather3A_239, %sub3A_252 : vector<16xf32>
      %add3A_254 = arith.constant 6 : i32
      %add3A_255 = vector.broadcast %add3A_254 : i32 to vector<16xi32>
      %add3A_256 = arith.addi %mul3A_39, %add3A_255 : vector<16xi32>
      %gather3A_257 = tpu.vector_load_idx %arg9[%add3A_256] : memref<8192xf32, #tpu.memory_space<vmem>>[vector<16xi32>], vector<16xf32>,
      %add3A_258 = arith.constant 2.500000e-01 : f32
      %add3A_259 = vector.broadcast %add3A_258 : f32 to vector<16xf32>
      %add3A_260 = arith.addf %gather3A_257, %add3A_259 : vector<16xf32>
      %sub3A_261 = arith.subf %add3A_260, %mul3A_253 : vector<16xf32>
      %mul3A_262 = arith.mulf %sub3A_261, %sub3A_261 : vector<16xf32>
      %add3A_263 = arith.addf %add3A_232, %mul3A_262 : vector<16xf32>
      %mul3A_264 = arith.constant 8 : i32
      %mul3A_265 = vector.broadcast %mul3A_264 : i32 to vector<16xi32>
      %mul3A_266 = arith.muli %shift_right_logical3A_42, %mul3A_265 : vector<16xi32>
      %add3A_267 = arith.constant 7 : i32
      %add3A_268 = vector.broadcast %add3A_267 : i32 to vector<16xi32>
      %add3A_269 = arith.addi %mul3A_266, %add3A_268 : vector<16xi32>
      %gather3A_270 = tpu.vector_load_idx %arg12[%add3A_269] : memref<11008xf32, #tpu.memory_space<vmem>>[vector<16xi32>], vector<16xf32>,
      %shift_right_logical3A_271 = arith.constant 7 : i32
      %shift_right_logical3A_272 = vector.broadcast %shift_right_logical3A_271 : i32 to vector<16xi32>
      %shift_right_logical3A_273 = arith.shrui %xor3A_46, %shift_right_logical3A_272 : vector<16xi32>
      %and3A_274 = arith.constant 1 : i32
      %and3A_275 = vector.broadcast %and3A_274 : i32 to vector<16xi32>
      %and3A_276 = arith.andi %shift_right_logical3A_273, %and3A_275 : vector<16xi32>
      %convert_element_type3A_277 = arith.sitofp %and3A_276 : vector<16xi32> to vector<16xf32>
      %mul3A_278 = arith.constant 2.000000e+00 : f32
      %mul3A_279 = vector.broadcast %mul3A_278 : f32 to vector<16xf32>
      %mul3A_280 = arith.mulf %mul3A_279, %convert_element_type3A_277 : vector<16xf32>
      %sub3A_281 = arith.constant 1.000000e+00 : f32
      %sub3A_282 = vector.broadcast %sub3A_281 : f32 to vector<16xf32>
      %sub3A_283 = arith.subf %sub3A_282, %mul3A_280 : vector<16xf32>
      %mul3A_284 = arith.mulf %gather3A_270, %sub3A_283 : vector<16xf32>
      %add3A_285 = arith.constant 7 : i32
      %add3A_286 = vector.broadcast %add3A_285 : i32 to vector<16xi32>
      %add3A_287 = arith.addi %mul3A_39, %add3A_286 : vector<16xi32>
      %gather3A_288 = tpu.vector_load_idx %arg9[%add3A_287] : memref<8192xf32, #tpu.memory_space<vmem>>[vector<16xi32>], vector<16xf32>,
      %add3A_289 = arith.constant 2.500000e-01 : f32
      %add3A_290 = vector.broadcast %add3A_289 : f32 to vector<16xf32>
      %add3A_291 = arith.addf %gather3A_288, %add3A_290 : vector<16xf32>
      %sub3A_292 = arith.subf %add3A_291, %mul3A_284 : vector<16xf32>
      %mul3A_293 = arith.mulf %sub3A_292, %sub3A_292 : vector<16xf32>
      %add3A_294 = arith.addf %add3A_263, %mul3A_293 : vector<16xf32>
      %get3A_295 = arith.index_cast %mul3A_34 : i32 to index
      %get3A_296 = tpu.vector_load %arg11[%get3A_295] {strides = array<i32>} : memref<1024xi32, #tpu.memory_space<vmem>>, vector<16xi32>,
      %shift_right_logical3A_297 = arith.constant 8 : i32
      %shift_right_logical3A_298 = vector.broadcast %shift_right_logical3A_297 : i32 to vector<16xi32>
      %shift_right_logical3A_299 = arith.shrui %get3A_296, %shift_right_logical3A_298 : vector<16xi32>
      %and3A_300 = arith.constant 255 : i32
      %and3A_301 = vector.broadcast %and3A_300 : i32 to vector<16xi32>
      %and3A_302 = arith.andi %get3A_296, %and3A_301 : vector<16xi32>
      %xor3A_303 = arith.constant 0 : i32
      %xor3A_304 = vector.broadcast %xor3A_303 : i32 to vector<16xi32>
      %xor3A_305 = arith.xori %and3A_302, %xor3A_304 : vector<16xi32>
      %gather3A_306 = tpu.vector_load_idx %arg13[%shift_right_logical3A_299] : memref<1376xi32, #tpu.memory_space<vmem>>[vector<16xi32>], vector<16xi32>,
      %xor3A_307 = arith.xori %gather3A_306, %and3A_302 : vector<16xi32>
      %broadcast_in_dim3A_308 = arith.constant 0.000000e+00 : f32
      %broadcast_in_dim3A_309 = vector.broadcast %broadcast_in_dim3A_308 : f32 to vector<16xf32>
      %mul3A_310 = arith.constant 8 : i32
      %mul3A_311 = vector.broadcast %mul3A_310 : i32 to vector<16xi32>
      %mul3A_312 = arith.muli %shift_right_logical3A_299, %mul3A_311 : vector<16xi32>
      %add3A_313 = arith.constant 0 : i32
      %add3A_314 = vector.broadcast %add3A_313 : i32 to vector<16xi32>
      %add3A_315 = arith.addi %mul3A_312, %add3A_314 : vector<16xi32>
      %gather3A_316 = tpu.vector_load_idx %arg12[%add3A_315] : memref<11008xf32, #tpu.memory_space<vmem>>[vector<16xi32>], vector<16xf32>,
      %shift_right_logical3A_317 = arith.constant 0 : i32
      %shift_right_logical3A_318 = vector.broadcast %shift_right_logical3A_317 : i32 to vector<16xi32>
      %shift_right_logical3A_319 = arith.shrui %xor3A_305, %shift_right_logical3A_318 : vector<16xi32>
      %and3A_320 = arith.constant 1 : i32
      %and3A_321 = vector.broadcast %and3A_320 : i32 to vector<16xi32>
      %and3A_322 = arith.andi %shift_right_logical3A_319, %and3A_321 : vector<16xi32>
      %convert_element_type3A_323 = arith.sitofp %and3A_322 : vector<16xi32> to vector<16xf32>
      %mul3A_324 = arith.constant 2.000000e+00 : f32
      %mul3A_325 = vector.broadcast %mul3A_324 : f32 to vector<16xf32>
      %mul3A_326 = arith.mulf %mul3A_325, %convert_element_type3A_323 : vector<16xf32>
      %sub3A_327 = arith.constant 1.000000e+00 : f32
      %sub3A_328 = vector.broadcast %sub3A_327 : f32 to vector<16xf32>
      %sub3A_329 = arith.subf %sub3A_328, %mul3A_326 : vector<16xf32>
      %mul3A_330 = arith.mulf %gather3A_316, %sub3A_329 : vector<16xf32>
      %add3A_331 = arith.constant 0 : i32
      %add3A_332 = vector.broadcast %add3A_331 : i32 to vector<16xi32>
      %add3A_333 = arith.addi %mul3A_39, %add3A_332 : vector<16xi32>
      %gather3A_334 = tpu.vector_load_idx %arg9[%add3A_333] : memref<8192xf32, #tpu.memory_space<vmem>>[vector<16xi32>], vector<16xf32>,
      %add3A_335 = arith.constant -2.500000e-01 : f32
      %add3A_336 = vector.broadcast %add3A_335 : f32 to vector<16xf32>
      %add3A_337 = arith.addf %gather3A_334, %add3A_336 : vector<16xf32>
      %sub3A_338 = arith.subf %add3A_337, %mul3A_330 : vector<16xf32>
      %mul3A_339 = arith.mulf %sub3A_338, %sub3A_338 : vector<16xf32>
      %add3A_340 = arith.addf %broadcast_in_dim3A_309, %mul3A_339 : vector<16xf32>
      %mul3A_341 = arith.constant 8 : i32
      %mul3A_342 = vector.broadcast %mul3A_341 : i32 to vector<16xi32>
      %mul3A_343 = arith.muli %shift_right_logical3A_299, %mul3A_342 : vector<16xi32>
      %add3A_344 = arith.constant 1 : i32
      %add3A_345 = vector.broadcast %add3A_344 : i32 to vector<16xi32>
      %add3A_346 = arith.addi %mul3A_343, %add3A_345 : vector<16xi32>
      %gather3A_347 = tpu.vector_load_idx %arg12[%add3A_346] : memref<11008xf32, #tpu.memory_space<vmem>>[vector<16xi32>], vector<16xf32>,
      %shift_right_logical3A_348 = arith.constant 4 : i32
      %shift_right_logical3A_349 = vector.broadcast %shift_right_logical3A_348 : i32 to vector<16xi32>
      %shift_right_logical3A_350 = arith.shrui %xor3A_305, %shift_right_logical3A_349 : vector<16xi32>
      %and3A_351 = arith.constant 1 : i32
      %and3A_352 = vector.broadcast %and3A_351 : i32 to vector<16xi32>
      %and3A_353 = arith.andi %shift_right_logical3A_350, %and3A_352 : vector<16xi32>
      %convert_element_type3A_354 = arith.sitofp %and3A_353 : vector<16xi32> to vector<16xf32>
      %mul3A_355 = arith.constant 2.000000e+00 : f32
      %mul3A_356 = vector.broadcast %mul3A_355 : f32 to vector<16xf32>
      %mul3A_357 = arith.mulf %mul3A_356, %convert_element_type3A_354 : vector<16xf32>
      %sub3A_358 = arith.constant 1.000000e+00 : f32
      %sub3A_359 = vector.broadcast %sub3A_358 : f32 to vector<16xf32>
      %sub3A_360 = arith.subf %sub3A_359, %mul3A_357 : vector<16xf32>
      %mul3A_361 = arith.mulf %gather3A_347, %sub3A_360 : vector<16xf32>
      %add3A_362 = arith.constant 1 : i32
      %add3A_363 = vector.broadcast %add3A_362 : i32 to vector<16xi32>
      %add3A_364 = arith.addi %mul3A_39, %add3A_363 : vector<16xi32>
      %gather3A_365 = tpu.vector_load_idx %arg9[%add3A_364] : memref<8192xf32, #tpu.memory_space<vmem>>[vector<16xi32>], vector<16xf32>,
      %add3A_366 = arith.constant -2.500000e-01 : f32
      %add3A_367 = vector.broadcast %add3A_366 : f32 to vector<16xf32>
      %add3A_368 = arith.addf %gather3A_365, %add3A_367 : vector<16xf32>
      %sub3A_369 = arith.subf %add3A_368, %mul3A_361 : vector<16xf32>
      %mul3A_370 = arith.mulf %sub3A_369, %sub3A_369 : vector<16xf32>
      %add3A_371 = arith.addf %add3A_340, %mul3A_370 : vector<16xf32>
      %mul3A_372 = arith.constant 8 : i32
      %mul3A_373 = vector.broadcast %mul3A_372 : i32 to vector<16xi32>
      %mul3A_374 = arith.muli %shift_right_logical3A_299, %mul3A_373 : vector<16xi32>
      %add3A_375 = arith.constant 2 : i32
      %add3A_376 = vector.broadcast %add3A_375 : i32 to vector<16xi32>
      %add3A_377 = arith.addi %mul3A_374, %add3A_376 : vector<16xi32>
      %gather3A_378 = tpu.vector_load_idx %arg12[%add3A_377] : memref<11008xf32, #tpu.memory_space<vmem>>[vector<16xi32>], vector<16xf32>,
      %shift_right_logical3A_379 = arith.constant 1 : i32
      %shift_right_logical3A_380 = vector.broadcast %shift_right_logical3A_379 : i32 to vector<16xi32>
      %shift_right_logical3A_381 = arith.shrui %xor3A_305, %shift_right_logical3A_380 : vector<16xi32>
      %and3A_382 = arith.constant 1 : i32
      %and3A_383 = vector.broadcast %and3A_382 : i32 to vector<16xi32>
      %and3A_384 = arith.andi %shift_right_logical3A_381, %and3A_383 : vector<16xi32>
      %convert_element_type3A_385 = arith.sitofp %and3A_384 : vector<16xi32> to vector<16xf32>
      %mul3A_386 = arith.constant 2.000000e+00 : f32
      %mul3A_387 = vector.broadcast %mul3A_386 : f32 to vector<16xf32>
      %mul3A_388 = arith.mulf %mul3A_387, %convert_element_type3A_385 : vector<16xf32>
      %sub3A_389 = arith.constant 1.000000e+00 : f32
      %sub3A_390 = vector.broadcast %sub3A_389 : f32 to vector<16xf32>
      %sub3A_391 = arith.subf %sub3A_390, %mul3A_388 : vector<16xf32>
      %mul3A_392 = arith.mulf %gather3A_378, %sub3A_391 : vector<16xf32>
      %add3A_393 = arith.constant 2 : i32
      %add3A_394 = vector.broadcast %add3A_393 : i32 to vector<16xi32>
      %add3A_395 = arith.addi %mul3A_39, %add3A_394 : vector<16xi32>
      %gather3A_396 = tpu.vector_load_idx %arg9[%add3A_395] : memref<8192xf32, #tpu.memory_space<vmem>>[vector<16xi32>], vector<16xf32>,
      %add3A_397 = arith.constant -2.500000e-01 : f32
      %add3A_398 = vector.broadcast %add3A_397 : f32 to vector<16xf32>
      %add3A_399 = arith.addf %gather3A_396, %add3A_398 : vector<16xf32>
      %sub3A_400 = arith.subf %add3A_399, %mul3A_392 : vector<16xf32>
      %mul3A_401 = arith.mulf %sub3A_400, %sub3A_400 : vector<16xf32>
      %add3A_402 = arith.addf %add3A_371, %mul3A_401 : vector<16xf32>
      %mul3A_403 = arith.constant 8 : i32
      %mul3A_404 = vector.broadcast %mul3A_403 : i32 to vector<16xi32>
      %mul3A_405 = arith.muli %shift_right_logical3A_299, %mul3A_404 : vector<16xi32>
      %add3A_406 = arith.constant 3 : i32
      %add3A_407 = vector.broadcast %add3A_406 : i32 to vector<16xi32>
      %add3A_408 = arith.addi %mul3A_405, %add3A_407 : vector<16xi32>
      %gather3A_409 = tpu.vector_load_idx %arg12[%add3A_408] : memref<11008xf32, #tpu.memory_space<vmem>>[vector<16xi32>], vector<16xf32>,
      %shift_right_logical3A_410 = arith.constant 5 : i32
      %shift_right_logical3A_411 = vector.broadcast %shift_right_logical3A_410 : i32 to vector<16xi32>
      %shift_right_logical3A_412 = arith.shrui %xor3A_305, %shift_right_logical3A_411 : vector<16xi32>
      %and3A_413 = arith.constant 1 : i32
      %and3A_414 = vector.broadcast %and3A_413 : i32 to vector<16xi32>
      %and3A_415 = arith.andi %shift_right_logical3A_412, %and3A_414 : vector<16xi32>
      %convert_element_type3A_416 = arith.sitofp %and3A_415 : vector<16xi32> to vector<16xf32>
      %mul3A_417 = arith.constant 2.000000e+00 : f32
      %mul3A_418 = vector.broadcast %mul3A_417 : f32 to vector<16xf32>
      %mul3A_419 = arith.mulf %mul3A_418, %convert_element_type3A_416 : vector<16xf32>
      %sub3A_420 = arith.constant 1.000000e+00 : f32
      %sub3A_421 = vector.broadcast %sub3A_420 : f32 to vector<16xf32>
      %sub3A_422 = arith.subf %sub3A_421, %mul3A_419 : vector<16xf32>
      %mul3A_423 = arith.mulf %gather3A_409, %sub3A_422 : vector<16xf32>
      %add3A_424 = arith.constant 3 : i32
      %add3A_425 = vector.broadcast %add3A_424 : i32 to vector<16xi32>
      %add3A_426 = arith.addi %mul3A_39, %add3A_425 : vector<16xi32>
      %gather3A_427 = tpu.vector_load_idx %arg9[%add3A_426] : memref<8192xf32, #tpu.memory_space<vmem>>[vector<16xi32>], vector<16xf32>,
      %add3A_428 = arith.constant -2.500000e-01 : f32
      %add3A_429 = vector.broadcast %add3A_428 : f32 to vector<16xf32>
      %add3A_430 = arith.addf %gather3A_427, %add3A_429 : vector<16xf32>
      %sub3A_431 = arith.subf %add3A_430, %mul3A_423 : vector<16xf32>
      %mul3A_432 = arith.mulf %sub3A_431, %sub3A_431 : vector<16xf32>
      %add3A_433 = arith.addf %add3A_402, %mul3A_432 : vector<16xf32>
      %mul3A_434 = arith.constant 8 : i32
      %mul3A_435 = vector.broadcast %mul3A_434 : i32 to vector<16xi32>
      %mul3A_436 = arith.muli %shift_right_logical3A_299, %mul3A_435 : vector<16xi32>
      %add3A_437 = arith.constant 4 : i32
      %add3A_438 = vector.broadcast %add3A_437 : i32 to vector<16xi32>
      %add3A_439 = arith.addi %mul3A_436, %add3A_438 : vector<16xi32>
      %gather3A_440 = tpu.vector_load_idx %arg12[%add3A_439] : memref<11008xf32, #tpu.memory_space<vmem>>[vector<16xi32>], vector<16xf32>,
      %shift_right_logical3A_441 = arith.constant 2 : i32
      %shift_right_logical3A_442 = vector.broadcast %shift_right_logical3A_441 : i32 to vector<16xi32>
      %shift_right_logical3A_443 = arith.shrui %xor3A_305, %shift_right_logical3A_442 : vector<16xi32>
      %and3A_444 = arith.constant 1 : i32
      %and3A_445 = vector.broadcast %and3A_444 : i32 to vector<16xi32>
      %and3A_446 = arith.andi %shift_right_logical3A_443, %and3A_445 : vector<16xi32>
      %convert_element_type3A_447 = arith.sitofp %and3A_446 : vector<16xi32> to vector<16xf32>
      %mul3A_448 = arith.constant 2.000000e+00 : f32
      %mul3A_449 = vector.broadcast %mul3A_448 : f32 to vector<16xf32>
      %mul3A_450 = arith.mulf %mul3A_449, %convert_element_type3A_447 : vector<16xf32>
      %sub3A_451 = arith.constant 1.000000e+00 : f32
      %sub3A_452 = vector.broadcast %sub3A_451 : f32 to vector<16xf32>
      %sub3A_453 = arith.subf %sub3A_452, %mul3A_450 : vector<16xf32>
      %mul3A_454 = arith.mulf %gather3A_440, %sub3A_453 : vector<16xf32>
      %add3A_455 = arith.constant 4 : i32
      %add3A_456 = vector.broadcast %add3A_455 : i32 to vector<16xi32>
      %add3A_457 = arith.addi %mul3A_39, %add3A_456 : vector<16xi32>
      %gather3A_458 = tpu.vector_load_idx %arg9[%add3A_457] : memref<8192xf32, #tpu.memory_space<vmem>>[vector<16xi32>], vector<16xf32>,
      %add3A_459 = arith.constant -2.500000e-01 : f32
      %add3A_460 = vector.broadcast %add3A_459 : f32 to vector<16xf32>
      %add3A_461 = arith.addf %gather3A_458, %add3A_460 : vector<16xf32>
      %sub3A_462 = arith.subf %add3A_461, %mul3A_454 : vector<16xf32>
      %mul3A_463 = arith.mulf %sub3A_462, %sub3A_462 : vector<16xf32>
      %add3A_464 = arith.addf %add3A_433, %mul3A_463 : vector<16xf32>
      %mul3A_465 = arith.constant 8 : i32
      %mul3A_466 = vector.broadcast %mul3A_465 : i32 to vector<16xi32>
      %mul3A_467 = arith.muli %shift_right_logical3A_299, %mul3A_466 : vector<16xi32>
      %add3A_468 = arith.constant 5 : i32
      %add3A_469 = vector.broadcast %add3A_468 : i32 to vector<16xi32>
      %add3A_470 = arith.addi %mul3A_467, %add3A_469 : vector<16xi32>
      %gather3A_471 = tpu.vector_load_idx %arg12[%add3A_470] : memref<11008xf32, #tpu.memory_space<vmem>>[vector<16xi32>], vector<16xf32>,
      %shift_right_logical3A_472 = arith.constant 6 : i32
      %shift_right_logical3A_473 = vector.broadcast %shift_right_logical3A_472 : i32 to vector<16xi32>
      %shift_right_logical3A_474 = arith.shrui %xor3A_305, %shift_right_logical3A_473 : vector<16xi32>
      %and3A_475 = arith.constant 1 : i32
      %and3A_476 = vector.broadcast %and3A_475 : i32 to vector<16xi32>
      %and3A_477 = arith.andi %shift_right_logical3A_474, %and3A_476 : vector<16xi32>
      %convert_element_type3A_478 = arith.sitofp %and3A_477 : vector<16xi32> to vector<16xf32>
      %mul3A_479 = arith.constant 2.000000e+00 : f32
      %mul3A_480 = vector.broadcast %mul3A_479 : f32 to vector<16xf32>
      %mul3A_481 = arith.mulf %mul3A_480, %convert_element_type3A_478 : vector<16xf32>
      %sub3A_482 = arith.constant 1.000000e+00 : f32
      %sub3A_483 = vector.broadcast %sub3A_482 : f32 to vector<16xf32>
      %sub3A_484 = arith.subf %sub3A_483, %mul3A_481 : vector<16xf32>
      %mul3A_485 = arith.mulf %gather3A_471, %sub3A_484 : vector<16xf32>
      %add3A_486 = arith.constant 5 : i32
      %add3A_487 = vector.broadcast %add3A_486 : i32 to vector<16xi32>
      %add3A_488 = arith.addi %mul3A_39, %add3A_487 : vector<16xi32>
      %gather3A_489 = tpu.vector_load_idx %arg9[%add3A_488] : memref<8192xf32, #tpu.memory_space<vmem>>[vector<16xi32>], vector<16xf32>,
      %add3A_490 = arith.constant -2.500000e-01 : f32
      %add3A_491 = vector.broadcast %add3A_490 : f32 to vector<16xf32>
      %add3A_492 = arith.addf %gather3A_489, %add3A_491 : vector<16xf32>
      %sub3A_493 = arith.subf %add3A_492, %mul3A_485 : vector<16xf32>
      %mul3A_494 = arith.mulf %sub3A_493, %sub3A_493 : vector<16xf32>
      %add3A_495 = arith.addf %add3A_464, %mul3A_494 : vector<16xf32>
      %mul3A_496 = arith.constant 8 : i32
      %mul3A_497 = vector.broadcast %mul3A_496 : i32 to vector<16xi32>
      %mul3A_498 = arith.muli %shift_right_logical3A_299, %mul3A_497 : vector<16xi32>
      %add3A_499 = arith.constant 6 : i32
      %add3A_500 = vector.broadcast %add3A_499 : i32 to vector<16xi32>
      %add3A_501 = arith.addi %mul3A_498, %add3A_500 : vector<16xi32>
      %gather3A_502 = tpu.vector_load_idx %arg12[%add3A_501] : memref<11008xf32, #tpu.memory_space<vmem>>[vector<16xi32>], vector<16xf32>,
      %shift_right_logical3A_503 = arith.constant 3 : i32
      %shift_right_logical3A_504 = vector.broadcast %shift_right_logical3A_503 : i32 to vector<16xi32>
      %shift_right_logical3A_505 = arith.shrui %xor3A_305, %shift_right_logical3A_504 : vector<16xi32>
      %and3A_506 = arith.constant 1 : i32
      %and3A_507 = vector.broadcast %and3A_506 : i32 to vector<16xi32>
      %and3A_508 = arith.andi %shift_right_logical3A_505, %and3A_507 : vector<16xi32>
      %convert_element_type3A_509 = arith.sitofp %and3A_508 : vector<16xi32> to vector<16xf32>
      %mul3A_510 = arith.constant 2.000000e+00 : f32
      %mul3A_511 = vector.broadcast %mul3A_510 : f32 to vector<16xf32>
      %mul3A_512 = arith.mulf %mul3A_511, %convert_element_type3A_509 : vector<16xf32>
      %sub3A_513 = arith.constant 1.000000e+00 : f32
      %sub3A_514 = vector.broadcast %sub3A_513 : f32 to vector<16xf32>
      %sub3A_515 = arith.subf %sub3A_514, %mul3A_512 : vector<16xf32>
      %mul3A_516 = arith.mulf %gather3A_502, %sub3A_515 : vector<16xf32>
      %add3A_517 = arith.constant 6 : i32
      %add3A_518 = vector.broadcast %add3A_517 : i32 to vector<16xi32>
      %add3A_519 = arith.addi %mul3A_39, %add3A_518 : vector<16xi32>
      %gather3A_520 = tpu.vector_load_idx %arg9[%add3A_519] : memref<8192xf32, #tpu.memory_space<vmem>>[vector<16xi32>], vector<16xf32>,
      %add3A_521 = arith.constant -2.500000e-01 : f32
      %add3A_522 = vector.broadcast %add3A_521 : f32 to vector<16xf32>
      %add3A_523 = arith.addf %gather3A_520, %add3A_522 : vector<16xf32>
      %sub3A_524 = arith.subf %add3A_523, %mul3A_516 : vector<16xf32>
      %mul3A_525 = arith.mulf %sub3A_524, %sub3A_524 : vector<16xf32>
      %add3A_526 = arith.addf %add3A_495, %mul3A_525 : vector<16xf32>
      %mul3A_527 = arith.constant 8 : i32
      %mul3A_528 = vector.broadcast %mul3A_527 : i32 to vector<16xi32>
      %mul3A_529 = arith.muli %shift_right_logical3A_299, %mul3A_528 : vector<16xi32>
      %add3A_530 = arith.constant 7 : i32
      %add3A_531 = vector.broadcast %add3A_530 : i32 to vector<16xi32>
      %add3A_532 = arith.addi %mul3A_529, %add3A_531 : vector<16xi32>
      %gather3A_533 = tpu.vector_load_idx %arg12[%add3A_532] : memref<11008xf32, #tpu.memory_space<vmem>>[vector<16xi32>], vector<16xf32>,
      %shift_right_logical3A_534 = arith.constant 7 : i32
      %shift_right_logical3A_535 = vector.broadcast %shift_right_logical3A_534 : i32 to vector<16xi32>
      %shift_right_logical3A_536 = arith.shrui %xor3A_305, %shift_right_logical3A_535 : vector<16xi32>
      %and3A_537 = arith.constant 1 : i32
      %and3A_538 = vector.broadcast %and3A_537 : i32 to vector<16xi32>
      %and3A_539 = arith.andi %shift_right_logical3A_536, %and3A_538 : vector<16xi32>
      %convert_element_type3A_540 = arith.sitofp %and3A_539 : vector<16xi32> to vector<16xf32>
      %mul3A_541 = arith.constant 2.000000e+00 : f32
      %mul3A_542 = vector.broadcast %mul3A_541 : f32 to vector<16xf32>
      %mul3A_543 = arith.mulf %mul3A_542, %convert_element_type3A_540 : vector<16xf32>
      %sub3A_544 = arith.constant 1.000000e+00 : f32
      %sub3A_545 = vector.broadcast %sub3A_544 : f32 to vector<16xf32>
      %sub3A_546 = arith.subf %sub3A_545, %mul3A_543 : vector<16xf32>
      %mul3A_547 = arith.mulf %gather3A_533, %sub3A_546 : vector<16xf32>
      %add3A_548 = arith.constant 7 : i32
      %add3A_549 = vector.broadcast %add3A_548 : i32 to vector<16xi32>
      %add3A_550 = arith.addi %mul3A_39, %add3A_549 : vector<16xi32>
      %gather3A_551 = tpu.vector_load_idx %arg9[%add3A_550] : memref<8192xf32, #tpu.memory_space<vmem>>[vector<16xi32>], vector<16xf32>,
      %add3A_552 = arith.constant -2.500000e-01 : f32
      %add3A_553 = vector.broadcast %add3A_552 : f32 to vector<16xf32>
      %add3A_554 = arith.addf %gather3A_551, %add3A_553 : vector<16xf32>
      %sub3A_555 = arith.subf %add3A_554, %mul3A_547 : vector<16xf32>
      %mul3A_556 = arith.mulf %sub3A_555, %sub3A_555 : vector<16xf32>
      %add3A_557 = arith.addf %add3A_526, %mul3A_556 : vector<16xf32>
      %lt3A = arith.cmpf olt, %add3A_294, %add3A_557 : vector<16xf32>
      %sub3A_558 = arith.constant 2.500000e-01 : f32
      %sub3A_559 = vector.broadcast %sub3A_558 : f32 to vector<16xf32>
      %sub3A_560 = arith.subf %mul3A_67, %sub3A_559 : vector<16xf32>
      %add3A_561 = arith.constant 2.500000e-01 : f32
      %add3A_562 = vector.broadcast %add3A_561 : f32 to vector<16xf32>
      %add3A_563 = arith.addf %mul3A_330, %add3A_562 : vector<16xf32>
      %select_n3A = arith.select %lt3A, %sub3A_560, %add3A_563 : vector<16xi1>, vector<16xf32>
      %add3A_564 = arith.constant 0 : i32
      %add3A_565 = vector.broadcast %add3A_564 : i32 to vector<16xi32>
      %add3A_566 = arith.addi %mul3A_39, %add3A_565 : vector<16xi32>
      tpu.vector_store_idx %arg14[%add3A_566], %select_n3A : memref<8192xf32, #tpu.memory_space<vmem>>[vector<16xi32>], vector<16xf32>,
      %sub3A_567 = arith.constant 2.500000e-01 : f32
      %sub3A_568 = vector.broadcast %sub3A_567 : f32 to vector<16xf32>
      %sub3A_569 = arith.subf %mul3A_98, %sub3A_568 : vector<16xf32>
      %add3A_570 = arith.constant 2.500000e-01 : f32
      %add3A_571 = vector.broadcast %add3A_570 : f32 to vector<16xf32>
      %add3A_572 = arith.addf %mul3A_361, %add3A_571 : vector<16xf32>
      %select_n3A_573 = arith.select %lt3A, %sub3A_569, %add3A_572 : vector<16xi1>, vector<16xf32>
      %add3A_574 = arith.constant 1 : i32
      %add3A_575 = vector.broadcast %add3A_574 : i32 to vector<16xi32>
      %add3A_576 = arith.addi %mul3A_39, %add3A_575 : vector<16xi32>
      tpu.vector_store_idx %arg14[%add3A_576], %select_n3A_573 : memref<8192xf32, #tpu.memory_space<vmem>>[vector<16xi32>], vector<16xf32>,
      %sub3A_577 = arith.constant 2.500000e-01 : f32
      %sub3A_578 = vector.broadcast %sub3A_577 : f32 to vector<16xf32>
      %sub3A_579 = arith.subf %mul3A_129, %sub3A_578 : vector<16xf32>
      %add3A_580 = arith.constant 2.500000e-01 : f32
      %add3A_581 = vector.broadcast %add3A_580 : f32 to vector<16xf32>
      %add3A_582 = arith.addf %mul3A_392, %add3A_581 : vector<16xf32>
      %select_n3A_583 = arith.select %lt3A, %sub3A_579, %add3A_582 : vector<16xi1>, vector<16xf32>
      %add3A_584 = arith.constant 2 : i32
      %add3A_585 = vector.broadcast %add3A_584 : i32 to vector<16xi32>
      %add3A_586 = arith.addi %mul3A_39, %add3A_585 : vector<16xi32>
      tpu.vector_store_idx %arg14[%add3A_586], %select_n3A_583 : memref<8192xf32, #tpu.memory_space<vmem>>[vector<16xi32>], vector<16xf32>,
      %sub3A_587 = arith.constant 2.500000e-01 : f32
      %sub3A_588 = vector.broadcast %sub3A_587 : f32 to vector<16xf32>
      %sub3A_589 = arith.subf %mul3A_160, %sub3A_588 : vector<16xf32>
      %add3A_590 = arith.constant 2.500000e-01 : f32
      %add3A_591 = vector.broadcast %add3A_590 : f32 to vector<16xf32>
      %add3A_592 = arith.addf %mul3A_423, %add3A_591 : vector<16xf32>
      %select_n3A_593 = arith.select %lt3A, %sub3A_589, %add3A_592 : vector<16xi1>, vector<16xf32>
      %add3A_594 = arith.constant 3 : i32
      %add3A_595 = vector.broadcast %add3A_594 : i32 to vector<16xi32>
      %add3A_596 = arith.addi %mul3A_39, %add3A_595 : vector<16xi32>
      tpu.vector_store_idx %arg14[%add3A_596], %select_n3A_593 : memref<8192xf32, #tpu.memory_space<vmem>>[vector<16xi32>], vector<16xf32>,
      %sub3A_597 = arith.constant 2.500000e-01 : f32
      %sub3A_598 = vector.broadcast %sub3A_597 : f32 to vector<16xf32>
      %sub3A_599 = arith.subf %mul3A_191, %sub3A_598 : vector<16xf32>
      %add3A_600 = arith.constant 2.500000e-01 : f32
      %add3A_601 = vector.broadcast %add3A_600 : f32 to vector<16xf32>
      %add3A_602 = arith.addf %mul3A_454, %add3A_601 : vector<16xf32>
      %select_n3A_603 = arith.select %lt3A, %sub3A_599, %add3A_602 : vector<16xi1>, vector<16xf32>
      %add3A_604 = arith.constant 4 : i32
      %add3A_605 = vector.broadcast %add3A_604 : i32 to vector<16xi32>
      %add3A_606 = arith.addi %mul3A_39, %add3A_605 : vector<16xi32>
      tpu.vector_store_idx %arg14[%add3A_606], %select_n3A_603 : memref<8192xf32, #tpu.memory_space<vmem>>[vector<16xi32>], vector<16xf32>,
      %sub3A_607 = arith.constant 2.500000e-01 : f32
      %sub3A_608 = vector.broadcast %sub3A_607 : f32 to vector<16xf32>
      %sub3A_609 = arith.subf %mul3A_222, %sub3A_608 : vector<16xf32>
      %add3A_610 = arith.constant 2.500000e-01 : f32
      %add3A_611 = vector.broadcast %add3A_610 : f32 to vector<16xf32>
      %add3A_612 = arith.addf %mul3A_485, %add3A_611 : vector<16xf32>
      %select_n3A_613 = arith.select %lt3A, %sub3A_609, %add3A_612 : vector<16xi1>, vector<16xf32>
      %add3A_614 = arith.constant 5 : i32
      %add3A_615 = vector.broadcast %add3A_614 : i32 to vector<16xi32>
      %add3A_616 = arith.addi %mul3A_39, %add3A_615 : vector<16xi32>
      tpu.vector_store_idx %arg14[%add3A_616], %select_n3A_613 : memref<8192xf32, #tpu.memory_space<vmem>>[vector<16xi32>], vector<16xf32>,
      %sub3A_617 = arith.constant 2.500000e-01 : f32
      %sub3A_618 = vector.broadcast %sub3A_617 : f32 to vector<16xf32>
      %sub3A_619 = arith.subf %mul3A_253, %sub3A_618 : vector<16xf32>
      %add3A_620 = arith.constant 2.500000e-01 : f32
      %add3A_621 = vector.broadcast %add3A_620 : f32 to vector<16xf32>
      %add3A_622 = arith.addf %mul3A_516, %add3A_621 : vector<16xf32>
      %select_n3A_623 = arith.select %lt3A, %sub3A_619, %add3A_622 : vector<16xi1>, vector<16xf32>
      %add3A_624 = arith.constant 6 : i32
      %add3A_625 = vector.broadcast %add3A_624 : i32 to vector<16xi32>
      %add3A_626 = arith.addi %mul3A_39, %add3A_625 : vector<16xi32>
      tpu.vector_store_idx %arg14[%add3A_626], %select_n3A_623 : memref<8192xf32, #tpu.memory_space<vmem>>[vector<16xi32>], vector<16xf32>,
      %sub3A_627 = arith.constant 2.500000e-01 : f32
      %sub3A_628 = vector.broadcast %sub3A_627 : f32 to vector<16xf32>
      %sub3A_629 = arith.subf %mul3A_284, %sub3A_628 : vector<16xf32>
      %add3A_630 = arith.constant 2.500000e-01 : f32
      %add3A_631 = vector.broadcast %add3A_630 : f32 to vector<16xf32>
      %add3A_632 = arith.addf %mul3A_547, %add3A_631 : vector<16xf32>
      %select_n3A_633 = arith.select %lt3A, %sub3A_629, %add3A_632 : vector<16xi1>, vector<16xf32>
      %add3A_634 = arith.constant 7 : i32
      %add3A_635 = vector.broadcast %add3A_634 : i32 to vector<16xi32>
      %add3A_636 = arith.addi %mul3A_39, %add3A_635 : vector<16xi32>
      tpu.vector_store_idx %arg14[%add3A_636], %select_n3A_633 : memref<8192xf32, #tpu.memory_space<vmem>>[vector<16xi32>], vector<16xf32>,
      %select_n3A_637 = arith.select %lt3A, %xor3A_47, %xor3A_307 : vector<16xi1>, vector<16xi32>
      %swap3A = arith.index_cast %mul3A_34 : i32 to index
      %swap3A_638 = tpu.vector_load %arg15[%swap3A] {strides = array<i32>} : memref<1024xi32, #tpu.memory_space<vmem>>, vector<16xi32>,
      tpu.vector_store %arg15[%swap3A], %select_n3A_637 {strides = array<i32>} : memref<1024xi32, #tpu.memory_space<vmem>>, vector<16xi32>,
      %scan3A_639 = arith.constant 0 : i32
      scf.yield %scan3A_639 : i32
    }
    %scan3A_20 = arith.constant 64 : i32
    %mul3A_21 = arith.constant 8 : i32
    %mul3A_22 = arith.muli %mul3A_2, %mul3A_21 : i32
    %dma_start3A_23 = tpu.memref_slice %arg7[%mul3A_22] : memref<262144xf32, #tpu.memory_space<hbm>> -> memref<8192xf32, #tpu.memory_space<hbm>>
    %dma_start3A_24 = tpu.memref_slice %arg7[%mul3A_22] : memref<262144xf32, #tpu.memory_space<hbm>> -> memref<8192xf32, #tpu.memory_space<hbm>>
    tpu.enqueue_dma source(%arg14 : memref<8192xf32, #tpu.memory_space<vmem>>) target(%dma_start3A_24 : memref<8192xf32, #tpu.memory_space<hbm>>) target_semaphore(%arg16 : memref<!tpu.dma_semaphore, #tpu.memory_space<semaphore_mem>>)
    %dma_start3A_25 = tpu.memref_slice %arg8[%mul3A_2] : memref<32768xi32, #tpu.memory_space<hbm>> -> memref<1024xi32, #tpu.memory_space<hbm>>
    %dma_start3A_26 = tpu.memref_slice %arg8[%mul3A_2] : memref<32768xi32, #tpu.memory_space<hbm>> -> memref<1024xi32, #tpu.memory_space<hbm>>
    tpu.enqueue_dma source(%arg15 : memref<1024xi32, #tpu.memory_space<vmem>>) target(%dma_start3A_26 : memref<1024xi32, #tpu.memory_space<hbm>>) target_semaphore(%arg16 : memref<!tpu.dma_semaphore, #tpu.memory_space<semaphore_mem>>)
    %dma_wait3A_27 = tpu.memref_slice %arg7[%mul3A_22] : memref<262144xf32, #tpu.memory_space<hbm>> -> memref<8192xf32, #tpu.memory_space<hbm>>
    %dma_wait3A_28 = tpu.memref_slice %arg7[%mul3A_22] : memref<262144xf32, #tpu.memory_space<hbm>> -> memref<8192xf32, #tpu.memory_space<hbm>>
    tpu.wait_dma2 semaphore(%arg16 : memref<!tpu.dma_semaphore, #tpu.memory_space<semaphore_mem>>) src(%arg14 : memref<8192xf32, #tpu.memory_space<vmem>>) dst(%dma_wait3A_28 : memref<8192xf32, #tpu.memory_space<hbm>>)
    %dma_wait3A_29 = tpu.memref_slice %arg8[%mul3A_2] : memref<32768xi32, #tpu.memory_space<hbm>> -> memref<1024xi32, #tpu.memory_space<hbm>>
    %dma_wait3A_30 = tpu.memref_slice %arg8[%mul3A_2] : memref<32768xi32, #tpu.memory_space<hbm>> -> memref<1024xi32, #tpu.memory_space<hbm>>
    tpu.wait_dma2 semaphore(%arg16 : memref<!tpu.dma_semaphore, #tpu.memory_space<semaphore_mem>>) src(%arg15 : memref<1024xi32, #tpu.memory_space<vmem>>) dst(%dma_wait3A_30 : memref<1024xi32, #tpu.memory_space<hbm>>)
    return
  }
}

module attributes {stable_mosaic.version = 14 : i64} {
  func.func @_tc_body(%arg0: i32, %arg1: memref<2048x8xf32, #tpu.memory_space<vmem>>, %arg2: memref<1408x16xbf16, #tpu.memory_space<vmem>>, %arg3: memref<1x1x2048xi32, #tpu.memory_space<vmem>>, %arg4: memref<1x1x2048xi32, #tpu.memory_space<vmem>>) attributes {dimension_semantics = [#tpu.dimension_semantics<arbitrary>], iteration_bounds = array<i64: 16>, scalar_prefetch = 0 : i64, scratch_operands = 0 : i64, tpu.core_type = #tpu.core_type<tc>, window_params = [{transform_indices = @transform_0, window_bounds = array<i64: 2048, 8>}, {pipeline_mode = #tpu.pipeline_mode<synchronous>, transform_indices = @transform_1, window_bounds = array<i64: 1408, 16>}, {transform_indices = @transform_2, window_bounds = array<i64: 1, 1, 2048>}, {transform_indices = @transform_3, window_bounds = array<i64: 1, 1, 2048>}]} {
    %get3A = arith.constant 0 : index
    %get3A_0 = arith.constant 0 : index
    %get3A_1 = vector.load %arg1[%get3A, %get3A_0] : memref<2048x8xf32, #tpu.memory_space<vmem>>, vector<2048x8xf32>
    %transpose3A = tpu.transpose %get3A_1, [1, 0] : vector<2048x8xf32> -> vector<8x2048xf32>
    %iota3A = tpu.iota {dimensions = array<i32: 0>} : vector<8x1xi32>
    %eq3A = arith.constant 7 : i32
    %eq3A_2 = vector.broadcast %eq3A : i32 to vector<8x1xi32>
    %eq3A_3 = arith.cmpi eq, %iota3A, %eq3A_2 : vector<8x1xi32>
    %broadcast_in_dim3A = arith.constant 1.000000e+00 : bf16
    %broadcast_in_dim3A_4 = vector.broadcast %broadcast_in_dim3A : bf16 to vector<1x2048xbf16>
    %add3A = arith.constant 2.500000e-01 : f32
    %add3A_5 = vector.broadcast %add3A : f32 to vector<8x2048xf32>
    %add3A_6 = arith.addf %transpose3A, %add3A_5 : vector<8x2048xf32>
    %lt3A = arith.constant 0.000000e+00 : f32
    %lt3A_7 = vector.broadcast %lt3A : f32 to vector<8x2048xf32>
    %lt3A_8 = arith.cmpf olt, %add3A_6, %lt3A_7 : vector<8x2048xf32>
    %convert_element_type3A = arith.extui %lt3A_8 : vector<8x2048xi1> to vector<8x2048xi32>
    %reduce_sum3A = arith.constant dense<0> : vector<2048xi32>
    %reduce_sum3A_9 = vector.multi_reduction <add>, %convert_element_type3A, %reduce_sum3A [0] : vector<8x2048xi32> to vector<2048xi32>
    %broadcast_in_dim3A_10 = vector.shape_cast %reduce_sum3A_9 : vector<2048xi32> to vector<1x2048xi32>
    %and3A = arith.constant 1 : i32
    %and3A_11 = vector.broadcast %and3A : i32 to vector<1x2048xi32>
    %and3A_12 = arith.andi %broadcast_in_dim3A_10, %and3A_11 : vector<1x2048xi32>
    %convert_element_type3A_13 = arith.sitofp %and3A_12 : vector<1x2048xi32> to vector<1x2048xf32>
    %mul3A = arith.constant 2.000000e+00 : f32
    %mul3A_14 = vector.broadcast %mul3A : f32 to vector<1x2048xf32>
    %mul3A_15 = arith.mulf %mul3A_14, %convert_element_type3A_13 : vector<1x2048xf32>
    %sub3A = arith.constant 1.000000e+00 : f32
    %sub3A_16 = vector.broadcast %sub3A : f32 to vector<1x2048xf32>
    %sub3A_17 = arith.subf %sub3A_16, %mul3A_15 : vector<1x2048xf32>
    %abs3A = math.absf %add3A_6 : vector<8x2048xf32>
    %mul3A_18 = vector.broadcast %sub3A_17 : vector<1x2048xf32> to vector<8x2048xf32>
    %mul3A_19 = arith.mulf %abs3A, %mul3A_18 : vector<8x2048xf32>
    %broadcast_in_dim3A_20 = vector.shape_cast %eq3A_3 : vector<8x1xi1> to vector<8x1xi1>
    %broadcast_in_dim3A_21 = vector.broadcast %broadcast_in_dim3A_20 : vector<8x1xi1> to vector<8x2048xi1>
    %select_n3A = arith.select %broadcast_in_dim3A_21, %mul3A_19, %abs3A : vector<8x2048xi1>, vector<8x2048xf32>
    %slice3A = vector.extract_strided_slice %convert_element_type3A {offsets = [0, 0], sizes = [1, 2048], strides = [1, 1]} : vector<8x2048xi32> to vector<1x2048xi32>
    %mul3A_22 = arith.constant 1 : i32
    %mul3A_23 = vector.broadcast %mul3A_22 : i32 to vector<1x2048xi32>
    %mul3A_24 = arith.muli %slice3A, %mul3A_23 : vector<1x2048xi32>
    %slice3A_25 = vector.extract_strided_slice %convert_element_type3A {offsets = [2, 0], sizes = [1, 2048], strides = [1, 1]} : vector<8x2048xi32> to vector<1x2048xi32>
    %mul3A_26 = arith.constant 2 : i32
    %mul3A_27 = vector.broadcast %mul3A_26 : i32 to vector<1x2048xi32>
    %mul3A_28 = arith.muli %slice3A_25, %mul3A_27 : vector<1x2048xi32>
    %add3A_29 = arith.addi %mul3A_24, %mul3A_28 : vector<1x2048xi32>
    %slice3A_30 = vector.extract_strided_slice %convert_element_type3A {offsets = [4, 0], sizes = [1, 2048], strides = [1, 1]} : vector<8x2048xi32> to vector<1x2048xi32>
    %mul3A_31 = arith.constant 4 : i32
    %mul3A_32 = vector.broadcast %mul3A_31 : i32 to vector<1x2048xi32>
    %mul3A_33 = arith.muli %slice3A_30, %mul3A_32 : vector<1x2048xi32>
    %add3A_34 = arith.addi %add3A_29, %mul3A_33 : vector<1x2048xi32>
    %slice3A_35 = vector.extract_strided_slice %convert_element_type3A {offsets = [6, 0], sizes = [1, 2048], strides = [1, 1]} : vector<8x2048xi32> to vector<1x2048xi32>
    %mul3A_36 = arith.constant 8 : i32
    %mul3A_37 = vector.broadcast %mul3A_36 : i32 to vector<1x2048xi32>
    %mul3A_38 = arith.muli %slice3A_35, %mul3A_37 : vector<1x2048xi32>
    %add3A_39 = arith.addi %add3A_34, %mul3A_38 : vector<1x2048xi32>
    %slice3A_40 = vector.extract_strided_slice %convert_element_type3A {offsets = [1, 0], sizes = [1, 2048], strides = [1, 1]} : vector<8x2048xi32> to vector<1x2048xi32>
    %mul3A_41 = arith.constant 16 : i32
    %mul3A_42 = vector.broadcast %mul3A_41 : i32 to vector<1x2048xi32>
    %mul3A_43 = arith.muli %slice3A_40, %mul3A_42 : vector<1x2048xi32>
    %add3A_44 = arith.addi %add3A_39, %mul3A_43 : vector<1x2048xi32>
    %slice3A_45 = vector.extract_strided_slice %convert_element_type3A {offsets = [3, 0], sizes = [1, 2048], strides = [1, 1]} : vector<8x2048xi32> to vector<1x2048xi32>
    %mul3A_46 = arith.constant 32 : i32
    %mul3A_47 = vector.broadcast %mul3A_46 : i32 to vector<1x2048xi32>
    %mul3A_48 = arith.muli %slice3A_45, %mul3A_47 : vector<1x2048xi32>
    %add3A_49 = arith.addi %add3A_44, %mul3A_48 : vector<1x2048xi32>
    %slice3A_50 = vector.extract_strided_slice %convert_element_type3A {offsets = [5, 0], sizes = [1, 2048], strides = [1, 1]} : vector<8x2048xi32> to vector<1x2048xi32>
    %mul3A_51 = arith.constant 64 : i32
    %mul3A_52 = vector.broadcast %mul3A_51 : i32 to vector<1x2048xi32>
    %mul3A_53 = arith.muli %slice3A_50, %mul3A_52 : vector<1x2048xi32>
    %add3A_54 = arith.addi %add3A_49, %mul3A_53 : vector<1x2048xi32>
    %slice3A_55 = vector.extract_strided_slice %convert_element_type3A {offsets = [7, 0], sizes = [1, 2048], strides = [1, 1]} : vector<8x2048xi32> to vector<1x2048xi32>
    %xor3A = arith.xori %slice3A_55, %and3A_12 : vector<1x2048xi32>
    %mul3A_56 = arith.constant 128 : i32
    %mul3A_57 = vector.broadcast %mul3A_56 : i32 to vector<1x2048xi32>
    %mul3A_58 = arith.muli %xor3A, %mul3A_57 : vector<1x2048xi32>
    %add3A_59 = arith.addi %add3A_54, %mul3A_58 : vector<1x2048xi32>
    %xor3A_60 = arith.constant 1 : i32
    %xor3A_61 = vector.broadcast %xor3A_60 : i32 to vector<1x2048xi32>
    %xor3A_62 = arith.xori %add3A_59, %xor3A_61 : vector<1x2048xi32>
    %convert_element_type3A_63 = arith.truncf %select_n3A : vector<8x2048xf32> to vector<8x2048xbf16>
    %concatenate3A = tpu.concatenate %convert_element_type3A_63, %broadcast_in_dim3A_4 in 0 : vector<8x2048xbf16>, vector<1x2048xbf16> -> vector<9x2048xbf16>
    %get3A_64 = arith.constant 0 : index
    %get3A_65 = arith.constant 0 : index
    %get3A_66 = vector.load %arg2[%get3A_64, %get3A_65] : memref<1408x16xbf16, #tpu.memory_space<vmem>>, vector<1408x9xbf16>
    %dot_general3A = arith.constant dense<0.000000e+00> : vector<1408x2048xf32>
    %dot_general3A_67 = tpu.matmul %get3A_66, %concatenate3A, %dot_general3A {dimension_numbers = #tpu.dot_dimension_numbers<[1], [0], [0], [1], [0, 0, 1, 1], [], []>, transpose_lhs_hint = false} : vector<1408x9xbf16>, vector<9x2048xbf16>, vector<1408x2048xf32> -> vector<1408x2048xf32>
    %add3A_68 = arith.constant -2.500000e-01 : f32
    %add3A_69 = vector.broadcast %add3A_68 : f32 to vector<8x2048xf32>
    %add3A_70 = arith.addf %transpose3A, %add3A_69 : vector<8x2048xf32>
    %lt3A_71 = arith.constant 0.000000e+00 : f32
    %lt3A_72 = vector.broadcast %lt3A_71 : f32 to vector<8x2048xf32>
    %lt3A_73 = arith.cmpf olt, %add3A_70, %lt3A_72 : vector<8x2048xf32>
    %convert_element_type3A_74 = arith.extui %lt3A_73 : vector<8x2048xi1> to vector<8x2048xi32>
    %reduce_sum3A_75 = arith.constant dense<0> : vector<2048xi32>
    %reduce_sum3A_76 = vector.multi_reduction <add>, %convert_element_type3A_74, %reduce_sum3A_75 [0] : vector<8x2048xi32> to vector<2048xi32>
    %broadcast_in_dim3A_77 = vector.shape_cast %reduce_sum3A_76 : vector<2048xi32> to vector<1x2048xi32>
    %and3A_78 = arith.constant 1 : i32
    %and3A_79 = vector.broadcast %and3A_78 : i32 to vector<1x2048xi32>
    %and3A_80 = arith.andi %broadcast_in_dim3A_77, %and3A_79 : vector<1x2048xi32>
    %convert_element_type3A_81 = arith.sitofp %and3A_80 : vector<1x2048xi32> to vector<1x2048xf32>
    %mul3A_82 = arith.constant 2.000000e+00 : f32
    %mul3A_83 = vector.broadcast %mul3A_82 : f32 to vector<1x2048xf32>
    %mul3A_84 = arith.mulf %mul3A_83, %convert_element_type3A_81 : vector<1x2048xf32>
    %sub3A_85 = arith.constant 1.000000e+00 : f32
    %sub3A_86 = vector.broadcast %sub3A_85 : f32 to vector<1x2048xf32>
    %sub3A_87 = arith.subf %sub3A_86, %mul3A_84 : vector<1x2048xf32>
    %abs3A_88 = math.absf %add3A_70 : vector<8x2048xf32>
    %mul3A_89 = vector.broadcast %sub3A_87 : vector<1x2048xf32> to vector<8x2048xf32>
    %mul3A_90 = arith.mulf %abs3A_88, %mul3A_89 : vector<8x2048xf32>
    %broadcast_in_dim3A_91 = vector.shape_cast %eq3A_3 : vector<8x1xi1> to vector<8x1xi1>
    %broadcast_in_dim3A_92 = vector.broadcast %broadcast_in_dim3A_91 : vector<8x1xi1> to vector<8x2048xi1>
    %select_n3A_93 = arith.select %broadcast_in_dim3A_92, %mul3A_90, %abs3A_88 : vector<8x2048xi1>, vector<8x2048xf32>
    %slice3A_94 = vector.extract_strided_slice %convert_element_type3A_74 {offsets = [0, 0], sizes = [1, 2048], strides = [1, 1]} : vector<8x2048xi32> to vector<1x2048xi32>
    %mul3A_95 = arith.constant 1 : i32
    %mul3A_96 = vector.broadcast %mul3A_95 : i32 to vector<1x2048xi32>
    %mul3A_97 = arith.muli %slice3A_94, %mul3A_96 : vector<1x2048xi32>
    %slice3A_98 = vector.extract_strided_slice %convert_element_type3A_74 {offsets = [2, 0], sizes = [1, 2048], strides = [1, 1]} : vector<8x2048xi32> to vector<1x2048xi32>
    %mul3A_99 = arith.constant 2 : i32
    %mul3A_100 = vector.broadcast %mul3A_99 : i32 to vector<1x2048xi32>
    %mul3A_101 = arith.muli %slice3A_98, %mul3A_100 : vector<1x2048xi32>
    %add3A_102 = arith.addi %mul3A_97, %mul3A_101 : vector<1x2048xi32>
    %slice3A_103 = vector.extract_strided_slice %convert_element_type3A_74 {offsets = [4, 0], sizes = [1, 2048], strides = [1, 1]} : vector<8x2048xi32> to vector<1x2048xi32>
    %mul3A_104 = arith.constant 4 : i32
    %mul3A_105 = vector.broadcast %mul3A_104 : i32 to vector<1x2048xi32>
    %mul3A_106 = arith.muli %slice3A_103, %mul3A_105 : vector<1x2048xi32>
    %add3A_107 = arith.addi %add3A_102, %mul3A_106 : vector<1x2048xi32>
    %slice3A_108 = vector.extract_strided_slice %convert_element_type3A_74 {offsets = [6, 0], sizes = [1, 2048], strides = [1, 1]} : vector<8x2048xi32> to vector<1x2048xi32>
    %mul3A_109 = arith.constant 8 : i32
    %mul3A_110 = vector.broadcast %mul3A_109 : i32 to vector<1x2048xi32>
    %mul3A_111 = arith.muli %slice3A_108, %mul3A_110 : vector<1x2048xi32>
    %add3A_112 = arith.addi %add3A_107, %mul3A_111 : vector<1x2048xi32>
    %slice3A_113 = vector.extract_strided_slice %convert_element_type3A_74 {offsets = [1, 0], sizes = [1, 2048], strides = [1, 1]} : vector<8x2048xi32> to vector<1x2048xi32>
    %mul3A_114 = arith.constant 16 : i32
    %mul3A_115 = vector.broadcast %mul3A_114 : i32 to vector<1x2048xi32>
    %mul3A_116 = arith.muli %slice3A_113, %mul3A_115 : vector<1x2048xi32>
    %add3A_117 = arith.addi %add3A_112, %mul3A_116 : vector<1x2048xi32>
    %slice3A_118 = vector.extract_strided_slice %convert_element_type3A_74 {offsets = [3, 0], sizes = [1, 2048], strides = [1, 1]} : vector<8x2048xi32> to vector<1x2048xi32>
    %mul3A_119 = arith.constant 32 : i32
    %mul3A_120 = vector.broadcast %mul3A_119 : i32 to vector<1x2048xi32>
    %mul3A_121 = arith.muli %slice3A_118, %mul3A_120 : vector<1x2048xi32>
    %add3A_122 = arith.addi %add3A_117, %mul3A_121 : vector<1x2048xi32>
    %slice3A_123 = vector.extract_strided_slice %convert_element_type3A_74 {offsets = [5, 0], sizes = [1, 2048], strides = [1, 1]} : vector<8x2048xi32> to vector<1x2048xi32>
    %mul3A_124 = arith.constant 64 : i32
    %mul3A_125 = vector.broadcast %mul3A_124 : i32 to vector<1x2048xi32>
    %mul3A_126 = arith.muli %slice3A_123, %mul3A_125 : vector<1x2048xi32>
    %add3A_127 = arith.addi %add3A_122, %mul3A_126 : vector<1x2048xi32>
    %slice3A_128 = vector.extract_strided_slice %convert_element_type3A_74 {offsets = [7, 0], sizes = [1, 2048], strides = [1, 1]} : vector<8x2048xi32> to vector<1x2048xi32>
    %xor3A_129 = arith.xori %slice3A_128, %and3A_80 : vector<1x2048xi32>
    %mul3A_130 = arith.constant 128 : i32
    %mul3A_131 = vector.broadcast %mul3A_130 : i32 to vector<1x2048xi32>
    %mul3A_132 = arith.muli %xor3A_129, %mul3A_131 : vector<1x2048xi32>
    %add3A_133 = arith.addi %add3A_127, %mul3A_132 : vector<1x2048xi32>
    %xor3A_134 = arith.constant 0 : i32
    %xor3A_135 = vector.broadcast %xor3A_134 : i32 to vector<1x2048xi32>
    %xor3A_136 = arith.xori %add3A_133, %xor3A_135 : vector<1x2048xi32>
    %convert_element_type3A_137 = arith.truncf %select_n3A_93 : vector<8x2048xf32> to vector<8x2048xbf16>
    %concatenate3A_138 = tpu.concatenate %convert_element_type3A_137, %broadcast_in_dim3A_4 in 0 : vector<8x2048xbf16>, vector<1x2048xbf16> -> vector<9x2048xbf16>
    %get3A_139 = arith.constant 0 : index
    %get3A_140 = arith.constant 0 : index
    %get3A_141 = vector.load %arg2[%get3A_139, %get3A_140] : memref<1408x16xbf16, #tpu.memory_space<vmem>>, vector<1408x9xbf16>
    %dot_general3A_142 = arith.constant dense<0.000000e+00> : vector<1408x2048xf32>
    %dot_general3A_143 = tpu.matmul %get3A_141, %concatenate3A_138, %dot_general3A_142 {dimension_numbers = #tpu.dot_dimension_numbers<[1], [0], [0], [1], [0, 0, 1, 1], [], []>, transpose_lhs_hint = false} : vector<1408x9xbf16>, vector<9x2048xbf16>, vector<1408x2048xf32> -> vector<1408x2048xf32>
    %iota3A_144 = tpu.iota {dimensions = array<i32: 0>} : vector<8x2048xi32>
    %convert_element_type3A_145 = arith.sitofp %iota3A_144 : vector<8x2048xi32> to vector<8x2048xf32>
    %slice3A_146 = vector.extract_strided_slice %dot_general3A_67 {offsets = [0, 0], sizes = [8, 2048], strides = [1, 1]} : vector<1408x2048xf32> to vector<8x2048xf32>
    %broadcast_in_dim3A_147 = arith.constant 0.000000e+00 : f32
    %broadcast_in_dim3A_148 = vector.broadcast %broadcast_in_dim3A_147 : f32 to vector<8x2048xf32>
    %slice3A_149 = vector.extract_strided_slice %dot_general3A_67 {offsets = [8, 0], sizes = [8, 2048], strides = [1, 1]} : vector<1408x2048xf32> to vector<8x2048xf32>
    %gt3A = arith.cmpf ogt, %slice3A_149, %slice3A_146 : vector<8x2048xf32>
    %max3A = arith.maximumf %slice3A_146, %slice3A_149 : vector<8x2048xf32>
    %jit3A = arith.constant 1.000000e+00 : f32
    %broadcast_in_dim3A_150 = vector.broadcast %jit3A : f32 to vector<8x2048xf32>
    %select_n3A_151 = arith.select %gt3A, %broadcast_in_dim3A_150, %broadcast_in_dim3A_148 : vector<8x2048xi1>, vector<8x2048xf32>
    %slice3A_152 = vector.extract_strided_slice %dot_general3A_67 {offsets = [16, 0], sizes = [8, 2048], strides = [1, 1]} : vector<1408x2048xf32> to vector<8x2048xf32>
    %gt3A_153 = arith.cmpf ogt, %slice3A_152, %max3A : vector<8x2048xf32>
    %max3A_154 = arith.maximumf %max3A, %slice3A_152 : vector<8x2048xf32>
    %jit3A_155 = arith.constant 2.000000e+00 : f32
    %broadcast_in_dim3A_156 = vector.broadcast %jit3A_155 : f32 to vector<8x2048xf32>
    %select_n3A_157 = arith.select %gt3A_153, %broadcast_in_dim3A_156, %select_n3A_151 : vector<8x2048xi1>, vector<8x2048xf32>
    %slice3A_158 = vector.extract_strided_slice %dot_general3A_67 {offsets = [24, 0], sizes = [8, 2048], strides = [1, 1]} : vector<1408x2048xf32> to vector<8x2048xf32>
    %gt3A_159 = arith.cmpf ogt, %slice3A_158, %max3A_154 : vector<8x2048xf32>
    %max3A_160 = arith.maximumf %max3A_154, %slice3A_158 : vector<8x2048xf32>
    %jit3A_161 = arith.constant 3.000000e+00 : f32
    %broadcast_in_dim3A_162 = vector.broadcast %jit3A_161 : f32 to vector<8x2048xf32>
    %select_n3A_163 = arith.select %gt3A_159, %broadcast_in_dim3A_162, %select_n3A_157 : vector<8x2048xi1>, vector<8x2048xf32>
    %slice3A_164 = vector.extract_strided_slice %dot_general3A_67 {offsets = [32, 0], sizes = [8, 2048], strides = [1, 1]} : vector<1408x2048xf32> to vector<8x2048xf32>
    %gt3A_165 = arith.cmpf ogt, %slice3A_164, %max3A_160 : vector<8x2048xf32>
    %max3A_166 = arith.maximumf %max3A_160, %slice3A_164 : vector<8x2048xf32>
    %jit3A_167 = arith.constant 4.000000e+00 : f32
    %broadcast_in_dim3A_168 = vector.broadcast %jit3A_167 : f32 to vector<8x2048xf32>
    %select_n3A_169 = arith.select %gt3A_165, %broadcast_in_dim3A_168, %select_n3A_163 : vector<8x2048xi1>, vector<8x2048xf32>
    %slice3A_170 = vector.extract_strided_slice %dot_general3A_67 {offsets = [40, 0], sizes = [8, 2048], strides = [1, 1]} : vector<1408x2048xf32> to vector<8x2048xf32>
    %gt3A_171 = arith.cmpf ogt, %slice3A_170, %max3A_166 : vector<8x2048xf32>
    %max3A_172 = arith.maximumf %max3A_166, %slice3A_170 : vector<8x2048xf32>
    %jit3A_173 = arith.constant 5.000000e+00 : f32
    %broadcast_in_dim3A_174 = vector.broadcast %jit3A_173 : f32 to vector<8x2048xf32>
    %select_n3A_175 = arith.select %gt3A_171, %broadcast_in_dim3A_174, %select_n3A_169 : vector<8x2048xi1>, vector<8x2048xf32>
    %slice3A_176 = vector.extract_strided_slice %dot_general3A_67 {offsets = [48, 0], sizes = [8, 2048], strides = [1, 1]} : vector<1408x2048xf32> to vector<8x2048xf32>
    %gt3A_177 = arith.cmpf ogt, %slice3A_176, %max3A_172 : vector<8x2048xf32>
    %max3A_178 = arith.maximumf %max3A_172, %slice3A_176 : vector<8x2048xf32>
    %jit3A_179 = arith.constant 6.000000e+00 : f32
    %broadcast_in_dim3A_180 = vector.broadcast %jit3A_179 : f32 to vector<8x2048xf32>
    %select_n3A_181 = arith.select %gt3A_177, %broadcast_in_dim3A_180, %select_n3A_175 : vector<8x2048xi1>, vector<8x2048xf32>
    %slice3A_182 = vector.extract_strided_slice %dot_general3A_67 {offsets = [56, 0], sizes = [8, 2048], strides = [1, 1]} : vector<1408x2048xf32> to vector<8x2048xf32>
    %gt3A_183 = arith.cmpf ogt, %slice3A_182, %max3A_178 : vector<8x2048xf32>
    %max3A_184 = arith.maximumf %max3A_178, %slice3A_182 : vector<8x2048xf32>
    %jit3A_185 = arith.constant 7.000000e+00 : f32
    %broadcast_in_dim3A_186 = vector.broadcast %jit3A_185 : f32 to vector<8x2048xf32>
    %select_n3A_187 = arith.select %gt3A_183, %broadcast_in_dim3A_186, %select_n3A_181 : vector<8x2048xi1>, vector<8x2048xf32>
    %slice3A_188 = vector.extract_strided_slice %dot_general3A_67 {offsets = [64, 0], sizes = [8, 2048], strides = [1, 1]} : vector<1408x2048xf32> to vector<8x2048xf32>
    %gt3A_189 = arith.cmpf ogt, %slice3A_188, %max3A_184 : vector<8x2048xf32>
    %max3A_190 = arith.maximumf %max3A_184, %slice3A_188 : vector<8x2048xf32>
    %jit3A_191 = arith.constant 8.000000e+00 : f32
    %broadcast_in_dim3A_192 = vector.broadcast %jit3A_191 : f32 to vector<8x2048xf32>
    %select_n3A_193 = arith.select %gt3A_189, %broadcast_in_dim3A_192, %select_n3A_187 : vector<8x2048xi1>, vector<8x2048xf32>
    %slice3A_194 = vector.extract_strided_slice %dot_general3A_67 {offsets = [72, 0], sizes = [8, 2048], strides = [1, 1]} : vector<1408x2048xf32> to vector<8x2048xf32>
    %gt3A_195 = arith.cmpf ogt, %slice3A_194, %max3A_190 : vector<8x2048xf32>
    %max3A_196 = arith.maximumf %max3A_190, %slice3A_194 : vector<8x2048xf32>
    %jit3A_197 = arith.constant 9.000000e+00 : f32
    %broadcast_in_dim3A_198 = vector.broadcast %jit3A_197 : f32 to vector<8x2048xf32>
    %select_n3A_199 = arith.select %gt3A_195, %broadcast_in_dim3A_198, %select_n3A_193 : vector<8x2048xi1>, vector<8x2048xf32>
    %slice3A_200 = vector.extract_strided_slice %dot_general3A_67 {offsets = [80, 0], sizes = [8, 2048], strides = [1, 1]} : vector<1408x2048xf32> to vector<8x2048xf32>
    %gt3A_201 = arith.cmpf ogt, %slice3A_200, %max3A_196 : vector<8x2048xf32>
    %max3A_202 = arith.maximumf %max3A_196, %slice3A_200 : vector<8x2048xf32>
    %jit3A_203 = arith.constant 1.000000e+01 : f32
    %broadcast_in_dim3A_204 = vector.broadcast %jit3A_203 : f32 to vector<8x2048xf32>
    %select_n3A_205 = arith.select %gt3A_201, %broadcast_in_dim3A_204, %select_n3A_199 : vector<8x2048xi1>, vector<8x2048xf32>
    %slice3A_206 = vector.extract_strided_slice %dot_general3A_67 {offsets = [88, 0], sizes = [8, 2048], strides = [1, 1]} : vector<1408x2048xf32> to vector<8x2048xf32>
    %gt3A_207 = arith.cmpf ogt, %slice3A_206, %max3A_202 : vector<8x2048xf32>
    %max3A_208 = arith.maximumf %max3A_202, %slice3A_206 : vector<8x2048xf32>
    %jit3A_209 = arith.constant 1.100000e+01 : f32
    %broadcast_in_dim3A_210 = vector.broadcast %jit3A_209 : f32 to vector<8x2048xf32>
    %select_n3A_211 = arith.select %gt3A_207, %broadcast_in_dim3A_210, %select_n3A_205 : vector<8x2048xi1>, vector<8x2048xf32>
    %slice3A_212 = vector.extract_strided_slice %dot_general3A_67 {offsets = [96, 0], sizes = [8, 2048], strides = [1, 1]} : vector<1408x2048xf32> to vector<8x2048xf32>
    %gt3A_213 = arith.cmpf ogt, %slice3A_212, %max3A_208 : vector<8x2048xf32>
    %max3A_214 = arith.maximumf %max3A_208, %slice3A_212 : vector<8x2048xf32>
    %jit3A_215 = arith.constant 1.200000e+01 : f32
    %broadcast_in_dim3A_216 = vector.broadcast %jit3A_215 : f32 to vector<8x2048xf32>
    %select_n3A_217 = arith.select %gt3A_213, %broadcast_in_dim3A_216, %select_n3A_211 : vector<8x2048xi1>, vector<8x2048xf32>
    %slice3A_218 = vector.extract_strided_slice %dot_general3A_67 {offsets = [104, 0], sizes = [8, 2048], strides = [1, 1]} : vector<1408x2048xf32> to vector<8x2048xf32>
    %gt3A_219 = arith.cmpf ogt, %slice3A_218, %max3A_214 : vector<8x2048xf32>
    %max3A_220 = arith.maximumf %max3A_214, %slice3A_218 : vector<8x2048xf32>
    %jit3A_221 = arith.constant 1.300000e+01 : f32
    %broadcast_in_dim3A_222 = vector.broadcast %jit3A_221 : f32 to vector<8x2048xf32>
    %select_n3A_223 = arith.select %gt3A_219, %broadcast_in_dim3A_222, %select_n3A_217 : vector<8x2048xi1>, vector<8x2048xf32>
    %slice3A_224 = vector.extract_strided_slice %dot_general3A_67 {offsets = [112, 0], sizes = [8, 2048], strides = [1, 1]} : vector<1408x2048xf32> to vector<8x2048xf32>
    %gt3A_225 = arith.cmpf ogt, %slice3A_224, %max3A_220 : vector<8x2048xf32>
    %max3A_226 = arith.maximumf %max3A_220, %slice3A_224 : vector<8x2048xf32>
    %jit3A_227 = arith.constant 1.400000e+01 : f32
    %broadcast_in_dim3A_228 = vector.broadcast %jit3A_227 : f32 to vector<8x2048xf32>
    %select_n3A_229 = arith.select %gt3A_225, %broadcast_in_dim3A_228, %select_n3A_223 : vector<8x2048xi1>, vector<8x2048xf32>
    %slice3A_230 = vector.extract_strided_slice %dot_general3A_67 {offsets = [120, 0], sizes = [8, 2048], strides = [1, 1]} : vector<1408x2048xf32> to vector<8x2048xf32>
    %gt3A_231 = arith.cmpf ogt, %slice3A_230, %max3A_226 : vector<8x2048xf32>
    %max3A_232 = arith.maximumf %max3A_226, %slice3A_230 : vector<8x2048xf32>
    %jit3A_233 = arith.constant 1.500000e+01 : f32
    %broadcast_in_dim3A_234 = vector.broadcast %jit3A_233 : f32 to vector<8x2048xf32>
    %select_n3A_235 = arith.select %gt3A_231, %broadcast_in_dim3A_234, %select_n3A_229 : vector<8x2048xi1>, vector<8x2048xf32>
    %slice3A_236 = vector.extract_strided_slice %dot_general3A_67 {offsets = [128, 0], sizes = [8, 2048], strides = [1, 1]} : vector<1408x2048xf32> to vector<8x2048xf32>
    %gt3A_237 = arith.cmpf ogt, %slice3A_236, %max3A_232 : vector<8x2048xf32>
    %max3A_238 = arith.maximumf %max3A_232, %slice3A_236 : vector<8x2048xf32>
    %jit3A_239 = arith.constant 1.600000e+01 : f32
    %broadcast_in_dim3A_240 = vector.broadcast %jit3A_239 : f32 to vector<8x2048xf32>
    %select_n3A_241 = arith.select %gt3A_237, %broadcast_in_dim3A_240, %select_n3A_235 : vector<8x2048xi1>, vector<8x2048xf32>
    %slice3A_242 = vector.extract_strided_slice %dot_general3A_67 {offsets = [136, 0], sizes = [8, 2048], strides = [1, 1]} : vector<1408x2048xf32> to vector<8x2048xf32>
    %gt3A_243 = arith.cmpf ogt, %slice3A_242, %max3A_238 : vector<8x2048xf32>
    %max3A_244 = arith.maximumf %max3A_238, %slice3A_242 : vector<8x2048xf32>
    %jit3A_245 = arith.constant 1.700000e+01 : f32
    %broadcast_in_dim3A_246 = vector.broadcast %jit3A_245 : f32 to vector<8x2048xf32>
    %select_n3A_247 = arith.select %gt3A_243, %broadcast_in_dim3A_246, %select_n3A_241 : vector<8x2048xi1>, vector<8x2048xf32>
    %slice3A_248 = vector.extract_strided_slice %dot_general3A_67 {offsets = [144, 0], sizes = [8, 2048], strides = [1, 1]} : vector<1408x2048xf32> to vector<8x2048xf32>
    %gt3A_249 = arith.cmpf ogt, %slice3A_248, %max3A_244 : vector<8x2048xf32>
    %max3A_250 = arith.maximumf %max3A_244, %slice3A_248 : vector<8x2048xf32>
    %jit3A_251 = arith.constant 1.800000e+01 : f32
    %broadcast_in_dim3A_252 = vector.broadcast %jit3A_251 : f32 to vector<8x2048xf32>
    %select_n3A_253 = arith.select %gt3A_249, %broadcast_in_dim3A_252, %select_n3A_247 : vector<8x2048xi1>, vector<8x2048xf32>
    %slice3A_254 = vector.extract_strided_slice %dot_general3A_67 {offsets = [152, 0], sizes = [8, 2048], strides = [1, 1]} : vector<1408x2048xf32> to vector<8x2048xf32>
    %gt3A_255 = arith.cmpf ogt, %slice3A_254, %max3A_250 : vector<8x2048xf32>
    %max3A_256 = arith.maximumf %max3A_250, %slice3A_254 : vector<8x2048xf32>
    %jit3A_257 = arith.constant 1.900000e+01 : f32
    %broadcast_in_dim3A_258 = vector.broadcast %jit3A_257 : f32 to vector<8x2048xf32>
    %select_n3A_259 = arith.select %gt3A_255, %broadcast_in_dim3A_258, %select_n3A_253 : vector<8x2048xi1>, vector<8x2048xf32>
    %slice3A_260 = vector.extract_strided_slice %dot_general3A_67 {offsets = [160, 0], sizes = [8, 2048], strides = [1, 1]} : vector<1408x2048xf32> to vector<8x2048xf32>
    %gt3A_261 = arith.cmpf ogt, %slice3A_260, %max3A_256 : vector<8x2048xf32>
    %max3A_262 = arith.maximumf %max3A_256, %slice3A_260 : vector<8x2048xf32>
    %jit3A_263 = arith.constant 2.000000e+01 : f32
    %broadcast_in_dim3A_264 = vector.broadcast %jit3A_263 : f32 to vector<8x2048xf32>
    %select_n3A_265 = arith.select %gt3A_261, %broadcast_in_dim3A_264, %select_n3A_259 : vector<8x2048xi1>, vector<8x2048xf32>
    %slice3A_266 = vector.extract_strided_slice %dot_general3A_67 {offsets = [168, 0], sizes = [8, 2048], strides = [1, 1]} : vector<1408x2048xf32> to vector<8x2048xf32>
    %gt3A_267 = arith.cmpf ogt, %slice3A_266, %max3A_262 : vector<8x2048xf32>
    %max3A_268 = arith.maximumf %max3A_262, %slice3A_266 : vector<8x2048xf32>
    %jit3A_269 = arith.constant 2.100000e+01 : f32
    %broadcast_in_dim3A_270 = vector.broadcast %jit3A_269 : f32 to vector<8x2048xf32>
    %select_n3A_271 = arith.select %gt3A_267, %broadcast_in_dim3A_270, %select_n3A_265 : vector<8x2048xi1>, vector<8x2048xf32>
    %slice3A_272 = vector.extract_strided_slice %dot_general3A_67 {offsets = [176, 0], sizes = [8, 2048], strides = [1, 1]} : vector<1408x2048xf32> to vector<8x2048xf32>
    %gt3A_273 = arith.cmpf ogt, %slice3A_272, %max3A_268 : vector<8x2048xf32>
    %max3A_274 = arith.maximumf %max3A_268, %slice3A_272 : vector<8x2048xf32>
    %jit3A_275 = arith.constant 2.200000e+01 : f32
    %broadcast_in_dim3A_276 = vector.broadcast %jit3A_275 : f32 to vector<8x2048xf32>
    %select_n3A_277 = arith.select %gt3A_273, %broadcast_in_dim3A_276, %select_n3A_271 : vector<8x2048xi1>, vector<8x2048xf32>
    %slice3A_278 = vector.extract_strided_slice %dot_general3A_67 {offsets = [184, 0], sizes = [8, 2048], strides = [1, 1]} : vector<1408x2048xf32> to vector<8x2048xf32>
    %gt3A_279 = arith.cmpf ogt, %slice3A_278, %max3A_274 : vector<8x2048xf32>
    %max3A_280 = arith.maximumf %max3A_274, %slice3A_278 : vector<8x2048xf32>
    %jit3A_281 = arith.constant 2.300000e+01 : f32
    %broadcast_in_dim3A_282 = vector.broadcast %jit3A_281 : f32 to vector<8x2048xf32>
    %select_n3A_283 = arith.select %gt3A_279, %broadcast_in_dim3A_282, %select_n3A_277 : vector<8x2048xi1>, vector<8x2048xf32>
    %slice3A_284 = vector.extract_strided_slice %dot_general3A_67 {offsets = [192, 0], sizes = [8, 2048], strides = [1, 1]} : vector<1408x2048xf32> to vector<8x2048xf32>
    %gt3A_285 = arith.cmpf ogt, %slice3A_284, %max3A_280 : vector<8x2048xf32>
    %max3A_286 = arith.maximumf %max3A_280, %slice3A_284 : vector<8x2048xf32>
    %jit3A_287 = arith.constant 2.400000e+01 : f32
    %broadcast_in_dim3A_288 = vector.broadcast %jit3A_287 : f32 to vector<8x2048xf32>
    %select_n3A_289 = arith.select %gt3A_285, %broadcast_in_dim3A_288, %select_n3A_283 : vector<8x2048xi1>, vector<8x2048xf32>
    %slice3A_290 = vector.extract_strided_slice %dot_general3A_67 {offsets = [200, 0], sizes = [8, 2048], strides = [1, 1]} : vector<1408x2048xf32> to vector<8x2048xf32>
    %gt3A_291 = arith.cmpf ogt, %slice3A_290, %max3A_286 : vector<8x2048xf32>
    %max3A_292 = arith.maximumf %max3A_286, %slice3A_290 : vector<8x2048xf32>
    %jit3A_293 = arith.constant 2.500000e+01 : f32
    %broadcast_in_dim3A_294 = vector.broadcast %jit3A_293 : f32 to vector<8x2048xf32>
    %select_n3A_295 = arith.select %gt3A_291, %broadcast_in_dim3A_294, %select_n3A_289 : vector<8x2048xi1>, vector<8x2048xf32>
    %slice3A_296 = vector.extract_strided_slice %dot_general3A_67 {offsets = [208, 0], sizes = [8, 2048], strides = [1, 1]} : vector<1408x2048xf32> to vector<8x2048xf32>
    %gt3A_297 = arith.cmpf ogt, %slice3A_296, %max3A_292 : vector<8x2048xf32>
    %max3A_298 = arith.maximumf %max3A_292, %slice3A_296 : vector<8x2048xf32>
    %jit3A_299 = arith.constant 2.600000e+01 : f32
    %broadcast_in_dim3A_300 = vector.broadcast %jit3A_299 : f32 to vector<8x2048xf32>
    %select_n3A_301 = arith.select %gt3A_297, %broadcast_in_dim3A_300, %select_n3A_295 : vector<8x2048xi1>, vector<8x2048xf32>
    %slice3A_302 = vector.extract_strided_slice %dot_general3A_67 {offsets = [216, 0], sizes = [8, 2048], strides = [1, 1]} : vector<1408x2048xf32> to vector<8x2048xf32>
    %gt3A_303 = arith.cmpf ogt, %slice3A_302, %max3A_298 : vector<8x2048xf32>
    %max3A_304 = arith.maximumf %max3A_298, %slice3A_302 : vector<8x2048xf32>
    %jit3A_305 = arith.constant 2.700000e+01 : f32
    %broadcast_in_dim3A_306 = vector.broadcast %jit3A_305 : f32 to vector<8x2048xf32>
    %select_n3A_307 = arith.select %gt3A_303, %broadcast_in_dim3A_306, %select_n3A_301 : vector<8x2048xi1>, vector<8x2048xf32>
    %slice3A_308 = vector.extract_strided_slice %dot_general3A_67 {offsets = [224, 0], sizes = [8, 2048], strides = [1, 1]} : vector<1408x2048xf32> to vector<8x2048xf32>
    %gt3A_309 = arith.cmpf ogt, %slice3A_308, %max3A_304 : vector<8x2048xf32>
    %max3A_310 = arith.maximumf %max3A_304, %slice3A_308 : vector<8x2048xf32>
    %jit3A_311 = arith.constant 2.800000e+01 : f32
    %broadcast_in_dim3A_312 = vector.broadcast %jit3A_311 : f32 to vector<8x2048xf32>
    %select_n3A_313 = arith.select %gt3A_309, %broadcast_in_dim3A_312, %select_n3A_307 : vector<8x2048xi1>, vector<8x2048xf32>
    %slice3A_314 = vector.extract_strided_slice %dot_general3A_67 {offsets = [232, 0], sizes = [8, 2048], strides = [1, 1]} : vector<1408x2048xf32> to vector<8x2048xf32>
    %gt3A_315 = arith.cmpf ogt, %slice3A_314, %max3A_310 : vector<8x2048xf32>
    %max3A_316 = arith.maximumf %max3A_310, %slice3A_314 : vector<8x2048xf32>
    %jit3A_317 = arith.constant 2.900000e+01 : f32
    %broadcast_in_dim3A_318 = vector.broadcast %jit3A_317 : f32 to vector<8x2048xf32>
    %select_n3A_319 = arith.select %gt3A_315, %broadcast_in_dim3A_318, %select_n3A_313 : vector<8x2048xi1>, vector<8x2048xf32>
    %slice3A_320 = vector.extract_strided_slice %dot_general3A_67 {offsets = [240, 0], sizes = [8, 2048], strides = [1, 1]} : vector<1408x2048xf32> to vector<8x2048xf32>
    %gt3A_321 = arith.cmpf ogt, %slice3A_320, %max3A_316 : vector<8x2048xf32>
    %max3A_322 = arith.maximumf %max3A_316, %slice3A_320 : vector<8x2048xf32>
    %jit3A_323 = arith.constant 3.000000e+01 : f32
    %broadcast_in_dim3A_324 = vector.broadcast %jit3A_323 : f32 to vector<8x2048xf32>
    %select_n3A_325 = arith.select %gt3A_321, %broadcast_in_dim3A_324, %select_n3A_319 : vector<8x2048xi1>, vector<8x2048xf32>
    %slice3A_326 = vector.extract_strided_slice %dot_general3A_67 {offsets = [248, 0], sizes = [8, 2048], strides = [1, 1]} : vector<1408x2048xf32> to vector<8x2048xf32>
    %gt3A_327 = arith.cmpf ogt, %slice3A_326, %max3A_322 : vector<8x2048xf32>
    %max3A_328 = arith.maximumf %max3A_322, %slice3A_326 : vector<8x2048xf32>
    %jit3A_329 = arith.constant 3.100000e+01 : f32
    %broadcast_in_dim3A_330 = vector.broadcast %jit3A_329 : f32 to vector<8x2048xf32>
    %select_n3A_331 = arith.select %gt3A_327, %broadcast_in_dim3A_330, %select_n3A_325 : vector<8x2048xi1>, vector<8x2048xf32>
    %slice3A_332 = vector.extract_strided_slice %dot_general3A_67 {offsets = [256, 0], sizes = [8, 2048], strides = [1, 1]} : vector<1408x2048xf32> to vector<8x2048xf32>
    %gt3A_333 = arith.cmpf ogt, %slice3A_332, %max3A_328 : vector<8x2048xf32>
    %max3A_334 = arith.maximumf %max3A_328, %slice3A_332 : vector<8x2048xf32>
    %jit3A_335 = arith.constant 3.200000e+01 : f32
    %broadcast_in_dim3A_336 = vector.broadcast %jit3A_335 : f32 to vector<8x2048xf32>
    %select_n3A_337 = arith.select %gt3A_333, %broadcast_in_dim3A_336, %select_n3A_331 : vector<8x2048xi1>, vector<8x2048xf32>
    %slice3A_338 = vector.extract_strided_slice %dot_general3A_67 {offsets = [264, 0], sizes = [8, 2048], strides = [1, 1]} : vector<1408x2048xf32> to vector<8x2048xf32>
    %gt3A_339 = arith.cmpf ogt, %slice3A_338, %max3A_334 : vector<8x2048xf32>
    %max3A_340 = arith.maximumf %max3A_334, %slice3A_338 : vector<8x2048xf32>
    %jit3A_341 = arith.constant 3.300000e+01 : f32
    %broadcast_in_dim3A_342 = vector.broadcast %jit3A_341 : f32 to vector<8x2048xf32>
    %select_n3A_343 = arith.select %gt3A_339, %broadcast_in_dim3A_342, %select_n3A_337 : vector<8x2048xi1>, vector<8x2048xf32>
    %slice3A_344 = vector.extract_strided_slice %dot_general3A_67 {offsets = [272, 0], sizes = [8, 2048], strides = [1, 1]} : vector<1408x2048xf32> to vector<8x2048xf32>
    %gt3A_345 = arith.cmpf ogt, %slice3A_344, %max3A_340 : vector<8x2048xf32>
    %max3A_346 = arith.maximumf %max3A_340, %slice3A_344 : vector<8x2048xf32>
    %jit3A_347 = arith.constant 3.400000e+01 : f32
    %broadcast_in_dim3A_348 = vector.broadcast %jit3A_347 : f32 to vector<8x2048xf32>
    %select_n3A_349 = arith.select %gt3A_345, %broadcast_in_dim3A_348, %select_n3A_343 : vector<8x2048xi1>, vector<8x2048xf32>
    %slice3A_350 = vector.extract_strided_slice %dot_general3A_67 {offsets = [280, 0], sizes = [8, 2048], strides = [1, 1]} : vector<1408x2048xf32> to vector<8x2048xf32>
    %gt3A_351 = arith.cmpf ogt, %slice3A_350, %max3A_346 : vector<8x2048xf32>
    %max3A_352 = arith.maximumf %max3A_346, %slice3A_350 : vector<8x2048xf32>
    %jit3A_353 = arith.constant 3.500000e+01 : f32
    %broadcast_in_dim3A_354 = vector.broadcast %jit3A_353 : f32 to vector<8x2048xf32>
    %select_n3A_355 = arith.select %gt3A_351, %broadcast_in_dim3A_354, %select_n3A_349 : vector<8x2048xi1>, vector<8x2048xf32>
    %slice3A_356 = vector.extract_strided_slice %dot_general3A_67 {offsets = [288, 0], sizes = [8, 2048], strides = [1, 1]} : vector<1408x2048xf32> to vector<8x2048xf32>
    %gt3A_357 = arith.cmpf ogt, %slice3A_356, %max3A_352 : vector<8x2048xf32>
    %max3A_358 = arith.maximumf %max3A_352, %slice3A_356 : vector<8x2048xf32>
    %jit3A_359 = arith.constant 3.600000e+01 : f32
    %broadcast_in_dim3A_360 = vector.broadcast %jit3A_359 : f32 to vector<8x2048xf32>
    %select_n3A_361 = arith.select %gt3A_357, %broadcast_in_dim3A_360, %select_n3A_355 : vector<8x2048xi1>, vector<8x2048xf32>
    %slice3A_362 = vector.extract_strided_slice %dot_general3A_67 {offsets = [296, 0], sizes = [8, 2048], strides = [1, 1]} : vector<1408x2048xf32> to vector<8x2048xf32>
    %gt3A_363 = arith.cmpf ogt, %slice3A_362, %max3A_358 : vector<8x2048xf32>
    %max3A_364 = arith.maximumf %max3A_358, %slice3A_362 : vector<8x2048xf32>
    %jit3A_365 = arith.constant 3.700000e+01 : f32
    %broadcast_in_dim3A_366 = vector.broadcast %jit3A_365 : f32 to vector<8x2048xf32>
    %select_n3A_367 = arith.select %gt3A_363, %broadcast_in_dim3A_366, %select_n3A_361 : vector<8x2048xi1>, vector<8x2048xf32>
    %slice3A_368 = vector.extract_strided_slice %dot_general3A_67 {offsets = [304, 0], sizes = [8, 2048], strides = [1, 1]} : vector<1408x2048xf32> to vector<8x2048xf32>
    %gt3A_369 = arith.cmpf ogt, %slice3A_368, %max3A_364 : vector<8x2048xf32>
    %max3A_370 = arith.maximumf %max3A_364, %slice3A_368 : vector<8x2048xf32>
    %jit3A_371 = arith.constant 3.800000e+01 : f32
    %broadcast_in_dim3A_372 = vector.broadcast %jit3A_371 : f32 to vector<8x2048xf32>
    %select_n3A_373 = arith.select %gt3A_369, %broadcast_in_dim3A_372, %select_n3A_367 : vector<8x2048xi1>, vector<8x2048xf32>
    %slice3A_374 = vector.extract_strided_slice %dot_general3A_67 {offsets = [312, 0], sizes = [8, 2048], strides = [1, 1]} : vector<1408x2048xf32> to vector<8x2048xf32>
    %gt3A_375 = arith.cmpf ogt, %slice3A_374, %max3A_370 : vector<8x2048xf32>
    %max3A_376 = arith.maximumf %max3A_370, %slice3A_374 : vector<8x2048xf32>
    %jit3A_377 = arith.constant 3.900000e+01 : f32
    %broadcast_in_dim3A_378 = vector.broadcast %jit3A_377 : f32 to vector<8x2048xf32>
    %select_n3A_379 = arith.select %gt3A_375, %broadcast_in_dim3A_378, %select_n3A_373 : vector<8x2048xi1>, vector<8x2048xf32>
    %slice3A_380 = vector.extract_strided_slice %dot_general3A_67 {offsets = [320, 0], sizes = [8, 2048], strides = [1, 1]} : vector<1408x2048xf32> to vector<8x2048xf32>
    %gt3A_381 = arith.cmpf ogt, %slice3A_380, %max3A_376 : vector<8x2048xf32>
    %max3A_382 = arith.maximumf %max3A_376, %slice3A_380 : vector<8x2048xf32>
    %jit3A_383 = arith.constant 4.000000e+01 : f32
    %broadcast_in_dim3A_384 = vector.broadcast %jit3A_383 : f32 to vector<8x2048xf32>
    %select_n3A_385 = arith.select %gt3A_381, %broadcast_in_dim3A_384, %select_n3A_379 : vector<8x2048xi1>, vector<8x2048xf32>
    %slice3A_386 = vector.extract_strided_slice %dot_general3A_67 {offsets = [328, 0], sizes = [8, 2048], strides = [1, 1]} : vector<1408x2048xf32> to vector<8x2048xf32>
    %gt3A_387 = arith.cmpf ogt, %slice3A_386, %max3A_382 : vector<8x2048xf32>
    %max3A_388 = arith.maximumf %max3A_382, %slice3A_386 : vector<8x2048xf32>
    %jit3A_389 = arith.constant 4.100000e+01 : f32
    %broadcast_in_dim3A_390 = vector.broadcast %jit3A_389 : f32 to vector<8x2048xf32>
    %select_n3A_391 = arith.select %gt3A_387, %broadcast_in_dim3A_390, %select_n3A_385 : vector<8x2048xi1>, vector<8x2048xf32>
    %slice3A_392 = vector.extract_strided_slice %dot_general3A_67 {offsets = [336, 0], sizes = [8, 2048], strides = [1, 1]} : vector<1408x2048xf32> to vector<8x2048xf32>
    %gt3A_393 = arith.cmpf ogt, %slice3A_392, %max3A_388 : vector<8x2048xf32>
    %max3A_394 = arith.maximumf %max3A_388, %slice3A_392 : vector<8x2048xf32>
    %jit3A_395 = arith.constant 4.200000e+01 : f32
    %broadcast_in_dim3A_396 = vector.broadcast %jit3A_395 : f32 to vector<8x2048xf32>
    %select_n3A_397 = arith.select %gt3A_393, %broadcast_in_dim3A_396, %select_n3A_391 : vector<8x2048xi1>, vector<8x2048xf32>
    %slice3A_398 = vector.extract_strided_slice %dot_general3A_67 {offsets = [344, 0], sizes = [8, 2048], strides = [1, 1]} : vector<1408x2048xf32> to vector<8x2048xf32>
    %gt3A_399 = arith.cmpf ogt, %slice3A_398, %max3A_394 : vector<8x2048xf32>
    %max3A_400 = arith.maximumf %max3A_394, %slice3A_398 : vector<8x2048xf32>
    %jit3A_401 = arith.constant 4.300000e+01 : f32
    %broadcast_in_dim3A_402 = vector.broadcast %jit3A_401 : f32 to vector<8x2048xf32>
    %select_n3A_403 = arith.select %gt3A_399, %broadcast_in_dim3A_402, %select_n3A_397 : vector<8x2048xi1>, vector<8x2048xf32>
    %slice3A_404 = vector.extract_strided_slice %dot_general3A_67 {offsets = [352, 0], sizes = [8, 2048], strides = [1, 1]} : vector<1408x2048xf32> to vector<8x2048xf32>
    %gt3A_405 = arith.cmpf ogt, %slice3A_404, %max3A_400 : vector<8x2048xf32>
    %max3A_406 = arith.maximumf %max3A_400, %slice3A_404 : vector<8x2048xf32>
    %jit3A_407 = arith.constant 4.400000e+01 : f32
    %broadcast_in_dim3A_408 = vector.broadcast %jit3A_407 : f32 to vector<8x2048xf32>
    %select_n3A_409 = arith.select %gt3A_405, %broadcast_in_dim3A_408, %select_n3A_403 : vector<8x2048xi1>, vector<8x2048xf32>
    %slice3A_410 = vector.extract_strided_slice %dot_general3A_67 {offsets = [360, 0], sizes = [8, 2048], strides = [1, 1]} : vector<1408x2048xf32> to vector<8x2048xf32>
    %gt3A_411 = arith.cmpf ogt, %slice3A_410, %max3A_406 : vector<8x2048xf32>
    %max3A_412 = arith.maximumf %max3A_406, %slice3A_410 : vector<8x2048xf32>
    %jit3A_413 = arith.constant 4.500000e+01 : f32
    %broadcast_in_dim3A_414 = vector.broadcast %jit3A_413 : f32 to vector<8x2048xf32>
    %select_n3A_415 = arith.select %gt3A_411, %broadcast_in_dim3A_414, %select_n3A_409 : vector<8x2048xi1>, vector<8x2048xf32>
    %slice3A_416 = vector.extract_strided_slice %dot_general3A_67 {offsets = [368, 0], sizes = [8, 2048], strides = [1, 1]} : vector<1408x2048xf32> to vector<8x2048xf32>
    %gt3A_417 = arith.cmpf ogt, %slice3A_416, %max3A_412 : vector<8x2048xf32>
    %max3A_418 = arith.maximumf %max3A_412, %slice3A_416 : vector<8x2048xf32>
    %jit3A_419 = arith.constant 4.600000e+01 : f32
    %broadcast_in_dim3A_420 = vector.broadcast %jit3A_419 : f32 to vector<8x2048xf32>
    %select_n3A_421 = arith.select %gt3A_417, %broadcast_in_dim3A_420, %select_n3A_415 : vector<8x2048xi1>, vector<8x2048xf32>
    %slice3A_422 = vector.extract_strided_slice %dot_general3A_67 {offsets = [376, 0], sizes = [8, 2048], strides = [1, 1]} : vector<1408x2048xf32> to vector<8x2048xf32>
    %gt3A_423 = arith.cmpf ogt, %slice3A_422, %max3A_418 : vector<8x2048xf32>
    %max3A_424 = arith.maximumf %max3A_418, %slice3A_422 : vector<8x2048xf32>
    %jit3A_425 = arith.constant 4.700000e+01 : f32
    %broadcast_in_dim3A_426 = vector.broadcast %jit3A_425 : f32 to vector<8x2048xf32>
    %select_n3A_427 = arith.select %gt3A_423, %broadcast_in_dim3A_426, %select_n3A_421 : vector<8x2048xi1>, vector<8x2048xf32>
    %slice3A_428 = vector.extract_strided_slice %dot_general3A_67 {offsets = [384, 0], sizes = [8, 2048], strides = [1, 1]} : vector<1408x2048xf32> to vector<8x2048xf32>
    %gt3A_429 = arith.cmpf ogt, %slice3A_428, %max3A_424 : vector<8x2048xf32>
    %max3A_430 = arith.maximumf %max3A_424, %slice3A_428 : vector<8x2048xf32>
    %jit3A_431 = arith.constant 4.800000e+01 : f32
    %broadcast_in_dim3A_432 = vector.broadcast %jit3A_431 : f32 to vector<8x2048xf32>
    %select_n3A_433 = arith.select %gt3A_429, %broadcast_in_dim3A_432, %select_n3A_427 : vector<8x2048xi1>, vector<8x2048xf32>
    %slice3A_434 = vector.extract_strided_slice %dot_general3A_67 {offsets = [392, 0], sizes = [8, 2048], strides = [1, 1]} : vector<1408x2048xf32> to vector<8x2048xf32>
    %gt3A_435 = arith.cmpf ogt, %slice3A_434, %max3A_430 : vector<8x2048xf32>
    %max3A_436 = arith.maximumf %max3A_430, %slice3A_434 : vector<8x2048xf32>
    %jit3A_437 = arith.constant 4.900000e+01 : f32
    %broadcast_in_dim3A_438 = vector.broadcast %jit3A_437 : f32 to vector<8x2048xf32>
    %select_n3A_439 = arith.select %gt3A_435, %broadcast_in_dim3A_438, %select_n3A_433 : vector<8x2048xi1>, vector<8x2048xf32>
    %slice3A_440 = vector.extract_strided_slice %dot_general3A_67 {offsets = [400, 0], sizes = [8, 2048], strides = [1, 1]} : vector<1408x2048xf32> to vector<8x2048xf32>
    %gt3A_441 = arith.cmpf ogt, %slice3A_440, %max3A_436 : vector<8x2048xf32>
    %max3A_442 = arith.maximumf %max3A_436, %slice3A_440 : vector<8x2048xf32>
    %jit3A_443 = arith.constant 5.000000e+01 : f32
    %broadcast_in_dim3A_444 = vector.broadcast %jit3A_443 : f32 to vector<8x2048xf32>
    %select_n3A_445 = arith.select %gt3A_441, %broadcast_in_dim3A_444, %select_n3A_439 : vector<8x2048xi1>, vector<8x2048xf32>
    %slice3A_446 = vector.extract_strided_slice %dot_general3A_67 {offsets = [408, 0], sizes = [8, 2048], strides = [1, 1]} : vector<1408x2048xf32> to vector<8x2048xf32>
    %gt3A_447 = arith.cmpf ogt, %slice3A_446, %max3A_442 : vector<8x2048xf32>
    %max3A_448 = arith.maximumf %max3A_442, %slice3A_446 : vector<8x2048xf32>
    %jit3A_449 = arith.constant 5.100000e+01 : f32
    %broadcast_in_dim3A_450 = vector.broadcast %jit3A_449 : f32 to vector<8x2048xf32>
    %select_n3A_451 = arith.select %gt3A_447, %broadcast_in_dim3A_450, %select_n3A_445 : vector<8x2048xi1>, vector<8x2048xf32>
    %slice3A_452 = vector.extract_strided_slice %dot_general3A_67 {offsets = [416, 0], sizes = [8, 2048], strides = [1, 1]} : vector<1408x2048xf32> to vector<8x2048xf32>
    %gt3A_453 = arith.cmpf ogt, %slice3A_452, %max3A_448 : vector<8x2048xf32>
    %max3A_454 = arith.maximumf %max3A_448, %slice3A_452 : vector<8x2048xf32>
    %jit3A_455 = arith.constant 5.200000e+01 : f32
    %broadcast_in_dim3A_456 = vector.broadcast %jit3A_455 : f32 to vector<8x2048xf32>
    %select_n3A_457 = arith.select %gt3A_453, %broadcast_in_dim3A_456, %select_n3A_451 : vector<8x2048xi1>, vector<8x2048xf32>
    %slice3A_458 = vector.extract_strided_slice %dot_general3A_67 {offsets = [424, 0], sizes = [8, 2048], strides = [1, 1]} : vector<1408x2048xf32> to vector<8x2048xf32>
    %gt3A_459 = arith.cmpf ogt, %slice3A_458, %max3A_454 : vector<8x2048xf32>
    %max3A_460 = arith.maximumf %max3A_454, %slice3A_458 : vector<8x2048xf32>
    %jit3A_461 = arith.constant 5.300000e+01 : f32
    %broadcast_in_dim3A_462 = vector.broadcast %jit3A_461 : f32 to vector<8x2048xf32>
    %select_n3A_463 = arith.select %gt3A_459, %broadcast_in_dim3A_462, %select_n3A_457 : vector<8x2048xi1>, vector<8x2048xf32>
    %slice3A_464 = vector.extract_strided_slice %dot_general3A_67 {offsets = [432, 0], sizes = [8, 2048], strides = [1, 1]} : vector<1408x2048xf32> to vector<8x2048xf32>
    %gt3A_465 = arith.cmpf ogt, %slice3A_464, %max3A_460 : vector<8x2048xf32>
    %max3A_466 = arith.maximumf %max3A_460, %slice3A_464 : vector<8x2048xf32>
    %jit3A_467 = arith.constant 5.400000e+01 : f32
    %broadcast_in_dim3A_468 = vector.broadcast %jit3A_467 : f32 to vector<8x2048xf32>
    %select_n3A_469 = arith.select %gt3A_465, %broadcast_in_dim3A_468, %select_n3A_463 : vector<8x2048xi1>, vector<8x2048xf32>
    %slice3A_470 = vector.extract_strided_slice %dot_general3A_67 {offsets = [440, 0], sizes = [8, 2048], strides = [1, 1]} : vector<1408x2048xf32> to vector<8x2048xf32>
    %gt3A_471 = arith.cmpf ogt, %slice3A_470, %max3A_466 : vector<8x2048xf32>
    %max3A_472 = arith.maximumf %max3A_466, %slice3A_470 : vector<8x2048xf32>
    %jit3A_473 = arith.constant 5.500000e+01 : f32
    %broadcast_in_dim3A_474 = vector.broadcast %jit3A_473 : f32 to vector<8x2048xf32>
    %select_n3A_475 = arith.select %gt3A_471, %broadcast_in_dim3A_474, %select_n3A_469 : vector<8x2048xi1>, vector<8x2048xf32>
    %slice3A_476 = vector.extract_strided_slice %dot_general3A_67 {offsets = [448, 0], sizes = [8, 2048], strides = [1, 1]} : vector<1408x2048xf32> to vector<8x2048xf32>
    %gt3A_477 = arith.cmpf ogt, %slice3A_476, %max3A_472 : vector<8x2048xf32>
    %max3A_478 = arith.maximumf %max3A_472, %slice3A_476 : vector<8x2048xf32>
    %jit3A_479 = arith.constant 5.600000e+01 : f32
    %broadcast_in_dim3A_480 = vector.broadcast %jit3A_479 : f32 to vector<8x2048xf32>
    %select_n3A_481 = arith.select %gt3A_477, %broadcast_in_dim3A_480, %select_n3A_475 : vector<8x2048xi1>, vector<8x2048xf32>
    %slice3A_482 = vector.extract_strided_slice %dot_general3A_67 {offsets = [456, 0], sizes = [8, 2048], strides = [1, 1]} : vector<1408x2048xf32> to vector<8x2048xf32>
    %gt3A_483 = arith.cmpf ogt, %slice3A_482, %max3A_478 : vector<8x2048xf32>
    %max3A_484 = arith.maximumf %max3A_478, %slice3A_482 : vector<8x2048xf32>
    %jit3A_485 = arith.constant 5.700000e+01 : f32
    %broadcast_in_dim3A_486 = vector.broadcast %jit3A_485 : f32 to vector<8x2048xf32>
    %select_n3A_487 = arith.select %gt3A_483, %broadcast_in_dim3A_486, %select_n3A_481 : vector<8x2048xi1>, vector<8x2048xf32>
    %slice3A_488 = vector.extract_strided_slice %dot_general3A_67 {offsets = [464, 0], sizes = [8, 2048], strides = [1, 1]} : vector<1408x2048xf32> to vector<8x2048xf32>
    %gt3A_489 = arith.cmpf ogt, %slice3A_488, %max3A_484 : vector<8x2048xf32>
    %max3A_490 = arith.maximumf %max3A_484, %slice3A_488 : vector<8x2048xf32>
    %jit3A_491 = arith.constant 5.800000e+01 : f32
    %broadcast_in_dim3A_492 = vector.broadcast %jit3A_491 : f32 to vector<8x2048xf32>
    %select_n3A_493 = arith.select %gt3A_489, %broadcast_in_dim3A_492, %select_n3A_487 : vector<8x2048xi1>, vector<8x2048xf32>
    %slice3A_494 = vector.extract_strided_slice %dot_general3A_67 {offsets = [472, 0], sizes = [8, 2048], strides = [1, 1]} : vector<1408x2048xf32> to vector<8x2048xf32>
    %gt3A_495 = arith.cmpf ogt, %slice3A_494, %max3A_490 : vector<8x2048xf32>
    %max3A_496 = arith.maximumf %max3A_490, %slice3A_494 : vector<8x2048xf32>
    %jit3A_497 = arith.constant 5.900000e+01 : f32
    %broadcast_in_dim3A_498 = vector.broadcast %jit3A_497 : f32 to vector<8x2048xf32>
    %select_n3A_499 = arith.select %gt3A_495, %broadcast_in_dim3A_498, %select_n3A_493 : vector<8x2048xi1>, vector<8x2048xf32>
    %slice3A_500 = vector.extract_strided_slice %dot_general3A_67 {offsets = [480, 0], sizes = [8, 2048], strides = [1, 1]} : vector<1408x2048xf32> to vector<8x2048xf32>
    %gt3A_501 = arith.cmpf ogt, %slice3A_500, %max3A_496 : vector<8x2048xf32>
    %max3A_502 = arith.maximumf %max3A_496, %slice3A_500 : vector<8x2048xf32>
    %jit3A_503 = arith.constant 6.000000e+01 : f32
    %broadcast_in_dim3A_504 = vector.broadcast %jit3A_503 : f32 to vector<8x2048xf32>
    %select_n3A_505 = arith.select %gt3A_501, %broadcast_in_dim3A_504, %select_n3A_499 : vector<8x2048xi1>, vector<8x2048xf32>
    %slice3A_506 = vector.extract_strided_slice %dot_general3A_67 {offsets = [488, 0], sizes = [8, 2048], strides = [1, 1]} : vector<1408x2048xf32> to vector<8x2048xf32>
    %gt3A_507 = arith.cmpf ogt, %slice3A_506, %max3A_502 : vector<8x2048xf32>
    %max3A_508 = arith.maximumf %max3A_502, %slice3A_506 : vector<8x2048xf32>
    %jit3A_509 = arith.constant 6.100000e+01 : f32
    %broadcast_in_dim3A_510 = vector.broadcast %jit3A_509 : f32 to vector<8x2048xf32>
    %select_n3A_511 = arith.select %gt3A_507, %broadcast_in_dim3A_510, %select_n3A_505 : vector<8x2048xi1>, vector<8x2048xf32>
    %slice3A_512 = vector.extract_strided_slice %dot_general3A_67 {offsets = [496, 0], sizes = [8, 2048], strides = [1, 1]} : vector<1408x2048xf32> to vector<8x2048xf32>
    %gt3A_513 = arith.cmpf ogt, %slice3A_512, %max3A_508 : vector<8x2048xf32>
    %max3A_514 = arith.maximumf %max3A_508, %slice3A_512 : vector<8x2048xf32>
    %jit3A_515 = arith.constant 6.200000e+01 : f32
    %broadcast_in_dim3A_516 = vector.broadcast %jit3A_515 : f32 to vector<8x2048xf32>
    %select_n3A_517 = arith.select %gt3A_513, %broadcast_in_dim3A_516, %select_n3A_511 : vector<8x2048xi1>, vector<8x2048xf32>
    %slice3A_518 = vector.extract_strided_slice %dot_general3A_67 {offsets = [504, 0], sizes = [8, 2048], strides = [1, 1]} : vector<1408x2048xf32> to vector<8x2048xf32>
    %gt3A_519 = arith.cmpf ogt, %slice3A_518, %max3A_514 : vector<8x2048xf32>
    %max3A_520 = arith.maximumf %max3A_514, %slice3A_518 : vector<8x2048xf32>
    %jit3A_521 = arith.constant 6.300000e+01 : f32
    %broadcast_in_dim3A_522 = vector.broadcast %jit3A_521 : f32 to vector<8x2048xf32>
    %select_n3A_523 = arith.select %gt3A_519, %broadcast_in_dim3A_522, %select_n3A_517 : vector<8x2048xi1>, vector<8x2048xf32>
    %slice3A_524 = vector.extract_strided_slice %dot_general3A_67 {offsets = [512, 0], sizes = [8, 2048], strides = [1, 1]} : vector<1408x2048xf32> to vector<8x2048xf32>
    %gt3A_525 = arith.cmpf ogt, %slice3A_524, %max3A_520 : vector<8x2048xf32>
    %max3A_526 = arith.maximumf %max3A_520, %slice3A_524 : vector<8x2048xf32>
    %jit3A_527 = arith.constant 6.400000e+01 : f32
    %broadcast_in_dim3A_528 = vector.broadcast %jit3A_527 : f32 to vector<8x2048xf32>
    %select_n3A_529 = arith.select %gt3A_525, %broadcast_in_dim3A_528, %select_n3A_523 : vector<8x2048xi1>, vector<8x2048xf32>
    %slice3A_530 = vector.extract_strided_slice %dot_general3A_67 {offsets = [520, 0], sizes = [8, 2048], strides = [1, 1]} : vector<1408x2048xf32> to vector<8x2048xf32>
    %gt3A_531 = arith.cmpf ogt, %slice3A_530, %max3A_526 : vector<8x2048xf32>
    %max3A_532 = arith.maximumf %max3A_526, %slice3A_530 : vector<8x2048xf32>
    %jit3A_533 = arith.constant 6.500000e+01 : f32
    %broadcast_in_dim3A_534 = vector.broadcast %jit3A_533 : f32 to vector<8x2048xf32>
    %select_n3A_535 = arith.select %gt3A_531, %broadcast_in_dim3A_534, %select_n3A_529 : vector<8x2048xi1>, vector<8x2048xf32>
    %slice3A_536 = vector.extract_strided_slice %dot_general3A_67 {offsets = [528, 0], sizes = [8, 2048], strides = [1, 1]} : vector<1408x2048xf32> to vector<8x2048xf32>
    %gt3A_537 = arith.cmpf ogt, %slice3A_536, %max3A_532 : vector<8x2048xf32>
    %max3A_538 = arith.maximumf %max3A_532, %slice3A_536 : vector<8x2048xf32>
    %jit3A_539 = arith.constant 6.600000e+01 : f32
    %broadcast_in_dim3A_540 = vector.broadcast %jit3A_539 : f32 to vector<8x2048xf32>
    %select_n3A_541 = arith.select %gt3A_537, %broadcast_in_dim3A_540, %select_n3A_535 : vector<8x2048xi1>, vector<8x2048xf32>
    %slice3A_542 = vector.extract_strided_slice %dot_general3A_67 {offsets = [536, 0], sizes = [8, 2048], strides = [1, 1]} : vector<1408x2048xf32> to vector<8x2048xf32>
    %gt3A_543 = arith.cmpf ogt, %slice3A_542, %max3A_538 : vector<8x2048xf32>
    %max3A_544 = arith.maximumf %max3A_538, %slice3A_542 : vector<8x2048xf32>
    %jit3A_545 = arith.constant 6.700000e+01 : f32
    %broadcast_in_dim3A_546 = vector.broadcast %jit3A_545 : f32 to vector<8x2048xf32>
    %select_n3A_547 = arith.select %gt3A_543, %broadcast_in_dim3A_546, %select_n3A_541 : vector<8x2048xi1>, vector<8x2048xf32>
    %slice3A_548 = vector.extract_strided_slice %dot_general3A_67 {offsets = [544, 0], sizes = [8, 2048], strides = [1, 1]} : vector<1408x2048xf32> to vector<8x2048xf32>
    %gt3A_549 = arith.cmpf ogt, %slice3A_548, %max3A_544 : vector<8x2048xf32>
    %max3A_550 = arith.maximumf %max3A_544, %slice3A_548 : vector<8x2048xf32>
    %jit3A_551 = arith.constant 6.800000e+01 : f32
    %broadcast_in_dim3A_552 = vector.broadcast %jit3A_551 : f32 to vector<8x2048xf32>
    %select_n3A_553 = arith.select %gt3A_549, %broadcast_in_dim3A_552, %select_n3A_547 : vector<8x2048xi1>, vector<8x2048xf32>
    %slice3A_554 = vector.extract_strided_slice %dot_general3A_67 {offsets = [552, 0], sizes = [8, 2048], strides = [1, 1]} : vector<1408x2048xf32> to vector<8x2048xf32>
    %gt3A_555 = arith.cmpf ogt, %slice3A_554, %max3A_550 : vector<8x2048xf32>
    %max3A_556 = arith.maximumf %max3A_550, %slice3A_554 : vector<8x2048xf32>
    %jit3A_557 = arith.constant 6.900000e+01 : f32
    %broadcast_in_dim3A_558 = vector.broadcast %jit3A_557 : f32 to vector<8x2048xf32>
    %select_n3A_559 = arith.select %gt3A_555, %broadcast_in_dim3A_558, %select_n3A_553 : vector<8x2048xi1>, vector<8x2048xf32>
    %slice3A_560 = vector.extract_strided_slice %dot_general3A_67 {offsets = [560, 0], sizes = [8, 2048], strides = [1, 1]} : vector<1408x2048xf32> to vector<8x2048xf32>
    %gt3A_561 = arith.cmpf ogt, %slice3A_560, %max3A_556 : vector<8x2048xf32>
    %max3A_562 = arith.maximumf %max3A_556, %slice3A_560 : vector<8x2048xf32>
    %jit3A_563 = arith.constant 7.000000e+01 : f32
    %broadcast_in_dim3A_564 = vector.broadcast %jit3A_563 : f32 to vector<8x2048xf32>
    %select_n3A_565 = arith.select %gt3A_561, %broadcast_in_dim3A_564, %select_n3A_559 : vector<8x2048xi1>, vector<8x2048xf32>
    %slice3A_566 = vector.extract_strided_slice %dot_general3A_67 {offsets = [568, 0], sizes = [8, 2048], strides = [1, 1]} : vector<1408x2048xf32> to vector<8x2048xf32>
    %gt3A_567 = arith.cmpf ogt, %slice3A_566, %max3A_562 : vector<8x2048xf32>
    %max3A_568 = arith.maximumf %max3A_562, %slice3A_566 : vector<8x2048xf32>
    %jit3A_569 = arith.constant 7.100000e+01 : f32
    %broadcast_in_dim3A_570 = vector.broadcast %jit3A_569 : f32 to vector<8x2048xf32>
    %select_n3A_571 = arith.select %gt3A_567, %broadcast_in_dim3A_570, %select_n3A_565 : vector<8x2048xi1>, vector<8x2048xf32>
    %slice3A_572 = vector.extract_strided_slice %dot_general3A_67 {offsets = [576, 0], sizes = [8, 2048], strides = [1, 1]} : vector<1408x2048xf32> to vector<8x2048xf32>
    %gt3A_573 = arith.cmpf ogt, %slice3A_572, %max3A_568 : vector<8x2048xf32>
    %max3A_574 = arith.maximumf %max3A_568, %slice3A_572 : vector<8x2048xf32>
    %jit3A_575 = arith.constant 7.200000e+01 : f32
    %broadcast_in_dim3A_576 = vector.broadcast %jit3A_575 : f32 to vector<8x2048xf32>
    %select_n3A_577 = arith.select %gt3A_573, %broadcast_in_dim3A_576, %select_n3A_571 : vector<8x2048xi1>, vector<8x2048xf32>
    %slice3A_578 = vector.extract_strided_slice %dot_general3A_67 {offsets = [584, 0], sizes = [8, 2048], strides = [1, 1]} : vector<1408x2048xf32> to vector<8x2048xf32>
    %gt3A_579 = arith.cmpf ogt, %slice3A_578, %max3A_574 : vector<8x2048xf32>
    %max3A_580 = arith.maximumf %max3A_574, %slice3A_578 : vector<8x2048xf32>
    %jit3A_581 = arith.constant 7.300000e+01 : f32
    %broadcast_in_dim3A_582 = vector.broadcast %jit3A_581 : f32 to vector<8x2048xf32>
    %select_n3A_583 = arith.select %gt3A_579, %broadcast_in_dim3A_582, %select_n3A_577 : vector<8x2048xi1>, vector<8x2048xf32>
    %slice3A_584 = vector.extract_strided_slice %dot_general3A_67 {offsets = [592, 0], sizes = [8, 2048], strides = [1, 1]} : vector<1408x2048xf32> to vector<8x2048xf32>
    %gt3A_585 = arith.cmpf ogt, %slice3A_584, %max3A_580 : vector<8x2048xf32>
    %max3A_586 = arith.maximumf %max3A_580, %slice3A_584 : vector<8x2048xf32>
    %jit3A_587 = arith.constant 7.400000e+01 : f32
    %broadcast_in_dim3A_588 = vector.broadcast %jit3A_587 : f32 to vector<8x2048xf32>
    %select_n3A_589 = arith.select %gt3A_585, %broadcast_in_dim3A_588, %select_n3A_583 : vector<8x2048xi1>, vector<8x2048xf32>
    %slice3A_590 = vector.extract_strided_slice %dot_general3A_67 {offsets = [600, 0], sizes = [8, 2048], strides = [1, 1]} : vector<1408x2048xf32> to vector<8x2048xf32>
    %gt3A_591 = arith.cmpf ogt, %slice3A_590, %max3A_586 : vector<8x2048xf32>
    %max3A_592 = arith.maximumf %max3A_586, %slice3A_590 : vector<8x2048xf32>
    %jit3A_593 = arith.constant 7.500000e+01 : f32
    %broadcast_in_dim3A_594 = vector.broadcast %jit3A_593 : f32 to vector<8x2048xf32>
    %select_n3A_595 = arith.select %gt3A_591, %broadcast_in_dim3A_594, %select_n3A_589 : vector<8x2048xi1>, vector<8x2048xf32>
    %slice3A_596 = vector.extract_strided_slice %dot_general3A_67 {offsets = [608, 0], sizes = [8, 2048], strides = [1, 1]} : vector<1408x2048xf32> to vector<8x2048xf32>
    %gt3A_597 = arith.cmpf ogt, %slice3A_596, %max3A_592 : vector<8x2048xf32>
    %max3A_598 = arith.maximumf %max3A_592, %slice3A_596 : vector<8x2048xf32>
    %jit3A_599 = arith.constant 7.600000e+01 : f32
    %broadcast_in_dim3A_600 = vector.broadcast %jit3A_599 : f32 to vector<8x2048xf32>
    %select_n3A_601 = arith.select %gt3A_597, %broadcast_in_dim3A_600, %select_n3A_595 : vector<8x2048xi1>, vector<8x2048xf32>
    %slice3A_602 = vector.extract_strided_slice %dot_general3A_67 {offsets = [616, 0], sizes = [8, 2048], strides = [1, 1]} : vector<1408x2048xf32> to vector<8x2048xf32>
    %gt3A_603 = arith.cmpf ogt, %slice3A_602, %max3A_598 : vector<8x2048xf32>
    %max3A_604 = arith.maximumf %max3A_598, %slice3A_602 : vector<8x2048xf32>
    %jit3A_605 = arith.constant 7.700000e+01 : f32
    %broadcast_in_dim3A_606 = vector.broadcast %jit3A_605 : f32 to vector<8x2048xf32>
    %select_n3A_607 = arith.select %gt3A_603, %broadcast_in_dim3A_606, %select_n3A_601 : vector<8x2048xi1>, vector<8x2048xf32>
    %slice3A_608 = vector.extract_strided_slice %dot_general3A_67 {offsets = [624, 0], sizes = [8, 2048], strides = [1, 1]} : vector<1408x2048xf32> to vector<8x2048xf32>
    %gt3A_609 = arith.cmpf ogt, %slice3A_608, %max3A_604 : vector<8x2048xf32>
    %max3A_610 = arith.maximumf %max3A_604, %slice3A_608 : vector<8x2048xf32>
    %jit3A_611 = arith.constant 7.800000e+01 : f32
    %broadcast_in_dim3A_612 = vector.broadcast %jit3A_611 : f32 to vector<8x2048xf32>
    %select_n3A_613 = arith.select %gt3A_609, %broadcast_in_dim3A_612, %select_n3A_607 : vector<8x2048xi1>, vector<8x2048xf32>
    %slice3A_614 = vector.extract_strided_slice %dot_general3A_67 {offsets = [632, 0], sizes = [8, 2048], strides = [1, 1]} : vector<1408x2048xf32> to vector<8x2048xf32>
    %gt3A_615 = arith.cmpf ogt, %slice3A_614, %max3A_610 : vector<8x2048xf32>
    %max3A_616 = arith.maximumf %max3A_610, %slice3A_614 : vector<8x2048xf32>
    %jit3A_617 = arith.constant 7.900000e+01 : f32
    %broadcast_in_dim3A_618 = vector.broadcast %jit3A_617 : f32 to vector<8x2048xf32>
    %select_n3A_619 = arith.select %gt3A_615, %broadcast_in_dim3A_618, %select_n3A_613 : vector<8x2048xi1>, vector<8x2048xf32>
    %slice3A_620 = vector.extract_strided_slice %dot_general3A_67 {offsets = [640, 0], sizes = [8, 2048], strides = [1, 1]} : vector<1408x2048xf32> to vector<8x2048xf32>
    %gt3A_621 = arith.cmpf ogt, %slice3A_620, %max3A_616 : vector<8x2048xf32>
    %max3A_622 = arith.maximumf %max3A_616, %slice3A_620 : vector<8x2048xf32>
    %jit3A_623 = arith.constant 8.000000e+01 : f32
    %broadcast_in_dim3A_624 = vector.broadcast %jit3A_623 : f32 to vector<8x2048xf32>
    %select_n3A_625 = arith.select %gt3A_621, %broadcast_in_dim3A_624, %select_n3A_619 : vector<8x2048xi1>, vector<8x2048xf32>
    %slice3A_626 = vector.extract_strided_slice %dot_general3A_67 {offsets = [648, 0], sizes = [8, 2048], strides = [1, 1]} : vector<1408x2048xf32> to vector<8x2048xf32>
    %gt3A_627 = arith.cmpf ogt, %slice3A_626, %max3A_622 : vector<8x2048xf32>
    %max3A_628 = arith.maximumf %max3A_622, %slice3A_626 : vector<8x2048xf32>
    %jit3A_629 = arith.constant 8.100000e+01 : f32
    %broadcast_in_dim3A_630 = vector.broadcast %jit3A_629 : f32 to vector<8x2048xf32>
    %select_n3A_631 = arith.select %gt3A_627, %broadcast_in_dim3A_630, %select_n3A_625 : vector<8x2048xi1>, vector<8x2048xf32>
    %slice3A_632 = vector.extract_strided_slice %dot_general3A_67 {offsets = [656, 0], sizes = [8, 2048], strides = [1, 1]} : vector<1408x2048xf32> to vector<8x2048xf32>
    %gt3A_633 = arith.cmpf ogt, %slice3A_632, %max3A_628 : vector<8x2048xf32>
    %max3A_634 = arith.maximumf %max3A_628, %slice3A_632 : vector<8x2048xf32>
    %jit3A_635 = arith.constant 8.200000e+01 : f32
    %broadcast_in_dim3A_636 = vector.broadcast %jit3A_635 : f32 to vector<8x2048xf32>
    %select_n3A_637 = arith.select %gt3A_633, %broadcast_in_dim3A_636, %select_n3A_631 : vector<8x2048xi1>, vector<8x2048xf32>
    %slice3A_638 = vector.extract_strided_slice %dot_general3A_67 {offsets = [664, 0], sizes = [8, 2048], strides = [1, 1]} : vector<1408x2048xf32> to vector<8x2048xf32>
    %gt3A_639 = arith.cmpf ogt, %slice3A_638, %max3A_634 : vector<8x2048xf32>
    %max3A_640 = arith.maximumf %max3A_634, %slice3A_638 : vector<8x2048xf32>
    %jit3A_641 = arith.constant 8.300000e+01 : f32
    %broadcast_in_dim3A_642 = vector.broadcast %jit3A_641 : f32 to vector<8x2048xf32>
    %select_n3A_643 = arith.select %gt3A_639, %broadcast_in_dim3A_642, %select_n3A_637 : vector<8x2048xi1>, vector<8x2048xf32>
    %slice3A_644 = vector.extract_strided_slice %dot_general3A_67 {offsets = [672, 0], sizes = [8, 2048], strides = [1, 1]} : vector<1408x2048xf32> to vector<8x2048xf32>
    %gt3A_645 = arith.cmpf ogt, %slice3A_644, %max3A_640 : vector<8x2048xf32>
    %max3A_646 = arith.maximumf %max3A_640, %slice3A_644 : vector<8x2048xf32>
    %jit3A_647 = arith.constant 8.400000e+01 : f32
    %broadcast_in_dim3A_648 = vector.broadcast %jit3A_647 : f32 to vector<8x2048xf32>
    %select_n3A_649 = arith.select %gt3A_645, %broadcast_in_dim3A_648, %select_n3A_643 : vector<8x2048xi1>, vector<8x2048xf32>
    %slice3A_650 = vector.extract_strided_slice %dot_general3A_67 {offsets = [680, 0], sizes = [8, 2048], strides = [1, 1]} : vector<1408x2048xf32> to vector<8x2048xf32>
    %gt3A_651 = arith.cmpf ogt, %slice3A_650, %max3A_646 : vector<8x2048xf32>
    %max3A_652 = arith.maximumf %max3A_646, %slice3A_650 : vector<8x2048xf32>
    %jit3A_653 = arith.constant 8.500000e+01 : f32
    %broadcast_in_dim3A_654 = vector.broadcast %jit3A_653 : f32 to vector<8x2048xf32>
    %select_n3A_655 = arith.select %gt3A_651, %broadcast_in_dim3A_654, %select_n3A_649 : vector<8x2048xi1>, vector<8x2048xf32>
    %slice3A_656 = vector.extract_strided_slice %dot_general3A_67 {offsets = [688, 0], sizes = [8, 2048], strides = [1, 1]} : vector<1408x2048xf32> to vector<8x2048xf32>
    %gt3A_657 = arith.cmpf ogt, %slice3A_656, %max3A_652 : vector<8x2048xf32>
    %max3A_658 = arith.maximumf %max3A_652, %slice3A_656 : vector<8x2048xf32>
    %jit3A_659 = arith.constant 8.600000e+01 : f32
    %broadcast_in_dim3A_660 = vector.broadcast %jit3A_659 : f32 to vector<8x2048xf32>
    %select_n3A_661 = arith.select %gt3A_657, %broadcast_in_dim3A_660, %select_n3A_655 : vector<8x2048xi1>, vector<8x2048xf32>
    %slice3A_662 = vector.extract_strided_slice %dot_general3A_67 {offsets = [696, 0], sizes = [8, 2048], strides = [1, 1]} : vector<1408x2048xf32> to vector<8x2048xf32>
    %gt3A_663 = arith.cmpf ogt, %slice3A_662, %max3A_658 : vector<8x2048xf32>
    %max3A_664 = arith.maximumf %max3A_658, %slice3A_662 : vector<8x2048xf32>
    %jit3A_665 = arith.constant 8.700000e+01 : f32
    %broadcast_in_dim3A_666 = vector.broadcast %jit3A_665 : f32 to vector<8x2048xf32>
    %select_n3A_667 = arith.select %gt3A_663, %broadcast_in_dim3A_666, %select_n3A_661 : vector<8x2048xi1>, vector<8x2048xf32>
    %slice3A_668 = vector.extract_strided_slice %dot_general3A_67 {offsets = [704, 0], sizes = [8, 2048], strides = [1, 1]} : vector<1408x2048xf32> to vector<8x2048xf32>
    %gt3A_669 = arith.cmpf ogt, %slice3A_668, %max3A_664 : vector<8x2048xf32>
    %max3A_670 = arith.maximumf %max3A_664, %slice3A_668 : vector<8x2048xf32>
    %jit3A_671 = arith.constant 8.800000e+01 : f32
    %broadcast_in_dim3A_672 = vector.broadcast %jit3A_671 : f32 to vector<8x2048xf32>
    %select_n3A_673 = arith.select %gt3A_669, %broadcast_in_dim3A_672, %select_n3A_667 : vector<8x2048xi1>, vector<8x2048xf32>
    %slice3A_674 = vector.extract_strided_slice %dot_general3A_67 {offsets = [712, 0], sizes = [8, 2048], strides = [1, 1]} : vector<1408x2048xf32> to vector<8x2048xf32>
    %gt3A_675 = arith.cmpf ogt, %slice3A_674, %max3A_670 : vector<8x2048xf32>
    %max3A_676 = arith.maximumf %max3A_670, %slice3A_674 : vector<8x2048xf32>
    %jit3A_677 = arith.constant 8.900000e+01 : f32
    %broadcast_in_dim3A_678 = vector.broadcast %jit3A_677 : f32 to vector<8x2048xf32>
    %select_n3A_679 = arith.select %gt3A_675, %broadcast_in_dim3A_678, %select_n3A_673 : vector<8x2048xi1>, vector<8x2048xf32>
    %slice3A_680 = vector.extract_strided_slice %dot_general3A_67 {offsets = [720, 0], sizes = [8, 2048], strides = [1, 1]} : vector<1408x2048xf32> to vector<8x2048xf32>
    %gt3A_681 = arith.cmpf ogt, %slice3A_680, %max3A_676 : vector<8x2048xf32>
    %max3A_682 = arith.maximumf %max3A_676, %slice3A_680 : vector<8x2048xf32>
    %jit3A_683 = arith.constant 9.000000e+01 : f32
    %broadcast_in_dim3A_684 = vector.broadcast %jit3A_683 : f32 to vector<8x2048xf32>
    %select_n3A_685 = arith.select %gt3A_681, %broadcast_in_dim3A_684, %select_n3A_679 : vector<8x2048xi1>, vector<8x2048xf32>
    %slice3A_686 = vector.extract_strided_slice %dot_general3A_67 {offsets = [728, 0], sizes = [8, 2048], strides = [1, 1]} : vector<1408x2048xf32> to vector<8x2048xf32>
    %gt3A_687 = arith.cmpf ogt, %slice3A_686, %max3A_682 : vector<8x2048xf32>
    %max3A_688 = arith.maximumf %max3A_682, %slice3A_686 : vector<8x2048xf32>
    %jit3A_689 = arith.constant 9.100000e+01 : f32
    %broadcast_in_dim3A_690 = vector.broadcast %jit3A_689 : f32 to vector<8x2048xf32>
    %select_n3A_691 = arith.select %gt3A_687, %broadcast_in_dim3A_690, %select_n3A_685 : vector<8x2048xi1>, vector<8x2048xf32>
    %slice3A_692 = vector.extract_strided_slice %dot_general3A_67 {offsets = [736, 0], sizes = [8, 2048], strides = [1, 1]} : vector<1408x2048xf32> to vector<8x2048xf32>
    %gt3A_693 = arith.cmpf ogt, %slice3A_692, %max3A_688 : vector<8x2048xf32>
    %max3A_694 = arith.maximumf %max3A_688, %slice3A_692 : vector<8x2048xf32>
    %jit3A_695 = arith.constant 9.200000e+01 : f32
    %broadcast_in_dim3A_696 = vector.broadcast %jit3A_695 : f32 to vector<8x2048xf32>
    %select_n3A_697 = arith.select %gt3A_693, %broadcast_in_dim3A_696, %select_n3A_691 : vector<8x2048xi1>, vector<8x2048xf32>
    %slice3A_698 = vector.extract_strided_slice %dot_general3A_67 {offsets = [744, 0], sizes = [8, 2048], strides = [1, 1]} : vector<1408x2048xf32> to vector<8x2048xf32>
    %gt3A_699 = arith.cmpf ogt, %slice3A_698, %max3A_694 : vector<8x2048xf32>
    %max3A_700 = arith.maximumf %max3A_694, %slice3A_698 : vector<8x2048xf32>
    %jit3A_701 = arith.constant 9.300000e+01 : f32
    %broadcast_in_dim3A_702 = vector.broadcast %jit3A_701 : f32 to vector<8x2048xf32>
    %select_n3A_703 = arith.select %gt3A_699, %broadcast_in_dim3A_702, %select_n3A_697 : vector<8x2048xi1>, vector<8x2048xf32>
    %slice3A_704 = vector.extract_strided_slice %dot_general3A_67 {offsets = [752, 0], sizes = [8, 2048], strides = [1, 1]} : vector<1408x2048xf32> to vector<8x2048xf32>
    %gt3A_705 = arith.cmpf ogt, %slice3A_704, %max3A_700 : vector<8x2048xf32>
    %max3A_706 = arith.maximumf %max3A_700, %slice3A_704 : vector<8x2048xf32>
    %jit3A_707 = arith.constant 9.400000e+01 : f32
    %broadcast_in_dim3A_708 = vector.broadcast %jit3A_707 : f32 to vector<8x2048xf32>
    %select_n3A_709 = arith.select %gt3A_705, %broadcast_in_dim3A_708, %select_n3A_703 : vector<8x2048xi1>, vector<8x2048xf32>
    %slice3A_710 = vector.extract_strided_slice %dot_general3A_67 {offsets = [760, 0], sizes = [8, 2048], strides = [1, 1]} : vector<1408x2048xf32> to vector<8x2048xf32>
    %gt3A_711 = arith.cmpf ogt, %slice3A_710, %max3A_706 : vector<8x2048xf32>
    %max3A_712 = arith.maximumf %max3A_706, %slice3A_710 : vector<8x2048xf32>
    %jit3A_713 = arith.constant 9.500000e+01 : f32
    %broadcast_in_dim3A_714 = vector.broadcast %jit3A_713 : f32 to vector<8x2048xf32>
    %select_n3A_715 = arith.select %gt3A_711, %broadcast_in_dim3A_714, %select_n3A_709 : vector<8x2048xi1>, vector<8x2048xf32>
    %slice3A_716 = vector.extract_strided_slice %dot_general3A_67 {offsets = [768, 0], sizes = [8, 2048], strides = [1, 1]} : vector<1408x2048xf32> to vector<8x2048xf32>
    %gt3A_717 = arith.cmpf ogt, %slice3A_716, %max3A_712 : vector<8x2048xf32>
    %max3A_718 = arith.maximumf %max3A_712, %slice3A_716 : vector<8x2048xf32>
    %jit3A_719 = arith.constant 9.600000e+01 : f32
    %broadcast_in_dim3A_720 = vector.broadcast %jit3A_719 : f32 to vector<8x2048xf32>
    %select_n3A_721 = arith.select %gt3A_717, %broadcast_in_dim3A_720, %select_n3A_715 : vector<8x2048xi1>, vector<8x2048xf32>
    %slice3A_722 = vector.extract_strided_slice %dot_general3A_67 {offsets = [776, 0], sizes = [8, 2048], strides = [1, 1]} : vector<1408x2048xf32> to vector<8x2048xf32>
    %gt3A_723 = arith.cmpf ogt, %slice3A_722, %max3A_718 : vector<8x2048xf32>
    %max3A_724 = arith.maximumf %max3A_718, %slice3A_722 : vector<8x2048xf32>
    %jit3A_725 = arith.constant 9.700000e+01 : f32
    %broadcast_in_dim3A_726 = vector.broadcast %jit3A_725 : f32 to vector<8x2048xf32>
    %select_n3A_727 = arith.select %gt3A_723, %broadcast_in_dim3A_726, %select_n3A_721 : vector<8x2048xi1>, vector<8x2048xf32>
    %slice3A_728 = vector.extract_strided_slice %dot_general3A_67 {offsets = [784, 0], sizes = [8, 2048], strides = [1, 1]} : vector<1408x2048xf32> to vector<8x2048xf32>
    %gt3A_729 = arith.cmpf ogt, %slice3A_728, %max3A_724 : vector<8x2048xf32>
    %max3A_730 = arith.maximumf %max3A_724, %slice3A_728 : vector<8x2048xf32>
    %jit3A_731 = arith.constant 9.800000e+01 : f32
    %broadcast_in_dim3A_732 = vector.broadcast %jit3A_731 : f32 to vector<8x2048xf32>
    %select_n3A_733 = arith.select %gt3A_729, %broadcast_in_dim3A_732, %select_n3A_727 : vector<8x2048xi1>, vector<8x2048xf32>
    %slice3A_734 = vector.extract_strided_slice %dot_general3A_67 {offsets = [792, 0], sizes = [8, 2048], strides = [1, 1]} : vector<1408x2048xf32> to vector<8x2048xf32>
    %gt3A_735 = arith.cmpf ogt, %slice3A_734, %max3A_730 : vector<8x2048xf32>
    %max3A_736 = arith.maximumf %max3A_730, %slice3A_734 : vector<8x2048xf32>
    %jit3A_737 = arith.constant 9.900000e+01 : f32
    %broadcast_in_dim3A_738 = vector.broadcast %jit3A_737 : f32 to vector<8x2048xf32>
    %select_n3A_739 = arith.select %gt3A_735, %broadcast_in_dim3A_738, %select_n3A_733 : vector<8x2048xi1>, vector<8x2048xf32>
    %slice3A_740 = vector.extract_strided_slice %dot_general3A_67 {offsets = [800, 0], sizes = [8, 2048], strides = [1, 1]} : vector<1408x2048xf32> to vector<8x2048xf32>
    %gt3A_741 = arith.cmpf ogt, %slice3A_740, %max3A_736 : vector<8x2048xf32>
    %max3A_742 = arith.maximumf %max3A_736, %slice3A_740 : vector<8x2048xf32>
    %jit3A_743 = arith.constant 1.000000e+02 : f32
    %broadcast_in_dim3A_744 = vector.broadcast %jit3A_743 : f32 to vector<8x2048xf32>
    %select_n3A_745 = arith.select %gt3A_741, %broadcast_in_dim3A_744, %select_n3A_739 : vector<8x2048xi1>, vector<8x2048xf32>
    %slice3A_746 = vector.extract_strided_slice %dot_general3A_67 {offsets = [808, 0], sizes = [8, 2048], strides = [1, 1]} : vector<1408x2048xf32> to vector<8x2048xf32>
    %gt3A_747 = arith.cmpf ogt, %slice3A_746, %max3A_742 : vector<8x2048xf32>
    %max3A_748 = arith.maximumf %max3A_742, %slice3A_746 : vector<8x2048xf32>
    %jit3A_749 = arith.constant 1.010000e+02 : f32
    %broadcast_in_dim3A_750 = vector.broadcast %jit3A_749 : f32 to vector<8x2048xf32>
    %select_n3A_751 = arith.select %gt3A_747, %broadcast_in_dim3A_750, %select_n3A_745 : vector<8x2048xi1>, vector<8x2048xf32>
    %slice3A_752 = vector.extract_strided_slice %dot_general3A_67 {offsets = [816, 0], sizes = [8, 2048], strides = [1, 1]} : vector<1408x2048xf32> to vector<8x2048xf32>
    %gt3A_753 = arith.cmpf ogt, %slice3A_752, %max3A_748 : vector<8x2048xf32>
    %max3A_754 = arith.maximumf %max3A_748, %slice3A_752 : vector<8x2048xf32>
    %jit3A_755 = arith.constant 1.020000e+02 : f32
    %broadcast_in_dim3A_756 = vector.broadcast %jit3A_755 : f32 to vector<8x2048xf32>
    %select_n3A_757 = arith.select %gt3A_753, %broadcast_in_dim3A_756, %select_n3A_751 : vector<8x2048xi1>, vector<8x2048xf32>
    %slice3A_758 = vector.extract_strided_slice %dot_general3A_67 {offsets = [824, 0], sizes = [8, 2048], strides = [1, 1]} : vector<1408x2048xf32> to vector<8x2048xf32>
    %gt3A_759 = arith.cmpf ogt, %slice3A_758, %max3A_754 : vector<8x2048xf32>
    %max3A_760 = arith.maximumf %max3A_754, %slice3A_758 : vector<8x2048xf32>
    %jit3A_761 = arith.constant 1.030000e+02 : f32
    %broadcast_in_dim3A_762 = vector.broadcast %jit3A_761 : f32 to vector<8x2048xf32>
    %select_n3A_763 = arith.select %gt3A_759, %broadcast_in_dim3A_762, %select_n3A_757 : vector<8x2048xi1>, vector<8x2048xf32>
    %slice3A_764 = vector.extract_strided_slice %dot_general3A_67 {offsets = [832, 0], sizes = [8, 2048], strides = [1, 1]} : vector<1408x2048xf32> to vector<8x2048xf32>
    %gt3A_765 = arith.cmpf ogt, %slice3A_764, %max3A_760 : vector<8x2048xf32>
    %max3A_766 = arith.maximumf %max3A_760, %slice3A_764 : vector<8x2048xf32>
    %jit3A_767 = arith.constant 1.040000e+02 : f32
    %broadcast_in_dim3A_768 = vector.broadcast %jit3A_767 : f32 to vector<8x2048xf32>
    %select_n3A_769 = arith.select %gt3A_765, %broadcast_in_dim3A_768, %select_n3A_763 : vector<8x2048xi1>, vector<8x2048xf32>
    %slice3A_770 = vector.extract_strided_slice %dot_general3A_67 {offsets = [840, 0], sizes = [8, 2048], strides = [1, 1]} : vector<1408x2048xf32> to vector<8x2048xf32>
    %gt3A_771 = arith.cmpf ogt, %slice3A_770, %max3A_766 : vector<8x2048xf32>
    %max3A_772 = arith.maximumf %max3A_766, %slice3A_770 : vector<8x2048xf32>
    %jit3A_773 = arith.constant 1.050000e+02 : f32
    %broadcast_in_dim3A_774 = vector.broadcast %jit3A_773 : f32 to vector<8x2048xf32>
    %select_n3A_775 = arith.select %gt3A_771, %broadcast_in_dim3A_774, %select_n3A_769 : vector<8x2048xi1>, vector<8x2048xf32>
    %slice3A_776 = vector.extract_strided_slice %dot_general3A_67 {offsets = [848, 0], sizes = [8, 2048], strides = [1, 1]} : vector<1408x2048xf32> to vector<8x2048xf32>
    %gt3A_777 = arith.cmpf ogt, %slice3A_776, %max3A_772 : vector<8x2048xf32>
    %max3A_778 = arith.maximumf %max3A_772, %slice3A_776 : vector<8x2048xf32>
    %jit3A_779 = arith.constant 1.060000e+02 : f32
    %broadcast_in_dim3A_780 = vector.broadcast %jit3A_779 : f32 to vector<8x2048xf32>
    %select_n3A_781 = arith.select %gt3A_777, %broadcast_in_dim3A_780, %select_n3A_775 : vector<8x2048xi1>, vector<8x2048xf32>
    %slice3A_782 = vector.extract_strided_slice %dot_general3A_67 {offsets = [856, 0], sizes = [8, 2048], strides = [1, 1]} : vector<1408x2048xf32> to vector<8x2048xf32>
    %gt3A_783 = arith.cmpf ogt, %slice3A_782, %max3A_778 : vector<8x2048xf32>
    %max3A_784 = arith.maximumf %max3A_778, %slice3A_782 : vector<8x2048xf32>
    %jit3A_785 = arith.constant 1.070000e+02 : f32
    %broadcast_in_dim3A_786 = vector.broadcast %jit3A_785 : f32 to vector<8x2048xf32>
    %select_n3A_787 = arith.select %gt3A_783, %broadcast_in_dim3A_786, %select_n3A_781 : vector<8x2048xi1>, vector<8x2048xf32>
    %slice3A_788 = vector.extract_strided_slice %dot_general3A_67 {offsets = [864, 0], sizes = [8, 2048], strides = [1, 1]} : vector<1408x2048xf32> to vector<8x2048xf32>
    %gt3A_789 = arith.cmpf ogt, %slice3A_788, %max3A_784 : vector<8x2048xf32>
    %max3A_790 = arith.maximumf %max3A_784, %slice3A_788 : vector<8x2048xf32>
    %jit3A_791 = arith.constant 1.080000e+02 : f32
    %broadcast_in_dim3A_792 = vector.broadcast %jit3A_791 : f32 to vector<8x2048xf32>
    %select_n3A_793 = arith.select %gt3A_789, %broadcast_in_dim3A_792, %select_n3A_787 : vector<8x2048xi1>, vector<8x2048xf32>
    %slice3A_794 = vector.extract_strided_slice %dot_general3A_67 {offsets = [872, 0], sizes = [8, 2048], strides = [1, 1]} : vector<1408x2048xf32> to vector<8x2048xf32>
    %gt3A_795 = arith.cmpf ogt, %slice3A_794, %max3A_790 : vector<8x2048xf32>
    %max3A_796 = arith.maximumf %max3A_790, %slice3A_794 : vector<8x2048xf32>
    %jit3A_797 = arith.constant 1.090000e+02 : f32
    %broadcast_in_dim3A_798 = vector.broadcast %jit3A_797 : f32 to vector<8x2048xf32>
    %select_n3A_799 = arith.select %gt3A_795, %broadcast_in_dim3A_798, %select_n3A_793 : vector<8x2048xi1>, vector<8x2048xf32>
    %slice3A_800 = vector.extract_strided_slice %dot_general3A_67 {offsets = [880, 0], sizes = [8, 2048], strides = [1, 1]} : vector<1408x2048xf32> to vector<8x2048xf32>
    %gt3A_801 = arith.cmpf ogt, %slice3A_800, %max3A_796 : vector<8x2048xf32>
    %max3A_802 = arith.maximumf %max3A_796, %slice3A_800 : vector<8x2048xf32>
    %jit3A_803 = arith.constant 1.100000e+02 : f32
    %broadcast_in_dim3A_804 = vector.broadcast %jit3A_803 : f32 to vector<8x2048xf32>
    %select_n3A_805 = arith.select %gt3A_801, %broadcast_in_dim3A_804, %select_n3A_799 : vector<8x2048xi1>, vector<8x2048xf32>
    %slice3A_806 = vector.extract_strided_slice %dot_general3A_67 {offsets = [888, 0], sizes = [8, 2048], strides = [1, 1]} : vector<1408x2048xf32> to vector<8x2048xf32>
    %gt3A_807 = arith.cmpf ogt, %slice3A_806, %max3A_802 : vector<8x2048xf32>
    %max3A_808 = arith.maximumf %max3A_802, %slice3A_806 : vector<8x2048xf32>
    %jit3A_809 = arith.constant 1.110000e+02 : f32
    %broadcast_in_dim3A_810 = vector.broadcast %jit3A_809 : f32 to vector<8x2048xf32>
    %select_n3A_811 = arith.select %gt3A_807, %broadcast_in_dim3A_810, %select_n3A_805 : vector<8x2048xi1>, vector<8x2048xf32>
    %slice3A_812 = vector.extract_strided_slice %dot_general3A_67 {offsets = [896, 0], sizes = [8, 2048], strides = [1, 1]} : vector<1408x2048xf32> to vector<8x2048xf32>
    %gt3A_813 = arith.cmpf ogt, %slice3A_812, %max3A_808 : vector<8x2048xf32>
    %max3A_814 = arith.maximumf %max3A_808, %slice3A_812 : vector<8x2048xf32>
    %jit3A_815 = arith.constant 1.120000e+02 : f32
    %broadcast_in_dim3A_816 = vector.broadcast %jit3A_815 : f32 to vector<8x2048xf32>
    %select_n3A_817 = arith.select %gt3A_813, %broadcast_in_dim3A_816, %select_n3A_811 : vector<8x2048xi1>, vector<8x2048xf32>
    %slice3A_818 = vector.extract_strided_slice %dot_general3A_67 {offsets = [904, 0], sizes = [8, 2048], strides = [1, 1]} : vector<1408x2048xf32> to vector<8x2048xf32>
    %gt3A_819 = arith.cmpf ogt, %slice3A_818, %max3A_814 : vector<8x2048xf32>
    %max3A_820 = arith.maximumf %max3A_814, %slice3A_818 : vector<8x2048xf32>
    %jit3A_821 = arith.constant 1.130000e+02 : f32
    %broadcast_in_dim3A_822 = vector.broadcast %jit3A_821 : f32 to vector<8x2048xf32>
    %select_n3A_823 = arith.select %gt3A_819, %broadcast_in_dim3A_822, %select_n3A_817 : vector<8x2048xi1>, vector<8x2048xf32>
    %slice3A_824 = vector.extract_strided_slice %dot_general3A_67 {offsets = [912, 0], sizes = [8, 2048], strides = [1, 1]} : vector<1408x2048xf32> to vector<8x2048xf32>
    %gt3A_825 = arith.cmpf ogt, %slice3A_824, %max3A_820 : vector<8x2048xf32>
    %max3A_826 = arith.maximumf %max3A_820, %slice3A_824 : vector<8x2048xf32>
    %jit3A_827 = arith.constant 1.140000e+02 : f32
    %broadcast_in_dim3A_828 = vector.broadcast %jit3A_827 : f32 to vector<8x2048xf32>
    %select_n3A_829 = arith.select %gt3A_825, %broadcast_in_dim3A_828, %select_n3A_823 : vector<8x2048xi1>, vector<8x2048xf32>
    %slice3A_830 = vector.extract_strided_slice %dot_general3A_67 {offsets = [920, 0], sizes = [8, 2048], strides = [1, 1]} : vector<1408x2048xf32> to vector<8x2048xf32>
    %gt3A_831 = arith.cmpf ogt, %slice3A_830, %max3A_826 : vector<8x2048xf32>
    %max3A_832 = arith.maximumf %max3A_826, %slice3A_830 : vector<8x2048xf32>
    %jit3A_833 = arith.constant 1.150000e+02 : f32
    %broadcast_in_dim3A_834 = vector.broadcast %jit3A_833 : f32 to vector<8x2048xf32>
    %select_n3A_835 = arith.select %gt3A_831, %broadcast_in_dim3A_834, %select_n3A_829 : vector<8x2048xi1>, vector<8x2048xf32>
    %slice3A_836 = vector.extract_strided_slice %dot_general3A_67 {offsets = [928, 0], sizes = [8, 2048], strides = [1, 1]} : vector<1408x2048xf32> to vector<8x2048xf32>
    %gt3A_837 = arith.cmpf ogt, %slice3A_836, %max3A_832 : vector<8x2048xf32>
    %max3A_838 = arith.maximumf %max3A_832, %slice3A_836 : vector<8x2048xf32>
    %jit3A_839 = arith.constant 1.160000e+02 : f32
    %broadcast_in_dim3A_840 = vector.broadcast %jit3A_839 : f32 to vector<8x2048xf32>
    %select_n3A_841 = arith.select %gt3A_837, %broadcast_in_dim3A_840, %select_n3A_835 : vector<8x2048xi1>, vector<8x2048xf32>
    %slice3A_842 = vector.extract_strided_slice %dot_general3A_67 {offsets = [936, 0], sizes = [8, 2048], strides = [1, 1]} : vector<1408x2048xf32> to vector<8x2048xf32>
    %gt3A_843 = arith.cmpf ogt, %slice3A_842, %max3A_838 : vector<8x2048xf32>
    %max3A_844 = arith.maximumf %max3A_838, %slice3A_842 : vector<8x2048xf32>
    %jit3A_845 = arith.constant 1.170000e+02 : f32
    %broadcast_in_dim3A_846 = vector.broadcast %jit3A_845 : f32 to vector<8x2048xf32>
    %select_n3A_847 = arith.select %gt3A_843, %broadcast_in_dim3A_846, %select_n3A_841 : vector<8x2048xi1>, vector<8x2048xf32>
    %slice3A_848 = vector.extract_strided_slice %dot_general3A_67 {offsets = [944, 0], sizes = [8, 2048], strides = [1, 1]} : vector<1408x2048xf32> to vector<8x2048xf32>
    %gt3A_849 = arith.cmpf ogt, %slice3A_848, %max3A_844 : vector<8x2048xf32>
    %max3A_850 = arith.maximumf %max3A_844, %slice3A_848 : vector<8x2048xf32>
    %jit3A_851 = arith.constant 1.180000e+02 : f32
    %broadcast_in_dim3A_852 = vector.broadcast %jit3A_851 : f32 to vector<8x2048xf32>
    %select_n3A_853 = arith.select %gt3A_849, %broadcast_in_dim3A_852, %select_n3A_847 : vector<8x2048xi1>, vector<8x2048xf32>
    %slice3A_854 = vector.extract_strided_slice %dot_general3A_67 {offsets = [952, 0], sizes = [8, 2048], strides = [1, 1]} : vector<1408x2048xf32> to vector<8x2048xf32>
    %gt3A_855 = arith.cmpf ogt, %slice3A_854, %max3A_850 : vector<8x2048xf32>
    %max3A_856 = arith.maximumf %max3A_850, %slice3A_854 : vector<8x2048xf32>
    %jit3A_857 = arith.constant 1.190000e+02 : f32
    %broadcast_in_dim3A_858 = vector.broadcast %jit3A_857 : f32 to vector<8x2048xf32>
    %select_n3A_859 = arith.select %gt3A_855, %broadcast_in_dim3A_858, %select_n3A_853 : vector<8x2048xi1>, vector<8x2048xf32>
    %slice3A_860 = vector.extract_strided_slice %dot_general3A_67 {offsets = [960, 0], sizes = [8, 2048], strides = [1, 1]} : vector<1408x2048xf32> to vector<8x2048xf32>
    %gt3A_861 = arith.cmpf ogt, %slice3A_860, %max3A_856 : vector<8x2048xf32>
    %max3A_862 = arith.maximumf %max3A_856, %slice3A_860 : vector<8x2048xf32>
    %jit3A_863 = arith.constant 1.200000e+02 : f32
    %broadcast_in_dim3A_864 = vector.broadcast %jit3A_863 : f32 to vector<8x2048xf32>
    %select_n3A_865 = arith.select %gt3A_861, %broadcast_in_dim3A_864, %select_n3A_859 : vector<8x2048xi1>, vector<8x2048xf32>
    %slice3A_866 = vector.extract_strided_slice %dot_general3A_67 {offsets = [968, 0], sizes = [8, 2048], strides = [1, 1]} : vector<1408x2048xf32> to vector<8x2048xf32>
    %gt3A_867 = arith.cmpf ogt, %slice3A_866, %max3A_862 : vector<8x2048xf32>
    %max3A_868 = arith.maximumf %max3A_862, %slice3A_866 : vector<8x2048xf32>
    %jit3A_869 = arith.constant 1.210000e+02 : f32
    %broadcast_in_dim3A_870 = vector.broadcast %jit3A_869 : f32 to vector<8x2048xf32>
    %select_n3A_871 = arith.select %gt3A_867, %broadcast_in_dim3A_870, %select_n3A_865 : vector<8x2048xi1>, vector<8x2048xf32>
    %slice3A_872 = vector.extract_strided_slice %dot_general3A_67 {offsets = [976, 0], sizes = [8, 2048], strides = [1, 1]} : vector<1408x2048xf32> to vector<8x2048xf32>
    %gt3A_873 = arith.cmpf ogt, %slice3A_872, %max3A_868 : vector<8x2048xf32>
    %max3A_874 = arith.maximumf %max3A_868, %slice3A_872 : vector<8x2048xf32>
    %jit3A_875 = arith.constant 1.220000e+02 : f32
    %broadcast_in_dim3A_876 = vector.broadcast %jit3A_875 : f32 to vector<8x2048xf32>
    %select_n3A_877 = arith.select %gt3A_873, %broadcast_in_dim3A_876, %select_n3A_871 : vector<8x2048xi1>, vector<8x2048xf32>
    %slice3A_878 = vector.extract_strided_slice %dot_general3A_67 {offsets = [984, 0], sizes = [8, 2048], strides = [1, 1]} : vector<1408x2048xf32> to vector<8x2048xf32>
    %gt3A_879 = arith.cmpf ogt, %slice3A_878, %max3A_874 : vector<8x2048xf32>
    %max3A_880 = arith.maximumf %max3A_874, %slice3A_878 : vector<8x2048xf32>
    %jit3A_881 = arith.constant 1.230000e+02 : f32
    %broadcast_in_dim3A_882 = vector.broadcast %jit3A_881 : f32 to vector<8x2048xf32>
    %select_n3A_883 = arith.select %gt3A_879, %broadcast_in_dim3A_882, %select_n3A_877 : vector<8x2048xi1>, vector<8x2048xf32>
    %slice3A_884 = vector.extract_strided_slice %dot_general3A_67 {offsets = [992, 0], sizes = [8, 2048], strides = [1, 1]} : vector<1408x2048xf32> to vector<8x2048xf32>
    %gt3A_885 = arith.cmpf ogt, %slice3A_884, %max3A_880 : vector<8x2048xf32>
    %max3A_886 = arith.maximumf %max3A_880, %slice3A_884 : vector<8x2048xf32>
    %jit3A_887 = arith.constant 1.240000e+02 : f32
    %broadcast_in_dim3A_888 = vector.broadcast %jit3A_887 : f32 to vector<8x2048xf32>
    %select_n3A_889 = arith.select %gt3A_885, %broadcast_in_dim3A_888, %select_n3A_883 : vector<8x2048xi1>, vector<8x2048xf32>
    %slice3A_890 = vector.extract_strided_slice %dot_general3A_67 {offsets = [1000, 0], sizes = [8, 2048], strides = [1, 1]} : vector<1408x2048xf32> to vector<8x2048xf32>
    %gt3A_891 = arith.cmpf ogt, %slice3A_890, %max3A_886 : vector<8x2048xf32>
    %max3A_892 = arith.maximumf %max3A_886, %slice3A_890 : vector<8x2048xf32>
    %jit3A_893 = arith.constant 1.250000e+02 : f32
    %broadcast_in_dim3A_894 = vector.broadcast %jit3A_893 : f32 to vector<8x2048xf32>
    %select_n3A_895 = arith.select %gt3A_891, %broadcast_in_dim3A_894, %select_n3A_889 : vector<8x2048xi1>, vector<8x2048xf32>
    %slice3A_896 = vector.extract_strided_slice %dot_general3A_67 {offsets = [1008, 0], sizes = [8, 2048], strides = [1, 1]} : vector<1408x2048xf32> to vector<8x2048xf32>
    %gt3A_897 = arith.cmpf ogt, %slice3A_896, %max3A_892 : vector<8x2048xf32>
    %max3A_898 = arith.maximumf %max3A_892, %slice3A_896 : vector<8x2048xf32>
    %jit3A_899 = arith.constant 1.260000e+02 : f32
    %broadcast_in_dim3A_900 = vector.broadcast %jit3A_899 : f32 to vector<8x2048xf32>
    %select_n3A_901 = arith.select %gt3A_897, %broadcast_in_dim3A_900, %select_n3A_895 : vector<8x2048xi1>, vector<8x2048xf32>
    %slice3A_902 = vector.extract_strided_slice %dot_general3A_67 {offsets = [1016, 0], sizes = [8, 2048], strides = [1, 1]} : vector<1408x2048xf32> to vector<8x2048xf32>
    %gt3A_903 = arith.cmpf ogt, %slice3A_902, %max3A_898 : vector<8x2048xf32>
    %max3A_904 = arith.maximumf %max3A_898, %slice3A_902 : vector<8x2048xf32>
    %jit3A_905 = arith.constant 1.270000e+02 : f32
    %broadcast_in_dim3A_906 = vector.broadcast %jit3A_905 : f32 to vector<8x2048xf32>
    %select_n3A_907 = arith.select %gt3A_903, %broadcast_in_dim3A_906, %select_n3A_901 : vector<8x2048xi1>, vector<8x2048xf32>
    %slice3A_908 = vector.extract_strided_slice %dot_general3A_67 {offsets = [1024, 0], sizes = [8, 2048], strides = [1, 1]} : vector<1408x2048xf32> to vector<8x2048xf32>
    %gt3A_909 = arith.cmpf ogt, %slice3A_908, %max3A_904 : vector<8x2048xf32>
    %max3A_910 = arith.maximumf %max3A_904, %slice3A_908 : vector<8x2048xf32>
    %jit3A_911 = arith.constant 1.280000e+02 : f32
    %broadcast_in_dim3A_912 = vector.broadcast %jit3A_911 : f32 to vector<8x2048xf32>
    %select_n3A_913 = arith.select %gt3A_909, %broadcast_in_dim3A_912, %select_n3A_907 : vector<8x2048xi1>, vector<8x2048xf32>
    %slice3A_914 = vector.extract_strided_slice %dot_general3A_67 {offsets = [1032, 0], sizes = [8, 2048], strides = [1, 1]} : vector<1408x2048xf32> to vector<8x2048xf32>
    %gt3A_915 = arith.cmpf ogt, %slice3A_914, %max3A_910 : vector<8x2048xf32>
    %max3A_916 = arith.maximumf %max3A_910, %slice3A_914 : vector<8x2048xf32>
    %jit3A_917 = arith.constant 1.290000e+02 : f32
    %broadcast_in_dim3A_918 = vector.broadcast %jit3A_917 : f32 to vector<8x2048xf32>
    %select_n3A_919 = arith.select %gt3A_915, %broadcast_in_dim3A_918, %select_n3A_913 : vector<8x2048xi1>, vector<8x2048xf32>
    %slice3A_920 = vector.extract_strided_slice %dot_general3A_67 {offsets = [1040, 0], sizes = [8, 2048], strides = [1, 1]} : vector<1408x2048xf32> to vector<8x2048xf32>
    %gt3A_921 = arith.cmpf ogt, %slice3A_920, %max3A_916 : vector<8x2048xf32>
    %max3A_922 = arith.maximumf %max3A_916, %slice3A_920 : vector<8x2048xf32>
    %jit3A_923 = arith.constant 1.300000e+02 : f32
    %broadcast_in_dim3A_924 = vector.broadcast %jit3A_923 : f32 to vector<8x2048xf32>
    %select_n3A_925 = arith.select %gt3A_921, %broadcast_in_dim3A_924, %select_n3A_919 : vector<8x2048xi1>, vector<8x2048xf32>
    %slice3A_926 = vector.extract_strided_slice %dot_general3A_67 {offsets = [1048, 0], sizes = [8, 2048], strides = [1, 1]} : vector<1408x2048xf32> to vector<8x2048xf32>
    %gt3A_927 = arith.cmpf ogt, %slice3A_926, %max3A_922 : vector<8x2048xf32>
    %max3A_928 = arith.maximumf %max3A_922, %slice3A_926 : vector<8x2048xf32>
    %jit3A_929 = arith.constant 1.310000e+02 : f32
    %broadcast_in_dim3A_930 = vector.broadcast %jit3A_929 : f32 to vector<8x2048xf32>
    %select_n3A_931 = arith.select %gt3A_927, %broadcast_in_dim3A_930, %select_n3A_925 : vector<8x2048xi1>, vector<8x2048xf32>
    %slice3A_932 = vector.extract_strided_slice %dot_general3A_67 {offsets = [1056, 0], sizes = [8, 2048], strides = [1, 1]} : vector<1408x2048xf32> to vector<8x2048xf32>
    %gt3A_933 = arith.cmpf ogt, %slice3A_932, %max3A_928 : vector<8x2048xf32>
    %max3A_934 = arith.maximumf %max3A_928, %slice3A_932 : vector<8x2048xf32>
    %jit3A_935 = arith.constant 1.320000e+02 : f32
    %broadcast_in_dim3A_936 = vector.broadcast %jit3A_935 : f32 to vector<8x2048xf32>
    %select_n3A_937 = arith.select %gt3A_933, %broadcast_in_dim3A_936, %select_n3A_931 : vector<8x2048xi1>, vector<8x2048xf32>
    %slice3A_938 = vector.extract_strided_slice %dot_general3A_67 {offsets = [1064, 0], sizes = [8, 2048], strides = [1, 1]} : vector<1408x2048xf32> to vector<8x2048xf32>
    %gt3A_939 = arith.cmpf ogt, %slice3A_938, %max3A_934 : vector<8x2048xf32>
    %max3A_940 = arith.maximumf %max3A_934, %slice3A_938 : vector<8x2048xf32>
    %jit3A_941 = arith.constant 1.330000e+02 : f32
    %broadcast_in_dim3A_942 = vector.broadcast %jit3A_941 : f32 to vector<8x2048xf32>
    %select_n3A_943 = arith.select %gt3A_939, %broadcast_in_dim3A_942, %select_n3A_937 : vector<8x2048xi1>, vector<8x2048xf32>
    %slice3A_944 = vector.extract_strided_slice %dot_general3A_67 {offsets = [1072, 0], sizes = [8, 2048], strides = [1, 1]} : vector<1408x2048xf32> to vector<8x2048xf32>
    %gt3A_945 = arith.cmpf ogt, %slice3A_944, %max3A_940 : vector<8x2048xf32>
    %max3A_946 = arith.maximumf %max3A_940, %slice3A_944 : vector<8x2048xf32>
    %jit3A_947 = arith.constant 1.340000e+02 : f32
    %broadcast_in_dim3A_948 = vector.broadcast %jit3A_947 : f32 to vector<8x2048xf32>
    %select_n3A_949 = arith.select %gt3A_945, %broadcast_in_dim3A_948, %select_n3A_943 : vector<8x2048xi1>, vector<8x2048xf32>
    %slice3A_950 = vector.extract_strided_slice %dot_general3A_67 {offsets = [1080, 0], sizes = [8, 2048], strides = [1, 1]} : vector<1408x2048xf32> to vector<8x2048xf32>
    %gt3A_951 = arith.cmpf ogt, %slice3A_950, %max3A_946 : vector<8x2048xf32>
    %max3A_952 = arith.maximumf %max3A_946, %slice3A_950 : vector<8x2048xf32>
    %jit3A_953 = arith.constant 1.350000e+02 : f32
    %broadcast_in_dim3A_954 = vector.broadcast %jit3A_953 : f32 to vector<8x2048xf32>
    %select_n3A_955 = arith.select %gt3A_951, %broadcast_in_dim3A_954, %select_n3A_949 : vector<8x2048xi1>, vector<8x2048xf32>
    %slice3A_956 = vector.extract_strided_slice %dot_general3A_67 {offsets = [1088, 0], sizes = [8, 2048], strides = [1, 1]} : vector<1408x2048xf32> to vector<8x2048xf32>
    %gt3A_957 = arith.cmpf ogt, %slice3A_956, %max3A_952 : vector<8x2048xf32>
    %max3A_958 = arith.maximumf %max3A_952, %slice3A_956 : vector<8x2048xf32>
    %jit3A_959 = arith.constant 1.360000e+02 : f32
    %broadcast_in_dim3A_960 = vector.broadcast %jit3A_959 : f32 to vector<8x2048xf32>
    %select_n3A_961 = arith.select %gt3A_957, %broadcast_in_dim3A_960, %select_n3A_955 : vector<8x2048xi1>, vector<8x2048xf32>
    %slice3A_962 = vector.extract_strided_slice %dot_general3A_67 {offsets = [1096, 0], sizes = [8, 2048], strides = [1, 1]} : vector<1408x2048xf32> to vector<8x2048xf32>
    %gt3A_963 = arith.cmpf ogt, %slice3A_962, %max3A_958 : vector<8x2048xf32>
    %max3A_964 = arith.maximumf %max3A_958, %slice3A_962 : vector<8x2048xf32>
    %jit3A_965 = arith.constant 1.370000e+02 : f32
    %broadcast_in_dim3A_966 = vector.broadcast %jit3A_965 : f32 to vector<8x2048xf32>
    %select_n3A_967 = arith.select %gt3A_963, %broadcast_in_dim3A_966, %select_n3A_961 : vector<8x2048xi1>, vector<8x2048xf32>
    %slice3A_968 = vector.extract_strided_slice %dot_general3A_67 {offsets = [1104, 0], sizes = [8, 2048], strides = [1, 1]} : vector<1408x2048xf32> to vector<8x2048xf32>
    %gt3A_969 = arith.cmpf ogt, %slice3A_968, %max3A_964 : vector<8x2048xf32>
    %max3A_970 = arith.maximumf %max3A_964, %slice3A_968 : vector<8x2048xf32>
    %jit3A_971 = arith.constant 1.380000e+02 : f32
    %broadcast_in_dim3A_972 = vector.broadcast %jit3A_971 : f32 to vector<8x2048xf32>
    %select_n3A_973 = arith.select %gt3A_969, %broadcast_in_dim3A_972, %select_n3A_967 : vector<8x2048xi1>, vector<8x2048xf32>
    %slice3A_974 = vector.extract_strided_slice %dot_general3A_67 {offsets = [1112, 0], sizes = [8, 2048], strides = [1, 1]} : vector<1408x2048xf32> to vector<8x2048xf32>
    %gt3A_975 = arith.cmpf ogt, %slice3A_974, %max3A_970 : vector<8x2048xf32>
    %max3A_976 = arith.maximumf %max3A_970, %slice3A_974 : vector<8x2048xf32>
    %jit3A_977 = arith.constant 1.390000e+02 : f32
    %broadcast_in_dim3A_978 = vector.broadcast %jit3A_977 : f32 to vector<8x2048xf32>
    %select_n3A_979 = arith.select %gt3A_975, %broadcast_in_dim3A_978, %select_n3A_973 : vector<8x2048xi1>, vector<8x2048xf32>
    %slice3A_980 = vector.extract_strided_slice %dot_general3A_67 {offsets = [1120, 0], sizes = [8, 2048], strides = [1, 1]} : vector<1408x2048xf32> to vector<8x2048xf32>
    %gt3A_981 = arith.cmpf ogt, %slice3A_980, %max3A_976 : vector<8x2048xf32>
    %max3A_982 = arith.maximumf %max3A_976, %slice3A_980 : vector<8x2048xf32>
    %jit3A_983 = arith.constant 1.400000e+02 : f32
    %broadcast_in_dim3A_984 = vector.broadcast %jit3A_983 : f32 to vector<8x2048xf32>
    %select_n3A_985 = arith.select %gt3A_981, %broadcast_in_dim3A_984, %select_n3A_979 : vector<8x2048xi1>, vector<8x2048xf32>
    %slice3A_986 = vector.extract_strided_slice %dot_general3A_67 {offsets = [1128, 0], sizes = [8, 2048], strides = [1, 1]} : vector<1408x2048xf32> to vector<8x2048xf32>
    %gt3A_987 = arith.cmpf ogt, %slice3A_986, %max3A_982 : vector<8x2048xf32>
    %max3A_988 = arith.maximumf %max3A_982, %slice3A_986 : vector<8x2048xf32>
    %jit3A_989 = arith.constant 1.410000e+02 : f32
    %broadcast_in_dim3A_990 = vector.broadcast %jit3A_989 : f32 to vector<8x2048xf32>
    %select_n3A_991 = arith.select %gt3A_987, %broadcast_in_dim3A_990, %select_n3A_985 : vector<8x2048xi1>, vector<8x2048xf32>
    %slice3A_992 = vector.extract_strided_slice %dot_general3A_67 {offsets = [1136, 0], sizes = [8, 2048], strides = [1, 1]} : vector<1408x2048xf32> to vector<8x2048xf32>
    %gt3A_993 = arith.cmpf ogt, %slice3A_992, %max3A_988 : vector<8x2048xf32>
    %max3A_994 = arith.maximumf %max3A_988, %slice3A_992 : vector<8x2048xf32>
    %jit3A_995 = arith.constant 1.420000e+02 : f32
    %broadcast_in_dim3A_996 = vector.broadcast %jit3A_995 : f32 to vector<8x2048xf32>
    %select_n3A_997 = arith.select %gt3A_993, %broadcast_in_dim3A_996, %select_n3A_991 : vector<8x2048xi1>, vector<8x2048xf32>
    %slice3A_998 = vector.extract_strided_slice %dot_general3A_67 {offsets = [1144, 0], sizes = [8, 2048], strides = [1, 1]} : vector<1408x2048xf32> to vector<8x2048xf32>
    %gt3A_999 = arith.cmpf ogt, %slice3A_998, %max3A_994 : vector<8x2048xf32>
    %max3A_1000 = arith.maximumf %max3A_994, %slice3A_998 : vector<8x2048xf32>
    %jit3A_1001 = arith.constant 1.430000e+02 : f32
    %broadcast_in_dim3A_1002 = vector.broadcast %jit3A_1001 : f32 to vector<8x2048xf32>
    %select_n3A_1003 = arith.select %gt3A_999, %broadcast_in_dim3A_1002, %select_n3A_997 : vector<8x2048xi1>, vector<8x2048xf32>
    %slice3A_1004 = vector.extract_strided_slice %dot_general3A_67 {offsets = [1152, 0], sizes = [8, 2048], strides = [1, 1]} : vector<1408x2048xf32> to vector<8x2048xf32>
    %gt3A_1005 = arith.cmpf ogt, %slice3A_1004, %max3A_1000 : vector<8x2048xf32>
    %max3A_1006 = arith.maximumf %max3A_1000, %slice3A_1004 : vector<8x2048xf32>
    %jit3A_1007 = arith.constant 1.440000e+02 : f32
    %broadcast_in_dim3A_1008 = vector.broadcast %jit3A_1007 : f32 to vector<8x2048xf32>
    %select_n3A_1009 = arith.select %gt3A_1005, %broadcast_in_dim3A_1008, %select_n3A_1003 : vector<8x2048xi1>, vector<8x2048xf32>
    %slice3A_1010 = vector.extract_strided_slice %dot_general3A_67 {offsets = [1160, 0], sizes = [8, 2048], strides = [1, 1]} : vector<1408x2048xf32> to vector<8x2048xf32>
    %gt3A_1011 = arith.cmpf ogt, %slice3A_1010, %max3A_1006 : vector<8x2048xf32>
    %max3A_1012 = arith.maximumf %max3A_1006, %slice3A_1010 : vector<8x2048xf32>
    %jit3A_1013 = arith.constant 1.450000e+02 : f32
    %broadcast_in_dim3A_1014 = vector.broadcast %jit3A_1013 : f32 to vector<8x2048xf32>
    %select_n3A_1015 = arith.select %gt3A_1011, %broadcast_in_dim3A_1014, %select_n3A_1009 : vector<8x2048xi1>, vector<8x2048xf32>
    %slice3A_1016 = vector.extract_strided_slice %dot_general3A_67 {offsets = [1168, 0], sizes = [8, 2048], strides = [1, 1]} : vector<1408x2048xf32> to vector<8x2048xf32>
    %gt3A_1017 = arith.cmpf ogt, %slice3A_1016, %max3A_1012 : vector<8x2048xf32>
    %max3A_1018 = arith.maximumf %max3A_1012, %slice3A_1016 : vector<8x2048xf32>
    %jit3A_1019 = arith.constant 1.460000e+02 : f32
    %broadcast_in_dim3A_1020 = vector.broadcast %jit3A_1019 : f32 to vector<8x2048xf32>
    %select_n3A_1021 = arith.select %gt3A_1017, %broadcast_in_dim3A_1020, %select_n3A_1015 : vector<8x2048xi1>, vector<8x2048xf32>
    %slice3A_1022 = vector.extract_strided_slice %dot_general3A_67 {offsets = [1176, 0], sizes = [8, 2048], strides = [1, 1]} : vector<1408x2048xf32> to vector<8x2048xf32>
    %gt3A_1023 = arith.cmpf ogt, %slice3A_1022, %max3A_1018 : vector<8x2048xf32>
    %max3A_1024 = arith.maximumf %max3A_1018, %slice3A_1022 : vector<8x2048xf32>
    %jit3A_1025 = arith.constant 1.470000e+02 : f32
    %broadcast_in_dim3A_1026 = vector.broadcast %jit3A_1025 : f32 to vector<8x2048xf32>
    %select_n3A_1027 = arith.select %gt3A_1023, %broadcast_in_dim3A_1026, %select_n3A_1021 : vector<8x2048xi1>, vector<8x2048xf32>
    %slice3A_1028 = vector.extract_strided_slice %dot_general3A_67 {offsets = [1184, 0], sizes = [8, 2048], strides = [1, 1]} : vector<1408x2048xf32> to vector<8x2048xf32>
    %gt3A_1029 = arith.cmpf ogt, %slice3A_1028, %max3A_1024 : vector<8x2048xf32>
    %max3A_1030 = arith.maximumf %max3A_1024, %slice3A_1028 : vector<8x2048xf32>
    %jit3A_1031 = arith.constant 1.480000e+02 : f32
    %broadcast_in_dim3A_1032 = vector.broadcast %jit3A_1031 : f32 to vector<8x2048xf32>
    %select_n3A_1033 = arith.select %gt3A_1029, %broadcast_in_dim3A_1032, %select_n3A_1027 : vector<8x2048xi1>, vector<8x2048xf32>
    %slice3A_1034 = vector.extract_strided_slice %dot_general3A_67 {offsets = [1192, 0], sizes = [8, 2048], strides = [1, 1]} : vector<1408x2048xf32> to vector<8x2048xf32>
    %gt3A_1035 = arith.cmpf ogt, %slice3A_1034, %max3A_1030 : vector<8x2048xf32>
    %max3A_1036 = arith.maximumf %max3A_1030, %slice3A_1034 : vector<8x2048xf32>
    %jit3A_1037 = arith.constant 1.490000e+02 : f32
    %broadcast_in_dim3A_1038 = vector.broadcast %jit3A_1037 : f32 to vector<8x2048xf32>
    %select_n3A_1039 = arith.select %gt3A_1035, %broadcast_in_dim3A_1038, %select_n3A_1033 : vector<8x2048xi1>, vector<8x2048xf32>
    %slice3A_1040 = vector.extract_strided_slice %dot_general3A_67 {offsets = [1200, 0], sizes = [8, 2048], strides = [1, 1]} : vector<1408x2048xf32> to vector<8x2048xf32>
    %gt3A_1041 = arith.cmpf ogt, %slice3A_1040, %max3A_1036 : vector<8x2048xf32>
    %max3A_1042 = arith.maximumf %max3A_1036, %slice3A_1040 : vector<8x2048xf32>
    %jit3A_1043 = arith.constant 1.500000e+02 : f32
    %broadcast_in_dim3A_1044 = vector.broadcast %jit3A_1043 : f32 to vector<8x2048xf32>
    %select_n3A_1045 = arith.select %gt3A_1041, %broadcast_in_dim3A_1044, %select_n3A_1039 : vector<8x2048xi1>, vector<8x2048xf32>
    %slice3A_1046 = vector.extract_strided_slice %dot_general3A_67 {offsets = [1208, 0], sizes = [8, 2048], strides = [1, 1]} : vector<1408x2048xf32> to vector<8x2048xf32>
    %gt3A_1047 = arith.cmpf ogt, %slice3A_1046, %max3A_1042 : vector<8x2048xf32>
    %max3A_1048 = arith.maximumf %max3A_1042, %slice3A_1046 : vector<8x2048xf32>
    %jit3A_1049 = arith.constant 1.510000e+02 : f32
    %broadcast_in_dim3A_1050 = vector.broadcast %jit3A_1049 : f32 to vector<8x2048xf32>
    %select_n3A_1051 = arith.select %gt3A_1047, %broadcast_in_dim3A_1050, %select_n3A_1045 : vector<8x2048xi1>, vector<8x2048xf32>
    %slice3A_1052 = vector.extract_strided_slice %dot_general3A_67 {offsets = [1216, 0], sizes = [8, 2048], strides = [1, 1]} : vector<1408x2048xf32> to vector<8x2048xf32>
    %gt3A_1053 = arith.cmpf ogt, %slice3A_1052, %max3A_1048 : vector<8x2048xf32>
    %max3A_1054 = arith.maximumf %max3A_1048, %slice3A_1052 : vector<8x2048xf32>
    %jit3A_1055 = arith.constant 1.520000e+02 : f32
    %broadcast_in_dim3A_1056 = vector.broadcast %jit3A_1055 : f32 to vector<8x2048xf32>
    %select_n3A_1057 = arith.select %gt3A_1053, %broadcast_in_dim3A_1056, %select_n3A_1051 : vector<8x2048xi1>, vector<8x2048xf32>
    %slice3A_1058 = vector.extract_strided_slice %dot_general3A_67 {offsets = [1224, 0], sizes = [8, 2048], strides = [1, 1]} : vector<1408x2048xf32> to vector<8x2048xf32>
    %gt3A_1059 = arith.cmpf ogt, %slice3A_1058, %max3A_1054 : vector<8x2048xf32>
    %max3A_1060 = arith.maximumf %max3A_1054, %slice3A_1058 : vector<8x2048xf32>
    %jit3A_1061 = arith.constant 1.530000e+02 : f32
    %broadcast_in_dim3A_1062 = vector.broadcast %jit3A_1061 : f32 to vector<8x2048xf32>
    %select_n3A_1063 = arith.select %gt3A_1059, %broadcast_in_dim3A_1062, %select_n3A_1057 : vector<8x2048xi1>, vector<8x2048xf32>
    %slice3A_1064 = vector.extract_strided_slice %dot_general3A_67 {offsets = [1232, 0], sizes = [8, 2048], strides = [1, 1]} : vector<1408x2048xf32> to vector<8x2048xf32>
    %gt3A_1065 = arith.cmpf ogt, %slice3A_1064, %max3A_1060 : vector<8x2048xf32>
    %max3A_1066 = arith.maximumf %max3A_1060, %slice3A_1064 : vector<8x2048xf32>
    %jit3A_1067 = arith.constant 1.540000e+02 : f32
    %broadcast_in_dim3A_1068 = vector.broadcast %jit3A_1067 : f32 to vector<8x2048xf32>
    %select_n3A_1069 = arith.select %gt3A_1065, %broadcast_in_dim3A_1068, %select_n3A_1063 : vector<8x2048xi1>, vector<8x2048xf32>
    %slice3A_1070 = vector.extract_strided_slice %dot_general3A_67 {offsets = [1240, 0], sizes = [8, 2048], strides = [1, 1]} : vector<1408x2048xf32> to vector<8x2048xf32>
    %gt3A_1071 = arith.cmpf ogt, %slice3A_1070, %max3A_1066 : vector<8x2048xf32>
    %max3A_1072 = arith.maximumf %max3A_1066, %slice3A_1070 : vector<8x2048xf32>
    %jit3A_1073 = arith.constant 1.550000e+02 : f32
    %broadcast_in_dim3A_1074 = vector.broadcast %jit3A_1073 : f32 to vector<8x2048xf32>
    %select_n3A_1075 = arith.select %gt3A_1071, %broadcast_in_dim3A_1074, %select_n3A_1069 : vector<8x2048xi1>, vector<8x2048xf32>
    %slice3A_1076 = vector.extract_strided_slice %dot_general3A_67 {offsets = [1248, 0], sizes = [8, 2048], strides = [1, 1]} : vector<1408x2048xf32> to vector<8x2048xf32>
    %gt3A_1077 = arith.cmpf ogt, %slice3A_1076, %max3A_1072 : vector<8x2048xf32>
    %max3A_1078 = arith.maximumf %max3A_1072, %slice3A_1076 : vector<8x2048xf32>
    %jit3A_1079 = arith.constant 1.560000e+02 : f32
    %broadcast_in_dim3A_1080 = vector.broadcast %jit3A_1079 : f32 to vector<8x2048xf32>
    %select_n3A_1081 = arith.select %gt3A_1077, %broadcast_in_dim3A_1080, %select_n3A_1075 : vector<8x2048xi1>, vector<8x2048xf32>
    %slice3A_1082 = vector.extract_strided_slice %dot_general3A_67 {offsets = [1256, 0], sizes = [8, 2048], strides = [1, 1]} : vector<1408x2048xf32> to vector<8x2048xf32>
    %gt3A_1083 = arith.cmpf ogt, %slice3A_1082, %max3A_1078 : vector<8x2048xf32>
    %max3A_1084 = arith.maximumf %max3A_1078, %slice3A_1082 : vector<8x2048xf32>
    %jit3A_1085 = arith.constant 1.570000e+02 : f32
    %broadcast_in_dim3A_1086 = vector.broadcast %jit3A_1085 : f32 to vector<8x2048xf32>
    %select_n3A_1087 = arith.select %gt3A_1083, %broadcast_in_dim3A_1086, %select_n3A_1081 : vector<8x2048xi1>, vector<8x2048xf32>
    %slice3A_1088 = vector.extract_strided_slice %dot_general3A_67 {offsets = [1264, 0], sizes = [8, 2048], strides = [1, 1]} : vector<1408x2048xf32> to vector<8x2048xf32>
    %gt3A_1089 = arith.cmpf ogt, %slice3A_1088, %max3A_1084 : vector<8x2048xf32>
    %max3A_1090 = arith.maximumf %max3A_1084, %slice3A_1088 : vector<8x2048xf32>
    %jit3A_1091 = arith.constant 1.580000e+02 : f32
    %broadcast_in_dim3A_1092 = vector.broadcast %jit3A_1091 : f32 to vector<8x2048xf32>
    %select_n3A_1093 = arith.select %gt3A_1089, %broadcast_in_dim3A_1092, %select_n3A_1087 : vector<8x2048xi1>, vector<8x2048xf32>
    %slice3A_1094 = vector.extract_strided_slice %dot_general3A_67 {offsets = [1272, 0], sizes = [8, 2048], strides = [1, 1]} : vector<1408x2048xf32> to vector<8x2048xf32>
    %gt3A_1095 = arith.cmpf ogt, %slice3A_1094, %max3A_1090 : vector<8x2048xf32>
    %max3A_1096 = arith.maximumf %max3A_1090, %slice3A_1094 : vector<8x2048xf32>
    %jit3A_1097 = arith.constant 1.590000e+02 : f32
    %broadcast_in_dim3A_1098 = vector.broadcast %jit3A_1097 : f32 to vector<8x2048xf32>
    %select_n3A_1099 = arith.select %gt3A_1095, %broadcast_in_dim3A_1098, %select_n3A_1093 : vector<8x2048xi1>, vector<8x2048xf32>
    %slice3A_1100 = vector.extract_strided_slice %dot_general3A_67 {offsets = [1280, 0], sizes = [8, 2048], strides = [1, 1]} : vector<1408x2048xf32> to vector<8x2048xf32>
    %gt3A_1101 = arith.cmpf ogt, %slice3A_1100, %max3A_1096 : vector<8x2048xf32>
    %max3A_1102 = arith.maximumf %max3A_1096, %slice3A_1100 : vector<8x2048xf32>
    %jit3A_1103 = arith.constant 1.600000e+02 : f32
    %broadcast_in_dim3A_1104 = vector.broadcast %jit3A_1103 : f32 to vector<8x2048xf32>
    %select_n3A_1105 = arith.select %gt3A_1101, %broadcast_in_dim3A_1104, %select_n3A_1099 : vector<8x2048xi1>, vector<8x2048xf32>
    %slice3A_1106 = vector.extract_strided_slice %dot_general3A_67 {offsets = [1288, 0], sizes = [8, 2048], strides = [1, 1]} : vector<1408x2048xf32> to vector<8x2048xf32>
    %gt3A_1107 = arith.cmpf ogt, %slice3A_1106, %max3A_1102 : vector<8x2048xf32>
    %max3A_1108 = arith.maximumf %max3A_1102, %slice3A_1106 : vector<8x2048xf32>
    %jit3A_1109 = arith.constant 1.610000e+02 : f32
    %broadcast_in_dim3A_1110 = vector.broadcast %jit3A_1109 : f32 to vector<8x2048xf32>
    %select_n3A_1111 = arith.select %gt3A_1107, %broadcast_in_dim3A_1110, %select_n3A_1105 : vector<8x2048xi1>, vector<8x2048xf32>
    %slice3A_1112 = vector.extract_strided_slice %dot_general3A_67 {offsets = [1296, 0], sizes = [8, 2048], strides = [1, 1]} : vector<1408x2048xf32> to vector<8x2048xf32>
    %gt3A_1113 = arith.cmpf ogt, %slice3A_1112, %max3A_1108 : vector<8x2048xf32>
    %max3A_1114 = arith.maximumf %max3A_1108, %slice3A_1112 : vector<8x2048xf32>
    %jit3A_1115 = arith.constant 1.620000e+02 : f32
    %broadcast_in_dim3A_1116 = vector.broadcast %jit3A_1115 : f32 to vector<8x2048xf32>
    %select_n3A_1117 = arith.select %gt3A_1113, %broadcast_in_dim3A_1116, %select_n3A_1111 : vector<8x2048xi1>, vector<8x2048xf32>
    %slice3A_1118 = vector.extract_strided_slice %dot_general3A_67 {offsets = [1304, 0], sizes = [8, 2048], strides = [1, 1]} : vector<1408x2048xf32> to vector<8x2048xf32>
    %gt3A_1119 = arith.cmpf ogt, %slice3A_1118, %max3A_1114 : vector<8x2048xf32>
    %max3A_1120 = arith.maximumf %max3A_1114, %slice3A_1118 : vector<8x2048xf32>
    %jit3A_1121 = arith.constant 1.630000e+02 : f32
    %broadcast_in_dim3A_1122 = vector.broadcast %jit3A_1121 : f32 to vector<8x2048xf32>
    %select_n3A_1123 = arith.select %gt3A_1119, %broadcast_in_dim3A_1122, %select_n3A_1117 : vector<8x2048xi1>, vector<8x2048xf32>
    %slice3A_1124 = vector.extract_strided_slice %dot_general3A_67 {offsets = [1312, 0], sizes = [8, 2048], strides = [1, 1]} : vector<1408x2048xf32> to vector<8x2048xf32>
    %gt3A_1125 = arith.cmpf ogt, %slice3A_1124, %max3A_1120 : vector<8x2048xf32>
    %max3A_1126 = arith.maximumf %max3A_1120, %slice3A_1124 : vector<8x2048xf32>
    %jit3A_1127 = arith.constant 1.640000e+02 : f32
    %broadcast_in_dim3A_1128 = vector.broadcast %jit3A_1127 : f32 to vector<8x2048xf32>
    %select_n3A_1129 = arith.select %gt3A_1125, %broadcast_in_dim3A_1128, %select_n3A_1123 : vector<8x2048xi1>, vector<8x2048xf32>
    %slice3A_1130 = vector.extract_strided_slice %dot_general3A_67 {offsets = [1320, 0], sizes = [8, 2048], strides = [1, 1]} : vector<1408x2048xf32> to vector<8x2048xf32>
    %gt3A_1131 = arith.cmpf ogt, %slice3A_1130, %max3A_1126 : vector<8x2048xf32>
    %max3A_1132 = arith.maximumf %max3A_1126, %slice3A_1130 : vector<8x2048xf32>
    %jit3A_1133 = arith.constant 1.650000e+02 : f32
    %broadcast_in_dim3A_1134 = vector.broadcast %jit3A_1133 : f32 to vector<8x2048xf32>
    %select_n3A_1135 = arith.select %gt3A_1131, %broadcast_in_dim3A_1134, %select_n3A_1129 : vector<8x2048xi1>, vector<8x2048xf32>
    %slice3A_1136 = vector.extract_strided_slice %dot_general3A_67 {offsets = [1328, 0], sizes = [8, 2048], strides = [1, 1]} : vector<1408x2048xf32> to vector<8x2048xf32>
    %gt3A_1137 = arith.cmpf ogt, %slice3A_1136, %max3A_1132 : vector<8x2048xf32>
    %max3A_1138 = arith.maximumf %max3A_1132, %slice3A_1136 : vector<8x2048xf32>
    %jit3A_1139 = arith.constant 1.660000e+02 : f32
    %broadcast_in_dim3A_1140 = vector.broadcast %jit3A_1139 : f32 to vector<8x2048xf32>
    %select_n3A_1141 = arith.select %gt3A_1137, %broadcast_in_dim3A_1140, %select_n3A_1135 : vector<8x2048xi1>, vector<8x2048xf32>
    %slice3A_1142 = vector.extract_strided_slice %dot_general3A_67 {offsets = [1336, 0], sizes = [8, 2048], strides = [1, 1]} : vector<1408x2048xf32> to vector<8x2048xf32>
    %gt3A_1143 = arith.cmpf ogt, %slice3A_1142, %max3A_1138 : vector<8x2048xf32>
    %max3A_1144 = arith.maximumf %max3A_1138, %slice3A_1142 : vector<8x2048xf32>
    %jit3A_1145 = arith.constant 1.670000e+02 : f32
    %broadcast_in_dim3A_1146 = vector.broadcast %jit3A_1145 : f32 to vector<8x2048xf32>
    %select_n3A_1147 = arith.select %gt3A_1143, %broadcast_in_dim3A_1146, %select_n3A_1141 : vector<8x2048xi1>, vector<8x2048xf32>
    %slice3A_1148 = vector.extract_strided_slice %dot_general3A_67 {offsets = [1344, 0], sizes = [8, 2048], strides = [1, 1]} : vector<1408x2048xf32> to vector<8x2048xf32>
    %gt3A_1149 = arith.cmpf ogt, %slice3A_1148, %max3A_1144 : vector<8x2048xf32>
    %max3A_1150 = arith.maximumf %max3A_1144, %slice3A_1148 : vector<8x2048xf32>
    %jit3A_1151 = arith.constant 1.680000e+02 : f32
    %broadcast_in_dim3A_1152 = vector.broadcast %jit3A_1151 : f32 to vector<8x2048xf32>
    %select_n3A_1153 = arith.select %gt3A_1149, %broadcast_in_dim3A_1152, %select_n3A_1147 : vector<8x2048xi1>, vector<8x2048xf32>
    %slice3A_1154 = vector.extract_strided_slice %dot_general3A_67 {offsets = [1352, 0], sizes = [8, 2048], strides = [1, 1]} : vector<1408x2048xf32> to vector<8x2048xf32>
    %gt3A_1155 = arith.cmpf ogt, %slice3A_1154, %max3A_1150 : vector<8x2048xf32>
    %max3A_1156 = arith.maximumf %max3A_1150, %slice3A_1154 : vector<8x2048xf32>
    %jit3A_1157 = arith.constant 1.690000e+02 : f32
    %broadcast_in_dim3A_1158 = vector.broadcast %jit3A_1157 : f32 to vector<8x2048xf32>
    %select_n3A_1159 = arith.select %gt3A_1155, %broadcast_in_dim3A_1158, %select_n3A_1153 : vector<8x2048xi1>, vector<8x2048xf32>
    %slice3A_1160 = vector.extract_strided_slice %dot_general3A_67 {offsets = [1360, 0], sizes = [8, 2048], strides = [1, 1]} : vector<1408x2048xf32> to vector<8x2048xf32>
    %gt3A_1161 = arith.cmpf ogt, %slice3A_1160, %max3A_1156 : vector<8x2048xf32>
    %max3A_1162 = arith.maximumf %max3A_1156, %slice3A_1160 : vector<8x2048xf32>
    %jit3A_1163 = arith.constant 1.700000e+02 : f32
    %broadcast_in_dim3A_1164 = vector.broadcast %jit3A_1163 : f32 to vector<8x2048xf32>
    %select_n3A_1165 = arith.select %gt3A_1161, %broadcast_in_dim3A_1164, %select_n3A_1159 : vector<8x2048xi1>, vector<8x2048xf32>
    %slice3A_1166 = vector.extract_strided_slice %dot_general3A_67 {offsets = [1368, 0], sizes = [8, 2048], strides = [1, 1]} : vector<1408x2048xf32> to vector<8x2048xf32>
    %gt3A_1167 = arith.cmpf ogt, %slice3A_1166, %max3A_1162 : vector<8x2048xf32>
    %max3A_1168 = arith.maximumf %max3A_1162, %slice3A_1166 : vector<8x2048xf32>
    %jit3A_1169 = arith.constant 1.710000e+02 : f32
    %broadcast_in_dim3A_1170 = vector.broadcast %jit3A_1169 : f32 to vector<8x2048xf32>
    %select_n3A_1171 = arith.select %gt3A_1167, %broadcast_in_dim3A_1170, %select_n3A_1165 : vector<8x2048xi1>, vector<8x2048xf32>
    %slice3A_1172 = vector.extract_strided_slice %dot_general3A_67 {offsets = [1376, 0], sizes = [8, 2048], strides = [1, 1]} : vector<1408x2048xf32> to vector<8x2048xf32>
    %gt3A_1173 = arith.cmpf ogt, %slice3A_1172, %max3A_1168 : vector<8x2048xf32>
    %max3A_1174 = arith.maximumf %max3A_1168, %slice3A_1172 : vector<8x2048xf32>
    %jit3A_1175 = arith.constant 1.720000e+02 : f32
    %broadcast_in_dim3A_1176 = vector.broadcast %jit3A_1175 : f32 to vector<8x2048xf32>
    %select_n3A_1177 = arith.select %gt3A_1173, %broadcast_in_dim3A_1176, %select_n3A_1171 : vector<8x2048xi1>, vector<8x2048xf32>
    %slice3A_1178 = vector.extract_strided_slice %dot_general3A_67 {offsets = [1384, 0], sizes = [8, 2048], strides = [1, 1]} : vector<1408x2048xf32> to vector<8x2048xf32>
    %gt3A_1179 = arith.cmpf ogt, %slice3A_1178, %max3A_1174 : vector<8x2048xf32>
    %max3A_1180 = arith.maximumf %max3A_1174, %slice3A_1178 : vector<8x2048xf32>
    %jit3A_1181 = arith.constant 1.730000e+02 : f32
    %broadcast_in_dim3A_1182 = vector.broadcast %jit3A_1181 : f32 to vector<8x2048xf32>
    %select_n3A_1183 = arith.select %gt3A_1179, %broadcast_in_dim3A_1182, %select_n3A_1177 : vector<8x2048xi1>, vector<8x2048xf32>
    %slice3A_1184 = vector.extract_strided_slice %dot_general3A_67 {offsets = [1392, 0], sizes = [8, 2048], strides = [1, 1]} : vector<1408x2048xf32> to vector<8x2048xf32>
    %gt3A_1185 = arith.cmpf ogt, %slice3A_1184, %max3A_1180 : vector<8x2048xf32>
    %max3A_1186 = arith.maximumf %max3A_1180, %slice3A_1184 : vector<8x2048xf32>
    %jit3A_1187 = arith.constant 1.740000e+02 : f32
    %broadcast_in_dim3A_1188 = vector.broadcast %jit3A_1187 : f32 to vector<8x2048xf32>
    %select_n3A_1189 = arith.select %gt3A_1185, %broadcast_in_dim3A_1188, %select_n3A_1183 : vector<8x2048xi1>, vector<8x2048xf32>
    %slice3A_1190 = vector.extract_strided_slice %dot_general3A_67 {offsets = [1400, 0], sizes = [8, 2048], strides = [1, 1]} : vector<1408x2048xf32> to vector<8x2048xf32>
    %gt3A_1191 = arith.cmpf ogt, %slice3A_1190, %max3A_1186 : vector<8x2048xf32>
    %max3A_1192 = arith.maximumf %max3A_1186, %slice3A_1190 : vector<8x2048xf32>
    %jit3A_1193 = arith.constant 1.750000e+02 : f32
    %broadcast_in_dim3A_1194 = vector.broadcast %jit3A_1193 : f32 to vector<8x2048xf32>
    %select_n3A_1195 = arith.select %gt3A_1191, %broadcast_in_dim3A_1194, %select_n3A_1189 : vector<8x2048xi1>, vector<8x2048xf32>
    %mul3A_1196 = arith.constant 8.000000e+00 : f32
    %mul3A_1197 = vector.broadcast %mul3A_1196 : f32 to vector<8x2048xf32>
    %mul3A_1198 = arith.mulf %select_n3A_1195, %mul3A_1197 : vector<8x2048xf32>
    %add3A_1199 = arith.addf %mul3A_1198, %convert_element_type3A_145 : vector<8x2048xf32>
    %slice3A_1200 = vector.extract_strided_slice %max3A_1192 {offsets = [4, 0], sizes = [4, 2048], strides = [1, 1]} : vector<8x2048xf32> to vector<4x2048xf32>
    %slice3A_1201 = vector.extract_strided_slice %max3A_1192 {offsets = [0, 0], sizes = [4, 2048], strides = [1, 1]} : vector<8x2048xf32> to vector<4x2048xf32>
    %concatenate3A_1202 = tpu.concatenate %slice3A_1200, %slice3A_1201 in 0 : vector<4x2048xf32>, vector<4x2048xf32> -> vector<8x2048xf32>
    %slice3A_1203 = vector.extract_strided_slice %add3A_1199 {offsets = [4, 0], sizes = [4, 2048], strides = [1, 1]} : vector<8x2048xf32> to vector<4x2048xf32>
    %slice3A_1204 = vector.extract_strided_slice %add3A_1199 {offsets = [0, 0], sizes = [4, 2048], strides = [1, 1]} : vector<8x2048xf32> to vector<4x2048xf32>
    %concatenate3A_1205 = tpu.concatenate %slice3A_1203, %slice3A_1204 in 0 : vector<4x2048xf32>, vector<4x2048xf32> -> vector<8x2048xf32>
    %gt3A_1206 = arith.cmpf ogt, %concatenate3A_1202, %max3A_1192 : vector<8x2048xf32>
    %eq3A_1207 = arith.cmpf oeq, %concatenate3A_1202, %max3A_1192 : vector<8x2048xf32>
    %lt3A_1208 = arith.cmpf olt, %concatenate3A_1205, %add3A_1199 : vector<8x2048xf32>
    %and3A_1209 = arith.andi %eq3A_1207, %lt3A_1208 : vector<8x2048xi1>
    %or3A = arith.ori %gt3A_1206, %and3A_1209 : vector<8x2048xi1>
    %select_n3A_1210 = arith.select %or3A, %concatenate3A_1202, %max3A_1192 : vector<8x2048xi1>, vector<8x2048xf32>
    %select_n3A_1211 = arith.select %or3A, %concatenate3A_1205, %add3A_1199 : vector<8x2048xi1>, vector<8x2048xf32>
    %slice3A_1212 = vector.extract_strided_slice %select_n3A_1210 {offsets = [2, 0], sizes = [6, 2048], strides = [1, 1]} : vector<8x2048xf32> to vector<6x2048xf32>
    %slice3A_1213 = vector.extract_strided_slice %select_n3A_1210 {offsets = [0, 0], sizes = [2, 2048], strides = [1, 1]} : vector<8x2048xf32> to vector<2x2048xf32>
    %concatenate3A_1214 = tpu.concatenate %slice3A_1212, %slice3A_1213 in 0 : vector<6x2048xf32>, vector<2x2048xf32> -> vector<8x2048xf32>
    %slice3A_1215 = vector.extract_strided_slice %select_n3A_1211 {offsets = [2, 0], sizes = [6, 2048], strides = [1, 1]} : vector<8x2048xf32> to vector<6x2048xf32>
    %slice3A_1216 = vector.extract_strided_slice %select_n3A_1211 {offsets = [0, 0], sizes = [2, 2048], strides = [1, 1]} : vector<8x2048xf32> to vector<2x2048xf32>
    %concatenate3A_1217 = tpu.concatenate %slice3A_1215, %slice3A_1216 in 0 : vector<6x2048xf32>, vector<2x2048xf32> -> vector<8x2048xf32>
    %gt3A_1218 = arith.cmpf ogt, %concatenate3A_1214, %select_n3A_1210 : vector<8x2048xf32>
    %eq3A_1219 = arith.cmpf oeq, %concatenate3A_1214, %select_n3A_1210 : vector<8x2048xf32>
    %lt3A_1220 = arith.cmpf olt, %concatenate3A_1217, %select_n3A_1211 : vector<8x2048xf32>
    %and3A_1221 = arith.andi %eq3A_1219, %lt3A_1220 : vector<8x2048xi1>
    %or3A_1222 = arith.ori %gt3A_1218, %and3A_1221 : vector<8x2048xi1>
    %select_n3A_1223 = arith.select %or3A_1222, %concatenate3A_1214, %select_n3A_1210 : vector<8x2048xi1>, vector<8x2048xf32>
    %select_n3A_1224 = arith.select %or3A_1222, %concatenate3A_1217, %select_n3A_1211 : vector<8x2048xi1>, vector<8x2048xf32>
    %slice3A_1225 = vector.extract_strided_slice %select_n3A_1223 {offsets = [1, 0], sizes = [7, 2048], strides = [1, 1]} : vector<8x2048xf32> to vector<7x2048xf32>
    %slice3A_1226 = vector.extract_strided_slice %select_n3A_1223 {offsets = [0, 0], sizes = [1, 2048], strides = [1, 1]} : vector<8x2048xf32> to vector<1x2048xf32>
    %concatenate3A_1227 = tpu.concatenate %slice3A_1225, %slice3A_1226 in 0 : vector<7x2048xf32>, vector<1x2048xf32> -> vector<8x2048xf32>
    %slice3A_1228 = vector.extract_strided_slice %select_n3A_1224 {offsets = [1, 0], sizes = [7, 2048], strides = [1, 1]} : vector<8x2048xf32> to vector<7x2048xf32>
    %slice3A_1229 = vector.extract_strided_slice %select_n3A_1224 {offsets = [0, 0], sizes = [1, 2048], strides = [1, 1]} : vector<8x2048xf32> to vector<1x2048xf32>
    %concatenate3A_1230 = tpu.concatenate %slice3A_1228, %slice3A_1229 in 0 : vector<7x2048xf32>, vector<1x2048xf32> -> vector<8x2048xf32>
    %gt3A_1231 = arith.cmpf ogt, %concatenate3A_1227, %select_n3A_1223 : vector<8x2048xf32>
    %eq3A_1232 = arith.cmpf oeq, %concatenate3A_1227, %select_n3A_1223 : vector<8x2048xf32>
    %lt3A_1233 = arith.cmpf olt, %concatenate3A_1230, %select_n3A_1224 : vector<8x2048xf32>
    %and3A_1234 = arith.andi %eq3A_1232, %lt3A_1233 : vector<8x2048xi1>
    %or3A_1235 = arith.ori %gt3A_1231, %and3A_1234 : vector<8x2048xi1>
    %select_n3A_1236 = arith.select %or3A_1235, %concatenate3A_1230, %select_n3A_1224 : vector<8x2048xi1>, vector<8x2048xf32>
    %slice3A_1237 = vector.extract_strided_slice %select_n3A_1236 {offsets = [0, 0], sizes = [1, 2048], strides = [1, 1]} : vector<8x2048xf32> to vector<1x2048xf32>
    %convert_element_type3A_1238 = arith.fptosi %slice3A_1237 : vector<1x2048xf32> to vector<1x2048xi32>
    %shift_left3A = arith.constant 8 : i32
    %shift_left3A_1239 = vector.broadcast %shift_left3A : i32 to vector<1x2048xi32>
    %shift_left3A_1240 = arith.shli %convert_element_type3A_1238, %shift_left3A_1239 : vector<1x2048xi32>
    %or3A_1241 = arith.ori %shift_left3A_1240, %xor3A_62 : vector<1x2048xi32>
    %reshape3A = vector.shape_cast %or3A_1241 : vector<1x2048xi32> to vector<1x1x2048xi32>
    %swap3A = arith.constant 0 : index
    %swap3A_1242 = arith.constant 0 : index
    %swap3A_1243 = arith.constant 0 : index
    %swap3A_1244 = vector.load %arg3[%swap3A, %swap3A_1242, %swap3A_1243] : memref<1x1x2048xi32, #tpu.memory_space<vmem>>, vector<1x1x2048xi32>
    tpu.vector_store %arg3[%swap3A, %swap3A_1242, %swap3A_1243], %reshape3A {strides = array<i32>} : memref<1x1x2048xi32, #tpu.memory_space<vmem>>, vector<1x1x2048xi32>,
    %slice3A_1245 = vector.extract_strided_slice %dot_general3A_143 {offsets = [0, 0], sizes = [8, 2048], strides = [1, 1]} : vector<1408x2048xf32> to vector<8x2048xf32>
    %broadcast_in_dim3A_1246 = arith.constant 0.000000e+00 : f32
    %broadcast_in_dim3A_1247 = vector.broadcast %broadcast_in_dim3A_1246 : f32 to vector<8x2048xf32>
    %slice3A_1248 = vector.extract_strided_slice %dot_general3A_143 {offsets = [8, 0], sizes = [8, 2048], strides = [1, 1]} : vector<1408x2048xf32> to vector<8x2048xf32>
    %gt3A_1249 = arith.cmpf ogt, %slice3A_1248, %slice3A_1245 : vector<8x2048xf32>
    %max3A_1250 = arith.maximumf %slice3A_1245, %slice3A_1248 : vector<8x2048xf32>
    %jit3A_1251 = arith.constant 1.000000e+00 : f32
    %broadcast_in_dim3A_1252 = vector.broadcast %jit3A_1251 : f32 to vector<8x2048xf32>
    %select_n3A_1253 = arith.select %gt3A_1249, %broadcast_in_dim3A_1252, %broadcast_in_dim3A_1247 : vector<8x2048xi1>, vector<8x2048xf32>
    %slice3A_1254 = vector.extract_strided_slice %dot_general3A_143 {offsets = [16, 0], sizes = [8, 2048], strides = [1, 1]} : vector<1408x2048xf32> to vector<8x2048xf32>
    %gt3A_1255 = arith.cmpf ogt, %slice3A_1254, %max3A_1250 : vector<8x2048xf32>
    %max3A_1256 = arith.maximumf %max3A_1250, %slice3A_1254 : vector<8x2048xf32>
    %jit3A_1257 = arith.constant 2.000000e+00 : f32
    %broadcast_in_dim3A_1258 = vector.broadcast %jit3A_1257 : f32 to vector<8x2048xf32>
    %select_n3A_1259 = arith.select %gt3A_1255, %broadcast_in_dim3A_1258, %select_n3A_1253 : vector<8x2048xi1>, vector<8x2048xf32>
    %slice3A_1260 = vector.extract_strided_slice %dot_general3A_143 {offsets = [24, 0], sizes = [8, 2048], strides = [1, 1]} : vector<1408x2048xf32> to vector<8x2048xf32>
    %gt3A_1261 = arith.cmpf ogt, %slice3A_1260, %max3A_1256 : vector<8x2048xf32>
    %max3A_1262 = arith.maximumf %max3A_1256, %slice3A_1260 : vector<8x2048xf32>
    %jit3A_1263 = arith.constant 3.000000e+00 : f32
    %broadcast_in_dim3A_1264 = vector.broadcast %jit3A_1263 : f32 to vector<8x2048xf32>
    %select_n3A_1265 = arith.select %gt3A_1261, %broadcast_in_dim3A_1264, %select_n3A_1259 : vector<8x2048xi1>, vector<8x2048xf32>
    %slice3A_1266 = vector.extract_strided_slice %dot_general3A_143 {offsets = [32, 0], sizes = [8, 2048], strides = [1, 1]} : vector<1408x2048xf32> to vector<8x2048xf32>
    %gt3A_1267 = arith.cmpf ogt, %slice3A_1266, %max3A_1262 : vector<8x2048xf32>
    %max3A_1268 = arith.maximumf %max3A_1262, %slice3A_1266 : vector<8x2048xf32>
    %jit3A_1269 = arith.constant 4.000000e+00 : f32
    %broadcast_in_dim3A_1270 = vector.broadcast %jit3A_1269 : f32 to vector<8x2048xf32>
    %select_n3A_1271 = arith.select %gt3A_1267, %broadcast_in_dim3A_1270, %select_n3A_1265 : vector<8x2048xi1>, vector<8x2048xf32>
    %slice3A_1272 = vector.extract_strided_slice %dot_general3A_143 {offsets = [40, 0], sizes = [8, 2048], strides = [1, 1]} : vector<1408x2048xf32> to vector<8x2048xf32>
    %gt3A_1273 = arith.cmpf ogt, %slice3A_1272, %max3A_1268 : vector<8x2048xf32>
    %max3A_1274 = arith.maximumf %max3A_1268, %slice3A_1272 : vector<8x2048xf32>
    %jit3A_1275 = arith.constant 5.000000e+00 : f32
    %broadcast_in_dim3A_1276 = vector.broadcast %jit3A_1275 : f32 to vector<8x2048xf32>
    %select_n3A_1277 = arith.select %gt3A_1273, %broadcast_in_dim3A_1276, %select_n3A_1271 : vector<8x2048xi1>, vector<8x2048xf32>
    %slice3A_1278 = vector.extract_strided_slice %dot_general3A_143 {offsets = [48, 0], sizes = [8, 2048], strides = [1, 1]} : vector<1408x2048xf32> to vector<8x2048xf32>
    %gt3A_1279 = arith.cmpf ogt, %slice3A_1278, %max3A_1274 : vector<8x2048xf32>
    %max3A_1280 = arith.maximumf %max3A_1274, %slice3A_1278 : vector<8x2048xf32>
    %jit3A_1281 = arith.constant 6.000000e+00 : f32
    %broadcast_in_dim3A_1282 = vector.broadcast %jit3A_1281 : f32 to vector<8x2048xf32>
    %select_n3A_1283 = arith.select %gt3A_1279, %broadcast_in_dim3A_1282, %select_n3A_1277 : vector<8x2048xi1>, vector<8x2048xf32>
    %slice3A_1284 = vector.extract_strided_slice %dot_general3A_143 {offsets = [56, 0], sizes = [8, 2048], strides = [1, 1]} : vector<1408x2048xf32> to vector<8x2048xf32>
    %gt3A_1285 = arith.cmpf ogt, %slice3A_1284, %max3A_1280 : vector<8x2048xf32>
    %max3A_1286 = arith.maximumf %max3A_1280, %slice3A_1284 : vector<8x2048xf32>
    %jit3A_1287 = arith.constant 7.000000e+00 : f32
    %broadcast_in_dim3A_1288 = vector.broadcast %jit3A_1287 : f32 to vector<8x2048xf32>
    %select_n3A_1289 = arith.select %gt3A_1285, %broadcast_in_dim3A_1288, %select_n3A_1283 : vector<8x2048xi1>, vector<8x2048xf32>
    %slice3A_1290 = vector.extract_strided_slice %dot_general3A_143 {offsets = [64, 0], sizes = [8, 2048], strides = [1, 1]} : vector<1408x2048xf32> to vector<8x2048xf32>
    %gt3A_1291 = arith.cmpf ogt, %slice3A_1290, %max3A_1286 : vector<8x2048xf32>
    %max3A_1292 = arith.maximumf %max3A_1286, %slice3A_1290 : vector<8x2048xf32>
    %jit3A_1293 = arith.constant 8.000000e+00 : f32
    %broadcast_in_dim3A_1294 = vector.broadcast %jit3A_1293 : f32 to vector<8x2048xf32>
    %select_n3A_1295 = arith.select %gt3A_1291, %broadcast_in_dim3A_1294, %select_n3A_1289 : vector<8x2048xi1>, vector<8x2048xf32>
    %slice3A_1296 = vector.extract_strided_slice %dot_general3A_143 {offsets = [72, 0], sizes = [8, 2048], strides = [1, 1]} : vector<1408x2048xf32> to vector<8x2048xf32>
    %gt3A_1297 = arith.cmpf ogt, %slice3A_1296, %max3A_1292 : vector<8x2048xf32>
    %max3A_1298 = arith.maximumf %max3A_1292, %slice3A_1296 : vector<8x2048xf32>
    %jit3A_1299 = arith.constant 9.000000e+00 : f32
    %broadcast_in_dim3A_1300 = vector.broadcast %jit3A_1299 : f32 to vector<8x2048xf32>
    %select_n3A_1301 = arith.select %gt3A_1297, %broadcast_in_dim3A_1300, %select_n3A_1295 : vector<8x2048xi1>, vector<8x2048xf32>
    %slice3A_1302 = vector.extract_strided_slice %dot_general3A_143 {offsets = [80, 0], sizes = [8, 2048], strides = [1, 1]} : vector<1408x2048xf32> to vector<8x2048xf32>
    %gt3A_1303 = arith.cmpf ogt, %slice3A_1302, %max3A_1298 : vector<8x2048xf32>
    %max3A_1304 = arith.maximumf %max3A_1298, %slice3A_1302 : vector<8x2048xf32>
    %jit3A_1305 = arith.constant 1.000000e+01 : f32
    %broadcast_in_dim3A_1306 = vector.broadcast %jit3A_1305 : f32 to vector<8x2048xf32>
    %select_n3A_1307 = arith.select %gt3A_1303, %broadcast_in_dim3A_1306, %select_n3A_1301 : vector<8x2048xi1>, vector<8x2048xf32>
    %slice3A_1308 = vector.extract_strided_slice %dot_general3A_143 {offsets = [88, 0], sizes = [8, 2048], strides = [1, 1]} : vector<1408x2048xf32> to vector<8x2048xf32>
    %gt3A_1309 = arith.cmpf ogt, %slice3A_1308, %max3A_1304 : vector<8x2048xf32>
    %max3A_1310 = arith.maximumf %max3A_1304, %slice3A_1308 : vector<8x2048xf32>
    %jit3A_1311 = arith.constant 1.100000e+01 : f32
    %broadcast_in_dim3A_1312 = vector.broadcast %jit3A_1311 : f32 to vector<8x2048xf32>
    %select_n3A_1313 = arith.select %gt3A_1309, %broadcast_in_dim3A_1312, %select_n3A_1307 : vector<8x2048xi1>, vector<8x2048xf32>
    %slice3A_1314 = vector.extract_strided_slice %dot_general3A_143 {offsets = [96, 0], sizes = [8, 2048], strides = [1, 1]} : vector<1408x2048xf32> to vector<8x2048xf32>
    %gt3A_1315 = arith.cmpf ogt, %slice3A_1314, %max3A_1310 : vector<8x2048xf32>
    %max3A_1316 = arith.maximumf %max3A_1310, %slice3A_1314 : vector<8x2048xf32>
    %jit3A_1317 = arith.constant 1.200000e+01 : f32
    %broadcast_in_dim3A_1318 = vector.broadcast %jit3A_1317 : f32 to vector<8x2048xf32>
    %select_n3A_1319 = arith.select %gt3A_1315, %broadcast_in_dim3A_1318, %select_n3A_1313 : vector<8x2048xi1>, vector<8x2048xf32>
    %slice3A_1320 = vector.extract_strided_slice %dot_general3A_143 {offsets = [104, 0], sizes = [8, 2048], strides = [1, 1]} : vector<1408x2048xf32> to vector<8x2048xf32>
    %gt3A_1321 = arith.cmpf ogt, %slice3A_1320, %max3A_1316 : vector<8x2048xf32>
    %max3A_1322 = arith.maximumf %max3A_1316, %slice3A_1320 : vector<8x2048xf32>
    %jit3A_1323 = arith.constant 1.300000e+01 : f32
    %broadcast_in_dim3A_1324 = vector.broadcast %jit3A_1323 : f32 to vector<8x2048xf32>
    %select_n3A_1325 = arith.select %gt3A_1321, %broadcast_in_dim3A_1324, %select_n3A_1319 : vector<8x2048xi1>, vector<8x2048xf32>
    %slice3A_1326 = vector.extract_strided_slice %dot_general3A_143 {offsets = [112, 0], sizes = [8, 2048], strides = [1, 1]} : vector<1408x2048xf32> to vector<8x2048xf32>
    %gt3A_1327 = arith.cmpf ogt, %slice3A_1326, %max3A_1322 : vector<8x2048xf32>
    %max3A_1328 = arith.maximumf %max3A_1322, %slice3A_1326 : vector<8x2048xf32>
    %jit3A_1329 = arith.constant 1.400000e+01 : f32
    %broadcast_in_dim3A_1330 = vector.broadcast %jit3A_1329 : f32 to vector<8x2048xf32>
    %select_n3A_1331 = arith.select %gt3A_1327, %broadcast_in_dim3A_1330, %select_n3A_1325 : vector<8x2048xi1>, vector<8x2048xf32>
    %slice3A_1332 = vector.extract_strided_slice %dot_general3A_143 {offsets = [120, 0], sizes = [8, 2048], strides = [1, 1]} : vector<1408x2048xf32> to vector<8x2048xf32>
    %gt3A_1333 = arith.cmpf ogt, %slice3A_1332, %max3A_1328 : vector<8x2048xf32>
    %max3A_1334 = arith.maximumf %max3A_1328, %slice3A_1332 : vector<8x2048xf32>
    %jit3A_1335 = arith.constant 1.500000e+01 : f32
    %broadcast_in_dim3A_1336 = vector.broadcast %jit3A_1335 : f32 to vector<8x2048xf32>
    %select_n3A_1337 = arith.select %gt3A_1333, %broadcast_in_dim3A_1336, %select_n3A_1331 : vector<8x2048xi1>, vector<8x2048xf32>
    %slice3A_1338 = vector.extract_strided_slice %dot_general3A_143 {offsets = [128, 0], sizes = [8, 2048], strides = [1, 1]} : vector<1408x2048xf32> to vector<8x2048xf32>
    %gt3A_1339 = arith.cmpf ogt, %slice3A_1338, %max3A_1334 : vector<8x2048xf32>
    %max3A_1340 = arith.maximumf %max3A_1334, %slice3A_1338 : vector<8x2048xf32>
    %jit3A_1341 = arith.constant 1.600000e+01 : f32
    %broadcast_in_dim3A_1342 = vector.broadcast %jit3A_1341 : f32 to vector<8x2048xf32>
    %select_n3A_1343 = arith.select %gt3A_1339, %broadcast_in_dim3A_1342, %select_n3A_1337 : vector<8x2048xi1>, vector<8x2048xf32>
    %slice3A_1344 = vector.extract_strided_slice %dot_general3A_143 {offsets = [136, 0], sizes = [8, 2048], strides = [1, 1]} : vector<1408x2048xf32> to vector<8x2048xf32>
    %gt3A_1345 = arith.cmpf ogt, %slice3A_1344, %max3A_1340 : vector<8x2048xf32>
    %max3A_1346 = arith.maximumf %max3A_1340, %slice3A_1344 : vector<8x2048xf32>
    %jit3A_1347 = arith.constant 1.700000e+01 : f32
    %broadcast_in_dim3A_1348 = vector.broadcast %jit3A_1347 : f32 to vector<8x2048xf32>
    %select_n3A_1349 = arith.select %gt3A_1345, %broadcast_in_dim3A_1348, %select_n3A_1343 : vector<8x2048xi1>, vector<8x2048xf32>
    %slice3A_1350 = vector.extract_strided_slice %dot_general3A_143 {offsets = [144, 0], sizes = [8, 2048], strides = [1, 1]} : vector<1408x2048xf32> to vector<8x2048xf32>
    %gt3A_1351 = arith.cmpf ogt, %slice3A_1350, %max3A_1346 : vector<8x2048xf32>
    %max3A_1352 = arith.maximumf %max3A_1346, %slice3A_1350 : vector<8x2048xf32>
    %jit3A_1353 = arith.constant 1.800000e+01 : f32
    %broadcast_in_dim3A_1354 = vector.broadcast %jit3A_1353 : f32 to vector<8x2048xf32>
    %select_n3A_1355 = arith.select %gt3A_1351, %broadcast_in_dim3A_1354, %select_n3A_1349 : vector<8x2048xi1>, vector<8x2048xf32>
    %slice3A_1356 = vector.extract_strided_slice %dot_general3A_143 {offsets = [152, 0], sizes = [8, 2048], strides = [1, 1]} : vector<1408x2048xf32> to vector<8x2048xf32>
    %gt3A_1357 = arith.cmpf ogt, %slice3A_1356, %max3A_1352 : vector<8x2048xf32>
    %max3A_1358 = arith.maximumf %max3A_1352, %slice3A_1356 : vector<8x2048xf32>
    %jit3A_1359 = arith.constant 1.900000e+01 : f32
    %broadcast_in_dim3A_1360 = vector.broadcast %jit3A_1359 : f32 to vector<8x2048xf32>
    %select_n3A_1361 = arith.select %gt3A_1357, %broadcast_in_dim3A_1360, %select_n3A_1355 : vector<8x2048xi1>, vector<8x2048xf32>
    %slice3A_1362 = vector.extract_strided_slice %dot_general3A_143 {offsets = [160, 0], sizes = [8, 2048], strides = [1, 1]} : vector<1408x2048xf32> to vector<8x2048xf32>
    %gt3A_1363 = arith.cmpf ogt, %slice3A_1362, %max3A_1358 : vector<8x2048xf32>
    %max3A_1364 = arith.maximumf %max3A_1358, %slice3A_1362 : vector<8x2048xf32>
    %jit3A_1365 = arith.constant 2.000000e+01 : f32
    %broadcast_in_dim3A_1366 = vector.broadcast %jit3A_1365 : f32 to vector<8x2048xf32>
    %select_n3A_1367 = arith.select %gt3A_1363, %broadcast_in_dim3A_1366, %select_n3A_1361 : vector<8x2048xi1>, vector<8x2048xf32>
    %slice3A_1368 = vector.extract_strided_slice %dot_general3A_143 {offsets = [168, 0], sizes = [8, 2048], strides = [1, 1]} : vector<1408x2048xf32> to vector<8x2048xf32>
    %gt3A_1369 = arith.cmpf ogt, %slice3A_1368, %max3A_1364 : vector<8x2048xf32>
    %max3A_1370 = arith.maximumf %max3A_1364, %slice3A_1368 : vector<8x2048xf32>
    %jit3A_1371 = arith.constant 2.100000e+01 : f32
    %broadcast_in_dim3A_1372 = vector.broadcast %jit3A_1371 : f32 to vector<8x2048xf32>
    %select_n3A_1373 = arith.select %gt3A_1369, %broadcast_in_dim3A_1372, %select_n3A_1367 : vector<8x2048xi1>, vector<8x2048xf32>
    %slice3A_1374 = vector.extract_strided_slice %dot_general3A_143 {offsets = [176, 0], sizes = [8, 2048], strides = [1, 1]} : vector<1408x2048xf32> to vector<8x2048xf32>
    %gt3A_1375 = arith.cmpf ogt, %slice3A_1374, %max3A_1370 : vector<8x2048xf32>
    %max3A_1376 = arith.maximumf %max3A_1370, %slice3A_1374 : vector<8x2048xf32>
    %jit3A_1377 = arith.constant 2.200000e+01 : f32
    %broadcast_in_dim3A_1378 = vector.broadcast %jit3A_1377 : f32 to vector<8x2048xf32>
    %select_n3A_1379 = arith.select %gt3A_1375, %broadcast_in_dim3A_1378, %select_n3A_1373 : vector<8x2048xi1>, vector<8x2048xf32>
    %slice3A_1380 = vector.extract_strided_slice %dot_general3A_143 {offsets = [184, 0], sizes = [8, 2048], strides = [1, 1]} : vector<1408x2048xf32> to vector<8x2048xf32>
    %gt3A_1381 = arith.cmpf ogt, %slice3A_1380, %max3A_1376 : vector<8x2048xf32>
    %max3A_1382 = arith.maximumf %max3A_1376, %slice3A_1380 : vector<8x2048xf32>
    %jit3A_1383 = arith.constant 2.300000e+01 : f32
    %broadcast_in_dim3A_1384 = vector.broadcast %jit3A_1383 : f32 to vector<8x2048xf32>
    %select_n3A_1385 = arith.select %gt3A_1381, %broadcast_in_dim3A_1384, %select_n3A_1379 : vector<8x2048xi1>, vector<8x2048xf32>
    %slice3A_1386 = vector.extract_strided_slice %dot_general3A_143 {offsets = [192, 0], sizes = [8, 2048], strides = [1, 1]} : vector<1408x2048xf32> to vector<8x2048xf32>
    %gt3A_1387 = arith.cmpf ogt, %slice3A_1386, %max3A_1382 : vector<8x2048xf32>
    %max3A_1388 = arith.maximumf %max3A_1382, %slice3A_1386 : vector<8x2048xf32>
    %jit3A_1389 = arith.constant 2.400000e+01 : f32
    %broadcast_in_dim3A_1390 = vector.broadcast %jit3A_1389 : f32 to vector<8x2048xf32>
    %select_n3A_1391 = arith.select %gt3A_1387, %broadcast_in_dim3A_1390, %select_n3A_1385 : vector<8x2048xi1>, vector<8x2048xf32>
    %slice3A_1392 = vector.extract_strided_slice %dot_general3A_143 {offsets = [200, 0], sizes = [8, 2048], strides = [1, 1]} : vector<1408x2048xf32> to vector<8x2048xf32>
    %gt3A_1393 = arith.cmpf ogt, %slice3A_1392, %max3A_1388 : vector<8x2048xf32>
    %max3A_1394 = arith.maximumf %max3A_1388, %slice3A_1392 : vector<8x2048xf32>
    %jit3A_1395 = arith.constant 2.500000e+01 : f32
    %broadcast_in_dim3A_1396 = vector.broadcast %jit3A_1395 : f32 to vector<8x2048xf32>
    %select_n3A_1397 = arith.select %gt3A_1393, %broadcast_in_dim3A_1396, %select_n3A_1391 : vector<8x2048xi1>, vector<8x2048xf32>
    %slice3A_1398 = vector.extract_strided_slice %dot_general3A_143 {offsets = [208, 0], sizes = [8, 2048], strides = [1, 1]} : vector<1408x2048xf32> to vector<8x2048xf32>
    %gt3A_1399 = arith.cmpf ogt, %slice3A_1398, %max3A_1394 : vector<8x2048xf32>
    %max3A_1400 = arith.maximumf %max3A_1394, %slice3A_1398 : vector<8x2048xf32>
    %jit3A_1401 = arith.constant 2.600000e+01 : f32
    %broadcast_in_dim3A_1402 = vector.broadcast %jit3A_1401 : f32 to vector<8x2048xf32>
    %select_n3A_1403 = arith.select %gt3A_1399, %broadcast_in_dim3A_1402, %select_n3A_1397 : vector<8x2048xi1>, vector<8x2048xf32>
    %slice3A_1404 = vector.extract_strided_slice %dot_general3A_143 {offsets = [216, 0], sizes = [8, 2048], strides = [1, 1]} : vector<1408x2048xf32> to vector<8x2048xf32>
    %gt3A_1405 = arith.cmpf ogt, %slice3A_1404, %max3A_1400 : vector<8x2048xf32>
    %max3A_1406 = arith.maximumf %max3A_1400, %slice3A_1404 : vector<8x2048xf32>
    %jit3A_1407 = arith.constant 2.700000e+01 : f32
    %broadcast_in_dim3A_1408 = vector.broadcast %jit3A_1407 : f32 to vector<8x2048xf32>
    %select_n3A_1409 = arith.select %gt3A_1405, %broadcast_in_dim3A_1408, %select_n3A_1403 : vector<8x2048xi1>, vector<8x2048xf32>
    %slice3A_1410 = vector.extract_strided_slice %dot_general3A_143 {offsets = [224, 0], sizes = [8, 2048], strides = [1, 1]} : vector<1408x2048xf32> to vector<8x2048xf32>
    %gt3A_1411 = arith.cmpf ogt, %slice3A_1410, %max3A_1406 : vector<8x2048xf32>
    %max3A_1412 = arith.maximumf %max3A_1406, %slice3A_1410 : vector<8x2048xf32>
    %jit3A_1413 = arith.constant 2.800000e+01 : f32
    %broadcast_in_dim3A_1414 = vector.broadcast %jit3A_1413 : f32 to vector<8x2048xf32>
    %select_n3A_1415 = arith.select %gt3A_1411, %broadcast_in_dim3A_1414, %select_n3A_1409 : vector<8x2048xi1>, vector<8x2048xf32>
    %slice3A_1416 = vector.extract_strided_slice %dot_general3A_143 {offsets = [232, 0], sizes = [8, 2048], strides = [1, 1]} : vector<1408x2048xf32> to vector<8x2048xf32>
    %gt3A_1417 = arith.cmpf ogt, %slice3A_1416, %max3A_1412 : vector<8x2048xf32>
    %max3A_1418 = arith.maximumf %max3A_1412, %slice3A_1416 : vector<8x2048xf32>
    %jit3A_1419 = arith.constant 2.900000e+01 : f32
    %broadcast_in_dim3A_1420 = vector.broadcast %jit3A_1419 : f32 to vector<8x2048xf32>
    %select_n3A_1421 = arith.select %gt3A_1417, %broadcast_in_dim3A_1420, %select_n3A_1415 : vector<8x2048xi1>, vector<8x2048xf32>
    %slice3A_1422 = vector.extract_strided_slice %dot_general3A_143 {offsets = [240, 0], sizes = [8, 2048], strides = [1, 1]} : vector<1408x2048xf32> to vector<8x2048xf32>
    %gt3A_1423 = arith.cmpf ogt, %slice3A_1422, %max3A_1418 : vector<8x2048xf32>
    %max3A_1424 = arith.maximumf %max3A_1418, %slice3A_1422 : vector<8x2048xf32>
    %jit3A_1425 = arith.constant 3.000000e+01 : f32
    %broadcast_in_dim3A_1426 = vector.broadcast %jit3A_1425 : f32 to vector<8x2048xf32>
    %select_n3A_1427 = arith.select %gt3A_1423, %broadcast_in_dim3A_1426, %select_n3A_1421 : vector<8x2048xi1>, vector<8x2048xf32>
    %slice3A_1428 = vector.extract_strided_slice %dot_general3A_143 {offsets = [248, 0], sizes = [8, 2048], strides = [1, 1]} : vector<1408x2048xf32> to vector<8x2048xf32>
    %gt3A_1429 = arith.cmpf ogt, %slice3A_1428, %max3A_1424 : vector<8x2048xf32>
    %max3A_1430 = arith.maximumf %max3A_1424, %slice3A_1428 : vector<8x2048xf32>
    %jit3A_1431 = arith.constant 3.100000e+01 : f32
    %broadcast_in_dim3A_1432 = vector.broadcast %jit3A_1431 : f32 to vector<8x2048xf32>
    %select_n3A_1433 = arith.select %gt3A_1429, %broadcast_in_dim3A_1432, %select_n3A_1427 : vector<8x2048xi1>, vector<8x2048xf32>
    %slice3A_1434 = vector.extract_strided_slice %dot_general3A_143 {offsets = [256, 0], sizes = [8, 2048], strides = [1, 1]} : vector<1408x2048xf32> to vector<8x2048xf32>
    %gt3A_1435 = arith.cmpf ogt, %slice3A_1434, %max3A_1430 : vector<8x2048xf32>
    %max3A_1436 = arith.maximumf %max3A_1430, %slice3A_1434 : vector<8x2048xf32>
    %jit3A_1437 = arith.constant 3.200000e+01 : f32
    %broadcast_in_dim3A_1438 = vector.broadcast %jit3A_1437 : f32 to vector<8x2048xf32>
    %select_n3A_1439 = arith.select %gt3A_1435, %broadcast_in_dim3A_1438, %select_n3A_1433 : vector<8x2048xi1>, vector<8x2048xf32>
    %slice3A_1440 = vector.extract_strided_slice %dot_general3A_143 {offsets = [264, 0], sizes = [8, 2048], strides = [1, 1]} : vector<1408x2048xf32> to vector<8x2048xf32>
    %gt3A_1441 = arith.cmpf ogt, %slice3A_1440, %max3A_1436 : vector<8x2048xf32>
    %max3A_1442 = arith.maximumf %max3A_1436, %slice3A_1440 : vector<8x2048xf32>
    %jit3A_1443 = arith.constant 3.300000e+01 : f32
    %broadcast_in_dim3A_1444 = vector.broadcast %jit3A_1443 : f32 to vector<8x2048xf32>
    %select_n3A_1445 = arith.select %gt3A_1441, %broadcast_in_dim3A_1444, %select_n3A_1439 : vector<8x2048xi1>, vector<8x2048xf32>
    %slice3A_1446 = vector.extract_strided_slice %dot_general3A_143 {offsets = [272, 0], sizes = [8, 2048], strides = [1, 1]} : vector<1408x2048xf32> to vector<8x2048xf32>
    %gt3A_1447 = arith.cmpf ogt, %slice3A_1446, %max3A_1442 : vector<8x2048xf32>
    %max3A_1448 = arith.maximumf %max3A_1442, %slice3A_1446 : vector<8x2048xf32>
    %jit3A_1449 = arith.constant 3.400000e+01 : f32
    %broadcast_in_dim3A_1450 = vector.broadcast %jit3A_1449 : f32 to vector<8x2048xf32>
    %select_n3A_1451 = arith.select %gt3A_1447, %broadcast_in_dim3A_1450, %select_n3A_1445 : vector<8x2048xi1>, vector<8x2048xf32>
    %slice3A_1452 = vector.extract_strided_slice %dot_general3A_143 {offsets = [280, 0], sizes = [8, 2048], strides = [1, 1]} : vector<1408x2048xf32> to vector<8x2048xf32>
    %gt3A_1453 = arith.cmpf ogt, %slice3A_1452, %max3A_1448 : vector<8x2048xf32>
    %max3A_1454 = arith.maximumf %max3A_1448, %slice3A_1452 : vector<8x2048xf32>
    %jit3A_1455 = arith.constant 3.500000e+01 : f32
    %broadcast_in_dim3A_1456 = vector.broadcast %jit3A_1455 : f32 to vector<8x2048xf32>
    %select_n3A_1457 = arith.select %gt3A_1453, %broadcast_in_dim3A_1456, %select_n3A_1451 : vector<8x2048xi1>, vector<8x2048xf32>
    %slice3A_1458 = vector.extract_strided_slice %dot_general3A_143 {offsets = [288, 0], sizes = [8, 2048], strides = [1, 1]} : vector<1408x2048xf32> to vector<8x2048xf32>
    %gt3A_1459 = arith.cmpf ogt, %slice3A_1458, %max3A_1454 : vector<8x2048xf32>
    %max3A_1460 = arith.maximumf %max3A_1454, %slice3A_1458 : vector<8x2048xf32>
    %jit3A_1461 = arith.constant 3.600000e+01 : f32
    %broadcast_in_dim3A_1462 = vector.broadcast %jit3A_1461 : f32 to vector<8x2048xf32>
    %select_n3A_1463 = arith.select %gt3A_1459, %broadcast_in_dim3A_1462, %select_n3A_1457 : vector<8x2048xi1>, vector<8x2048xf32>
    %slice3A_1464 = vector.extract_strided_slice %dot_general3A_143 {offsets = [296, 0], sizes = [8, 2048], strides = [1, 1]} : vector<1408x2048xf32> to vector<8x2048xf32>
    %gt3A_1465 = arith.cmpf ogt, %slice3A_1464, %max3A_1460 : vector<8x2048xf32>
    %max3A_1466 = arith.maximumf %max3A_1460, %slice3A_1464 : vector<8x2048xf32>
    %jit3A_1467 = arith.constant 3.700000e+01 : f32
    %broadcast_in_dim3A_1468 = vector.broadcast %jit3A_1467 : f32 to vector<8x2048xf32>
    %select_n3A_1469 = arith.select %gt3A_1465, %broadcast_in_dim3A_1468, %select_n3A_1463 : vector<8x2048xi1>, vector<8x2048xf32>
    %slice3A_1470 = vector.extract_strided_slice %dot_general3A_143 {offsets = [304, 0], sizes = [8, 2048], strides = [1, 1]} : vector<1408x2048xf32> to vector<8x2048xf32>
    %gt3A_1471 = arith.cmpf ogt, %slice3A_1470, %max3A_1466 : vector<8x2048xf32>
    %max3A_1472 = arith.maximumf %max3A_1466, %slice3A_1470 : vector<8x2048xf32>
    %jit3A_1473 = arith.constant 3.800000e+01 : f32
    %broadcast_in_dim3A_1474 = vector.broadcast %jit3A_1473 : f32 to vector<8x2048xf32>
    %select_n3A_1475 = arith.select %gt3A_1471, %broadcast_in_dim3A_1474, %select_n3A_1469 : vector<8x2048xi1>, vector<8x2048xf32>
    %slice3A_1476 = vector.extract_strided_slice %dot_general3A_143 {offsets = [312, 0], sizes = [8, 2048], strides = [1, 1]} : vector<1408x2048xf32> to vector<8x2048xf32>
    %gt3A_1477 = arith.cmpf ogt, %slice3A_1476, %max3A_1472 : vector<8x2048xf32>
    %max3A_1478 = arith.maximumf %max3A_1472, %slice3A_1476 : vector<8x2048xf32>
    %jit3A_1479 = arith.constant 3.900000e+01 : f32
    %broadcast_in_dim3A_1480 = vector.broadcast %jit3A_1479 : f32 to vector<8x2048xf32>
    %select_n3A_1481 = arith.select %gt3A_1477, %broadcast_in_dim3A_1480, %select_n3A_1475 : vector<8x2048xi1>, vector<8x2048xf32>
    %slice3A_1482 = vector.extract_strided_slice %dot_general3A_143 {offsets = [320, 0], sizes = [8, 2048], strides = [1, 1]} : vector<1408x2048xf32> to vector<8x2048xf32>
    %gt3A_1483 = arith.cmpf ogt, %slice3A_1482, %max3A_1478 : vector<8x2048xf32>
    %max3A_1484 = arith.maximumf %max3A_1478, %slice3A_1482 : vector<8x2048xf32>
    %jit3A_1485 = arith.constant 4.000000e+01 : f32
    %broadcast_in_dim3A_1486 = vector.broadcast %jit3A_1485 : f32 to vector<8x2048xf32>
    %select_n3A_1487 = arith.select %gt3A_1483, %broadcast_in_dim3A_1486, %select_n3A_1481 : vector<8x2048xi1>, vector<8x2048xf32>
    %slice3A_1488 = vector.extract_strided_slice %dot_general3A_143 {offsets = [328, 0], sizes = [8, 2048], strides = [1, 1]} : vector<1408x2048xf32> to vector<8x2048xf32>
    %gt3A_1489 = arith.cmpf ogt, %slice3A_1488, %max3A_1484 : vector<8x2048xf32>
    %max3A_1490 = arith.maximumf %max3A_1484, %slice3A_1488 : vector<8x2048xf32>
    %jit3A_1491 = arith.constant 4.100000e+01 : f32
    %broadcast_in_dim3A_1492 = vector.broadcast %jit3A_1491 : f32 to vector<8x2048xf32>
    %select_n3A_1493 = arith.select %gt3A_1489, %broadcast_in_dim3A_1492, %select_n3A_1487 : vector<8x2048xi1>, vector<8x2048xf32>
    %slice3A_1494 = vector.extract_strided_slice %dot_general3A_143 {offsets = [336, 0], sizes = [8, 2048], strides = [1, 1]} : vector<1408x2048xf32> to vector<8x2048xf32>
    %gt3A_1495 = arith.cmpf ogt, %slice3A_1494, %max3A_1490 : vector<8x2048xf32>
    %max3A_1496 = arith.maximumf %max3A_1490, %slice3A_1494 : vector<8x2048xf32>
    %jit3A_1497 = arith.constant 4.200000e+01 : f32
    %broadcast_in_dim3A_1498 = vector.broadcast %jit3A_1497 : f32 to vector<8x2048xf32>
    %select_n3A_1499 = arith.select %gt3A_1495, %broadcast_in_dim3A_1498, %select_n3A_1493 : vector<8x2048xi1>, vector<8x2048xf32>
    %slice3A_1500 = vector.extract_strided_slice %dot_general3A_143 {offsets = [344, 0], sizes = [8, 2048], strides = [1, 1]} : vector<1408x2048xf32> to vector<8x2048xf32>
    %gt3A_1501 = arith.cmpf ogt, %slice3A_1500, %max3A_1496 : vector<8x2048xf32>
    %max3A_1502 = arith.maximumf %max3A_1496, %slice3A_1500 : vector<8x2048xf32>
    %jit3A_1503 = arith.constant 4.300000e+01 : f32
    %broadcast_in_dim3A_1504 = vector.broadcast %jit3A_1503 : f32 to vector<8x2048xf32>
    %select_n3A_1505 = arith.select %gt3A_1501, %broadcast_in_dim3A_1504, %select_n3A_1499 : vector<8x2048xi1>, vector<8x2048xf32>
    %slice3A_1506 = vector.extract_strided_slice %dot_general3A_143 {offsets = [352, 0], sizes = [8, 2048], strides = [1, 1]} : vector<1408x2048xf32> to vector<8x2048xf32>
    %gt3A_1507 = arith.cmpf ogt, %slice3A_1506, %max3A_1502 : vector<8x2048xf32>
    %max3A_1508 = arith.maximumf %max3A_1502, %slice3A_1506 : vector<8x2048xf32>
    %jit3A_1509 = arith.constant 4.400000e+01 : f32
    %broadcast_in_dim3A_1510 = vector.broadcast %jit3A_1509 : f32 to vector<8x2048xf32>
    %select_n3A_1511 = arith.select %gt3A_1507, %broadcast_in_dim3A_1510, %select_n3A_1505 : vector<8x2048xi1>, vector<8x2048xf32>
    %slice3A_1512 = vector.extract_strided_slice %dot_general3A_143 {offsets = [360, 0], sizes = [8, 2048], strides = [1, 1]} : vector<1408x2048xf32> to vector<8x2048xf32>
    %gt3A_1513 = arith.cmpf ogt, %slice3A_1512, %max3A_1508 : vector<8x2048xf32>
    %max3A_1514 = arith.maximumf %max3A_1508, %slice3A_1512 : vector<8x2048xf32>
    %jit3A_1515 = arith.constant 4.500000e+01 : f32
    %broadcast_in_dim3A_1516 = vector.broadcast %jit3A_1515 : f32 to vector<8x2048xf32>
    %select_n3A_1517 = arith.select %gt3A_1513, %broadcast_in_dim3A_1516, %select_n3A_1511 : vector<8x2048xi1>, vector<8x2048xf32>
    %slice3A_1518 = vector.extract_strided_slice %dot_general3A_143 {offsets = [368, 0], sizes = [8, 2048], strides = [1, 1]} : vector<1408x2048xf32> to vector<8x2048xf32>
    %gt3A_1519 = arith.cmpf ogt, %slice3A_1518, %max3A_1514 : vector<8x2048xf32>
    %max3A_1520 = arith.maximumf %max3A_1514, %slice3A_1518 : vector<8x2048xf32>
    %jit3A_1521 = arith.constant 4.600000e+01 : f32
    %broadcast_in_dim3A_1522 = vector.broadcast %jit3A_1521 : f32 to vector<8x2048xf32>
    %select_n3A_1523 = arith.select %gt3A_1519, %broadcast_in_dim3A_1522, %select_n3A_1517 : vector<8x2048xi1>, vector<8x2048xf32>
    %slice3A_1524 = vector.extract_strided_slice %dot_general3A_143 {offsets = [376, 0], sizes = [8, 2048], strides = [1, 1]} : vector<1408x2048xf32> to vector<8x2048xf32>
    %gt3A_1525 = arith.cmpf ogt, %slice3A_1524, %max3A_1520 : vector<8x2048xf32>
    %max3A_1526 = arith.maximumf %max3A_1520, %slice3A_1524 : vector<8x2048xf32>
    %jit3A_1527 = arith.constant 4.700000e+01 : f32
    %broadcast_in_dim3A_1528 = vector.broadcast %jit3A_1527 : f32 to vector<8x2048xf32>
    %select_n3A_1529 = arith.select %gt3A_1525, %broadcast_in_dim3A_1528, %select_n3A_1523 : vector<8x2048xi1>, vector<8x2048xf32>
    %slice3A_1530 = vector.extract_strided_slice %dot_general3A_143 {offsets = [384, 0], sizes = [8, 2048], strides = [1, 1]} : vector<1408x2048xf32> to vector<8x2048xf32>
    %gt3A_1531 = arith.cmpf ogt, %slice3A_1530, %max3A_1526 : vector<8x2048xf32>
    %max3A_1532 = arith.maximumf %max3A_1526, %slice3A_1530 : vector<8x2048xf32>
    %jit3A_1533 = arith.constant 4.800000e+01 : f32
    %broadcast_in_dim3A_1534 = vector.broadcast %jit3A_1533 : f32 to vector<8x2048xf32>
    %select_n3A_1535 = arith.select %gt3A_1531, %broadcast_in_dim3A_1534, %select_n3A_1529 : vector<8x2048xi1>, vector<8x2048xf32>
    %slice3A_1536 = vector.extract_strided_slice %dot_general3A_143 {offsets = [392, 0], sizes = [8, 2048], strides = [1, 1]} : vector<1408x2048xf32> to vector<8x2048xf32>
    %gt3A_1537 = arith.cmpf ogt, %slice3A_1536, %max3A_1532 : vector<8x2048xf32>
    %max3A_1538 = arith.maximumf %max3A_1532, %slice3A_1536 : vector<8x2048xf32>
    %jit3A_1539 = arith.constant 4.900000e+01 : f32
    %broadcast_in_dim3A_1540 = vector.broadcast %jit3A_1539 : f32 to vector<8x2048xf32>
    %select_n3A_1541 = arith.select %gt3A_1537, %broadcast_in_dim3A_1540, %select_n3A_1535 : vector<8x2048xi1>, vector<8x2048xf32>
    %slice3A_1542 = vector.extract_strided_slice %dot_general3A_143 {offsets = [400, 0], sizes = [8, 2048], strides = [1, 1]} : vector<1408x2048xf32> to vector<8x2048xf32>
    %gt3A_1543 = arith.cmpf ogt, %slice3A_1542, %max3A_1538 : vector<8x2048xf32>
    %max3A_1544 = arith.maximumf %max3A_1538, %slice3A_1542 : vector<8x2048xf32>
    %jit3A_1545 = arith.constant 5.000000e+01 : f32
    %broadcast_in_dim3A_1546 = vector.broadcast %jit3A_1545 : f32 to vector<8x2048xf32>
    %select_n3A_1547 = arith.select %gt3A_1543, %broadcast_in_dim3A_1546, %select_n3A_1541 : vector<8x2048xi1>, vector<8x2048xf32>
    %slice3A_1548 = vector.extract_strided_slice %dot_general3A_143 {offsets = [408, 0], sizes = [8, 2048], strides = [1, 1]} : vector<1408x2048xf32> to vector<8x2048xf32>
    %gt3A_1549 = arith.cmpf ogt, %slice3A_1548, %max3A_1544 : vector<8x2048xf32>
    %max3A_1550 = arith.maximumf %max3A_1544, %slice3A_1548 : vector<8x2048xf32>
    %jit3A_1551 = arith.constant 5.100000e+01 : f32
    %broadcast_in_dim3A_1552 = vector.broadcast %jit3A_1551 : f32 to vector<8x2048xf32>
    %select_n3A_1553 = arith.select %gt3A_1549, %broadcast_in_dim3A_1552, %select_n3A_1547 : vector<8x2048xi1>, vector<8x2048xf32>
    %slice3A_1554 = vector.extract_strided_slice %dot_general3A_143 {offsets = [416, 0], sizes = [8, 2048], strides = [1, 1]} : vector<1408x2048xf32> to vector<8x2048xf32>
    %gt3A_1555 = arith.cmpf ogt, %slice3A_1554, %max3A_1550 : vector<8x2048xf32>
    %max3A_1556 = arith.maximumf %max3A_1550, %slice3A_1554 : vector<8x2048xf32>
    %jit3A_1557 = arith.constant 5.200000e+01 : f32
    %broadcast_in_dim3A_1558 = vector.broadcast %jit3A_1557 : f32 to vector<8x2048xf32>
    %select_n3A_1559 = arith.select %gt3A_1555, %broadcast_in_dim3A_1558, %select_n3A_1553 : vector<8x2048xi1>, vector<8x2048xf32>
    %slice3A_1560 = vector.extract_strided_slice %dot_general3A_143 {offsets = [424, 0], sizes = [8, 2048], strides = [1, 1]} : vector<1408x2048xf32> to vector<8x2048xf32>
    %gt3A_1561 = arith.cmpf ogt, %slice3A_1560, %max3A_1556 : vector<8x2048xf32>
    %max3A_1562 = arith.maximumf %max3A_1556, %slice3A_1560 : vector<8x2048xf32>
    %jit3A_1563 = arith.constant 5.300000e+01 : f32
    %broadcast_in_dim3A_1564 = vector.broadcast %jit3A_1563 : f32 to vector<8x2048xf32>
    %select_n3A_1565 = arith.select %gt3A_1561, %broadcast_in_dim3A_1564, %select_n3A_1559 : vector<8x2048xi1>, vector<8x2048xf32>
    %slice3A_1566 = vector.extract_strided_slice %dot_general3A_143 {offsets = [432, 0], sizes = [8, 2048], strides = [1, 1]} : vector<1408x2048xf32> to vector<8x2048xf32>
    %gt3A_1567 = arith.cmpf ogt, %slice3A_1566, %max3A_1562 : vector<8x2048xf32>
    %max3A_1568 = arith.maximumf %max3A_1562, %slice3A_1566 : vector<8x2048xf32>
    %jit3A_1569 = arith.constant 5.400000e+01 : f32
    %broadcast_in_dim3A_1570 = vector.broadcast %jit3A_1569 : f32 to vector<8x2048xf32>
    %select_n3A_1571 = arith.select %gt3A_1567, %broadcast_in_dim3A_1570, %select_n3A_1565 : vector<8x2048xi1>, vector<8x2048xf32>
    %slice3A_1572 = vector.extract_strided_slice %dot_general3A_143 {offsets = [440, 0], sizes = [8, 2048], strides = [1, 1]} : vector<1408x2048xf32> to vector<8x2048xf32>
    %gt3A_1573 = arith.cmpf ogt, %slice3A_1572, %max3A_1568 : vector<8x2048xf32>
    %max3A_1574 = arith.maximumf %max3A_1568, %slice3A_1572 : vector<8x2048xf32>
    %jit3A_1575 = arith.constant 5.500000e+01 : f32
    %broadcast_in_dim3A_1576 = vector.broadcast %jit3A_1575 : f32 to vector<8x2048xf32>
    %select_n3A_1577 = arith.select %gt3A_1573, %broadcast_in_dim3A_1576, %select_n3A_1571 : vector<8x2048xi1>, vector<8x2048xf32>
    %slice3A_1578 = vector.extract_strided_slice %dot_general3A_143 {offsets = [448, 0], sizes = [8, 2048], strides = [1, 1]} : vector<1408x2048xf32> to vector<8x2048xf32>
    %gt3A_1579 = arith.cmpf ogt, %slice3A_1578, %max3A_1574 : vector<8x2048xf32>
    %max3A_1580 = arith.maximumf %max3A_1574, %slice3A_1578 : vector<8x2048xf32>
    %jit3A_1581 = arith.constant 5.600000e+01 : f32
    %broadcast_in_dim3A_1582 = vector.broadcast %jit3A_1581 : f32 to vector<8x2048xf32>
    %select_n3A_1583 = arith.select %gt3A_1579, %broadcast_in_dim3A_1582, %select_n3A_1577 : vector<8x2048xi1>, vector<8x2048xf32>
    %slice3A_1584 = vector.extract_strided_slice %dot_general3A_143 {offsets = [456, 0], sizes = [8, 2048], strides = [1, 1]} : vector<1408x2048xf32> to vector<8x2048xf32>
    %gt3A_1585 = arith.cmpf ogt, %slice3A_1584, %max3A_1580 : vector<8x2048xf32>
    %max3A_1586 = arith.maximumf %max3A_1580, %slice3A_1584 : vector<8x2048xf32>
    %jit3A_1587 = arith.constant 5.700000e+01 : f32
    %broadcast_in_dim3A_1588 = vector.broadcast %jit3A_1587 : f32 to vector<8x2048xf32>
    %select_n3A_1589 = arith.select %gt3A_1585, %broadcast_in_dim3A_1588, %select_n3A_1583 : vector<8x2048xi1>, vector<8x2048xf32>
    %slice3A_1590 = vector.extract_strided_slice %dot_general3A_143 {offsets = [464, 0], sizes = [8, 2048], strides = [1, 1]} : vector<1408x2048xf32> to vector<8x2048xf32>
    %gt3A_1591 = arith.cmpf ogt, %slice3A_1590, %max3A_1586 : vector<8x2048xf32>
    %max3A_1592 = arith.maximumf %max3A_1586, %slice3A_1590 : vector<8x2048xf32>
    %jit3A_1593 = arith.constant 5.800000e+01 : f32
    %broadcast_in_dim3A_1594 = vector.broadcast %jit3A_1593 : f32 to vector<8x2048xf32>
    %select_n3A_1595 = arith.select %gt3A_1591, %broadcast_in_dim3A_1594, %select_n3A_1589 : vector<8x2048xi1>, vector<8x2048xf32>
    %slice3A_1596 = vector.extract_strided_slice %dot_general3A_143 {offsets = [472, 0], sizes = [8, 2048], strides = [1, 1]} : vector<1408x2048xf32> to vector<8x2048xf32>
    %gt3A_1597 = arith.cmpf ogt, %slice3A_1596, %max3A_1592 : vector<8x2048xf32>
    %max3A_1598 = arith.maximumf %max3A_1592, %slice3A_1596 : vector<8x2048xf32>
    %jit3A_1599 = arith.constant 5.900000e+01 : f32
    %broadcast_in_dim3A_1600 = vector.broadcast %jit3A_1599 : f32 to vector<8x2048xf32>
    %select_n3A_1601 = arith.select %gt3A_1597, %broadcast_in_dim3A_1600, %select_n3A_1595 : vector<8x2048xi1>, vector<8x2048xf32>
    %slice3A_1602 = vector.extract_strided_slice %dot_general3A_143 {offsets = [480, 0], sizes = [8, 2048], strides = [1, 1]} : vector<1408x2048xf32> to vector<8x2048xf32>
    %gt3A_1603 = arith.cmpf ogt, %slice3A_1602, %max3A_1598 : vector<8x2048xf32>
    %max3A_1604 = arith.maximumf %max3A_1598, %slice3A_1602 : vector<8x2048xf32>
    %jit3A_1605 = arith.constant 6.000000e+01 : f32
    %broadcast_in_dim3A_1606 = vector.broadcast %jit3A_1605 : f32 to vector<8x2048xf32>
    %select_n3A_1607 = arith.select %gt3A_1603, %broadcast_in_dim3A_1606, %select_n3A_1601 : vector<8x2048xi1>, vector<8x2048xf32>
    %slice3A_1608 = vector.extract_strided_slice %dot_general3A_143 {offsets = [488, 0], sizes = [8, 2048], strides = [1, 1]} : vector<1408x2048xf32> to vector<8x2048xf32>
    %gt3A_1609 = arith.cmpf ogt, %slice3A_1608, %max3A_1604 : vector<8x2048xf32>
    %max3A_1610 = arith.maximumf %max3A_1604, %slice3A_1608 : vector<8x2048xf32>
    %jit3A_1611 = arith.constant 6.100000e+01 : f32
    %broadcast_in_dim3A_1612 = vector.broadcast %jit3A_1611 : f32 to vector<8x2048xf32>
    %select_n3A_1613 = arith.select %gt3A_1609, %broadcast_in_dim3A_1612, %select_n3A_1607 : vector<8x2048xi1>, vector<8x2048xf32>
    %slice3A_1614 = vector.extract_strided_slice %dot_general3A_143 {offsets = [496, 0], sizes = [8, 2048], strides = [1, 1]} : vector<1408x2048xf32> to vector<8x2048xf32>
    %gt3A_1615 = arith.cmpf ogt, %slice3A_1614, %max3A_1610 : vector<8x2048xf32>
    %max3A_1616 = arith.maximumf %max3A_1610, %slice3A_1614 : vector<8x2048xf32>
    %jit3A_1617 = arith.constant 6.200000e+01 : f32
    %broadcast_in_dim3A_1618 = vector.broadcast %jit3A_1617 : f32 to vector<8x2048xf32>
    %select_n3A_1619 = arith.select %gt3A_1615, %broadcast_in_dim3A_1618, %select_n3A_1613 : vector<8x2048xi1>, vector<8x2048xf32>
    %slice3A_1620 = vector.extract_strided_slice %dot_general3A_143 {offsets = [504, 0], sizes = [8, 2048], strides = [1, 1]} : vector<1408x2048xf32> to vector<8x2048xf32>
    %gt3A_1621 = arith.cmpf ogt, %slice3A_1620, %max3A_1616 : vector<8x2048xf32>
    %max3A_1622 = arith.maximumf %max3A_1616, %slice3A_1620 : vector<8x2048xf32>
    %jit3A_1623 = arith.constant 6.300000e+01 : f32
    %broadcast_in_dim3A_1624 = vector.broadcast %jit3A_1623 : f32 to vector<8x2048xf32>
    %select_n3A_1625 = arith.select %gt3A_1621, %broadcast_in_dim3A_1624, %select_n3A_1619 : vector<8x2048xi1>, vector<8x2048xf32>
    %slice3A_1626 = vector.extract_strided_slice %dot_general3A_143 {offsets = [512, 0], sizes = [8, 2048], strides = [1, 1]} : vector<1408x2048xf32> to vector<8x2048xf32>
    %gt3A_1627 = arith.cmpf ogt, %slice3A_1626, %max3A_1622 : vector<8x2048xf32>
    %max3A_1628 = arith.maximumf %max3A_1622, %slice3A_1626 : vector<8x2048xf32>
    %jit3A_1629 = arith.constant 6.400000e+01 : f32
    %broadcast_in_dim3A_1630 = vector.broadcast %jit3A_1629 : f32 to vector<8x2048xf32>
    %select_n3A_1631 = arith.select %gt3A_1627, %broadcast_in_dim3A_1630, %select_n3A_1625 : vector<8x2048xi1>, vector<8x2048xf32>
    %slice3A_1632 = vector.extract_strided_slice %dot_general3A_143 {offsets = [520, 0], sizes = [8, 2048], strides = [1, 1]} : vector<1408x2048xf32> to vector<8x2048xf32>
    %gt3A_1633 = arith.cmpf ogt, %slice3A_1632, %max3A_1628 : vector<8x2048xf32>
    %max3A_1634 = arith.maximumf %max3A_1628, %slice3A_1632 : vector<8x2048xf32>
    %jit3A_1635 = arith.constant 6.500000e+01 : f32
    %broadcast_in_dim3A_1636 = vector.broadcast %jit3A_1635 : f32 to vector<8x2048xf32>
    %select_n3A_1637 = arith.select %gt3A_1633, %broadcast_in_dim3A_1636, %select_n3A_1631 : vector<8x2048xi1>, vector<8x2048xf32>
    %slice3A_1638 = vector.extract_strided_slice %dot_general3A_143 {offsets = [528, 0], sizes = [8, 2048], strides = [1, 1]} : vector<1408x2048xf32> to vector<8x2048xf32>
    %gt3A_1639 = arith.cmpf ogt, %slice3A_1638, %max3A_1634 : vector<8x2048xf32>
    %max3A_1640 = arith.maximumf %max3A_1634, %slice3A_1638 : vector<8x2048xf32>
    %jit3A_1641 = arith.constant 6.600000e+01 : f32
    %broadcast_in_dim3A_1642 = vector.broadcast %jit3A_1641 : f32 to vector<8x2048xf32>
    %select_n3A_1643 = arith.select %gt3A_1639, %broadcast_in_dim3A_1642, %select_n3A_1637 : vector<8x2048xi1>, vector<8x2048xf32>
    %slice3A_1644 = vector.extract_strided_slice %dot_general3A_143 {offsets = [536, 0], sizes = [8, 2048], strides = [1, 1]} : vector<1408x2048xf32> to vector<8x2048xf32>
    %gt3A_1645 = arith.cmpf ogt, %slice3A_1644, %max3A_1640 : vector<8x2048xf32>
    %max3A_1646 = arith.maximumf %max3A_1640, %slice3A_1644 : vector<8x2048xf32>
    %jit3A_1647 = arith.constant 6.700000e+01 : f32
    %broadcast_in_dim3A_1648 = vector.broadcast %jit3A_1647 : f32 to vector<8x2048xf32>
    %select_n3A_1649 = arith.select %gt3A_1645, %broadcast_in_dim3A_1648, %select_n3A_1643 : vector<8x2048xi1>, vector<8x2048xf32>
    %slice3A_1650 = vector.extract_strided_slice %dot_general3A_143 {offsets = [544, 0], sizes = [8, 2048], strides = [1, 1]} : vector<1408x2048xf32> to vector<8x2048xf32>
    %gt3A_1651 = arith.cmpf ogt, %slice3A_1650, %max3A_1646 : vector<8x2048xf32>
    %max3A_1652 = arith.maximumf %max3A_1646, %slice3A_1650 : vector<8x2048xf32>
    %jit3A_1653 = arith.constant 6.800000e+01 : f32
    %broadcast_in_dim3A_1654 = vector.broadcast %jit3A_1653 : f32 to vector<8x2048xf32>
    %select_n3A_1655 = arith.select %gt3A_1651, %broadcast_in_dim3A_1654, %select_n3A_1649 : vector<8x2048xi1>, vector<8x2048xf32>
    %slice3A_1656 = vector.extract_strided_slice %dot_general3A_143 {offsets = [552, 0], sizes = [8, 2048], strides = [1, 1]} : vector<1408x2048xf32> to vector<8x2048xf32>
    %gt3A_1657 = arith.cmpf ogt, %slice3A_1656, %max3A_1652 : vector<8x2048xf32>
    %max3A_1658 = arith.maximumf %max3A_1652, %slice3A_1656 : vector<8x2048xf32>
    %jit3A_1659 = arith.constant 6.900000e+01 : f32
    %broadcast_in_dim3A_1660 = vector.broadcast %jit3A_1659 : f32 to vector<8x2048xf32>
    %select_n3A_1661 = arith.select %gt3A_1657, %broadcast_in_dim3A_1660, %select_n3A_1655 : vector<8x2048xi1>, vector<8x2048xf32>
    %slice3A_1662 = vector.extract_strided_slice %dot_general3A_143 {offsets = [560, 0], sizes = [8, 2048], strides = [1, 1]} : vector<1408x2048xf32> to vector<8x2048xf32>
    %gt3A_1663 = arith.cmpf ogt, %slice3A_1662, %max3A_1658 : vector<8x2048xf32>
    %max3A_1664 = arith.maximumf %max3A_1658, %slice3A_1662 : vector<8x2048xf32>
    %jit3A_1665 = arith.constant 7.000000e+01 : f32
    %broadcast_in_dim3A_1666 = vector.broadcast %jit3A_1665 : f32 to vector<8x2048xf32>
    %select_n3A_1667 = arith.select %gt3A_1663, %broadcast_in_dim3A_1666, %select_n3A_1661 : vector<8x2048xi1>, vector<8x2048xf32>
    %slice3A_1668 = vector.extract_strided_slice %dot_general3A_143 {offsets = [568, 0], sizes = [8, 2048], strides = [1, 1]} : vector<1408x2048xf32> to vector<8x2048xf32>
    %gt3A_1669 = arith.cmpf ogt, %slice3A_1668, %max3A_1664 : vector<8x2048xf32>
    %max3A_1670 = arith.maximumf %max3A_1664, %slice3A_1668 : vector<8x2048xf32>
    %jit3A_1671 = arith.constant 7.100000e+01 : f32
    %broadcast_in_dim3A_1672 = vector.broadcast %jit3A_1671 : f32 to vector<8x2048xf32>
    %select_n3A_1673 = arith.select %gt3A_1669, %broadcast_in_dim3A_1672, %select_n3A_1667 : vector<8x2048xi1>, vector<8x2048xf32>
    %slice3A_1674 = vector.extract_strided_slice %dot_general3A_143 {offsets = [576, 0], sizes = [8, 2048], strides = [1, 1]} : vector<1408x2048xf32> to vector<8x2048xf32>
    %gt3A_1675 = arith.cmpf ogt, %slice3A_1674, %max3A_1670 : vector<8x2048xf32>
    %max3A_1676 = arith.maximumf %max3A_1670, %slice3A_1674 : vector<8x2048xf32>
    %jit3A_1677 = arith.constant 7.200000e+01 : f32
    %broadcast_in_dim3A_1678 = vector.broadcast %jit3A_1677 : f32 to vector<8x2048xf32>
    %select_n3A_1679 = arith.select %gt3A_1675, %broadcast_in_dim3A_1678, %select_n3A_1673 : vector<8x2048xi1>, vector<8x2048xf32>
    %slice3A_1680 = vector.extract_strided_slice %dot_general3A_143 {offsets = [584, 0], sizes = [8, 2048], strides = [1, 1]} : vector<1408x2048xf32> to vector<8x2048xf32>
    %gt3A_1681 = arith.cmpf ogt, %slice3A_1680, %max3A_1676 : vector<8x2048xf32>
    %max3A_1682 = arith.maximumf %max3A_1676, %slice3A_1680 : vector<8x2048xf32>
    %jit3A_1683 = arith.constant 7.300000e+01 : f32
    %broadcast_in_dim3A_1684 = vector.broadcast %jit3A_1683 : f32 to vector<8x2048xf32>
    %select_n3A_1685 = arith.select %gt3A_1681, %broadcast_in_dim3A_1684, %select_n3A_1679 : vector<8x2048xi1>, vector<8x2048xf32>
    %slice3A_1686 = vector.extract_strided_slice %dot_general3A_143 {offsets = [592, 0], sizes = [8, 2048], strides = [1, 1]} : vector<1408x2048xf32> to vector<8x2048xf32>
    %gt3A_1687 = arith.cmpf ogt, %slice3A_1686, %max3A_1682 : vector<8x2048xf32>
    %max3A_1688 = arith.maximumf %max3A_1682, %slice3A_1686 : vector<8x2048xf32>
    %jit3A_1689 = arith.constant 7.400000e+01 : f32
    %broadcast_in_dim3A_1690 = vector.broadcast %jit3A_1689 : f32 to vector<8x2048xf32>
    %select_n3A_1691 = arith.select %gt3A_1687, %broadcast_in_dim3A_1690, %select_n3A_1685 : vector<8x2048xi1>, vector<8x2048xf32>
    %slice3A_1692 = vector.extract_strided_slice %dot_general3A_143 {offsets = [600, 0], sizes = [8, 2048], strides = [1, 1]} : vector<1408x2048xf32> to vector<8x2048xf32>
    %gt3A_1693 = arith.cmpf ogt, %slice3A_1692, %max3A_1688 : vector<8x2048xf32>
    %max3A_1694 = arith.maximumf %max3A_1688, %slice3A_1692 : vector<8x2048xf32>
    %jit3A_1695 = arith.constant 7.500000e+01 : f32
    %broadcast_in_dim3A_1696 = vector.broadcast %jit3A_1695 : f32 to vector<8x2048xf32>
    %select_n3A_1697 = arith.select %gt3A_1693, %broadcast_in_dim3A_1696, %select_n3A_1691 : vector<8x2048xi1>, vector<8x2048xf32>
    %slice3A_1698 = vector.extract_strided_slice %dot_general3A_143 {offsets = [608, 0], sizes = [8, 2048], strides = [1, 1]} : vector<1408x2048xf32> to vector<8x2048xf32>
    %gt3A_1699 = arith.cmpf ogt, %slice3A_1698, %max3A_1694 : vector<8x2048xf32>
    %max3A_1700 = arith.maximumf %max3A_1694, %slice3A_1698 : vector<8x2048xf32>
    %jit3A_1701 = arith.constant 7.600000e+01 : f32
    %broadcast_in_dim3A_1702 = vector.broadcast %jit3A_1701 : f32 to vector<8x2048xf32>
    %select_n3A_1703 = arith.select %gt3A_1699, %broadcast_in_dim3A_1702, %select_n3A_1697 : vector<8x2048xi1>, vector<8x2048xf32>
    %slice3A_1704 = vector.extract_strided_slice %dot_general3A_143 {offsets = [616, 0], sizes = [8, 2048], strides = [1, 1]} : vector<1408x2048xf32> to vector<8x2048xf32>
    %gt3A_1705 = arith.cmpf ogt, %slice3A_1704, %max3A_1700 : vector<8x2048xf32>
    %max3A_1706 = arith.maximumf %max3A_1700, %slice3A_1704 : vector<8x2048xf32>
    %jit3A_1707 = arith.constant 7.700000e+01 : f32
    %broadcast_in_dim3A_1708 = vector.broadcast %jit3A_1707 : f32 to vector<8x2048xf32>
    %select_n3A_1709 = arith.select %gt3A_1705, %broadcast_in_dim3A_1708, %select_n3A_1703 : vector<8x2048xi1>, vector<8x2048xf32>
    %slice3A_1710 = vector.extract_strided_slice %dot_general3A_143 {offsets = [624, 0], sizes = [8, 2048], strides = [1, 1]} : vector<1408x2048xf32> to vector<8x2048xf32>
    %gt3A_1711 = arith.cmpf ogt, %slice3A_1710, %max3A_1706 : vector<8x2048xf32>
    %max3A_1712 = arith.maximumf %max3A_1706, %slice3A_1710 : vector<8x2048xf32>
    %jit3A_1713 = arith.constant 7.800000e+01 : f32
    %broadcast_in_dim3A_1714 = vector.broadcast %jit3A_1713 : f32 to vector<8x2048xf32>
    %select_n3A_1715 = arith.select %gt3A_1711, %broadcast_in_dim3A_1714, %select_n3A_1709 : vector<8x2048xi1>, vector<8x2048xf32>
    %slice3A_1716 = vector.extract_strided_slice %dot_general3A_143 {offsets = [632, 0], sizes = [8, 2048], strides = [1, 1]} : vector<1408x2048xf32> to vector<8x2048xf32>
    %gt3A_1717 = arith.cmpf ogt, %slice3A_1716, %max3A_1712 : vector<8x2048xf32>
    %max3A_1718 = arith.maximumf %max3A_1712, %slice3A_1716 : vector<8x2048xf32>
    %jit3A_1719 = arith.constant 7.900000e+01 : f32
    %broadcast_in_dim3A_1720 = vector.broadcast %jit3A_1719 : f32 to vector<8x2048xf32>
    %select_n3A_1721 = arith.select %gt3A_1717, %broadcast_in_dim3A_1720, %select_n3A_1715 : vector<8x2048xi1>, vector<8x2048xf32>
    %slice3A_1722 = vector.extract_strided_slice %dot_general3A_143 {offsets = [640, 0], sizes = [8, 2048], strides = [1, 1]} : vector<1408x2048xf32> to vector<8x2048xf32>
    %gt3A_1723 = arith.cmpf ogt, %slice3A_1722, %max3A_1718 : vector<8x2048xf32>
    %max3A_1724 = arith.maximumf %max3A_1718, %slice3A_1722 : vector<8x2048xf32>
    %jit3A_1725 = arith.constant 8.000000e+01 : f32
    %broadcast_in_dim3A_1726 = vector.broadcast %jit3A_1725 : f32 to vector<8x2048xf32>
    %select_n3A_1727 = arith.select %gt3A_1723, %broadcast_in_dim3A_1726, %select_n3A_1721 : vector<8x2048xi1>, vector<8x2048xf32>
    %slice3A_1728 = vector.extract_strided_slice %dot_general3A_143 {offsets = [648, 0], sizes = [8, 2048], strides = [1, 1]} : vector<1408x2048xf32> to vector<8x2048xf32>
    %gt3A_1729 = arith.cmpf ogt, %slice3A_1728, %max3A_1724 : vector<8x2048xf32>
    %max3A_1730 = arith.maximumf %max3A_1724, %slice3A_1728 : vector<8x2048xf32>
    %jit3A_1731 = arith.constant 8.100000e+01 : f32
    %broadcast_in_dim3A_1732 = vector.broadcast %jit3A_1731 : f32 to vector<8x2048xf32>
    %select_n3A_1733 = arith.select %gt3A_1729, %broadcast_in_dim3A_1732, %select_n3A_1727 : vector<8x2048xi1>, vector<8x2048xf32>
    %slice3A_1734 = vector.extract_strided_slice %dot_general3A_143 {offsets = [656, 0], sizes = [8, 2048], strides = [1, 1]} : vector<1408x2048xf32> to vector<8x2048xf32>
    %gt3A_1735 = arith.cmpf ogt, %slice3A_1734, %max3A_1730 : vector<8x2048xf32>
    %max3A_1736 = arith.maximumf %max3A_1730, %slice3A_1734 : vector<8x2048xf32>
    %jit3A_1737 = arith.constant 8.200000e+01 : f32
    %broadcast_in_dim3A_1738 = vector.broadcast %jit3A_1737 : f32 to vector<8x2048xf32>
    %select_n3A_1739 = arith.select %gt3A_1735, %broadcast_in_dim3A_1738, %select_n3A_1733 : vector<8x2048xi1>, vector<8x2048xf32>
    %slice3A_1740 = vector.extract_strided_slice %dot_general3A_143 {offsets = [664, 0], sizes = [8, 2048], strides = [1, 1]} : vector<1408x2048xf32> to vector<8x2048xf32>
    %gt3A_1741 = arith.cmpf ogt, %slice3A_1740, %max3A_1736 : vector<8x2048xf32>
    %max3A_1742 = arith.maximumf %max3A_1736, %slice3A_1740 : vector<8x2048xf32>
    %jit3A_1743 = arith.constant 8.300000e+01 : f32
    %broadcast_in_dim3A_1744 = vector.broadcast %jit3A_1743 : f32 to vector<8x2048xf32>
    %select_n3A_1745 = arith.select %gt3A_1741, %broadcast_in_dim3A_1744, %select_n3A_1739 : vector<8x2048xi1>, vector<8x2048xf32>
    %slice3A_1746 = vector.extract_strided_slice %dot_general3A_143 {offsets = [672, 0], sizes = [8, 2048], strides = [1, 1]} : vector<1408x2048xf32> to vector<8x2048xf32>
    %gt3A_1747 = arith.cmpf ogt, %slice3A_1746, %max3A_1742 : vector<8x2048xf32>
    %max3A_1748 = arith.maximumf %max3A_1742, %slice3A_1746 : vector<8x2048xf32>
    %jit3A_1749 = arith.constant 8.400000e+01 : f32
    %broadcast_in_dim3A_1750 = vector.broadcast %jit3A_1749 : f32 to vector<8x2048xf32>
    %select_n3A_1751 = arith.select %gt3A_1747, %broadcast_in_dim3A_1750, %select_n3A_1745 : vector<8x2048xi1>, vector<8x2048xf32>
    %slice3A_1752 = vector.extract_strided_slice %dot_general3A_143 {offsets = [680, 0], sizes = [8, 2048], strides = [1, 1]} : vector<1408x2048xf32> to vector<8x2048xf32>
    %gt3A_1753 = arith.cmpf ogt, %slice3A_1752, %max3A_1748 : vector<8x2048xf32>
    %max3A_1754 = arith.maximumf %max3A_1748, %slice3A_1752 : vector<8x2048xf32>
    %jit3A_1755 = arith.constant 8.500000e+01 : f32
    %broadcast_in_dim3A_1756 = vector.broadcast %jit3A_1755 : f32 to vector<8x2048xf32>
    %select_n3A_1757 = arith.select %gt3A_1753, %broadcast_in_dim3A_1756, %select_n3A_1751 : vector<8x2048xi1>, vector<8x2048xf32>
    %slice3A_1758 = vector.extract_strided_slice %dot_general3A_143 {offsets = [688, 0], sizes = [8, 2048], strides = [1, 1]} : vector<1408x2048xf32> to vector<8x2048xf32>
    %gt3A_1759 = arith.cmpf ogt, %slice3A_1758, %max3A_1754 : vector<8x2048xf32>
    %max3A_1760 = arith.maximumf %max3A_1754, %slice3A_1758 : vector<8x2048xf32>
    %jit3A_1761 = arith.constant 8.600000e+01 : f32
    %broadcast_in_dim3A_1762 = vector.broadcast %jit3A_1761 : f32 to vector<8x2048xf32>
    %select_n3A_1763 = arith.select %gt3A_1759, %broadcast_in_dim3A_1762, %select_n3A_1757 : vector<8x2048xi1>, vector<8x2048xf32>
    %slice3A_1764 = vector.extract_strided_slice %dot_general3A_143 {offsets = [696, 0], sizes = [8, 2048], strides = [1, 1]} : vector<1408x2048xf32> to vector<8x2048xf32>
    %gt3A_1765 = arith.cmpf ogt, %slice3A_1764, %max3A_1760 : vector<8x2048xf32>
    %max3A_1766 = arith.maximumf %max3A_1760, %slice3A_1764 : vector<8x2048xf32>
    %jit3A_1767 = arith.constant 8.700000e+01 : f32
    %broadcast_in_dim3A_1768 = vector.broadcast %jit3A_1767 : f32 to vector<8x2048xf32>
    %select_n3A_1769 = arith.select %gt3A_1765, %broadcast_in_dim3A_1768, %select_n3A_1763 : vector<8x2048xi1>, vector<8x2048xf32>
    %slice3A_1770 = vector.extract_strided_slice %dot_general3A_143 {offsets = [704, 0], sizes = [8, 2048], strides = [1, 1]} : vector<1408x2048xf32> to vector<8x2048xf32>
    %gt3A_1771 = arith.cmpf ogt, %slice3A_1770, %max3A_1766 : vector<8x2048xf32>
    %max3A_1772 = arith.maximumf %max3A_1766, %slice3A_1770 : vector<8x2048xf32>
    %jit3A_1773 = arith.constant 8.800000e+01 : f32
    %broadcast_in_dim3A_1774 = vector.broadcast %jit3A_1773 : f32 to vector<8x2048xf32>
    %select_n3A_1775 = arith.select %gt3A_1771, %broadcast_in_dim3A_1774, %select_n3A_1769 : vector<8x2048xi1>, vector<8x2048xf32>
    %slice3A_1776 = vector.extract_strided_slice %dot_general3A_143 {offsets = [712, 0], sizes = [8, 2048], strides = [1, 1]} : vector<1408x2048xf32> to vector<8x2048xf32>
    %gt3A_1777 = arith.cmpf ogt, %slice3A_1776, %max3A_1772 : vector<8x2048xf32>
    %max3A_1778 = arith.maximumf %max3A_1772, %slice3A_1776 : vector<8x2048xf32>
    %jit3A_1779 = arith.constant 8.900000e+01 : f32
    %broadcast_in_dim3A_1780 = vector.broadcast %jit3A_1779 : f32 to vector<8x2048xf32>
    %select_n3A_1781 = arith.select %gt3A_1777, %broadcast_in_dim3A_1780, %select_n3A_1775 : vector<8x2048xi1>, vector<8x2048xf32>
    %slice3A_1782 = vector.extract_strided_slice %dot_general3A_143 {offsets = [720, 0], sizes = [8, 2048], strides = [1, 1]} : vector<1408x2048xf32> to vector<8x2048xf32>
    %gt3A_1783 = arith.cmpf ogt, %slice3A_1782, %max3A_1778 : vector<8x2048xf32>
    %max3A_1784 = arith.maximumf %max3A_1778, %slice3A_1782 : vector<8x2048xf32>
    %jit3A_1785 = arith.constant 9.000000e+01 : f32
    %broadcast_in_dim3A_1786 = vector.broadcast %jit3A_1785 : f32 to vector<8x2048xf32>
    %select_n3A_1787 = arith.select %gt3A_1783, %broadcast_in_dim3A_1786, %select_n3A_1781 : vector<8x2048xi1>, vector<8x2048xf32>
    %slice3A_1788 = vector.extract_strided_slice %dot_general3A_143 {offsets = [728, 0], sizes = [8, 2048], strides = [1, 1]} : vector<1408x2048xf32> to vector<8x2048xf32>
    %gt3A_1789 = arith.cmpf ogt, %slice3A_1788, %max3A_1784 : vector<8x2048xf32>
    %max3A_1790 = arith.maximumf %max3A_1784, %slice3A_1788 : vector<8x2048xf32>
    %jit3A_1791 = arith.constant 9.100000e+01 : f32
    %broadcast_in_dim3A_1792 = vector.broadcast %jit3A_1791 : f32 to vector<8x2048xf32>
    %select_n3A_1793 = arith.select %gt3A_1789, %broadcast_in_dim3A_1792, %select_n3A_1787 : vector<8x2048xi1>, vector<8x2048xf32>
    %slice3A_1794 = vector.extract_strided_slice %dot_general3A_143 {offsets = [736, 0], sizes = [8, 2048], strides = [1, 1]} : vector<1408x2048xf32> to vector<8x2048xf32>
    %gt3A_1795 = arith.cmpf ogt, %slice3A_1794, %max3A_1790 : vector<8x2048xf32>
    %max3A_1796 = arith.maximumf %max3A_1790, %slice3A_1794 : vector<8x2048xf32>
    %jit3A_1797 = arith.constant 9.200000e+01 : f32
    %broadcast_in_dim3A_1798 = vector.broadcast %jit3A_1797 : f32 to vector<8x2048xf32>
    %select_n3A_1799 = arith.select %gt3A_1795, %broadcast_in_dim3A_1798, %select_n3A_1793 : vector<8x2048xi1>, vector<8x2048xf32>
    %slice3A_1800 = vector.extract_strided_slice %dot_general3A_143 {offsets = [744, 0], sizes = [8, 2048], strides = [1, 1]} : vector<1408x2048xf32> to vector<8x2048xf32>
    %gt3A_1801 = arith.cmpf ogt, %slice3A_1800, %max3A_1796 : vector<8x2048xf32>
    %max3A_1802 = arith.maximumf %max3A_1796, %slice3A_1800 : vector<8x2048xf32>
    %jit3A_1803 = arith.constant 9.300000e+01 : f32
    %broadcast_in_dim3A_1804 = vector.broadcast %jit3A_1803 : f32 to vector<8x2048xf32>
    %select_n3A_1805 = arith.select %gt3A_1801, %broadcast_in_dim3A_1804, %select_n3A_1799 : vector<8x2048xi1>, vector<8x2048xf32>
    %slice3A_1806 = vector.extract_strided_slice %dot_general3A_143 {offsets = [752, 0], sizes = [8, 2048], strides = [1, 1]} : vector<1408x2048xf32> to vector<8x2048xf32>
    %gt3A_1807 = arith.cmpf ogt, %slice3A_1806, %max3A_1802 : vector<8x2048xf32>
    %max3A_1808 = arith.maximumf %max3A_1802, %slice3A_1806 : vector<8x2048xf32>
    %jit3A_1809 = arith.constant 9.400000e+01 : f32
    %broadcast_in_dim3A_1810 = vector.broadcast %jit3A_1809 : f32 to vector<8x2048xf32>
    %select_n3A_1811 = arith.select %gt3A_1807, %broadcast_in_dim3A_1810, %select_n3A_1805 : vector<8x2048xi1>, vector<8x2048xf32>
    %slice3A_1812 = vector.extract_strided_slice %dot_general3A_143 {offsets = [760, 0], sizes = [8, 2048], strides = [1, 1]} : vector<1408x2048xf32> to vector<8x2048xf32>
    %gt3A_1813 = arith.cmpf ogt, %slice3A_1812, %max3A_1808 : vector<8x2048xf32>
    %max3A_1814 = arith.maximumf %max3A_1808, %slice3A_1812 : vector<8x2048xf32>
    %jit3A_1815 = arith.constant 9.500000e+01 : f32
    %broadcast_in_dim3A_1816 = vector.broadcast %jit3A_1815 : f32 to vector<8x2048xf32>
    %select_n3A_1817 = arith.select %gt3A_1813, %broadcast_in_dim3A_1816, %select_n3A_1811 : vector<8x2048xi1>, vector<8x2048xf32>
    %slice3A_1818 = vector.extract_strided_slice %dot_general3A_143 {offsets = [768, 0], sizes = [8, 2048], strides = [1, 1]} : vector<1408x2048xf32> to vector<8x2048xf32>
    %gt3A_1819 = arith.cmpf ogt, %slice3A_1818, %max3A_1814 : vector<8x2048xf32>
    %max3A_1820 = arith.maximumf %max3A_1814, %slice3A_1818 : vector<8x2048xf32>
    %jit3A_1821 = arith.constant 9.600000e+01 : f32
    %broadcast_in_dim3A_1822 = vector.broadcast %jit3A_1821 : f32 to vector<8x2048xf32>
    %select_n3A_1823 = arith.select %gt3A_1819, %broadcast_in_dim3A_1822, %select_n3A_1817 : vector<8x2048xi1>, vector<8x2048xf32>
    %slice3A_1824 = vector.extract_strided_slice %dot_general3A_143 {offsets = [776, 0], sizes = [8, 2048], strides = [1, 1]} : vector<1408x2048xf32> to vector<8x2048xf32>
    %gt3A_1825 = arith.cmpf ogt, %slice3A_1824, %max3A_1820 : vector<8x2048xf32>
    %max3A_1826 = arith.maximumf %max3A_1820, %slice3A_1824 : vector<8x2048xf32>
    %jit3A_1827 = arith.constant 9.700000e+01 : f32
    %broadcast_in_dim3A_1828 = vector.broadcast %jit3A_1827 : f32 to vector<8x2048xf32>
    %select_n3A_1829 = arith.select %gt3A_1825, %broadcast_in_dim3A_1828, %select_n3A_1823 : vector<8x2048xi1>, vector<8x2048xf32>
    %slice3A_1830 = vector.extract_strided_slice %dot_general3A_143 {offsets = [784, 0], sizes = [8, 2048], strides = [1, 1]} : vector<1408x2048xf32> to vector<8x2048xf32>
    %gt3A_1831 = arith.cmpf ogt, %slice3A_1830, %max3A_1826 : vector<8x2048xf32>
    %max3A_1832 = arith.maximumf %max3A_1826, %slice3A_1830 : vector<8x2048xf32>
    %jit3A_1833 = arith.constant 9.800000e+01 : f32
    %broadcast_in_dim3A_1834 = vector.broadcast %jit3A_1833 : f32 to vector<8x2048xf32>
    %select_n3A_1835 = arith.select %gt3A_1831, %broadcast_in_dim3A_1834, %select_n3A_1829 : vector<8x2048xi1>, vector<8x2048xf32>
    %slice3A_1836 = vector.extract_strided_slice %dot_general3A_143 {offsets = [792, 0], sizes = [8, 2048], strides = [1, 1]} : vector<1408x2048xf32> to vector<8x2048xf32>
    %gt3A_1837 = arith.cmpf ogt, %slice3A_1836, %max3A_1832 : vector<8x2048xf32>
    %max3A_1838 = arith.maximumf %max3A_1832, %slice3A_1836 : vector<8x2048xf32>
    %jit3A_1839 = arith.constant 9.900000e+01 : f32
    %broadcast_in_dim3A_1840 = vector.broadcast %jit3A_1839 : f32 to vector<8x2048xf32>
    %select_n3A_1841 = arith.select %gt3A_1837, %broadcast_in_dim3A_1840, %select_n3A_1835 : vector<8x2048xi1>, vector<8x2048xf32>
    %slice3A_1842 = vector.extract_strided_slice %dot_general3A_143 {offsets = [800, 0], sizes = [8, 2048], strides = [1, 1]} : vector<1408x2048xf32> to vector<8x2048xf32>
    %gt3A_1843 = arith.cmpf ogt, %slice3A_1842, %max3A_1838 : vector<8x2048xf32>
    %max3A_1844 = arith.maximumf %max3A_1838, %slice3A_1842 : vector<8x2048xf32>
    %jit3A_1845 = arith.constant 1.000000e+02 : f32
    %broadcast_in_dim3A_1846 = vector.broadcast %jit3A_1845 : f32 to vector<8x2048xf32>
    %select_n3A_1847 = arith.select %gt3A_1843, %broadcast_in_dim3A_1846, %select_n3A_1841 : vector<8x2048xi1>, vector<8x2048xf32>
    %slice3A_1848 = vector.extract_strided_slice %dot_general3A_143 {offsets = [808, 0], sizes = [8, 2048], strides = [1, 1]} : vector<1408x2048xf32> to vector<8x2048xf32>
    %gt3A_1849 = arith.cmpf ogt, %slice3A_1848, %max3A_1844 : vector<8x2048xf32>
    %max3A_1850 = arith.maximumf %max3A_1844, %slice3A_1848 : vector<8x2048xf32>
    %jit3A_1851 = arith.constant 1.010000e+02 : f32
    %broadcast_in_dim3A_1852 = vector.broadcast %jit3A_1851 : f32 to vector<8x2048xf32>
    %select_n3A_1853 = arith.select %gt3A_1849, %broadcast_in_dim3A_1852, %select_n3A_1847 : vector<8x2048xi1>, vector<8x2048xf32>
    %slice3A_1854 = vector.extract_strided_slice %dot_general3A_143 {offsets = [816, 0], sizes = [8, 2048], strides = [1, 1]} : vector<1408x2048xf32> to vector<8x2048xf32>
    %gt3A_1855 = arith.cmpf ogt, %slice3A_1854, %max3A_1850 : vector<8x2048xf32>
    %max3A_1856 = arith.maximumf %max3A_1850, %slice3A_1854 : vector<8x2048xf32>
    %jit3A_1857 = arith.constant 1.020000e+02 : f32
    %broadcast_in_dim3A_1858 = vector.broadcast %jit3A_1857 : f32 to vector<8x2048xf32>
    %select_n3A_1859 = arith.select %gt3A_1855, %broadcast_in_dim3A_1858, %select_n3A_1853 : vector<8x2048xi1>, vector<8x2048xf32>
    %slice3A_1860 = vector.extract_strided_slice %dot_general3A_143 {offsets = [824, 0], sizes = [8, 2048], strides = [1, 1]} : vector<1408x2048xf32> to vector<8x2048xf32>
    %gt3A_1861 = arith.cmpf ogt, %slice3A_1860, %max3A_1856 : vector<8x2048xf32>
    %max3A_1862 = arith.maximumf %max3A_1856, %slice3A_1860 : vector<8x2048xf32>
    %jit3A_1863 = arith.constant 1.030000e+02 : f32
    %broadcast_in_dim3A_1864 = vector.broadcast %jit3A_1863 : f32 to vector<8x2048xf32>
    %select_n3A_1865 = arith.select %gt3A_1861, %broadcast_in_dim3A_1864, %select_n3A_1859 : vector<8x2048xi1>, vector<8x2048xf32>
    %slice3A_1866 = vector.extract_strided_slice %dot_general3A_143 {offsets = [832, 0], sizes = [8, 2048], strides = [1, 1]} : vector<1408x2048xf32> to vector<8x2048xf32>
    %gt3A_1867 = arith.cmpf ogt, %slice3A_1866, %max3A_1862 : vector<8x2048xf32>
    %max3A_1868 = arith.maximumf %max3A_1862, %slice3A_1866 : vector<8x2048xf32>
    %jit3A_1869 = arith.constant 1.040000e+02 : f32
    %broadcast_in_dim3A_1870 = vector.broadcast %jit3A_1869 : f32 to vector<8x2048xf32>
    %select_n3A_1871 = arith.select %gt3A_1867, %broadcast_in_dim3A_1870, %select_n3A_1865 : vector<8x2048xi1>, vector<8x2048xf32>
    %slice3A_1872 = vector.extract_strided_slice %dot_general3A_143 {offsets = [840, 0], sizes = [8, 2048], strides = [1, 1]} : vector<1408x2048xf32> to vector<8x2048xf32>
    %gt3A_1873 = arith.cmpf ogt, %slice3A_1872, %max3A_1868 : vector<8x2048xf32>
    %max3A_1874 = arith.maximumf %max3A_1868, %slice3A_1872 : vector<8x2048xf32>
    %jit3A_1875 = arith.constant 1.050000e+02 : f32
    %broadcast_in_dim3A_1876 = vector.broadcast %jit3A_1875 : f32 to vector<8x2048xf32>
    %select_n3A_1877 = arith.select %gt3A_1873, %broadcast_in_dim3A_1876, %select_n3A_1871 : vector<8x2048xi1>, vector<8x2048xf32>
    %slice3A_1878 = vector.extract_strided_slice %dot_general3A_143 {offsets = [848, 0], sizes = [8, 2048], strides = [1, 1]} : vector<1408x2048xf32> to vector<8x2048xf32>
    %gt3A_1879 = arith.cmpf ogt, %slice3A_1878, %max3A_1874 : vector<8x2048xf32>
    %max3A_1880 = arith.maximumf %max3A_1874, %slice3A_1878 : vector<8x2048xf32>
    %jit3A_1881 = arith.constant 1.060000e+02 : f32
    %broadcast_in_dim3A_1882 = vector.broadcast %jit3A_1881 : f32 to vector<8x2048xf32>
    %select_n3A_1883 = arith.select %gt3A_1879, %broadcast_in_dim3A_1882, %select_n3A_1877 : vector<8x2048xi1>, vector<8x2048xf32>
    %slice3A_1884 = vector.extract_strided_slice %dot_general3A_143 {offsets = [856, 0], sizes = [8, 2048], strides = [1, 1]} : vector<1408x2048xf32> to vector<8x2048xf32>
    %gt3A_1885 = arith.cmpf ogt, %slice3A_1884, %max3A_1880 : vector<8x2048xf32>
    %max3A_1886 = arith.maximumf %max3A_1880, %slice3A_1884 : vector<8x2048xf32>
    %jit3A_1887 = arith.constant 1.070000e+02 : f32
    %broadcast_in_dim3A_1888 = vector.broadcast %jit3A_1887 : f32 to vector<8x2048xf32>
    %select_n3A_1889 = arith.select %gt3A_1885, %broadcast_in_dim3A_1888, %select_n3A_1883 : vector<8x2048xi1>, vector<8x2048xf32>
    %slice3A_1890 = vector.extract_strided_slice %dot_general3A_143 {offsets = [864, 0], sizes = [8, 2048], strides = [1, 1]} : vector<1408x2048xf32> to vector<8x2048xf32>
    %gt3A_1891 = arith.cmpf ogt, %slice3A_1890, %max3A_1886 : vector<8x2048xf32>
    %max3A_1892 = arith.maximumf %max3A_1886, %slice3A_1890 : vector<8x2048xf32>
    %jit3A_1893 = arith.constant 1.080000e+02 : f32
    %broadcast_in_dim3A_1894 = vector.broadcast %jit3A_1893 : f32 to vector<8x2048xf32>
    %select_n3A_1895 = arith.select %gt3A_1891, %broadcast_in_dim3A_1894, %select_n3A_1889 : vector<8x2048xi1>, vector<8x2048xf32>
    %slice3A_1896 = vector.extract_strided_slice %dot_general3A_143 {offsets = [872, 0], sizes = [8, 2048], strides = [1, 1]} : vector<1408x2048xf32> to vector<8x2048xf32>
    %gt3A_1897 = arith.cmpf ogt, %slice3A_1896, %max3A_1892 : vector<8x2048xf32>
    %max3A_1898 = arith.maximumf %max3A_1892, %slice3A_1896 : vector<8x2048xf32>
    %jit3A_1899 = arith.constant 1.090000e+02 : f32
    %broadcast_in_dim3A_1900 = vector.broadcast %jit3A_1899 : f32 to vector<8x2048xf32>
    %select_n3A_1901 = arith.select %gt3A_1897, %broadcast_in_dim3A_1900, %select_n3A_1895 : vector<8x2048xi1>, vector<8x2048xf32>
    %slice3A_1902 = vector.extract_strided_slice %dot_general3A_143 {offsets = [880, 0], sizes = [8, 2048], strides = [1, 1]} : vector<1408x2048xf32> to vector<8x2048xf32>
    %gt3A_1903 = arith.cmpf ogt, %slice3A_1902, %max3A_1898 : vector<8x2048xf32>
    %max3A_1904 = arith.maximumf %max3A_1898, %slice3A_1902 : vector<8x2048xf32>
    %jit3A_1905 = arith.constant 1.100000e+02 : f32
    %broadcast_in_dim3A_1906 = vector.broadcast %jit3A_1905 : f32 to vector<8x2048xf32>
    %select_n3A_1907 = arith.select %gt3A_1903, %broadcast_in_dim3A_1906, %select_n3A_1901 : vector<8x2048xi1>, vector<8x2048xf32>
    %slice3A_1908 = vector.extract_strided_slice %dot_general3A_143 {offsets = [888, 0], sizes = [8, 2048], strides = [1, 1]} : vector<1408x2048xf32> to vector<8x2048xf32>
    %gt3A_1909 = arith.cmpf ogt, %slice3A_1908, %max3A_1904 : vector<8x2048xf32>
    %max3A_1910 = arith.maximumf %max3A_1904, %slice3A_1908 : vector<8x2048xf32>
    %jit3A_1911 = arith.constant 1.110000e+02 : f32
    %broadcast_in_dim3A_1912 = vector.broadcast %jit3A_1911 : f32 to vector<8x2048xf32>
    %select_n3A_1913 = arith.select %gt3A_1909, %broadcast_in_dim3A_1912, %select_n3A_1907 : vector<8x2048xi1>, vector<8x2048xf32>
    %slice3A_1914 = vector.extract_strided_slice %dot_general3A_143 {offsets = [896, 0], sizes = [8, 2048], strides = [1, 1]} : vector<1408x2048xf32> to vector<8x2048xf32>
    %gt3A_1915 = arith.cmpf ogt, %slice3A_1914, %max3A_1910 : vector<8x2048xf32>
    %max3A_1916 = arith.maximumf %max3A_1910, %slice3A_1914 : vector<8x2048xf32>
    %jit3A_1917 = arith.constant 1.120000e+02 : f32
    %broadcast_in_dim3A_1918 = vector.broadcast %jit3A_1917 : f32 to vector<8x2048xf32>
    %select_n3A_1919 = arith.select %gt3A_1915, %broadcast_in_dim3A_1918, %select_n3A_1913 : vector<8x2048xi1>, vector<8x2048xf32>
    %slice3A_1920 = vector.extract_strided_slice %dot_general3A_143 {offsets = [904, 0], sizes = [8, 2048], strides = [1, 1]} : vector<1408x2048xf32> to vector<8x2048xf32>
    %gt3A_1921 = arith.cmpf ogt, %slice3A_1920, %max3A_1916 : vector<8x2048xf32>
    %max3A_1922 = arith.maximumf %max3A_1916, %slice3A_1920 : vector<8x2048xf32>
    %jit3A_1923 = arith.constant 1.130000e+02 : f32
    %broadcast_in_dim3A_1924 = vector.broadcast %jit3A_1923 : f32 to vector<8x2048xf32>
    %select_n3A_1925 = arith.select %gt3A_1921, %broadcast_in_dim3A_1924, %select_n3A_1919 : vector<8x2048xi1>, vector<8x2048xf32>
    %slice3A_1926 = vector.extract_strided_slice %dot_general3A_143 {offsets = [912, 0], sizes = [8, 2048], strides = [1, 1]} : vector<1408x2048xf32> to vector<8x2048xf32>
    %gt3A_1927 = arith.cmpf ogt, %slice3A_1926, %max3A_1922 : vector<8x2048xf32>
    %max3A_1928 = arith.maximumf %max3A_1922, %slice3A_1926 : vector<8x2048xf32>
    %jit3A_1929 = arith.constant 1.140000e+02 : f32
    %broadcast_in_dim3A_1930 = vector.broadcast %jit3A_1929 : f32 to vector<8x2048xf32>
    %select_n3A_1931 = arith.select %gt3A_1927, %broadcast_in_dim3A_1930, %select_n3A_1925 : vector<8x2048xi1>, vector<8x2048xf32>
    %slice3A_1932 = vector.extract_strided_slice %dot_general3A_143 {offsets = [920, 0], sizes = [8, 2048], strides = [1, 1]} : vector<1408x2048xf32> to vector<8x2048xf32>
    %gt3A_1933 = arith.cmpf ogt, %slice3A_1932, %max3A_1928 : vector<8x2048xf32>
    %max3A_1934 = arith.maximumf %max3A_1928, %slice3A_1932 : vector<8x2048xf32>
    %jit3A_1935 = arith.constant 1.150000e+02 : f32
    %broadcast_in_dim3A_1936 = vector.broadcast %jit3A_1935 : f32 to vector<8x2048xf32>
    %select_n3A_1937 = arith.select %gt3A_1933, %broadcast_in_dim3A_1936, %select_n3A_1931 : vector<8x2048xi1>, vector<8x2048xf32>
    %slice3A_1938 = vector.extract_strided_slice %dot_general3A_143 {offsets = [928, 0], sizes = [8, 2048], strides = [1, 1]} : vector<1408x2048xf32> to vector<8x2048xf32>
    %gt3A_1939 = arith.cmpf ogt, %slice3A_1938, %max3A_1934 : vector<8x2048xf32>
    %max3A_1940 = arith.maximumf %max3A_1934, %slice3A_1938 : vector<8x2048xf32>
    %jit3A_1941 = arith.constant 1.160000e+02 : f32
    %broadcast_in_dim3A_1942 = vector.broadcast %jit3A_1941 : f32 to vector<8x2048xf32>
    %select_n3A_1943 = arith.select %gt3A_1939, %broadcast_in_dim3A_1942, %select_n3A_1937 : vector<8x2048xi1>, vector<8x2048xf32>
    %slice3A_1944 = vector.extract_strided_slice %dot_general3A_143 {offsets = [936, 0], sizes = [8, 2048], strides = [1, 1]} : vector<1408x2048xf32> to vector<8x2048xf32>
    %gt3A_1945 = arith.cmpf ogt, %slice3A_1944, %max3A_1940 : vector<8x2048xf32>
    %max3A_1946 = arith.maximumf %max3A_1940, %slice3A_1944 : vector<8x2048xf32>
    %jit3A_1947 = arith.constant 1.170000e+02 : f32
    %broadcast_in_dim3A_1948 = vector.broadcast %jit3A_1947 : f32 to vector<8x2048xf32>
    %select_n3A_1949 = arith.select %gt3A_1945, %broadcast_in_dim3A_1948, %select_n3A_1943 : vector<8x2048xi1>, vector<8x2048xf32>
    %slice3A_1950 = vector.extract_strided_slice %dot_general3A_143 {offsets = [944, 0], sizes = [8, 2048], strides = [1, 1]} : vector<1408x2048xf32> to vector<8x2048xf32>
    %gt3A_1951 = arith.cmpf ogt, %slice3A_1950, %max3A_1946 : vector<8x2048xf32>
    %max3A_1952 = arith.maximumf %max3A_1946, %slice3A_1950 : vector<8x2048xf32>
    %jit3A_1953 = arith.constant 1.180000e+02 : f32
    %broadcast_in_dim3A_1954 = vector.broadcast %jit3A_1953 : f32 to vector<8x2048xf32>
    %select_n3A_1955 = arith.select %gt3A_1951, %broadcast_in_dim3A_1954, %select_n3A_1949 : vector<8x2048xi1>, vector<8x2048xf32>
    %slice3A_1956 = vector.extract_strided_slice %dot_general3A_143 {offsets = [952, 0], sizes = [8, 2048], strides = [1, 1]} : vector<1408x2048xf32> to vector<8x2048xf32>
    %gt3A_1957 = arith.cmpf ogt, %slice3A_1956, %max3A_1952 : vector<8x2048xf32>
    %max3A_1958 = arith.maximumf %max3A_1952, %slice3A_1956 : vector<8x2048xf32>
    %jit3A_1959 = arith.constant 1.190000e+02 : f32
    %broadcast_in_dim3A_1960 = vector.broadcast %jit3A_1959 : f32 to vector<8x2048xf32>
    %select_n3A_1961 = arith.select %gt3A_1957, %broadcast_in_dim3A_1960, %select_n3A_1955 : vector<8x2048xi1>, vector<8x2048xf32>
    %slice3A_1962 = vector.extract_strided_slice %dot_general3A_143 {offsets = [960, 0], sizes = [8, 2048], strides = [1, 1]} : vector<1408x2048xf32> to vector<8x2048xf32>
    %gt3A_1963 = arith.cmpf ogt, %slice3A_1962, %max3A_1958 : vector<8x2048xf32>
    %max3A_1964 = arith.maximumf %max3A_1958, %slice3A_1962 : vector<8x2048xf32>
    %jit3A_1965 = arith.constant 1.200000e+02 : f32
    %broadcast_in_dim3A_1966 = vector.broadcast %jit3A_1965 : f32 to vector<8x2048xf32>
    %select_n3A_1967 = arith.select %gt3A_1963, %broadcast_in_dim3A_1966, %select_n3A_1961 : vector<8x2048xi1>, vector<8x2048xf32>
    %slice3A_1968 = vector.extract_strided_slice %dot_general3A_143 {offsets = [968, 0], sizes = [8, 2048], strides = [1, 1]} : vector<1408x2048xf32> to vector<8x2048xf32>
    %gt3A_1969 = arith.cmpf ogt, %slice3A_1968, %max3A_1964 : vector<8x2048xf32>
    %max3A_1970 = arith.maximumf %max3A_1964, %slice3A_1968 : vector<8x2048xf32>
    %jit3A_1971 = arith.constant 1.210000e+02 : f32
    %broadcast_in_dim3A_1972 = vector.broadcast %jit3A_1971 : f32 to vector<8x2048xf32>
    %select_n3A_1973 = arith.select %gt3A_1969, %broadcast_in_dim3A_1972, %select_n3A_1967 : vector<8x2048xi1>, vector<8x2048xf32>
    %slice3A_1974 = vector.extract_strided_slice %dot_general3A_143 {offsets = [976, 0], sizes = [8, 2048], strides = [1, 1]} : vector<1408x2048xf32> to vector<8x2048xf32>
    %gt3A_1975 = arith.cmpf ogt, %slice3A_1974, %max3A_1970 : vector<8x2048xf32>
    %max3A_1976 = arith.maximumf %max3A_1970, %slice3A_1974 : vector<8x2048xf32>
    %jit3A_1977 = arith.constant 1.220000e+02 : f32
    %broadcast_in_dim3A_1978 = vector.broadcast %jit3A_1977 : f32 to vector<8x2048xf32>
    %select_n3A_1979 = arith.select %gt3A_1975, %broadcast_in_dim3A_1978, %select_n3A_1973 : vector<8x2048xi1>, vector<8x2048xf32>
    %slice3A_1980 = vector.extract_strided_slice %dot_general3A_143 {offsets = [984, 0], sizes = [8, 2048], strides = [1, 1]} : vector<1408x2048xf32> to vector<8x2048xf32>
    %gt3A_1981 = arith.cmpf ogt, %slice3A_1980, %max3A_1976 : vector<8x2048xf32>
    %max3A_1982 = arith.maximumf %max3A_1976, %slice3A_1980 : vector<8x2048xf32>
    %jit3A_1983 = arith.constant 1.230000e+02 : f32
    %broadcast_in_dim3A_1984 = vector.broadcast %jit3A_1983 : f32 to vector<8x2048xf32>
    %select_n3A_1985 = arith.select %gt3A_1981, %broadcast_in_dim3A_1984, %select_n3A_1979 : vector<8x2048xi1>, vector<8x2048xf32>
    %slice3A_1986 = vector.extract_strided_slice %dot_general3A_143 {offsets = [992, 0], sizes = [8, 2048], strides = [1, 1]} : vector<1408x2048xf32> to vector<8x2048xf32>
    %gt3A_1987 = arith.cmpf ogt, %slice3A_1986, %max3A_1982 : vector<8x2048xf32>
    %max3A_1988 = arith.maximumf %max3A_1982, %slice3A_1986 : vector<8x2048xf32>
    %jit3A_1989 = arith.constant 1.240000e+02 : f32
    %broadcast_in_dim3A_1990 = vector.broadcast %jit3A_1989 : f32 to vector<8x2048xf32>
    %select_n3A_1991 = arith.select %gt3A_1987, %broadcast_in_dim3A_1990, %select_n3A_1985 : vector<8x2048xi1>, vector<8x2048xf32>
    %slice3A_1992 = vector.extract_strided_slice %dot_general3A_143 {offsets = [1000, 0], sizes = [8, 2048], strides = [1, 1]} : vector<1408x2048xf32> to vector<8x2048xf32>
    %gt3A_1993 = arith.cmpf ogt, %slice3A_1992, %max3A_1988 : vector<8x2048xf32>
    %max3A_1994 = arith.maximumf %max3A_1988, %slice3A_1992 : vector<8x2048xf32>
    %jit3A_1995 = arith.constant 1.250000e+02 : f32
    %broadcast_in_dim3A_1996 = vector.broadcast %jit3A_1995 : f32 to vector<8x2048xf32>
    %select_n3A_1997 = arith.select %gt3A_1993, %broadcast_in_dim3A_1996, %select_n3A_1991 : vector<8x2048xi1>, vector<8x2048xf32>
    %slice3A_1998 = vector.extract_strided_slice %dot_general3A_143 {offsets = [1008, 0], sizes = [8, 2048], strides = [1, 1]} : vector<1408x2048xf32> to vector<8x2048xf32>
    %gt3A_1999 = arith.cmpf ogt, %slice3A_1998, %max3A_1994 : vector<8x2048xf32>
    %max3A_2000 = arith.maximumf %max3A_1994, %slice3A_1998 : vector<8x2048xf32>
    %jit3A_2001 = arith.constant 1.260000e+02 : f32
    %broadcast_in_dim3A_2002 = vector.broadcast %jit3A_2001 : f32 to vector<8x2048xf32>
    %select_n3A_2003 = arith.select %gt3A_1999, %broadcast_in_dim3A_2002, %select_n3A_1997 : vector<8x2048xi1>, vector<8x2048xf32>
    %slice3A_2004 = vector.extract_strided_slice %dot_general3A_143 {offsets = [1016, 0], sizes = [8, 2048], strides = [1, 1]} : vector<1408x2048xf32> to vector<8x2048xf32>
    %gt3A_2005 = arith.cmpf ogt, %slice3A_2004, %max3A_2000 : vector<8x2048xf32>
    %max3A_2006 = arith.maximumf %max3A_2000, %slice3A_2004 : vector<8x2048xf32>
    %jit3A_2007 = arith.constant 1.270000e+02 : f32
    %broadcast_in_dim3A_2008 = vector.broadcast %jit3A_2007 : f32 to vector<8x2048xf32>
    %select_n3A_2009 = arith.select %gt3A_2005, %broadcast_in_dim3A_2008, %select_n3A_2003 : vector<8x2048xi1>, vector<8x2048xf32>
    %slice3A_2010 = vector.extract_strided_slice %dot_general3A_143 {offsets = [1024, 0], sizes = [8, 2048], strides = [1, 1]} : vector<1408x2048xf32> to vector<8x2048xf32>
    %gt3A_2011 = arith.cmpf ogt, %slice3A_2010, %max3A_2006 : vector<8x2048xf32>
    %max3A_2012 = arith.maximumf %max3A_2006, %slice3A_2010 : vector<8x2048xf32>
    %jit3A_2013 = arith.constant 1.280000e+02 : f32
    %broadcast_in_dim3A_2014 = vector.broadcast %jit3A_2013 : f32 to vector<8x2048xf32>
    %select_n3A_2015 = arith.select %gt3A_2011, %broadcast_in_dim3A_2014, %select_n3A_2009 : vector<8x2048xi1>, vector<8x2048xf32>
    %slice3A_2016 = vector.extract_strided_slice %dot_general3A_143 {offsets = [1032, 0], sizes = [8, 2048], strides = [1, 1]} : vector<1408x2048xf32> to vector<8x2048xf32>
    %gt3A_2017 = arith.cmpf ogt, %slice3A_2016, %max3A_2012 : vector<8x2048xf32>
    %max3A_2018 = arith.maximumf %max3A_2012, %slice3A_2016 : vector<8x2048xf32>
    %jit3A_2019 = arith.constant 1.290000e+02 : f32
    %broadcast_in_dim3A_2020 = vector.broadcast %jit3A_2019 : f32 to vector<8x2048xf32>
    %select_n3A_2021 = arith.select %gt3A_2017, %broadcast_in_dim3A_2020, %select_n3A_2015 : vector<8x2048xi1>, vector<8x2048xf32>
    %slice3A_2022 = vector.extract_strided_slice %dot_general3A_143 {offsets = [1040, 0], sizes = [8, 2048], strides = [1, 1]} : vector<1408x2048xf32> to vector<8x2048xf32>
    %gt3A_2023 = arith.cmpf ogt, %slice3A_2022, %max3A_2018 : vector<8x2048xf32>
    %max3A_2024 = arith.maximumf %max3A_2018, %slice3A_2022 : vector<8x2048xf32>
    %jit3A_2025 = arith.constant 1.300000e+02 : f32
    %broadcast_in_dim3A_2026 = vector.broadcast %jit3A_2025 : f32 to vector<8x2048xf32>
    %select_n3A_2027 = arith.select %gt3A_2023, %broadcast_in_dim3A_2026, %select_n3A_2021 : vector<8x2048xi1>, vector<8x2048xf32>
    %slice3A_2028 = vector.extract_strided_slice %dot_general3A_143 {offsets = [1048, 0], sizes = [8, 2048], strides = [1, 1]} : vector<1408x2048xf32> to vector<8x2048xf32>
    %gt3A_2029 = arith.cmpf ogt, %slice3A_2028, %max3A_2024 : vector<8x2048xf32>
    %max3A_2030 = arith.maximumf %max3A_2024, %slice3A_2028 : vector<8x2048xf32>
    %jit3A_2031 = arith.constant 1.310000e+02 : f32
    %broadcast_in_dim3A_2032 = vector.broadcast %jit3A_2031 : f32 to vector<8x2048xf32>
    %select_n3A_2033 = arith.select %gt3A_2029, %broadcast_in_dim3A_2032, %select_n3A_2027 : vector<8x2048xi1>, vector<8x2048xf32>
    %slice3A_2034 = vector.extract_strided_slice %dot_general3A_143 {offsets = [1056, 0], sizes = [8, 2048], strides = [1, 1]} : vector<1408x2048xf32> to vector<8x2048xf32>
    %gt3A_2035 = arith.cmpf ogt, %slice3A_2034, %max3A_2030 : vector<8x2048xf32>
    %max3A_2036 = arith.maximumf %max3A_2030, %slice3A_2034 : vector<8x2048xf32>
    %jit3A_2037 = arith.constant 1.320000e+02 : f32
    %broadcast_in_dim3A_2038 = vector.broadcast %jit3A_2037 : f32 to vector<8x2048xf32>
    %select_n3A_2039 = arith.select %gt3A_2035, %broadcast_in_dim3A_2038, %select_n3A_2033 : vector<8x2048xi1>, vector<8x2048xf32>
    %slice3A_2040 = vector.extract_strided_slice %dot_general3A_143 {offsets = [1064, 0], sizes = [8, 2048], strides = [1, 1]} : vector<1408x2048xf32> to vector<8x2048xf32>
    %gt3A_2041 = arith.cmpf ogt, %slice3A_2040, %max3A_2036 : vector<8x2048xf32>
    %max3A_2042 = arith.maximumf %max3A_2036, %slice3A_2040 : vector<8x2048xf32>
    %jit3A_2043 = arith.constant 1.330000e+02 : f32
    %broadcast_in_dim3A_2044 = vector.broadcast %jit3A_2043 : f32 to vector<8x2048xf32>
    %select_n3A_2045 = arith.select %gt3A_2041, %broadcast_in_dim3A_2044, %select_n3A_2039 : vector<8x2048xi1>, vector<8x2048xf32>
    %slice3A_2046 = vector.extract_strided_slice %dot_general3A_143 {offsets = [1072, 0], sizes = [8, 2048], strides = [1, 1]} : vector<1408x2048xf32> to vector<8x2048xf32>
    %gt3A_2047 = arith.cmpf ogt, %slice3A_2046, %max3A_2042 : vector<8x2048xf32>
    %max3A_2048 = arith.maximumf %max3A_2042, %slice3A_2046 : vector<8x2048xf32>
    %jit3A_2049 = arith.constant 1.340000e+02 : f32
    %broadcast_in_dim3A_2050 = vector.broadcast %jit3A_2049 : f32 to vector<8x2048xf32>
    %select_n3A_2051 = arith.select %gt3A_2047, %broadcast_in_dim3A_2050, %select_n3A_2045 : vector<8x2048xi1>, vector<8x2048xf32>
    %slice3A_2052 = vector.extract_strided_slice %dot_general3A_143 {offsets = [1080, 0], sizes = [8, 2048], strides = [1, 1]} : vector<1408x2048xf32> to vector<8x2048xf32>
    %gt3A_2053 = arith.cmpf ogt, %slice3A_2052, %max3A_2048 : vector<8x2048xf32>
    %max3A_2054 = arith.maximumf %max3A_2048, %slice3A_2052 : vector<8x2048xf32>
    %jit3A_2055 = arith.constant 1.350000e+02 : f32
    %broadcast_in_dim3A_2056 = vector.broadcast %jit3A_2055 : f32 to vector<8x2048xf32>
    %select_n3A_2057 = arith.select %gt3A_2053, %broadcast_in_dim3A_2056, %select_n3A_2051 : vector<8x2048xi1>, vector<8x2048xf32>
    %slice3A_2058 = vector.extract_strided_slice %dot_general3A_143 {offsets = [1088, 0], sizes = [8, 2048], strides = [1, 1]} : vector<1408x2048xf32> to vector<8x2048xf32>
    %gt3A_2059 = arith.cmpf ogt, %slice3A_2058, %max3A_2054 : vector<8x2048xf32>
    %max3A_2060 = arith.maximumf %max3A_2054, %slice3A_2058 : vector<8x2048xf32>
    %jit3A_2061 = arith.constant 1.360000e+02 : f32
    %broadcast_in_dim3A_2062 = vector.broadcast %jit3A_2061 : f32 to vector<8x2048xf32>
    %select_n3A_2063 = arith.select %gt3A_2059, %broadcast_in_dim3A_2062, %select_n3A_2057 : vector<8x2048xi1>, vector<8x2048xf32>
    %slice3A_2064 = vector.extract_strided_slice %dot_general3A_143 {offsets = [1096, 0], sizes = [8, 2048], strides = [1, 1]} : vector<1408x2048xf32> to vector<8x2048xf32>
    %gt3A_2065 = arith.cmpf ogt, %slice3A_2064, %max3A_2060 : vector<8x2048xf32>
    %max3A_2066 = arith.maximumf %max3A_2060, %slice3A_2064 : vector<8x2048xf32>
    %jit3A_2067 = arith.constant 1.370000e+02 : f32
    %broadcast_in_dim3A_2068 = vector.broadcast %jit3A_2067 : f32 to vector<8x2048xf32>
    %select_n3A_2069 = arith.select %gt3A_2065, %broadcast_in_dim3A_2068, %select_n3A_2063 : vector<8x2048xi1>, vector<8x2048xf32>
    %slice3A_2070 = vector.extract_strided_slice %dot_general3A_143 {offsets = [1104, 0], sizes = [8, 2048], strides = [1, 1]} : vector<1408x2048xf32> to vector<8x2048xf32>
    %gt3A_2071 = arith.cmpf ogt, %slice3A_2070, %max3A_2066 : vector<8x2048xf32>
    %max3A_2072 = arith.maximumf %max3A_2066, %slice3A_2070 : vector<8x2048xf32>
    %jit3A_2073 = arith.constant 1.380000e+02 : f32
    %broadcast_in_dim3A_2074 = vector.broadcast %jit3A_2073 : f32 to vector<8x2048xf32>
    %select_n3A_2075 = arith.select %gt3A_2071, %broadcast_in_dim3A_2074, %select_n3A_2069 : vector<8x2048xi1>, vector<8x2048xf32>
    %slice3A_2076 = vector.extract_strided_slice %dot_general3A_143 {offsets = [1112, 0], sizes = [8, 2048], strides = [1, 1]} : vector<1408x2048xf32> to vector<8x2048xf32>
    %gt3A_2077 = arith.cmpf ogt, %slice3A_2076, %max3A_2072 : vector<8x2048xf32>
    %max3A_2078 = arith.maximumf %max3A_2072, %slice3A_2076 : vector<8x2048xf32>
    %jit3A_2079 = arith.constant 1.390000e+02 : f32
    %broadcast_in_dim3A_2080 = vector.broadcast %jit3A_2079 : f32 to vector<8x2048xf32>
    %select_n3A_2081 = arith.select %gt3A_2077, %broadcast_in_dim3A_2080, %select_n3A_2075 : vector<8x2048xi1>, vector<8x2048xf32>
    %slice3A_2082 = vector.extract_strided_slice %dot_general3A_143 {offsets = [1120, 0], sizes = [8, 2048], strides = [1, 1]} : vector<1408x2048xf32> to vector<8x2048xf32>
    %gt3A_2083 = arith.cmpf ogt, %slice3A_2082, %max3A_2078 : vector<8x2048xf32>
    %max3A_2084 = arith.maximumf %max3A_2078, %slice3A_2082 : vector<8x2048xf32>
    %jit3A_2085 = arith.constant 1.400000e+02 : f32
    %broadcast_in_dim3A_2086 = vector.broadcast %jit3A_2085 : f32 to vector<8x2048xf32>
    %select_n3A_2087 = arith.select %gt3A_2083, %broadcast_in_dim3A_2086, %select_n3A_2081 : vector<8x2048xi1>, vector<8x2048xf32>
    %slice3A_2088 = vector.extract_strided_slice %dot_general3A_143 {offsets = [1128, 0], sizes = [8, 2048], strides = [1, 1]} : vector<1408x2048xf32> to vector<8x2048xf32>
    %gt3A_2089 = arith.cmpf ogt, %slice3A_2088, %max3A_2084 : vector<8x2048xf32>
    %max3A_2090 = arith.maximumf %max3A_2084, %slice3A_2088 : vector<8x2048xf32>
    %jit3A_2091 = arith.constant 1.410000e+02 : f32
    %broadcast_in_dim3A_2092 = vector.broadcast %jit3A_2091 : f32 to vector<8x2048xf32>
    %select_n3A_2093 = arith.select %gt3A_2089, %broadcast_in_dim3A_2092, %select_n3A_2087 : vector<8x2048xi1>, vector<8x2048xf32>
    %slice3A_2094 = vector.extract_strided_slice %dot_general3A_143 {offsets = [1136, 0], sizes = [8, 2048], strides = [1, 1]} : vector<1408x2048xf32> to vector<8x2048xf32>
    %gt3A_2095 = arith.cmpf ogt, %slice3A_2094, %max3A_2090 : vector<8x2048xf32>
    %max3A_2096 = arith.maximumf %max3A_2090, %slice3A_2094 : vector<8x2048xf32>
    %jit3A_2097 = arith.constant 1.420000e+02 : f32
    %broadcast_in_dim3A_2098 = vector.broadcast %jit3A_2097 : f32 to vector<8x2048xf32>
    %select_n3A_2099 = arith.select %gt3A_2095, %broadcast_in_dim3A_2098, %select_n3A_2093 : vector<8x2048xi1>, vector<8x2048xf32>
    %slice3A_2100 = vector.extract_strided_slice %dot_general3A_143 {offsets = [1144, 0], sizes = [8, 2048], strides = [1, 1]} : vector<1408x2048xf32> to vector<8x2048xf32>
    %gt3A_2101 = arith.cmpf ogt, %slice3A_2100, %max3A_2096 : vector<8x2048xf32>
    %max3A_2102 = arith.maximumf %max3A_2096, %slice3A_2100 : vector<8x2048xf32>
    %jit3A_2103 = arith.constant 1.430000e+02 : f32
    %broadcast_in_dim3A_2104 = vector.broadcast %jit3A_2103 : f32 to vector<8x2048xf32>
    %select_n3A_2105 = arith.select %gt3A_2101, %broadcast_in_dim3A_2104, %select_n3A_2099 : vector<8x2048xi1>, vector<8x2048xf32>
    %slice3A_2106 = vector.extract_strided_slice %dot_general3A_143 {offsets = [1152, 0], sizes = [8, 2048], strides = [1, 1]} : vector<1408x2048xf32> to vector<8x2048xf32>
    %gt3A_2107 = arith.cmpf ogt, %slice3A_2106, %max3A_2102 : vector<8x2048xf32>
    %max3A_2108 = arith.maximumf %max3A_2102, %slice3A_2106 : vector<8x2048xf32>
    %jit3A_2109 = arith.constant 1.440000e+02 : f32
    %broadcast_in_dim3A_2110 = vector.broadcast %jit3A_2109 : f32 to vector<8x2048xf32>
    %select_n3A_2111 = arith.select %gt3A_2107, %broadcast_in_dim3A_2110, %select_n3A_2105 : vector<8x2048xi1>, vector<8x2048xf32>
    %slice3A_2112 = vector.extract_strided_slice %dot_general3A_143 {offsets = [1160, 0], sizes = [8, 2048], strides = [1, 1]} : vector<1408x2048xf32> to vector<8x2048xf32>
    %gt3A_2113 = arith.cmpf ogt, %slice3A_2112, %max3A_2108 : vector<8x2048xf32>
    %max3A_2114 = arith.maximumf %max3A_2108, %slice3A_2112 : vector<8x2048xf32>
    %jit3A_2115 = arith.constant 1.450000e+02 : f32
    %broadcast_in_dim3A_2116 = vector.broadcast %jit3A_2115 : f32 to vector<8x2048xf32>
    %select_n3A_2117 = arith.select %gt3A_2113, %broadcast_in_dim3A_2116, %select_n3A_2111 : vector<8x2048xi1>, vector<8x2048xf32>
    %slice3A_2118 = vector.extract_strided_slice %dot_general3A_143 {offsets = [1168, 0], sizes = [8, 2048], strides = [1, 1]} : vector<1408x2048xf32> to vector<8x2048xf32>
    %gt3A_2119 = arith.cmpf ogt, %slice3A_2118, %max3A_2114 : vector<8x2048xf32>
    %max3A_2120 = arith.maximumf %max3A_2114, %slice3A_2118 : vector<8x2048xf32>
    %jit3A_2121 = arith.constant 1.460000e+02 : f32
    %broadcast_in_dim3A_2122 = vector.broadcast %jit3A_2121 : f32 to vector<8x2048xf32>
    %select_n3A_2123 = arith.select %gt3A_2119, %broadcast_in_dim3A_2122, %select_n3A_2117 : vector<8x2048xi1>, vector<8x2048xf32>
    %slice3A_2124 = vector.extract_strided_slice %dot_general3A_143 {offsets = [1176, 0], sizes = [8, 2048], strides = [1, 1]} : vector<1408x2048xf32> to vector<8x2048xf32>
    %gt3A_2125 = arith.cmpf ogt, %slice3A_2124, %max3A_2120 : vector<8x2048xf32>
    %max3A_2126 = arith.maximumf %max3A_2120, %slice3A_2124 : vector<8x2048xf32>
    %jit3A_2127 = arith.constant 1.470000e+02 : f32
    %broadcast_in_dim3A_2128 = vector.broadcast %jit3A_2127 : f32 to vector<8x2048xf32>
    %select_n3A_2129 = arith.select %gt3A_2125, %broadcast_in_dim3A_2128, %select_n3A_2123 : vector<8x2048xi1>, vector<8x2048xf32>
    %slice3A_2130 = vector.extract_strided_slice %dot_general3A_143 {offsets = [1184, 0], sizes = [8, 2048], strides = [1, 1]} : vector<1408x2048xf32> to vector<8x2048xf32>
    %gt3A_2131 = arith.cmpf ogt, %slice3A_2130, %max3A_2126 : vector<8x2048xf32>
    %max3A_2132 = arith.maximumf %max3A_2126, %slice3A_2130 : vector<8x2048xf32>
    %jit3A_2133 = arith.constant 1.480000e+02 : f32
    %broadcast_in_dim3A_2134 = vector.broadcast %jit3A_2133 : f32 to vector<8x2048xf32>
    %select_n3A_2135 = arith.select %gt3A_2131, %broadcast_in_dim3A_2134, %select_n3A_2129 : vector<8x2048xi1>, vector<8x2048xf32>
    %slice3A_2136 = vector.extract_strided_slice %dot_general3A_143 {offsets = [1192, 0], sizes = [8, 2048], strides = [1, 1]} : vector<1408x2048xf32> to vector<8x2048xf32>
    %gt3A_2137 = arith.cmpf ogt, %slice3A_2136, %max3A_2132 : vector<8x2048xf32>
    %max3A_2138 = arith.maximumf %max3A_2132, %slice3A_2136 : vector<8x2048xf32>
    %jit3A_2139 = arith.constant 1.490000e+02 : f32
    %broadcast_in_dim3A_2140 = vector.broadcast %jit3A_2139 : f32 to vector<8x2048xf32>
    %select_n3A_2141 = arith.select %gt3A_2137, %broadcast_in_dim3A_2140, %select_n3A_2135 : vector<8x2048xi1>, vector<8x2048xf32>
    %slice3A_2142 = vector.extract_strided_slice %dot_general3A_143 {offsets = [1200, 0], sizes = [8, 2048], strides = [1, 1]} : vector<1408x2048xf32> to vector<8x2048xf32>
    %gt3A_2143 = arith.cmpf ogt, %slice3A_2142, %max3A_2138 : vector<8x2048xf32>
    %max3A_2144 = arith.maximumf %max3A_2138, %slice3A_2142 : vector<8x2048xf32>
    %jit3A_2145 = arith.constant 1.500000e+02 : f32
    %broadcast_in_dim3A_2146 = vector.broadcast %jit3A_2145 : f32 to vector<8x2048xf32>
    %select_n3A_2147 = arith.select %gt3A_2143, %broadcast_in_dim3A_2146, %select_n3A_2141 : vector<8x2048xi1>, vector<8x2048xf32>
    %slice3A_2148 = vector.extract_strided_slice %dot_general3A_143 {offsets = [1208, 0], sizes = [8, 2048], strides = [1, 1]} : vector<1408x2048xf32> to vector<8x2048xf32>
    %gt3A_2149 = arith.cmpf ogt, %slice3A_2148, %max3A_2144 : vector<8x2048xf32>
    %max3A_2150 = arith.maximumf %max3A_2144, %slice3A_2148 : vector<8x2048xf32>
    %jit3A_2151 = arith.constant 1.510000e+02 : f32
    %broadcast_in_dim3A_2152 = vector.broadcast %jit3A_2151 : f32 to vector<8x2048xf32>
    %select_n3A_2153 = arith.select %gt3A_2149, %broadcast_in_dim3A_2152, %select_n3A_2147 : vector<8x2048xi1>, vector<8x2048xf32>
    %slice3A_2154 = vector.extract_strided_slice %dot_general3A_143 {offsets = [1216, 0], sizes = [8, 2048], strides = [1, 1]} : vector<1408x2048xf32> to vector<8x2048xf32>
    %gt3A_2155 = arith.cmpf ogt, %slice3A_2154, %max3A_2150 : vector<8x2048xf32>
    %max3A_2156 = arith.maximumf %max3A_2150, %slice3A_2154 : vector<8x2048xf32>
    %jit3A_2157 = arith.constant 1.520000e+02 : f32
    %broadcast_in_dim3A_2158 = vector.broadcast %jit3A_2157 : f32 to vector<8x2048xf32>
    %select_n3A_2159 = arith.select %gt3A_2155, %broadcast_in_dim3A_2158, %select_n3A_2153 : vector<8x2048xi1>, vector<8x2048xf32>
    %slice3A_2160 = vector.extract_strided_slice %dot_general3A_143 {offsets = [1224, 0], sizes = [8, 2048], strides = [1, 1]} : vector<1408x2048xf32> to vector<8x2048xf32>
    %gt3A_2161 = arith.cmpf ogt, %slice3A_2160, %max3A_2156 : vector<8x2048xf32>
    %max3A_2162 = arith.maximumf %max3A_2156, %slice3A_2160 : vector<8x2048xf32>
    %jit3A_2163 = arith.constant 1.530000e+02 : f32
    %broadcast_in_dim3A_2164 = vector.broadcast %jit3A_2163 : f32 to vector<8x2048xf32>
    %select_n3A_2165 = arith.select %gt3A_2161, %broadcast_in_dim3A_2164, %select_n3A_2159 : vector<8x2048xi1>, vector<8x2048xf32>
    %slice3A_2166 = vector.extract_strided_slice %dot_general3A_143 {offsets = [1232, 0], sizes = [8, 2048], strides = [1, 1]} : vector<1408x2048xf32> to vector<8x2048xf32>
    %gt3A_2167 = arith.cmpf ogt, %slice3A_2166, %max3A_2162 : vector<8x2048xf32>
    %max3A_2168 = arith.maximumf %max3A_2162, %slice3A_2166 : vector<8x2048xf32>
    %jit3A_2169 = arith.constant 1.540000e+02 : f32
    %broadcast_in_dim3A_2170 = vector.broadcast %jit3A_2169 : f32 to vector<8x2048xf32>
    %select_n3A_2171 = arith.select %gt3A_2167, %broadcast_in_dim3A_2170, %select_n3A_2165 : vector<8x2048xi1>, vector<8x2048xf32>
    %slice3A_2172 = vector.extract_strided_slice %dot_general3A_143 {offsets = [1240, 0], sizes = [8, 2048], strides = [1, 1]} : vector<1408x2048xf32> to vector<8x2048xf32>
    %gt3A_2173 = arith.cmpf ogt, %slice3A_2172, %max3A_2168 : vector<8x2048xf32>
    %max3A_2174 = arith.maximumf %max3A_2168, %slice3A_2172 : vector<8x2048xf32>
    %jit3A_2175 = arith.constant 1.550000e+02 : f32
    %broadcast_in_dim3A_2176 = vector.broadcast %jit3A_2175 : f32 to vector<8x2048xf32>
    %select_n3A_2177 = arith.select %gt3A_2173, %broadcast_in_dim3A_2176, %select_n3A_2171 : vector<8x2048xi1>, vector<8x2048xf32>
    %slice3A_2178 = vector.extract_strided_slice %dot_general3A_143 {offsets = [1248, 0], sizes = [8, 2048], strides = [1, 1]} : vector<1408x2048xf32> to vector<8x2048xf32>
    %gt3A_2179 = arith.cmpf ogt, %slice3A_2178, %max3A_2174 : vector<8x2048xf32>
    %max3A_2180 = arith.maximumf %max3A_2174, %slice3A_2178 : vector<8x2048xf32>
    %jit3A_2181 = arith.constant 1.560000e+02 : f32
    %broadcast_in_dim3A_2182 = vector.broadcast %jit3A_2181 : f32 to vector<8x2048xf32>
    %select_n3A_2183 = arith.select %gt3A_2179, %broadcast_in_dim3A_2182, %select_n3A_2177 : vector<8x2048xi1>, vector<8x2048xf32>
    %slice3A_2184 = vector.extract_strided_slice %dot_general3A_143 {offsets = [1256, 0], sizes = [8, 2048], strides = [1, 1]} : vector<1408x2048xf32> to vector<8x2048xf32>
    %gt3A_2185 = arith.cmpf ogt, %slice3A_2184, %max3A_2180 : vector<8x2048xf32>
    %max3A_2186 = arith.maximumf %max3A_2180, %slice3A_2184 : vector<8x2048xf32>
    %jit3A_2187 = arith.constant 1.570000e+02 : f32
    %broadcast_in_dim3A_2188 = vector.broadcast %jit3A_2187 : f32 to vector<8x2048xf32>
    %select_n3A_2189 = arith.select %gt3A_2185, %broadcast_in_dim3A_2188, %select_n3A_2183 : vector<8x2048xi1>, vector<8x2048xf32>
    %slice3A_2190 = vector.extract_strided_slice %dot_general3A_143 {offsets = [1264, 0], sizes = [8, 2048], strides = [1, 1]} : vector<1408x2048xf32> to vector<8x2048xf32>
    %gt3A_2191 = arith.cmpf ogt, %slice3A_2190, %max3A_2186 : vector<8x2048xf32>
    %max3A_2192 = arith.maximumf %max3A_2186, %slice3A_2190 : vector<8x2048xf32>
    %jit3A_2193 = arith.constant 1.580000e+02 : f32
    %broadcast_in_dim3A_2194 = vector.broadcast %jit3A_2193 : f32 to vector<8x2048xf32>
    %select_n3A_2195 = arith.select %gt3A_2191, %broadcast_in_dim3A_2194, %select_n3A_2189 : vector<8x2048xi1>, vector<8x2048xf32>
    %slice3A_2196 = vector.extract_strided_slice %dot_general3A_143 {offsets = [1272, 0], sizes = [8, 2048], strides = [1, 1]} : vector<1408x2048xf32> to vector<8x2048xf32>
    %gt3A_2197 = arith.cmpf ogt, %slice3A_2196, %max3A_2192 : vector<8x2048xf32>
    %max3A_2198 = arith.maximumf %max3A_2192, %slice3A_2196 : vector<8x2048xf32>
    %jit3A_2199 = arith.constant 1.590000e+02 : f32
    %broadcast_in_dim3A_2200 = vector.broadcast %jit3A_2199 : f32 to vector<8x2048xf32>
    %select_n3A_2201 = arith.select %gt3A_2197, %broadcast_in_dim3A_2200, %select_n3A_2195 : vector<8x2048xi1>, vector<8x2048xf32>
    %slice3A_2202 = vector.extract_strided_slice %dot_general3A_143 {offsets = [1280, 0], sizes = [8, 2048], strides = [1, 1]} : vector<1408x2048xf32> to vector<8x2048xf32>
    %gt3A_2203 = arith.cmpf ogt, %slice3A_2202, %max3A_2198 : vector<8x2048xf32>
    %max3A_2204 = arith.maximumf %max3A_2198, %slice3A_2202 : vector<8x2048xf32>
    %jit3A_2205 = arith.constant 1.600000e+02 : f32
    %broadcast_in_dim3A_2206 = vector.broadcast %jit3A_2205 : f32 to vector<8x2048xf32>
    %select_n3A_2207 = arith.select %gt3A_2203, %broadcast_in_dim3A_2206, %select_n3A_2201 : vector<8x2048xi1>, vector<8x2048xf32>
    %slice3A_2208 = vector.extract_strided_slice %dot_general3A_143 {offsets = [1288, 0], sizes = [8, 2048], strides = [1, 1]} : vector<1408x2048xf32> to vector<8x2048xf32>
    %gt3A_2209 = arith.cmpf ogt, %slice3A_2208, %max3A_2204 : vector<8x2048xf32>
    %max3A_2210 = arith.maximumf %max3A_2204, %slice3A_2208 : vector<8x2048xf32>
    %jit3A_2211 = arith.constant 1.610000e+02 : f32
    %broadcast_in_dim3A_2212 = vector.broadcast %jit3A_2211 : f32 to vector<8x2048xf32>
    %select_n3A_2213 = arith.select %gt3A_2209, %broadcast_in_dim3A_2212, %select_n3A_2207 : vector<8x2048xi1>, vector<8x2048xf32>
    %slice3A_2214 = vector.extract_strided_slice %dot_general3A_143 {offsets = [1296, 0], sizes = [8, 2048], strides = [1, 1]} : vector<1408x2048xf32> to vector<8x2048xf32>
    %gt3A_2215 = arith.cmpf ogt, %slice3A_2214, %max3A_2210 : vector<8x2048xf32>
    %max3A_2216 = arith.maximumf %max3A_2210, %slice3A_2214 : vector<8x2048xf32>
    %jit3A_2217 = arith.constant 1.620000e+02 : f32
    %broadcast_in_dim3A_2218 = vector.broadcast %jit3A_2217 : f32 to vector<8x2048xf32>
    %select_n3A_2219 = arith.select %gt3A_2215, %broadcast_in_dim3A_2218, %select_n3A_2213 : vector<8x2048xi1>, vector<8x2048xf32>
    %slice3A_2220 = vector.extract_strided_slice %dot_general3A_143 {offsets = [1304, 0], sizes = [8, 2048], strides = [1, 1]} : vector<1408x2048xf32> to vector<8x2048xf32>
    %gt3A_2221 = arith.cmpf ogt, %slice3A_2220, %max3A_2216 : vector<8x2048xf32>
    %max3A_2222 = arith.maximumf %max3A_2216, %slice3A_2220 : vector<8x2048xf32>
    %jit3A_2223 = arith.constant 1.630000e+02 : f32
    %broadcast_in_dim3A_2224 = vector.broadcast %jit3A_2223 : f32 to vector<8x2048xf32>
    %select_n3A_2225 = arith.select %gt3A_2221, %broadcast_in_dim3A_2224, %select_n3A_2219 : vector<8x2048xi1>, vector<8x2048xf32>
    %slice3A_2226 = vector.extract_strided_slice %dot_general3A_143 {offsets = [1312, 0], sizes = [8, 2048], strides = [1, 1]} : vector<1408x2048xf32> to vector<8x2048xf32>
    %gt3A_2227 = arith.cmpf ogt, %slice3A_2226, %max3A_2222 : vector<8x2048xf32>
    %max3A_2228 = arith.maximumf %max3A_2222, %slice3A_2226 : vector<8x2048xf32>
    %jit3A_2229 = arith.constant 1.640000e+02 : f32
    %broadcast_in_dim3A_2230 = vector.broadcast %jit3A_2229 : f32 to vector<8x2048xf32>
    %select_n3A_2231 = arith.select %gt3A_2227, %broadcast_in_dim3A_2230, %select_n3A_2225 : vector<8x2048xi1>, vector<8x2048xf32>
    %slice3A_2232 = vector.extract_strided_slice %dot_general3A_143 {offsets = [1320, 0], sizes = [8, 2048], strides = [1, 1]} : vector<1408x2048xf32> to vector<8x2048xf32>
    %gt3A_2233 = arith.cmpf ogt, %slice3A_2232, %max3A_2228 : vector<8x2048xf32>
    %max3A_2234 = arith.maximumf %max3A_2228, %slice3A_2232 : vector<8x2048xf32>
    %jit3A_2235 = arith.constant 1.650000e+02 : f32
    %broadcast_in_dim3A_2236 = vector.broadcast %jit3A_2235 : f32 to vector<8x2048xf32>
    %select_n3A_2237 = arith.select %gt3A_2233, %broadcast_in_dim3A_2236, %select_n3A_2231 : vector<8x2048xi1>, vector<8x2048xf32>
    %slice3A_2238 = vector.extract_strided_slice %dot_general3A_143 {offsets = [1328, 0], sizes = [8, 2048], strides = [1, 1]} : vector<1408x2048xf32> to vector<8x2048xf32>
    %gt3A_2239 = arith.cmpf ogt, %slice3A_2238, %max3A_2234 : vector<8x2048xf32>
    %max3A_2240 = arith.maximumf %max3A_2234, %slice3A_2238 : vector<8x2048xf32>
    %jit3A_2241 = arith.constant 1.660000e+02 : f32
    %broadcast_in_dim3A_2242 = vector.broadcast %jit3A_2241 : f32 to vector<8x2048xf32>
    %select_n3A_2243 = arith.select %gt3A_2239, %broadcast_in_dim3A_2242, %select_n3A_2237 : vector<8x2048xi1>, vector<8x2048xf32>
    %slice3A_2244 = vector.extract_strided_slice %dot_general3A_143 {offsets = [1336, 0], sizes = [8, 2048], strides = [1, 1]} : vector<1408x2048xf32> to vector<8x2048xf32>
    %gt3A_2245 = arith.cmpf ogt, %slice3A_2244, %max3A_2240 : vector<8x2048xf32>
    %max3A_2246 = arith.maximumf %max3A_2240, %slice3A_2244 : vector<8x2048xf32>
    %jit3A_2247 = arith.constant 1.670000e+02 : f32
    %broadcast_in_dim3A_2248 = vector.broadcast %jit3A_2247 : f32 to vector<8x2048xf32>
    %select_n3A_2249 = arith.select %gt3A_2245, %broadcast_in_dim3A_2248, %select_n3A_2243 : vector<8x2048xi1>, vector<8x2048xf32>
    %slice3A_2250 = vector.extract_strided_slice %dot_general3A_143 {offsets = [1344, 0], sizes = [8, 2048], strides = [1, 1]} : vector<1408x2048xf32> to vector<8x2048xf32>
    %gt3A_2251 = arith.cmpf ogt, %slice3A_2250, %max3A_2246 : vector<8x2048xf32>
    %max3A_2252 = arith.maximumf %max3A_2246, %slice3A_2250 : vector<8x2048xf32>
    %jit3A_2253 = arith.constant 1.680000e+02 : f32
    %broadcast_in_dim3A_2254 = vector.broadcast %jit3A_2253 : f32 to vector<8x2048xf32>
    %select_n3A_2255 = arith.select %gt3A_2251, %broadcast_in_dim3A_2254, %select_n3A_2249 : vector<8x2048xi1>, vector<8x2048xf32>
    %slice3A_2256 = vector.extract_strided_slice %dot_general3A_143 {offsets = [1352, 0], sizes = [8, 2048], strides = [1, 1]} : vector<1408x2048xf32> to vector<8x2048xf32>
    %gt3A_2257 = arith.cmpf ogt, %slice3A_2256, %max3A_2252 : vector<8x2048xf32>
    %max3A_2258 = arith.maximumf %max3A_2252, %slice3A_2256 : vector<8x2048xf32>
    %jit3A_2259 = arith.constant 1.690000e+02 : f32
    %broadcast_in_dim3A_2260 = vector.broadcast %jit3A_2259 : f32 to vector<8x2048xf32>
    %select_n3A_2261 = arith.select %gt3A_2257, %broadcast_in_dim3A_2260, %select_n3A_2255 : vector<8x2048xi1>, vector<8x2048xf32>
    %slice3A_2262 = vector.extract_strided_slice %dot_general3A_143 {offsets = [1360, 0], sizes = [8, 2048], strides = [1, 1]} : vector<1408x2048xf32> to vector<8x2048xf32>
    %gt3A_2263 = arith.cmpf ogt, %slice3A_2262, %max3A_2258 : vector<8x2048xf32>
    %max3A_2264 = arith.maximumf %max3A_2258, %slice3A_2262 : vector<8x2048xf32>
    %jit3A_2265 = arith.constant 1.700000e+02 : f32
    %broadcast_in_dim3A_2266 = vector.broadcast %jit3A_2265 : f32 to vector<8x2048xf32>
    %select_n3A_2267 = arith.select %gt3A_2263, %broadcast_in_dim3A_2266, %select_n3A_2261 : vector<8x2048xi1>, vector<8x2048xf32>
    %slice3A_2268 = vector.extract_strided_slice %dot_general3A_143 {offsets = [1368, 0], sizes = [8, 2048], strides = [1, 1]} : vector<1408x2048xf32> to vector<8x2048xf32>
    %gt3A_2269 = arith.cmpf ogt, %slice3A_2268, %max3A_2264 : vector<8x2048xf32>
    %max3A_2270 = arith.maximumf %max3A_2264, %slice3A_2268 : vector<8x2048xf32>
    %jit3A_2271 = arith.constant 1.710000e+02 : f32
    %broadcast_in_dim3A_2272 = vector.broadcast %jit3A_2271 : f32 to vector<8x2048xf32>
    %select_n3A_2273 = arith.select %gt3A_2269, %broadcast_in_dim3A_2272, %select_n3A_2267 : vector<8x2048xi1>, vector<8x2048xf32>
    %slice3A_2274 = vector.extract_strided_slice %dot_general3A_143 {offsets = [1376, 0], sizes = [8, 2048], strides = [1, 1]} : vector<1408x2048xf32> to vector<8x2048xf32>
    %gt3A_2275 = arith.cmpf ogt, %slice3A_2274, %max3A_2270 : vector<8x2048xf32>
    %max3A_2276 = arith.maximumf %max3A_2270, %slice3A_2274 : vector<8x2048xf32>
    %jit3A_2277 = arith.constant 1.720000e+02 : f32
    %broadcast_in_dim3A_2278 = vector.broadcast %jit3A_2277 : f32 to vector<8x2048xf32>
    %select_n3A_2279 = arith.select %gt3A_2275, %broadcast_in_dim3A_2278, %select_n3A_2273 : vector<8x2048xi1>, vector<8x2048xf32>
    %slice3A_2280 = vector.extract_strided_slice %dot_general3A_143 {offsets = [1384, 0], sizes = [8, 2048], strides = [1, 1]} : vector<1408x2048xf32> to vector<8x2048xf32>
    %gt3A_2281 = arith.cmpf ogt, %slice3A_2280, %max3A_2276 : vector<8x2048xf32>
    %max3A_2282 = arith.maximumf %max3A_2276, %slice3A_2280 : vector<8x2048xf32>
    %jit3A_2283 = arith.constant 1.730000e+02 : f32
    %broadcast_in_dim3A_2284 = vector.broadcast %jit3A_2283 : f32 to vector<8x2048xf32>
    %select_n3A_2285 = arith.select %gt3A_2281, %broadcast_in_dim3A_2284, %select_n3A_2279 : vector<8x2048xi1>, vector<8x2048xf32>
    %slice3A_2286 = vector.extract_strided_slice %dot_general3A_143 {offsets = [1392, 0], sizes = [8, 2048], strides = [1, 1]} : vector<1408x2048xf32> to vector<8x2048xf32>
    %gt3A_2287 = arith.cmpf ogt, %slice3A_2286, %max3A_2282 : vector<8x2048xf32>
    %max3A_2288 = arith.maximumf %max3A_2282, %slice3A_2286 : vector<8x2048xf32>
    %jit3A_2289 = arith.constant 1.740000e+02 : f32
    %broadcast_in_dim3A_2290 = vector.broadcast %jit3A_2289 : f32 to vector<8x2048xf32>
    %select_n3A_2291 = arith.select %gt3A_2287, %broadcast_in_dim3A_2290, %select_n3A_2285 : vector<8x2048xi1>, vector<8x2048xf32>
    %slice3A_2292 = vector.extract_strided_slice %dot_general3A_143 {offsets = [1400, 0], sizes = [8, 2048], strides = [1, 1]} : vector<1408x2048xf32> to vector<8x2048xf32>
    %gt3A_2293 = arith.cmpf ogt, %slice3A_2292, %max3A_2288 : vector<8x2048xf32>
    %max3A_2294 = arith.maximumf %max3A_2288, %slice3A_2292 : vector<8x2048xf32>
    %jit3A_2295 = arith.constant 1.750000e+02 : f32
    %broadcast_in_dim3A_2296 = vector.broadcast %jit3A_2295 : f32 to vector<8x2048xf32>
    %select_n3A_2297 = arith.select %gt3A_2293, %broadcast_in_dim3A_2296, %select_n3A_2291 : vector<8x2048xi1>, vector<8x2048xf32>
    %mul3A_2298 = arith.constant 8.000000e+00 : f32
    %mul3A_2299 = vector.broadcast %mul3A_2298 : f32 to vector<8x2048xf32>
    %mul3A_2300 = arith.mulf %select_n3A_2297, %mul3A_2299 : vector<8x2048xf32>
    %add3A_2301 = arith.addf %mul3A_2300, %convert_element_type3A_145 : vector<8x2048xf32>
    %slice3A_2302 = vector.extract_strided_slice %max3A_2294 {offsets = [4, 0], sizes = [4, 2048], strides = [1, 1]} : vector<8x2048xf32> to vector<4x2048xf32>
    %slice3A_2303 = vector.extract_strided_slice %max3A_2294 {offsets = [0, 0], sizes = [4, 2048], strides = [1, 1]} : vector<8x2048xf32> to vector<4x2048xf32>
    %concatenate3A_2304 = tpu.concatenate %slice3A_2302, %slice3A_2303 in 0 : vector<4x2048xf32>, vector<4x2048xf32> -> vector<8x2048xf32>
    %slice3A_2305 = vector.extract_strided_slice %add3A_2301 {offsets = [4, 0], sizes = [4, 2048], strides = [1, 1]} : vector<8x2048xf32> to vector<4x2048xf32>
    %slice3A_2306 = vector.extract_strided_slice %add3A_2301 {offsets = [0, 0], sizes = [4, 2048], strides = [1, 1]} : vector<8x2048xf32> to vector<4x2048xf32>
    %concatenate3A_2307 = tpu.concatenate %slice3A_2305, %slice3A_2306 in 0 : vector<4x2048xf32>, vector<4x2048xf32> -> vector<8x2048xf32>
    %gt3A_2308 = arith.cmpf ogt, %concatenate3A_2304, %max3A_2294 : vector<8x2048xf32>
    %eq3A_2309 = arith.cmpf oeq, %concatenate3A_2304, %max3A_2294 : vector<8x2048xf32>
    %lt3A_2310 = arith.cmpf olt, %concatenate3A_2307, %add3A_2301 : vector<8x2048xf32>
    %and3A_2311 = arith.andi %eq3A_2309, %lt3A_2310 : vector<8x2048xi1>
    %or3A_2312 = arith.ori %gt3A_2308, %and3A_2311 : vector<8x2048xi1>
    %select_n3A_2313 = arith.select %or3A_2312, %concatenate3A_2304, %max3A_2294 : vector<8x2048xi1>, vector<8x2048xf32>
    %select_n3A_2314 = arith.select %or3A_2312, %concatenate3A_2307, %add3A_2301 : vector<8x2048xi1>, vector<8x2048xf32>
    %slice3A_2315 = vector.extract_strided_slice %select_n3A_2313 {offsets = [2, 0], sizes = [6, 2048], strides = [1, 1]} : vector<8x2048xf32> to vector<6x2048xf32>
    %slice3A_2316 = vector.extract_strided_slice %select_n3A_2313 {offsets = [0, 0], sizes = [2, 2048], strides = [1, 1]} : vector<8x2048xf32> to vector<2x2048xf32>
    %concatenate3A_2317 = tpu.concatenate %slice3A_2315, %slice3A_2316 in 0 : vector<6x2048xf32>, vector<2x2048xf32> -> vector<8x2048xf32>
    %slice3A_2318 = vector.extract_strided_slice %select_n3A_2314 {offsets = [2, 0], sizes = [6, 2048], strides = [1, 1]} : vector<8x2048xf32> to vector<6x2048xf32>
    %slice3A_2319 = vector.extract_strided_slice %select_n3A_2314 {offsets = [0, 0], sizes = [2, 2048], strides = [1, 1]} : vector<8x2048xf32> to vector<2x2048xf32>
    %concatenate3A_2320 = tpu.concatenate %slice3A_2318, %slice3A_2319 in 0 : vector<6x2048xf32>, vector<2x2048xf32> -> vector<8x2048xf32>
    %gt3A_2321 = arith.cmpf ogt, %concatenate3A_2317, %select_n3A_2313 : vector<8x2048xf32>
    %eq3A_2322 = arith.cmpf oeq, %concatenate3A_2317, %select_n3A_2313 : vector<8x2048xf32>
    %lt3A_2323 = arith.cmpf olt, %concatenate3A_2320, %select_n3A_2314 : vector<8x2048xf32>
    %and3A_2324 = arith.andi %eq3A_2322, %lt3A_2323 : vector<8x2048xi1>
    %or3A_2325 = arith.ori %gt3A_2321, %and3A_2324 : vector<8x2048xi1>
    %select_n3A_2326 = arith.select %or3A_2325, %concatenate3A_2317, %select_n3A_2313 : vector<8x2048xi1>, vector<8x2048xf32>
    %select_n3A_2327 = arith.select %or3A_2325, %concatenate3A_2320, %select_n3A_2314 : vector<8x2048xi1>, vector<8x2048xf32>
    %slice3A_2328 = vector.extract_strided_slice %select_n3A_2326 {offsets = [1, 0], sizes = [7, 2048], strides = [1, 1]} : vector<8x2048xf32> to vector<7x2048xf32>
    %slice3A_2329 = vector.extract_strided_slice %select_n3A_2326 {offsets = [0, 0], sizes = [1, 2048], strides = [1, 1]} : vector<8x2048xf32> to vector<1x2048xf32>
    %concatenate3A_2330 = tpu.concatenate %slice3A_2328, %slice3A_2329 in 0 : vector<7x2048xf32>, vector<1x2048xf32> -> vector<8x2048xf32>
    %slice3A_2331 = vector.extract_strided_slice %select_n3A_2327 {offsets = [1, 0], sizes = [7, 2048], strides = [1, 1]} : vector<8x2048xf32> to vector<7x2048xf32>
    %slice3A_2332 = vector.extract_strided_slice %select_n3A_2327 {offsets = [0, 0], sizes = [1, 2048], strides = [1, 1]} : vector<8x2048xf32> to vector<1x2048xf32>
    %concatenate3A_2333 = tpu.concatenate %slice3A_2331, %slice3A_2332 in 0 : vector<7x2048xf32>, vector<1x2048xf32> -> vector<8x2048xf32>
    %gt3A_2334 = arith.cmpf ogt, %concatenate3A_2330, %select_n3A_2326 : vector<8x2048xf32>
    %eq3A_2335 = arith.cmpf oeq, %concatenate3A_2330, %select_n3A_2326 : vector<8x2048xf32>
    %lt3A_2336 = arith.cmpf olt, %concatenate3A_2333, %select_n3A_2327 : vector<8x2048xf32>
    %and3A_2337 = arith.andi %eq3A_2335, %lt3A_2336 : vector<8x2048xi1>
    %or3A_2338 = arith.ori %gt3A_2334, %and3A_2337 : vector<8x2048xi1>
    %select_n3A_2339 = arith.select %or3A_2338, %concatenate3A_2333, %select_n3A_2327 : vector<8x2048xi1>, vector<8x2048xf32>
    %slice3A_2340 = vector.extract_strided_slice %select_n3A_2339 {offsets = [0, 0], sizes = [1, 2048], strides = [1, 1]} : vector<8x2048xf32> to vector<1x2048xf32>
    %convert_element_type3A_2341 = arith.fptosi %slice3A_2340 : vector<1x2048xf32> to vector<1x2048xi32>
    %shift_left3A_2342 = arith.constant 8 : i32
    %shift_left3A_2343 = vector.broadcast %shift_left3A_2342 : i32 to vector<1x2048xi32>
    %shift_left3A_2344 = arith.shli %convert_element_type3A_2341, %shift_left3A_2343 : vector<1x2048xi32>
    %or3A_2345 = arith.ori %shift_left3A_2344, %xor3A_136 : vector<1x2048xi32>
    %reshape3A_2346 = vector.shape_cast %or3A_2345 : vector<1x2048xi32> to vector<1x1x2048xi32>
    %swap3A_2347 = arith.constant 0 : index
    %swap3A_2348 = arith.constant 0 : index
    %swap3A_2349 = arith.constant 0 : index
    %swap3A_2350 = vector.load %arg4[%swap3A_2347, %swap3A_2348, %swap3A_2349] : memref<1x1x2048xi32, #tpu.memory_space<vmem>>, vector<1x1x2048xi32>
    tpu.vector_store %arg4[%swap3A_2347, %swap3A_2348, %swap3A_2349], %reshape3A_2346 {strides = array<i32>} : memref<1x1x2048xi32, #tpu.memory_space<vmem>>, vector<1x1x2048xi32>,
    return
  }
  func.func @transform_0(%arg0: i32) -> (i32, i32) {
    %c0_i32 = arith.constant 0 : i32
    %c0_i32_0 = arith.constant 0 : i32
    return %arg0, %c0_i32 : i32, i32
  }
  func.func @transform_1(%arg0: i32) -> (i32, i32) {
    %c0_i32 = arith.constant 0 : i32
    %c0_i32_0 = arith.constant 0 : i32
    %c0_i32_1 = arith.constant 0 : i32
    return %c0_i32, %c0_i32_0 : i32, i32
  }
  func.func @transform_2(%arg0: i32) -> (i32, i32, i32) {
    %c0_i32 = arith.constant 0 : i32
    %c0_i32_0 = arith.constant 0 : i32
    %c0_i32_1 = arith.constant 0 : i32
    return %arg0, %c0_i32, %c0_i32_0 : i32, i32, i32
  }
  func.func @transform_3(%arg0: i32) -> (i32, i32, i32) {
    %c0_i32 = arith.constant 0 : i32
    %c0_i32_0 = arith.constant 0 : i32
    %c0_i32_1 = arith.constant 0 : i32
    return %arg0, %c0_i32, %c0_i32_0 : i32, i32, i32
  }
}

</mosaic_0001>

<sc_bundles>
// kernel: kernel.4.cloned.1.call-start
scs
__scs_entry_jumppad:
0x0: {  	(pc) =	sbr.rel $0x88, $3  }
0x1: {  	(tag) =	ssettag $0x0;
	lr =	simm.s32 $0x1  }
0x2: {  	[smem:$0x3F9C] =	sst lr;
	_ =	strace $0xD0000000  }
0x3: {  	_ = 	snop  }
0x4: {  	_ = 	snop  }
0x5: {  	_ = 	snop  }
0x6: {  	_ = 	snop  }
0x7: {  	_ = 	snop  }
__scs_overlays_trampoline_lowered:
0x8: {  	[smem:$0x3FAB] =	sst s0  }
0x9: {  	[smem:$0x3FAC] =	sst s1  }
0xa: {  	[smem:$0x3FAD] =	sst s2  }
0xb: {  	[smem:$0x3FAE] =	sst s3  }
0xc: {  	[smem:$0x3FAF] =	sst s4  }
0xd: {  	[smem:$0x3FB0] =	sst s5  }
0xe: {  	[smem:$0x3FB1] =	sst s6  }
0xf: {  	[smem:$0x3FB2] =	sst s7  }
0x10: {  	[smem:$0x3FB3] =	sst s8  }
0x11: {  	[smem:$0x3FB4] =	sst s9;
	s0 =	simm.s32 @!p0 $0x0  }
0x12: {  	s1 =	sld [smem:$0x3F9A];
	s0 =	simm.s32 @p0 $0x1  }
0x13: {  	[smem:$0x3FB5] =	sst s0;
	s0 =	simm.s32 @!p1 $0x0  }
0x14: {  	s2 =	sld [smem:$0x3F99];
	s0 =	simm.s32 @p1 $0x1  }
0x15: {  	[smem:$0x3FB6] =	sst s0;
	s0 =	simm.s32 @!p2 $0x0  }
0x16: {  	s3 =	sld [smem:$0x3FDB];
	s0 =	simm.s32 @p2 $0x1  }
0x17: {  	s4 =	simm.s32 $0x1BF5;
	[smem:$0x3FB8] =	sst s0  }
0x18: {  	s0 =	sld [smem:$0x3F9B];
	_ =	swait.ge [sflag:s4], $0x0  }
0x19: {  	s7 =	sld [smem:$0x3F9C]  }
0x1a: {  	s8 =	sadd.s32 $0xFFFFE003, lr  }
0x1b: {  	s9 =	sadd.s32 $0xFFFFFEF7, lr;
	s5 =	simm.s32 $0xFFFFFFFF;
	p2 =	slt.u32 s8, $0xFFFFF086  }
0x1c: {  	p1 =	slt.u32 s9, $0xF7A;
	s5 =	simm.s32 @!p2 $0x0  }
0x1d: {  	s5 =	simm.s32 @p1 $0x1;
	p0 =	seq.s32 s7, s2  }
0x1e: {  	s7 =	smul.u32 @!p0 $0xF7A, s2;
	p2 =	seq.s32 @!p0 s5, $0x0  }
0x1f: {  	s9 =	smul.u32 $0xF7A, s1;
	s8 =	simm.s32 @!p0 $0x1BF5;
	p2 =	por !p2, p0  }
0x20: {  	[sflag:s8] =	ssyncset.s32 @!p0 $0xFFFFF086;
	s6 =	sadd.s32 @!p0 s3, s7;
	s7 =	simm.s32 @!p0 $0x108  }
0x21: {  	s3 =	sadd.s32 s3, s9;
	s6 =	sadd.s32 @!p0 $0x88, s6;
	s7 =	simm.s32 @p2 $0x1082  }
0x22: {  	[simem:s7], [sflag:s8] =	dma.local @!p0 [hbm:s6], $0xF7A  }
0x23: {  	s9 =	sor.u32 $0xD0000000, s2;
	s6 =	simm.s32 $0x108;
	_ =	swait.ge @!p0 [sflag:s8], $0x0  }
0x24: {  	s3 =	sadd.s32 $0x88, s3;
	s6 =	simm.s32 @!p1 $0x1082;
	[sflag:s4] =	ssyncset.s32 $0xFFFFF086  }
0x25: {  	[simem:s6], [sflag:s4] =	dma.local [hbm:s3], $0xF7A  }
0x26: {  	[smem:$0x3F9C] =	sst s1;
	(tag) =	ssettag s2;
	_ =	strace s9  }
0x27: {  	s1 =	sld [smem:$0x3FAC]  }
0x28: {  	s2 =	sld [smem:$0x3FAD]  }
0x29: {  	s4 =	sld [smem:$0x3FAF]  }
0x2a: {  	p0 =	seq.s32 s5, $0x0;
	s5 =	sld [smem:$0x3FB0]  }
0x2b: {  	s6 =	sld [smem:$0x3FB1]  }
0x2c: {  	s7 =	sld [smem:$0x3FB2]  }
0x2d: {  	s3 =	simm.s32 $0x108;
	s8 =	sld [smem:$0x3FB3]  }
0x2e: {  	s3 =	simm.s32 @!p0 $0x1082;
	s9 =	sld [smem:$0x3FB4]  }
0x2f: {  	lr =	sadd.s32 s0, s3;
	s0 =	sld [smem:$0x3FAB]  }
0x30: {  	s3 =	sld [smem:$0x3FAE]  }
0x31: {  	[smem:$0x3FB7] =	sst s10  }
0x32: {  	s10 =	sld [smem:$0x3FB5];
	_ =	sdelay $0x3  }
0x33: {  	p0 =	seq.s32 s10, $0x1;
	s10 =	sld [smem:$0x3FB7];
	_ =	sdelay $0x3  }
0x34: {  	[smem:$0x3FB7] =	sst s10  }
0x35: {  	s10 =	sld [smem:$0x3FB6];
	_ =	sdelay $0x3  }
0x36: {  	p1 =	seq.s32 s10, $0x1;
	s10 =	sld [smem:$0x3FB7];
	_ =	sdelay $0x3  }
0x37: {  	[smem:$0x3FB7] =	sst s10  }
0x38: {  	s10 =	sld [smem:$0x3FB8]  }
0x39: {  	_ = 	snop;
	(pc) =	sbr.ind lr, $3  }
0x3a: {  	_ = 	snop  }
0x3b: {  	_ = 	snop  }
0x3c: {  	p2 =	seq.s32 s10, $0x1;
	s10 =	sld [smem:$0x3FB7]  }
0x3d: {  	_ =	shalt  }
0x3e: {  	_ =	shalt  }
0x3f: {  	_ =	shalt  }
0x40: {  	_ =	shalt  }
0x41: {  	_ =	shalt  }
0x42: {  	_ =	shalt  }
0x43: {  	_ =	shalt  }
0x44: {  	_ =	shalt  }
0x45: {  	_ =	shalt  }
0x46: {  	_ =	shalt  }
0x47: {  	_ =	shalt  }
0x48: {  	_ =	shalt  }
0x49: {  	_ =	shalt  }
0x4a: {  	_ =	shalt  }
0x4b: {  	_ =	shalt  }
0x4c: {  	_ =	shalt  }
0x4d: {  	_ =	shalt  }
0x4e: {  	_ =	shalt  }
0x4f: {  	_ =	shalt  }
0x50: {  	_ =	shalt  }
0x51: {  	_ =	shalt  }
0x52: {  	_ =	shalt  }
0x53: {  	_ =	shalt  }
0x54: {  	_ =	shalt  }
0x55: {  	_ =	shalt  }
0x56: {  	_ =	shalt  }
0x57: {  	_ =	shalt  }
0x58: {  	_ =	shalt  }
0x59: {  	_ =	shalt  }
0x5a: {  	_ =	shalt  }
0x5b: {  	_ =	shalt  }
0x5c: {  	_ =	shalt  }
0x5d: {  	_ =	shalt  }
0x5e: {  	_ =	shalt  }
0x5f: {  	_ =	shalt  }
0x60: {  	_ =	shalt  }
0x61: {  	_ =	shalt  }
0x62: {  	_ =	shalt  }
0x63: {  	_ =	shalt  }
0x64: {  	_ =	shalt  }
0x65: {  	_ =	shalt  }
0x66: {  	_ =	shalt  }
0x67: {  	_ =	shalt  }
0x68: {  	_ =	shalt  }
0x69: {  	_ =	shalt  }
0x6a: {  	_ =	shalt  }
0x6b: {  	_ =	shalt  }
0x6c: {  	_ =	shalt  }
0x6d: {  	_ =	shalt  }
0x6e: {  	_ =	shalt  }
0x6f: {  	_ =	shalt  }
0x70: {  	_ =	shalt  }
0x71: {  	_ =	shalt  }
0x72: {  	_ =	shalt  }
0x73: {  	_ =	shalt  }
0x74: {  	_ =	shalt  }
0x75: {  	_ =	shalt  }
0x76: {  	_ =	shalt  }
0x77: {  	_ =	shalt  }
0x78: {  	_ =	shalt  }
0x79: {  	_ =	shalt  }
0x7a: {  	_ =	shalt  }
0x7b: {  	_ =	shalt  }
0x7c: {  	_ =	shalt  }
0x7d: {  	_ =	shalt  }
0x7e: {  	_ =	shalt  }
0x7f: {  	_ =	shalt  }
0x80: {  	_ =	shalt  }
0x81: {  	_ =	shalt  }
0x82: {  	_ =	shalt  }
0x83: {  	_ =	shalt  }
0x84: {  	_ =	shalt  }
0x85: {  	_ =	shalt  }
0x86: {  	_ =	shalt  }
0x87: {  	_ =	shalt  }
.Lfunc_end0:
.L_simem_size_0:
called_computation_lowered:
.L_overlay_start_0:
0x88: {  	s2 =	sld [smem:$0x3FD9]  }
0x89: {  	s3 =	sld [smem:$0x3FFE];
	_ =	sdelay $0x1  }
0x8a: {  	s1 =	srdreg.scid  }
0x8b: {  	s0 =	sand.u32 $0x1, s1  }
0x8c: {  	s14 =	sshll.u32 s0, $0xA;
	s2 =	sadd.s32 s3, s2  }
0x8d: {  	s2 =	sadd.s32 s2, s14  }
0x8e: {  	[smem:$0x3FC3] =	sst s2  }
0x8f: {  	_ = 	snop  }
0x90: {  	s2 =	sld [smem:$0x3FD0];
	_ =	sdelay $0x2  }
0x91: {  	s15 =	simm.s32 $0xA;
	s4 =	simm.s32 $0x10  }
0x92: {  	[smem:s4], [sflag:s15] =	dma.local [hbm:s2], $0x1  }
0x93: {  	_ =	swait.eq [sflag:s15], $0x1  }
0x94: {  	[sflag:s15] =	ssyncset.done $0x0  }
0x95: {  	s16 =	sld [smem:$0x10];
	[sflag:s15] =	ssyncadd.s32 $0xFFFFFFFF  }
0x96: {  	s17 =	sld [smem:$0x11];
	(tm) =	ssettm $0x1  }
0x97: {  	s18 =	sld [smem:$0x3FFB];
	_ =	sdelay $0x3  }
0x98: {  	_ =	strace s18  }
0x99: {  	s4 =	sld [smem:$0x3FFC];
	_ =	sdelay $0x3  }
0x9a: {  	_ =	strace s4  }
0x9b: {  	s4 =	sld [smem:$0x3FFD];
	_ =	sdelay $0x3  }
0x9c: {  	_ =	strace s4  }
0x9d: {  	_ =	strace $0x8FFFFFFF  }
0x9e: {  	s19 =	sld [smem:$0x3FDB];
	_ =	sdelay $0x1  }
0x9f: {  	s5 =	simm.s32 $_scs_section_size  }
0xa0: {  	s6 =	simm.s32 $_size__tile_overlayer_lowered;
	s7 =	simm.s32 $_tile_overlayer_lowered  }
0xa1: {  	s22 =	simm.s32 $0x1BFF;
	s21 =	sshll.u32 s7, $0x1;
	s4 =	sadd.s32 s5, s19  }
0xa2: {  	s8 =	simm.s32 $0x0;
	s20 =	sshll.u32 s6, $0x1;
	s6 =	sadd.s32 s21, s4  }
0xa3: {  	[timem:s8], [sflag:s22] =	dma.local [hbm:s6], s20  }
0xa4: {  	_ =	swait.ge [sflag:s22], s20  }
0xa5: {  	s5 =	ssub.s32 $0x0, s20;
	[sflag:s22] =	ssyncset.done $0x0  }
0xa6: {  	[sflag:s22] =	ssyncadd.s32 s5;
	_ =	sdelay $0x1  }
0xa7: {  	s23 =	simm.s32 $0x1B8B  }
0xa8: {  	_ =	swait.ge [sflag:s23], $0x1  }
0xa9: {  	[sflag:s23] =	ssyncset.done $0x0  }
0xaa: {  	s25 =	simm.s32 $0x1B8E;
	s24 =	sld [smem:$0x3FFE];
	[sflag:s23] =	ssyncadd.s32 $0xFFFFFFFF  }
0xab: {  	s26 =	simm.s32 $execute0_lowered;
	[smem:$0x3FD2] =	sst s25  }
0xac: {  	s6 =	sshll.u32 s26, $0x1;
	_ =	strace $0x80000046;
	[dreg:$0x1] =	wrdreg $0xFFFFFFFF  }
0xad: {  	s28 =	simm.s32 $_size_execute0_lowered;
	s4 =	sadd.s32 s4, s6;
	[dreg:$0x0] =	wrdreg $0x0  }
0xae: {  	s6 =	sshll.u32 s28, $0x1;
	[dreg:$0x2] =	wrdreg s4  }
0xaf: {  	[dreg:$0x3] =	wrdreg s6  }
0xb0: {  	[dreg:$0x4] =	wrdreg $0xC0  }
0xb1: {  	_ =	task [dreg:s8], $0x5FFFF  }
0xb2: {  	[dreg:$0x1] =	wrdreg $0xFFFFFFFF  }
0xb3: {  	[dreg:$0x0] =	wrdreg $0x60  }
0xb4: {  	[dreg:$0x2] =	wrdreg s16  }
0xb5: {  	[dreg:$0x3] =	wrdreg s24  }
0xb6: {  	[dreg:$0x4] =	wrdreg s17  }
0xb7: {  	[dreg:$0x5] =	wrdreg $0x9  }
0xb8: {  	_ =	task.clear_ibuf [dreg:s8], $0x6FFFF;
	_ =	strace $0x90000046  }
0xb9: {  	s29 =	simm.s32 $0x9;
	_ =	strace $0x80000048  }
0xba: {  	_ =	swait.ge [sflag:s29], $0x1  }
0xbb: {  	[sflag:s29] =	ssyncadd.s32 $0xFFFFFFFF  }
0xbc: {  	_ =	strace $0x90000048  }
0xbd: {  	_ =	sfence  }
0xbe: {  	s30 =	sld [smem:$0x0];
	_ =	sdelay $0x2  }
0xbf: {  	s31 =	sshll.u32 s1, $0xD;
	s1 =	sshrl.u32 s1, $0x2  }
0xc0: {  	s3 =	sand.u32 $0x4000, s31;
	s1 =	sadd.s32 s1, s30  }
0xc1: {  	s0 =	sor.u32 s3, s0;
	s1 =	sshll.u32 s1, $0x11  }
0xc2: {  	s0 =	sor.u32 s1, s0  }
0xc3: {  	s0 =	sadd.s32 $0x8F2B, s0  }
0xc4: {  	[sflag:s0] =	ssyncadd.remote.s32 $0x1  }
0xc5: {  	_ =	sfence.sel $0xFFFF  }
0xc6: {  	[dreg:$0x0] =	wrdreg $0xFFFFFFFF;
	(pc) =	sbr.abs _section_cstart, $3  }
0xc7: {  	[dreg:$0x1] =	wrdreg $0xFFFFFFFF  }
0xc8: {  	_ =	task.clear_ibuf [dreg:s8], $0x2FFFF;
	_ =	strace $0x9FFFFFFF  }
0xc9: {  	(tm) =	ssettm $0x7FFFFFFF  }
tec
execute0_lowered:
.L_overlay_start_1:
0x0: {  	(tag) =	ssettag $0x1  }
0x1: {  	s5 =	rddreg [dreg:$0x0]  }
0x2: {  	s6 =	rddreg [dreg:$0x1];
	s1 =	srdreg.scid  }
0x3: {  	s0 =	stileid.u32;
	s9 =	rddreg [dreg:$0x2];
	s2 =	simm.s32 $0x0  }
0x4: {  	s14 =	simm.s32 $0x5880;
	s15 =	simm.s32 $0x7880;
	s16 =	simm.s32 $0x0  }
0x5: {  	s3 =	sand.u32 $0x1, s1;
	s4 =	sshll.u32 s0, $0x1;
	[smem:$0x7FF] =	sst s2  }
0x6: {  	s1 =	rddreg [dreg:$0x3];
	s4 =	sor.u32 s3, s4;
	_ =	strace $0x80000047  }
0x7: {  	s8 =	ssub.s32 $0x2, s3;
	s3 =	sadd.s32 $0x2E00, s6;
	s10 =	sshll.u32 s4, $0x7  }
0x8: {  	s11 =	sshll.u32 s4, $0xA;
	s12 =	sshrl.u32 s8, $0x1;
	s4 =	sadd.s32 $0x3400, s6  }
0x9: {  	s7 =	sadd.s32 s10, s6;
	s13 =	sadd.s32 s11, s6;
	s12 =	ssub.s32 s8, s12  }
0xa: {  	s5 =	sadd.s32 s5, s11;
	s9 =	sadd.s32 s9, s10;
	s11 =	simm.s32 $0x2800  }
0xb: {  	v0 =	vlaneseq.u32;
	s6 =	sadd.s32 $0xE00, s7;
	s7 =	sadd.s32 $0x1E00, s7;
	s8 =	sadd.s32 $0x3600, s13  }
0xc: {  	v0 =	vmul.u32 $0x8, v0;
	s10 =	smax.u32 s12, $0x1;
	s12 =	simm.s32 $0x5300;
	s13 =	simm.s32 $0x1  }
.LBB2_1:
0xd: {  	[tilespmem:s11], [sflag:$0x1] =	stream.linear.gather [hbm4b:s3+s2], $0x2B00, $0x38;
	[tilespmem:$0x7C80] =	vst v63  }
0xe: {  	_ = 	snop  }
0xf: {  	[tilespmem:s12], [sflag:$0x1] =	stream.linear.gather [hbm4b:s4+s2], $0x580, $0x38;
	[tilespmem:$0x7C80] =	vst v63  }
0x10: {  	_ = 	snop  }
0x11: {  	[tilespmem:s2], [sflag:$0x1] =	stream.linear.gather [hbm4b:s5+s2], $0x2000, $0x38;
	[tilespmem:$0x7C80] =	vst v63  }
0x12: {  	s17 =	simm.s32 $0x2000  }
0x13: {  	[tilespmem:s17], [sflag:$0x1] =	stream.linear.gather [hbm4b:s6+s2], $0x400, $0x38;
	[tilespmem:$0x7C80] =	vst v63  }
0x14: {  	s18 =	simm.s32 $0x2400  }
0x15: {  	[tilespmem:s18], [sflag:$0x1] =	stream.linear.gather [hbm4b:s7+s2], $0x400, $0x38;
	[tilespmem:$0x7C80] =	vst v63  }
0x16: {  	_ =	swait.ge [sflag:s13], $0x2B00  }
0x17: {  	[sflag:s13] =	ssyncset.done $0x0  }
0x18: {  	[sflag:s13] =	ssyncadd.s32 $0xFFFFD500  }
0x19: {  	_ =	swait.ge [sflag:s13], $0x580  }
0x1a: {  	[sflag:s13] =	ssyncset.done $0x0  }
0x1b: {  	[sflag:s13] =	ssyncadd.s32 $0xFFFFFA80  }
0x1c: {  	_ =	swait.ge [sflag:s13], $0x2000  }
0x1d: {  	[sflag:s13] =	ssyncset.done $0x0  }
0x1e: {  	[sflag:s13] =	ssyncadd.s32 $0xFFFFE000  }
0x1f: {  	_ =	swait.ge [sflag:s13], $0x400  }
0x20: {  	[sflag:s13] =	ssyncset.done $0x0  }
0x21: {  	[sflag:s13] =	ssyncadd.s32 $0xFFFFFC00  }
0x22: {  	_ =	swait.ge [sflag:s13], $0x400  }
0x23: {  	[sflag:s13] =	ssyncset.done $0x0  }
0x24: {  	s19 =	simm.s32 $0x7880;
	s20 =	simm.s32 $0x0;
	[sflag:s13] =	ssyncadd.s32 $0xFFFFFC00  }
.LBB2_2:
0x25: {  	v4 =	vld [tilespmem:s17+$0x0];
	_ =	sdelay $0x2  }
0x26: {  	v1 =	vmov s20  }
0x27: {  	v1 =	vshll.u32 v1, $0x3  }
0x28: {  	v1 =	vor.u32 v0, v1;
	v6 =	vshrl.u32 v4, $0x5  }
0x29: {  	v2 =	vandn.u32 $0x1, v4;
	v16 =	vand.u32 $0x7FFFFF8, v6  }
0x2a: {  	v3 =	vcvt.s32.f32 v2;
	v2 =	vor.u32 $0x1, v1  }
0x2b: {  	v13 =	vshrl.u32 v4, $0x1;
	v15 =	vand.u32 $0x1, v6;
	v6 =	vor.u32 $0x4, v1  }
0x2c: {  	v35 =	vshrl.u32 v4, $0x2;
	v30 =	vand.u32 $0x1, v13;
	v5 =	vor.u32 $0x1, v16  }
0x2d: {  	v17 =	vld.idx.msk [tilespmem:v1+s2+$0x0], $0xffff;
	v9 =	vor.u32 $0x2, v16;
	v8 =	vadd.f32 v3, v3;
	v3 =	vshrl.u32 v4, $0x4  }
0x2e: {  	v32 =	vcvt.s32.f32 v30;
	v10 =	vand.u32 $0x1, v3;
	v3 =	vor.u32 $0x2, v1;
	v7 =	vld.idx.msk [tilespmem:v16+s11+$0x0], $0xffff  }
0x2f: {  	v55 =	vshrl.u32 v4, $0x6;
	v38 =	vshrl.u32 v4, $0x3;
	v15 =	vcvt.s32.f32 v15;
	v18 =	vld.idx.msk [tilespmem:v2+s2+$0x0], $0xffff  }
0x30: {  	v28 =	vshrl.u32 v4, $0x7;
	v12 =	vor.u32 $0x3, v16;
	v20 =	vadd.f32 v32, v32;
	v37 =	vld.idx.msk [tilespmem:v6+s2+$0x0], $0xffff  }
0x31: {  	v15 =	vadd.f32 v15, v15;
	v10 =	vcvt.s32.f32 v10;
	v11 =	vld.idx.msk [tilespmem:v5+s11+$0x0], $0xffff;
	v5 =	vor.u32 $0x3, v1  }
0x32: {  	v39 =	vand.u32 $0x1, v38;
	v8 =	vsub.f32 $1.000000000e+00, v8;
	v20 =	vsub.f32 $1.000000000e+00, v20;
	v14 =	vld.idx.msk [tilespmem:v9+s11+$0x0], $0xffff  }
0x33: {  	v43 =	vand.u32 $0x1, v28;
	v15 =	vsub.f32 $1.000000000e+00, v15;
	v29 =	vadd.f32 v10, v10;
	v19 =	vld.idx.msk [tilespmem:v3+s2+$0x0], $0xffff  }
0x34: {  	v33 =	vor.u32 $0x4, v16;
	v31 =	vadd.f32 $2.500000000e-01, v17;
	v17 =	vadd.f32 $-2.500000000e-01, v17  }
0x35: {  	v12 =	vld.idx.msk [tilespmem:v12+s11+$0x0], $0xffff;
	v7 =	vmul.f32 v8, v7;
	v8 =	vsub.f32 $1.000000000e+00, v29;
	v34 =	vadd.f32 $2.500000000e-01, v18  }
0x36: {  	v24 =	vor.u32 $0x5, v16;
	v56 =	vadd.f32 $2.500000000e-01, v37;
	v18 =	vadd.f32 $-2.500000000e-01, v18;
	v21 =	vld.idx.msk [tilespmem:v5+s2+$0x0], $0xffff  }
0x37: {  	v10 =	vmul.f32 v14, v20;
	v9 =	vmul.f32 v8, v11;
	v11 =	vand.u32 $0x1, v35  }
0x38: {  	v13 =	vsub.f32 v31, v7;
	v11 =	vcvt.s32.f32 v11;
	v36 =	vadd.f32 $2.500000000e-01, v19  }
0x39: {  	v40 =	vcvt.s32.f32 v39;
	v22 =	vld.idx.msk [tilespmem:v33+s11+$0x0], $0xffff;
	v19 =	vadd.f32 $-2.500000000e-01, v19;
	v8 =	vsub.f32 v34, v9  }
0x3a: {  	v13 =	vmul.f32 v13, v13;
	v23 =	vadd.f32 v11, v11;
	v14 =	vsub.f32 v36, v10  }
0x3b: {  	v11 =	vmul.f32 v12, v15;
	v8 =	vmul.f32 v8, v8;
	v53 =	vadd.f32 $2.500000000e-01, v21  }
0x3c: {  	v54 =	vsub.f32 $1.000000000e+00, v23;
	v14 =	vmul.f32 v14, v14;
	v23 =	vand.u32 $0x1, v55  }
0x3d: {  	v13 =	vadd.f32 v8, v13;
	v8 =	vld [tilespmem:s18+$0x0];
	v25 =	vsub.f32 v53, v11;
	v57 =	vcvt.s32.f32 v23  }
0x3e: {  	v34 =	vcvt.s32.f32 v43;
	v21 =	vadd.f32 $-2.500000000e-01, v21;
	v12 =	vmul.f32 v22, v54  }
0x3f: {  	v13 =	vadd.f32 v14, v13;
	v58 =	vmul.f32 v25, v25;
	v22 =	vadd.f32 v57, v57  }
0x40: {  	v27 =	vor.u32 $0x6, v16;
	v59 =	vld.idx.msk [tilespmem:v24+s11+$0x0], $0xffff;
	v53 =	vadd.f32 v34, v34;
	v15 =	vsub.f32 v56, v12  }
0x41: {  	v16 =	vor.u32 $0x7, v16;
	v13 =	vadd.f32 v58, v13;
	v62 =	vsub.f32 $1.000000000e+00, v22  }
0x42: {  	v60 =	vshrl.u32 v8, $0x5;
	v61 =	vmul.f32 v15, v15;
	v41 =	vand.u32 $0x1, v8  }
0x43: {  	v15 =	vadd.f32 v40, v40;
	v30 =	vshrl.u32 v8, $0x4;
	v63 =	vand.u32 $0x7FFFFF8, v60  }
0x44: {  	v45 =	vshrl.u32 v8, $0x1;
	v50 =	vshrl.u32 v8, $0x2;
	v36 =	vshrl.u32 v8, $0x3  }
0x45: {  	v14 =	vmul.f32 v59, v62;
	v23 =	vcvt.s32.f32 v41;
	v42 =	vor.u32 $0x1, v63  }
0x46: {  	v30 =	vand.u32 $0x1, v30;
	v24 =	vand.u32 $0x1, v60;
	v59 =	vshrl.u32 v8, $0x6  }
0x47: {  	v62 =	vshrl.u32 v8, $0x7;
	v26 =	vadd.f32 v61, v13;
	v31 =	vor.u32 $0x2, v63  }
0x48: {  	v13 =	vor.u32 $0x5, v1;
	v32 =	vsub.f32 $1.000000000e+00, v15;
	v33 =	vor.u32 $0x3, v63;
	v29 =	vld.idx.msk [tilespmem:v63+s11+$0x0], $0xffff  }
0x49: {  	v44 =	vcvt.s32.f32 v30;
	v30 =	vand.u32 $0x1, v45;
	v23 =	vadd.f32 v23, v23  }
0x4a: {  	v15 =	vor.u32 $0x6, v1;
	v48 =	vor.u32 $0x4, v63;
	v24 =	vcvt.s32.f32 v24;
	v25 =	vld.idx.msk [tilespmem:v42+s11+$0x0], $0xffff  }
0x4b: {  	v46 =	vcvt.s32.f32 v30;
	v28 =	vadd.f32 v44, v44;
	v23 =	vsub.f32 $1.000000000e+00, v23  }
0x4c: {  	v56 =	vor.u32 $0x5, v63;
	v34 =	vand.u32 $0x1, v59;
	v61 =	vand.u32 $0x1, v36;
	v47 =	vld.idx.msk [tilespmem:v31+s11+$0x0], $0xffff  }
0x4d: {  	v28 =	vsub.f32 $1.000000000e+00, v28;
	v49 =	vld.idx.msk [tilespmem:v33+s11+$0x0], $0xffff;
	v23 =	vmul.f32 v23, v29;
	v29 =	vadd.f32 v46, v46  }
0x4e: {  	v36 =	vand.u32 $0x1, v62;
	v60 =	vcvt.s32.f32 v34;
	v24 =	vadd.f32 v24, v24  }
0x4f: {  	v34 =	vcvt.s32.f32 v61;
	v25 =	vmul.f32 v28, v25;
	v29 =	vsub.f32 $1.000000000e+00, v29  }
0x50: {  	v36 =	vcvt.s32.f32 v36;
	v24 =	vsub.f32 $1.000000000e+00, v24;
	v33 =	vand.u32 $0x1, v50  }
0x51: {  	v17 =	vsub.f32 v17, v23;
	v18 =	vsub.f32 v18, v25;
	v29 =	vmul.f32 v29, v47  }
0x52: {  	v58 =	vor.u32 $0x6, v63;
	v33 =	vcvt.s32.f32 v33;
	v24 =	vmul.f32 v24, v49  }
0x53: {  	v27 =	vld.idx.msk [tilespmem:v27+s11+$0x0], $0xffff;
	v17 =	vmul.f32 v17, v17;
	v18 =	vmul.f32 v18, v18;
	v19 =	vsub.f32 v19, v29  }
0x54: {  	v34 =	vadd.f32 v34, v34;
	v51 =	vld.idx.msk [tilespmem:v48+s11+$0x0], $0xffff;
	v52 =	vadd.f32 v33, v33;
	v33 =	vor.u32 $0x7, v1  }
0x55: {  	v57 =	vld.idx.msk [tilespmem:v13+s2+$0x0], $0xffff;
	v55 =	vsub.f32 v21, v24;
	v17 =	vadd.f32 v18, v17;
	v54 =	vmul.f32 v19, v19  }
0x56: {  	v20 =	vadd.f32 $-2.500000000e-01, v37;
	v22 =	vor.u32 $0x7, v63;
	v41 =	vadd.f32 v36, v36;
	v35 =	vld.idx.msk [tilespmem:v15+s2+$0x0], $0xffff  }
0x57: {  	v16 =	vld.idx.msk [tilespmem:v16+s11+$0x0], $0xffff;
	v40 =	vsub.f32 $1.000000000e+00, v34;
	v19 =	vmul.f32 v55, v55;
	v17 =	vadd.f32 v17, v54  }
0x58: {  	v30 =	vld.idx.msk [tilespmem:v56+s11+$0x0], $0xffff;
	v44 =	vsub.f32 $1.000000000e+00, v41;
	v31 =	vsub.f32 $1.000000000e+00, v52  }
0x59: {  	v63 =	vld.idx.msk [tilespmem:v33+s2+$0x0], $0xffff;
	v17 =	vadd.f32 v17, v19;
	v19 =	vadd.f32 v60, v60  }
0x5a: {  	v28 =	vsub.f32 $1.000000000e+00, v53;
	v39 =	vadd.f32 $2.500000000e-01, v57;
	v21 =	vmul.f32 v51, v31;
	v18 =	vld.idx.msk [tilespmem:v58+s11+$0x0], $0xffff  }
0x5b: {  	v22 =	vld.idx.msk [tilespmem:v22+s11+$0x0], $0xffff;
	v43 =	vadd.f32 $2.500000000e-01, v35;
	v19 =	vsub.f32 $1.000000000e+00, v19  }
0x5c: {  	v27 =	vmul.f32 v27, v32;
	v45 =	vadd.f32 $-2.500000000e-01, v35;
	v20 =	vsub.f32 v20, v21  }
0x5d: {  	v16 =	vmul.f32 v16, v28;
	v31 =	vadd.f32 $-2.500000000e-01, v57;
	v19 =	vmul.f32 v30, v19  }
0x5e: {  	v42 =	vsub.f32 v39, v14;
	v28 =	vsub.f32 v43, v27;
	v20 =	vmul.f32 v20, v20  }
0x5f: {  	v46 =	vadd.f32 $2.500000000e-01, v63;
	v18 =	vmul.f32 v18, v40;
	v31 =	vsub.f32 v31, v19  }
0x60: {  	v22 =	vmul.f32 v22, v44;
	v17 =	vadd.f32 v17, v20;
	v20 =	vadd.f32 $-2.500000000e-01, v63  }
0x61: {  	v34 =	vsub.f32 v45, v18;
	v30 =	vmul.f32 v42, v42;
	v31 =	vmul.f32 v31, v31  }
0x62: {  	v28 =	vmul.f32 v28, v28;
	v47 =	vsub.f32 v46, v16;
	v20 =	vsub.f32 v20, v22  }
0x63: {  	v48 =	vmul.f32 v34, v34;
	v26 =	vadd.f32 v30, v26;
	v17 =	vadd.f32 v17, v31  }
0x64: {  	v49 =	vshrl.u32 v4, $0x8;
	v50 =	vmul.f32 v47, v47  }
0x65: {  	v20 =	vmul.f32 v20, v20;
	v26 =	vadd.f32 v28, v26;
	v17 =	vadd.f32 v17, v48  }
0x66: {  	v7 =	vadd.f32 $-2.500000000e-01, v7;
	v51 =	vshrl.u32 v8, $0x8  }
0x67: {  	v26 =	vadd.f32 v50, v26;
	v17 =	vadd.f32 v17, v20  }
0x68: {  	v9 =	vadd.f32 $-2.500000000e-01, v9;
	v52 =	vadd.f32 $2.500000000e-01, v23  }
0x69: {  	v10 =	vadd.f32 $-2.500000000e-01, v10;
	v54 =	vadd.f32 $2.500000000e-01, v25;
	vm0 =	vlt.f32 v26, v17  }
0x6a: {  	v4 =	vand.u32 $0xFF, v4;
	v53 =	vld.idx.msk [tilespmem:v49+s12+$0x0], $0xffff;
	v56 =	vadd.f32 $2.500000000e-01, v29;
	v7 =	vsel vm0, v7, v52  }
0x6b: {  	v57 =	vadd.f32 $-2.500000000e-01, v11;
	v58 =	vadd.f32 $2.500000000e-01, v24;
	v55 =	vld.idx.msk [tilespmem:v51+s12+$0x0], $0xffff;
	[tilespmem:v1+s14+$0x0] =	vst.idx.msk $0xffff, v7;
	v1 =	vsel vm0, v9, v54  }
0x6c: {  	v59 =	vadd.f32 $2.500000000e-01, v21;
	[tilespmem:v2+s14+$0x0] =	vst.idx.msk $0xffff, v1;
	v1 =	vsel vm0, v10, v56;
	v2 =	vadd.f32 $-2.500000000e-01, v12  }
0x6d: {  	v60 =	vadd.f32 $2.500000000e-01, v19;
	[tilespmem:v3+s14+$0x0] =	vst.idx.msk $0xffff, v1;
	v1 =	vsel vm0, v57, v58;
	v3 =	vadd.f32 $-2.500000000e-01, v14  }
0x6e: {  	p0 =	sne.s32 s20, $0x3F0;
	v61 =	vadd.f32 $2.500000000e-01, v18;
	[tilespmem:v5+s14+$0x0] =	vst.idx.msk $0xffff, v1;
	v1 =	vsel vm0, v2, v59;
	v2 =	vadd.f32 $-2.500000000e-01, v27  }
.Ltmp0:
0x6f: {  	v62 =	vadd.f32 $2.500000000e-01, v22;
	[tilespmem:v6+s14+$0x0] =	vst.idx.msk $0xffff, v1;
	v1 =	vsel vm0, v3, v60;
	v3 =	vadd.f32 $-2.500000000e-01, v16;
	(pc) =	sbr.rel @p0 .LBB2_2-.Ltmp0, $4  }
0x70: {  	v4 =	vxor.u32 v4, v53;
	v63 =	vand.u32 $0xFF, v8;
	[tilespmem:v13+s14+$0x0] =	vst.idx.msk $0xffff, v1;
	v1 =	vsel vm0, v2, v61  }
0x71: {  	v2 =	vxor.u32 v63, v55;
	[tilespmem:v15+s14+$0x0] =	vst.idx.msk $0xffff, v1;
	v1 =	vsel vm0, v3, v62  }
0x72: {  	s17 =	sadd.s32 $0x10, s17;
	[tilespmem:v33+s14+$0x0] =	vst.idx.msk $0xffff, v1;
	v1 =	vsel vm0, v4, v2  }
0x73: {  	s20 =	sadd.s32 $0x10, s20;
	s18 =	sadd.s32 $0x10, s18;
	[tilespmem:s19+$0x0] =	vst v1;
	s19 =	sadd.s32 $0x10, s19  }
0x74: {  	[hbm4b:s8+s2] =	stream.linear.scatter [tilespmem:s14], [sflag:$0x1], $0x2000, $0x38;
	[tilespmem:$0x7C80] =	vst v63  }
0x75: {  	s16 =	sadd.s32 $0x1, s16  }
0x76: {  	[hbm4b:s9+s2] =	stream.linear.scatter [tilespmem:s15], [sflag:$0x1], $0x400, $0x38;
	[tilespmem:$0x7C80] =	vst v63  }
0x77: {  	p0 =	sne.s32 s16, s10;
	_ =	swait.ge [sflag:s13], $0x2000  }
.Ltmp1:
0x78: {  	[sflag:s13] =	ssyncset.done $0x0;
	(pc) =	sbr.rel @p0 .LBB2_1-.Ltmp1, $4  }
0x79: {  	[sflag:s13] =	ssyncadd.s32 $0xFFFFE000  }
0x7a: {  	_ =	swait.ge [sflag:s13], $0x400  }
0x7b: {  	[sflag:s13] =	ssyncset.done $0x0  }
0x7c: {  	[sflag:s13] =	ssyncadd.s32 $0xFFFFFC00  }
0x7d: {  	_ =	sfence.sel $0x180000  }
0x7e: {  	[bflag:$0x0] =	sbarrier.arrive $0xFFFF  }
0x7f: {  	p0 =	sne.s32 s0, $0x0;
	_ =	strace $0x90000047  }
0x80: {  	s0 =	sadd.s32 @!p0 $0x100000, s1;
	[bflag:$0x2] =	sbarrier.arrive $0xFFFF  }
0x81: {  	[sflag:s0] =	ssyncadd.tile.s32 @!p0 $0x1;
	_ =	shalt  }
.Lfunc_end2:
_tile_overlayer_lowered:
.L_overlay_start_2:
0x82: {  	(tag) =	ssettag $0x2  }
0x83: {  	s0 =	rddreg [dreg:$0x0];
	s2 =	stileid.u32  }
0x84: {  	s1 =	rddreg [dreg:$0x1];
	p0 =	sne.s32 s2, $0x0  }
0x85: {  	s3 =	rddreg [dreg:$0x2];
	[bflag:$0x3] =	sbarrier.arrive $0xFFFF;
	s2 =	simm.s32 @!p0 $0x1C02  }
0x86: {  	[timem:s3], [sflag:s2] =	dma.local @!p0 [hbm:s0], s1  }
0x87: {  	s0 =	simm.s32 @!p0 $0x2  }
0x88: {  	_ =	swait.ge @!p0 [sflag:s0], s1  }
0x89: {  	s1 =	ssub.s32 @!p0 $0x0, s1;
	[sflag:s0] =	ssyncset.done @!p0 $0x0  }
0x8a: {  	[sflag:s0] =	ssyncadd.s32 @!p0 s1  }
0x8b: {  	[bflag:$0x3] =	sbarrier.arrive $0xFFFF  }
0x8c: {  	_ =	shalt  }

</sc_bundles>
